<compile_context>
chip_gen: v7x
topology: tpu7x:2x2x1
jax: 0.10.2.dev20260603
libtpu: 0.0.44.dev20260713+nightly
codegen_flags: <defaults>
</compile_context>

<pallas_src>
import jax
import jax.numpy as jnp
from jax import lax
from jax.experimental import pallas as pl
from jax.experimental.pallas import tpu as pltpu
from jax.experimental.pallas import tpu_sc as plsc

_B = 16384
_D = 64
_N = 1000000
_NC, _NS, _L = 2, 16, 16
_NW = _NC * _NS
_BPW = _B // _NW
_CH = 128
_NCH = _BPW // _CH


def _bias_body(iidx_hbm, bias_hbm, out_hbm, iidx_v, bias_v, sem):
    wid = lax.axis_index("s") * _NC + lax.axis_index("c")
    base = wid * _BPW
    pltpu.sync_copy(iidx_hbm.at[pl.ds(base, _BPW)], iidx_v)
    copies = []
    for j in range(_NCH):
        s = pl.ds(j * _CH, _CH)
        copies.append(pltpu.async_copy(bias_hbm.at[iidx_v.at[s]], bias_v.at[s], sem))
    for c in copies:
        c.wait()
    pltpu.sync_copy(bias_v, out_hbm.at[pl.ds(base, _BPW)])


def _main_body(uidx_hbm, iidx_hbm, eu_hbm, ei_hbm, b16_hbm, out_hbm,
               uidx_s, iidx_s, u_win, i_win, bias_v, out_v, usem, isem):
    wid = lax.axis_index("s") * _NC + lax.axis_index("c")
    base = wid * _BPW
    pltpu.sync_copy(uidx_hbm.at[pl.ds(base, _BPW)], uidx_s)
    pltpu.sync_copy(iidx_hbm.at[pl.ds(base, _BPW)], iidx_s)
    pltpu.sync_copy(b16_hbm.at[pl.ds(base, _BPW)], bias_v)

    iota16 = lax.iota(jnp.int32, _L)

    def issue(nu, ni, slot):
        cu = lax.shift_right_logical(nu, 7) * 128
        ci = lax.shift_right_logical(ni, 7) * 128
        pltpu.async_copy(eu_hbm.at[:, pl.ds(cu, 128)], u_win.at[slot], usem)
        pltpu.async_copy(ei_hbm.at[:, pl.ds(ci, 128)], i_win.at[slot], isem)

    _NBUF = 4
    _AHEAD = _NBUF - 1
    uv0 = uidx_s[pl.ds(0, _L)]
    iv0 = iidx_s[pl.ds(0, _L)]
    for t in range(_AHEAD):
        issue(uv0[t], iv0[t], t)

    def group_body(g, carry):
        uvec = uidx_s[pl.ds(g * _L, _L)]
        ivec = iidx_s[pl.ds(g * _L, _L)]
        gn = jnp.minimum(g + 1, _BPW // _L - 1)
        uvec_n = uidx_s[pl.ds(gn * _L, _L)]
        ivec_n = iidx_s[pl.ds(gn * _L, _L)]
        res = bias_v[pl.ds(g * _L, _L)]
        for k in range(_L):
            slot = k & (_NBUF - 1)
            nslot = (k + _AHEAD) & (_NBUF - 1)
            if k + _AHEAD < _L:
                issue(uvec[k + _AHEAD], ivec[k + _AHEAD], nslot)
            else:
                @pl.when(g < _BPW // _L - 1)
                def _():
                    issue(uvec_n[k + _AHEAD - _L], ivec_n[k + _AHEAD - _L], nslot)

            pltpu.make_async_copy(eu_hbm.at[:, pl.ds(0, 128)], u_win.at[slot], usem).wait()
            pltpu.make_async_copy(ei_hbm.at[:, pl.ds(0, 128)], i_win.at[slot], isem).wait()

            lu = jnp.full((_L,), uvec[k] & 127, jnp.int32)
            li = jnp.full((_L,), ivec[k] & 127, jnp.int32)
            acc = jnp.zeros((_L,), jnp.float32)
            for kk in range(_D // _L):
                rows = kk * _L + iota16
                u = plsc.load_gather(u_win.at[slot], [rows, lu])
                v = plsc.load_gather(i_win.at[slot], [rows, li])
                acc = acc + u * v
            s = jnp.sum(acc)
            res = jnp.where(iota16 == k, res + s, res)
        out_v[pl.ds(g * _L, _L)] = res
        return carry

    lax.fori_loop(0, _BPW // _L, group_body, 0)
    pltpu.sync_copy(out_v, out_hbm.at[pl.ds(base, _BPW)])


def kernel(user_indices, item_indices, embedding_user, embedding_item, bias_item):
    ui = user_indices.astype(jnp.int32)
    ii = item_indices.astype(jnp.int32)
    mesh = plsc.VectorSubcoreMesh(core_axis_name="c", subcore_axis_name="s")

    bias16 = pl.kernel(
        _bias_body,
        out_type=jax.ShapeDtypeStruct((_B,), jnp.float32),
        mesh=mesh,
        compiler_params=pltpu.CompilerParams(
            needs_layout_passes=False, use_tc_tiling_on_sc=False
        ),
        scratch_types=[
            pltpu.VMEM((_BPW,), jnp.int32),
            pltpu.VMEM((_BPW,), jnp.float32),
            pltpu.SemaphoreType.DMA,
        ],
    )(ii, bias_item.reshape(-1))

    out = pl.kernel(
        _main_body,
        out_type=jax.ShapeDtypeStruct((_B,), jnp.float32),
        mesh=mesh,
        compiler_params=pltpu.CompilerParams(needs_layout_passes=False),
        scratch_types=[
            pltpu.VMEM((_BPW,), jnp.int32),
            pltpu.VMEM((_BPW,), jnp.int32),
            pltpu.VMEM((4, _D, 128), jnp.float32),
            pltpu.VMEM((4, _D, 128), jnp.float32),
            pltpu.VMEM((_BPW,), jnp.float32),
            pltpu.VMEM((_BPW,), jnp.float32),
            pltpu.SemaphoreType.DMA,
            pltpu.SemaphoreType.DMA,
        ],
    )(ui, ii, embedding_user.T, embedding_item.T, bias16)
    return out

# --- scband reference (transcript-rebuilt; emitter-appended) ---
"""Pipeline reference for scband-mf-19353122636028 (READ-ONLY COPY).

The authoritative reference and input builder live on the scoring server;
editing this copy changes nothing except your own understanding.
"""

import jax, jax.numpy as jnp
import numpy as np

NUM_USERS = 1000000
NUM_ITEMS = 1000000
LATENT_DIM = 64
BATCH = 16384


def setup_inputs(seed: int = 0) -> dict:
    key = jax.random.key(seed)
    k1, k2, k3, k4, k5 = jax.random.split(key, 5)
    user_indices = jax.random.randint(k1, (BATCH,), 0, NUM_USERS, dtype=jnp.int64 if jax.config.jax_enable_x64 else jnp.int32)
    item_indices = jax.random.randint(k2, (BATCH,), 0, NUM_ITEMS, dtype=jnp.int64 if jax.config.jax_enable_x64 else jnp.int32)
    embedding_user = jax.random.normal(k3, (NUM_USERS, LATENT_DIM), dtype=jnp.float32)
    embedding_item = jax.random.normal(k4, (NUM_ITEMS, LATENT_DIM), dtype=jnp.float32)
    bias_item = jax.random.normal(k5, (NUM_ITEMS, 1), dtype=jnp.float32)
    return {
        "user_indices": user_indices,
        "item_indices": item_indices,
        "embedding_user": embedding_user,
        "embedding_item": embedding_item,
        "bias_item": bias_item,
    }


def reference(user_indices, item_indices, embedding_user, embedding_item, bias_item):
    user_embedding = jnp.take(embedding_user, user_indices, axis=0)
    item_embedding = jnp.take(embedding_item, item_indices, axis=0)
    element_product = jnp.multiply(user_embedding, item_embedding)
    element_product = element_product.sum(axis=1)
    item_bias = jnp.take(bias_item, item_indices, axis=0).squeeze()
    return element_product + item_bias

if __name__ == "__main__":
    import jax
    _d = setup_inputs()
    print(jax.jit(kernel)(*tuple(_d.values())))

</pallas_src>

<mosaic_0001>
#map = affine_map<(d0, d1) -> (0)>
module attributes {stable_mosaic.version = 14 : i64} {
  func.func @_bias_body(%arg0: i32, %arg1: i32, %arg2: memref<16384xi32, #tpu.memory_space<hbm>>, %arg3: memref<1000000xf32, #tpu.memory_space<hbm>>, %arg4: memref<16384xf32, #tpu.memory_space<hbm>>, %arg5: memref<512xi32, #tpu.memory_space<vmem>>, %arg6: memref<512xf32, #tpu.memory_space<vmem>>, %arg7: memref<!tpu.dma_semaphore, #tpu.memory_space<semaphore_mem>>) attributes {dimension_semantics = [#tpu.dimension_semantics<core_parallel>, #tpu.dimension_semantics<subcore_parallel>], iteration_bounds = array<i64: 2, 16>, scalar_prefetch = 0 : i64, scratch_operands = 3 : i64, tpu.core_type = #tpu.core_type<sc_vector_subcore>, window_params = [{transform_indices = #map}, {transform_indices = #map}, {transform_indices = #map}]} {
    %mul3A = arith.constant 2 : i32
    %mul3A_0 = arith.muli %arg1, %mul3A : i32
    %add3A = arith.addi %mul3A_0, %arg0 : i32
    %mul3A_1 = arith.constant 512 : i32
    %mul3A_2 = arith.muli %add3A, %mul3A_1 : i32
    "tpu.region"() ({
      %run_scoped3A = tpu.sem_alloc : memref<!tpu.dma_semaphore, #tpu.memory_space<semaphore_mem>>
      %dma_start3A_49 = tpu.memref_slice %arg2[%mul3A_2] : memref<16384xi32, #tpu.memory_space<hbm>> -> memref<512xi32, #tpu.memory_space<hbm>>
      %dma_start3A_50 = tpu.memref_slice %arg2[%mul3A_2] : memref<16384xi32, #tpu.memory_space<hbm>> -> memref<512xi32, #tpu.memory_space<hbm>>
      tpu.enqueue_dma source(%dma_start3A_50 : memref<512xi32, #tpu.memory_space<hbm>>) target(%arg5 : memref<512xi32, #tpu.memory_space<vmem>>) target_semaphore(%run_scoped3A : memref<!tpu.dma_semaphore, #tpu.memory_space<semaphore_mem>>)
      %dma_wait3A_51 = tpu.memref_slice %arg2[%mul3A_2] : memref<16384xi32, #tpu.memory_space<hbm>> -> memref<512xi32, #tpu.memory_space<hbm>>
      %dma_wait3A_52 = tpu.memref_slice %arg2[%mul3A_2] : memref<16384xi32, #tpu.memory_space<hbm>> -> memref<512xi32, #tpu.memory_space<hbm>>
      tpu.wait_dma2 semaphore(%run_scoped3A : memref<!tpu.dma_semaphore, #tpu.memory_space<semaphore_mem>>) src(%dma_wait3A_52 : memref<512xi32, #tpu.memory_space<hbm>>) dst(%arg5 : memref<512xi32, #tpu.memory_space<vmem>>)
      tpu.yield
    }) : () -> ()
    %dma_start3A = arith.constant 0 : i32
    %dma_start3A_3 = tpu.memref_slice %arg6[%dma_start3A] : memref<512xf32, #tpu.memory_space<vmem>> -> memref<128xf32, #tpu.memory_space<vmem>>
    %dma_start3A_4 = arith.constant 0 : i32
    %dma_start3A_5 = tpu.memref_slice %arg5[%dma_start3A_4] : memref<512xi32, #tpu.memory_space<vmem>> -> memref<128xi32, #tpu.memory_space<vmem>>
    %dma_start3A_6 = arith.constant 0 : i32
    %dma_start3A_7 = tpu.memref_slice %arg3[%dma_start3A_6] : memref<1000000xf32, #tpu.memory_space<hbm>> -> memref<1000000xf32, #tpu.memory_space<hbm>>
    tpu.enqueue_indirect_dma source(%dma_start3A_7 : memref<1000000xf32, #tpu.memory_space<hbm>>) target(%dma_start3A_3 : memref<128xf32, #tpu.memory_space<vmem>>) offsets(%dma_start3A_5 : memref<128xi32, #tpu.memory_space<vmem>>) semaphore(%arg7 : memref<!tpu.dma_semaphore, #tpu.memory_space<semaphore_mem>>)
    %dma_start3A_8 = arith.constant 128 : i32
    %dma_start3A_9 = tpu.memref_slice %arg6[%dma_start3A_8] : memref<512xf32, #tpu.memory_space<vmem>> -> memref<128xf32, #tpu.memory_space<vmem>>
    %dma_start3A_10 = arith.constant 128 : i32
    %dma_start3A_11 = tpu.memref_slice %arg5[%dma_start3A_10] : memref<512xi32, #tpu.memory_space<vmem>> -> memref<128xi32, #tpu.memory_space<vmem>>
    %dma_start3A_12 = arith.constant 0 : i32
    %dma_start3A_13 = tpu.memref_slice %arg3[%dma_start3A_12] : memref<1000000xf32, #tpu.memory_space<hbm>> -> memref<1000000xf32, #tpu.memory_space<hbm>>
    tpu.enqueue_indirect_dma source(%dma_start3A_13 : memref<1000000xf32, #tpu.memory_space<hbm>>) target(%dma_start3A_9 : memref<128xf32, #tpu.memory_space<vmem>>) offsets(%dma_start3A_11 : memref<128xi32, #tpu.memory_space<vmem>>) semaphore(%arg7 : memref<!tpu.dma_semaphore, #tpu.memory_space<semaphore_mem>>)
    %dma_start3A_14 = arith.constant 256 : i32
    %dma_start3A_15 = tpu.memref_slice %arg6[%dma_start3A_14] : memref<512xf32, #tpu.memory_space<vmem>> -> memref<128xf32, #tpu.memory_space<vmem>>
    %dma_start3A_16 = arith.constant 256 : i32
    %dma_start3A_17 = tpu.memref_slice %arg5[%dma_start3A_16] : memref<512xi32, #tpu.memory_space<vmem>> -> memref<128xi32, #tpu.memory_space<vmem>>
    %dma_start3A_18 = arith.constant 0 : i32
    %dma_start3A_19 = tpu.memref_slice %arg3[%dma_start3A_18] : memref<1000000xf32, #tpu.memory_space<hbm>> -> memref<1000000xf32, #tpu.memory_space<hbm>>
    tpu.enqueue_indirect_dma source(%dma_start3A_19 : memref<1000000xf32, #tpu.memory_space<hbm>>) target(%dma_start3A_15 : memref<128xf32, #tpu.memory_space<vmem>>) offsets(%dma_start3A_17 : memref<128xi32, #tpu.memory_space<vmem>>) semaphore(%arg7 : memref<!tpu.dma_semaphore, #tpu.memory_space<semaphore_mem>>)
    %dma_start3A_20 = arith.constant 384 : i32
    %dma_start3A_21 = tpu.memref_slice %arg6[%dma_start3A_20] : memref<512xf32, #tpu.memory_space<vmem>> -> memref<128xf32, #tpu.memory_space<vmem>>
    %dma_start3A_22 = arith.constant 384 : i32
    %dma_start3A_23 = tpu.memref_slice %arg5[%dma_start3A_22] : memref<512xi32, #tpu.memory_space<vmem>> -> memref<128xi32, #tpu.memory_space<vmem>>
    %dma_start3A_24 = arith.constant 0 : i32
    %dma_start3A_25 = tpu.memref_slice %arg3[%dma_start3A_24] : memref<1000000xf32, #tpu.memory_space<hbm>> -> memref<1000000xf32, #tpu.memory_space<hbm>>
    tpu.enqueue_indirect_dma source(%dma_start3A_25 : memref<1000000xf32, #tpu.memory_space<hbm>>) target(%dma_start3A_21 : memref<128xf32, #tpu.memory_space<vmem>>) offsets(%dma_start3A_23 : memref<128xi32, #tpu.memory_space<vmem>>) semaphore(%arg7 : memref<!tpu.dma_semaphore, #tpu.memory_space<semaphore_mem>>)
    %dma_wait3A = arith.constant 0 : i32
    %dma_wait3A_26 = tpu.memref_slice %arg6[%dma_wait3A] : memref<512xf32, #tpu.memory_space<vmem>> -> memref<128xf32, #tpu.memory_space<vmem>>
    %dma_wait3A_27 = arith.constant 0 : i32
    %dma_wait3A_28 = tpu.memref_slice %arg5[%dma_wait3A_27] : memref<512xi32, #tpu.memory_space<vmem>> -> memref<128xi32, #tpu.memory_space<vmem>>
    %dma_wait3A_29 = arith.constant 0 : i32
    %dma_wait3A_30 = tpu.memref_slice %arg3[%dma_wait3A_29] : memref<1000000xf32, #tpu.memory_space<hbm>> -> memref<1000000xf32, #tpu.memory_space<hbm>>
    tpu.wait_indirect_dma semaphore(%arg7 : memref<!tpu.dma_semaphore, #tpu.memory_space<semaphore_mem>>) src(%dma_wait3A_30 : memref<1000000xf32, #tpu.memory_space<hbm>>) dst(%dma_wait3A_26 : memref<128xf32, #tpu.memory_space<vmem>>)
    %dma_wait3A_31 = arith.constant 128 : i32
    %dma_wait3A_32 = tpu.memref_slice %arg6[%dma_wait3A_31] : memref<512xf32, #tpu.memory_space<vmem>> -> memref<128xf32, #tpu.memory_space<vmem>>
    %dma_wait3A_33 = arith.constant 128 : i32
    %dma_wait3A_34 = tpu.memref_slice %arg5[%dma_wait3A_33] : memref<512xi32, #tpu.memory_space<vmem>> -> memref<128xi32, #tpu.memory_space<vmem>>
    %dma_wait3A_35 = arith.constant 0 : i32
    %dma_wait3A_36 = tpu.memref_slice %arg3[%dma_wait3A_35] : memref<1000000xf32, #tpu.memory_space<hbm>> -> memref<1000000xf32, #tpu.memory_space<hbm>>
    tpu.wait_indirect_dma semaphore(%arg7 : memref<!tpu.dma_semaphore, #tpu.memory_space<semaphore_mem>>) src(%dma_wait3A_36 : memref<1000000xf32, #tpu.memory_space<hbm>>) dst(%dma_wait3A_32 : memref<128xf32, #tpu.memory_space<vmem>>)
    %dma_wait3A_37 = arith.constant 256 : i32
    %dma_wait3A_38 = tpu.memref_slice %arg6[%dma_wait3A_37] : memref<512xf32, #tpu.memory_space<vmem>> -> memref<128xf32, #tpu.memory_space<vmem>>
    %dma_wait3A_39 = arith.constant 256 : i32
    %dma_wait3A_40 = tpu.memref_slice %arg5[%dma_wait3A_39] : memref<512xi32, #tpu.memory_space<vmem>> -> memref<128xi32, #tpu.memory_space<vmem>>
    %dma_wait3A_41 = arith.constant 0 : i32
    %dma_wait3A_42 = tpu.memref_slice %arg3[%dma_wait3A_41] : memref<1000000xf32, #tpu.memory_space<hbm>> -> memref<1000000xf32, #tpu.memory_space<hbm>>
    tpu.wait_indirect_dma semaphore(%arg7 : memref<!tpu.dma_semaphore, #tpu.memory_space<semaphore_mem>>) src(%dma_wait3A_42 : memref<1000000xf32, #tpu.memory_space<hbm>>) dst(%dma_wait3A_38 : memref<128xf32, #tpu.memory_space<vmem>>)
    %dma_wait3A_43 = arith.constant 384 : i32
    %dma_wait3A_44 = tpu.memref_slice %arg6[%dma_wait3A_43] : memref<512xf32, #tpu.memory_space<vmem>> -> memref<128xf32, #tpu.memory_space<vmem>>
    %dma_wait3A_45 = arith.constant 384 : i32
    %dma_wait3A_46 = tpu.memref_slice %arg5[%dma_wait3A_45] : memref<512xi32, #tpu.memory_space<vmem>> -> memref<128xi32, #tpu.memory_space<vmem>>
    %dma_wait3A_47 = arith.constant 0 : i32
    %dma_wait3A_48 = tpu.memref_slice %arg3[%dma_wait3A_47] : memref<1000000xf32, #tpu.memory_space<hbm>> -> memref<1000000xf32, #tpu.memory_space<hbm>>
    tpu.wait_indirect_dma semaphore(%arg7 : memref<!tpu.dma_semaphore, #tpu.memory_space<semaphore_mem>>) src(%dma_wait3A_48 : memref<1000000xf32, #tpu.memory_space<hbm>>) dst(%dma_wait3A_44 : memref<128xf32, #tpu.memory_space<vmem>>)
    "tpu.region"() ({
      %run_scoped3A = tpu.sem_alloc : memref<!tpu.dma_semaphore, #tpu.memory_space<semaphore_mem>>
      %dma_start3A_49 = tpu.memref_slice %arg4[%mul3A_2] : memref<16384xf32, #tpu.memory_space<hbm>> -> memref<512xf32, #tpu.memory_space<hbm>>
      %dma_start3A_50 = tpu.memref_slice %arg4[%mul3A_2] : memref<16384xf32, #tpu.memory_space<hbm>> -> memref<512xf32, #tpu.memory_space<hbm>>
      tpu.enqueue_dma source(%arg6 : memref<512xf32, #tpu.memory_space<vmem>>) target(%dma_start3A_50 : memref<512xf32, #tpu.memory_space<hbm>>) target_semaphore(%run_scoped3A : memref<!tpu.dma_semaphore, #tpu.memory_space<semaphore_mem>>)
      %dma_wait3A_51 = tpu.memref_slice %arg4[%mul3A_2] : memref<16384xf32, #tpu.memory_space<hbm>> -> memref<512xf32, #tpu.memory_space<hbm>>
      %dma_wait3A_52 = tpu.memref_slice %arg4[%mul3A_2] : memref<16384xf32, #tpu.memory_space<hbm>> -> memref<512xf32, #tpu.memory_space<hbm>>
      tpu.wait_dma2 semaphore(%run_scoped3A : memref<!tpu.dma_semaphore, #tpu.memory_space<semaphore_mem>>) src(%arg6 : memref<512xf32, #tpu.memory_space<vmem>>) dst(%dma_wait3A_52 : memref<512xf32, #tpu.memory_space<hbm>>)
      tpu.yield
    }) : () -> ()
    return
  }
}

#map = affine_map<(d0, d1) -> (0)>
#map1 = affine_map<(d0, d1) -> (0, 0)>
module attributes {stable_mosaic.version = 14 : i64} {
  func.func @_main_body(%arg0: i32, %arg1: i32, %arg2: memref<16384xi32, #tpu.memory_space<hbm>>, %arg3: memref<16384xi32, #tpu.memory_space<hbm>>, %arg4: memref<64x1000000xf32, #tpu.memory_space<hbm>>, %arg5: memref<64x1000000xf32, #tpu.memory_space<hbm>>, %arg6: memref<16384xf32, #tpu.memory_space<hbm>>, %arg7: memref<16384xf32, #tpu.memory_space<hbm>>, %arg8: memref<512xi32, #tpu.memory_space<vmem>>, %arg9: memref<512xi32, #tpu.memory_space<vmem>>, %arg10: memref<4x64x128xf32, #tpu.memory_space<vmem>>, %arg11: memref<4x64x128xf32, #tpu.memory_space<vmem>>, %arg12: memref<512xf32, #tpu.memory_space<vmem>>, %arg13: memref<512xf32, #tpu.memory_space<vmem>>, %arg14: memref<!tpu.dma_semaphore, #tpu.memory_space<semaphore_mem>>, %arg15: memref<!tpu.dma_semaphore, #tpu.memory_space<semaphore_mem>>) attributes {dimension_semantics = [#tpu.dimension_semantics<core_parallel>, #tpu.dimension_semantics<subcore_parallel>], iteration_bounds = array<i64: 2, 16>, scalar_prefetch = 0 : i64, scratch_operands = 8 : i64, tpu.core_type = #tpu.core_type<sc_vector_subcore>, window_params = [{transform_indices = #map}, {transform_indices = #map}, {transform_indices = #map1}, {transform_indices = #map1}, {transform_indices = #map}, {transform_indices = #map}]} {
    %mul3A = arith.constant 2 : i32
    %mul3A_0 = arith.muli %arg1, %mul3A : i32
    %add3A = arith.addi %mul3A_0, %arg0 : i32
    %mul3A_1 = arith.constant 512 : i32
    %mul3A_2 = arith.muli %add3A, %mul3A_1 : i32
    "tpu.region"() ({
      %run_scoped3A = tpu.sem_alloc : memref<!tpu.dma_semaphore, #tpu.memory_space<semaphore_mem>>
      %dma_start3A_121 = tpu.memref_slice %arg2[%mul3A_2] : memref<16384xi32, #tpu.memory_space<hbm>> -> memref<512xi32, #tpu.memory_space<hbm>>
      %dma_start3A_122 = tpu.memref_slice %arg2[%mul3A_2] : memref<16384xi32, #tpu.memory_space<hbm>> -> memref<512xi32, #tpu.memory_space<hbm>>
      tpu.enqueue_dma source(%dma_start3A_122 : memref<512xi32, #tpu.memory_space<hbm>>) target(%arg8 : memref<512xi32, #tpu.memory_space<vmem>>) target_semaphore(%run_scoped3A : memref<!tpu.dma_semaphore, #tpu.memory_space<semaphore_mem>>)
      %dma_wait3A = tpu.memref_slice %arg2[%mul3A_2] : memref<16384xi32, #tpu.memory_space<hbm>> -> memref<512xi32, #tpu.memory_space<hbm>>
      %dma_wait3A_123 = tpu.memref_slice %arg2[%mul3A_2] : memref<16384xi32, #tpu.memory_space<hbm>> -> memref<512xi32, #tpu.memory_space<hbm>>
      tpu.wait_dma2 semaphore(%run_scoped3A : memref<!tpu.dma_semaphore, #tpu.memory_space<semaphore_mem>>) src(%dma_wait3A_123 : memref<512xi32, #tpu.memory_space<hbm>>) dst(%arg8 : memref<512xi32, #tpu.memory_space<vmem>>)
      tpu.yield
    }) : () -> ()
    "tpu.region"() ({
      %run_scoped3A = tpu.sem_alloc : memref<!tpu.dma_semaphore, #tpu.memory_space<semaphore_mem>>
      %dma_start3A_121 = tpu.memref_slice %arg3[%mul3A_2] : memref<16384xi32, #tpu.memory_space<hbm>> -> memref<512xi32, #tpu.memory_space<hbm>>
      %dma_start3A_122 = tpu.memref_slice %arg3[%mul3A_2] : memref<16384xi32, #tpu.memory_space<hbm>> -> memref<512xi32, #tpu.memory_space<hbm>>
      tpu.enqueue_dma source(%dma_start3A_122 : memref<512xi32, #tpu.memory_space<hbm>>) target(%arg9 : memref<512xi32, #tpu.memory_space<vmem>>) target_semaphore(%run_scoped3A : memref<!tpu.dma_semaphore, #tpu.memory_space<semaphore_mem>>)
      %dma_wait3A = tpu.memref_slice %arg3[%mul3A_2] : memref<16384xi32, #tpu.memory_space<hbm>> -> memref<512xi32, #tpu.memory_space<hbm>>
      %dma_wait3A_123 = tpu.memref_slice %arg3[%mul3A_2] : memref<16384xi32, #tpu.memory_space<hbm>> -> memref<512xi32, #tpu.memory_space<hbm>>
      tpu.wait_dma2 semaphore(%run_scoped3A : memref<!tpu.dma_semaphore, #tpu.memory_space<semaphore_mem>>) src(%dma_wait3A_123 : memref<512xi32, #tpu.memory_space<hbm>>) dst(%arg9 : memref<512xi32, #tpu.memory_space<vmem>>)
      tpu.yield
    }) : () -> ()
    "tpu.region"() ({
      %run_scoped3A = tpu.sem_alloc : memref<!tpu.dma_semaphore, #tpu.memory_space<semaphore_mem>>
      %dma_start3A_121 = tpu.memref_slice %arg6[%mul3A_2] : memref<16384xf32, #tpu.memory_space<hbm>> -> memref<512xf32, #tpu.memory_space<hbm>>
      %dma_start3A_122 = tpu.memref_slice %arg6[%mul3A_2] : memref<16384xf32, #tpu.memory_space<hbm>> -> memref<512xf32, #tpu.memory_space<hbm>>
      tpu.enqueue_dma source(%dma_start3A_122 : memref<512xf32, #tpu.memory_space<hbm>>) target(%arg12 : memref<512xf32, #tpu.memory_space<vmem>>) target_semaphore(%run_scoped3A : memref<!tpu.dma_semaphore, #tpu.memory_space<semaphore_mem>>)
      %dma_wait3A = tpu.memref_slice %arg6[%mul3A_2] : memref<16384xf32, #tpu.memory_space<hbm>> -> memref<512xf32, #tpu.memory_space<hbm>>
      %dma_wait3A_123 = tpu.memref_slice %arg6[%mul3A_2] : memref<16384xf32, #tpu.memory_space<hbm>> -> memref<512xf32, #tpu.memory_space<hbm>>
      tpu.wait_dma2 semaphore(%run_scoped3A : memref<!tpu.dma_semaphore, #tpu.memory_space<semaphore_mem>>) src(%dma_wait3A_123 : memref<512xf32, #tpu.memory_space<hbm>>) dst(%arg12 : memref<512xf32, #tpu.memory_space<vmem>>)
      tpu.yield
    }) : () -> ()
    %iota3A = tpu.iota {dimensions = array<i32: 0>} : vector<16xi32>
    %get3A = arith.constant 0 : index
    %get3A_3 = tpu.vector_load %arg8[%get3A] {strides = array<i32>} : memref<512xi32, #tpu.memory_space<vmem>>, vector<16xi32>,
    %get3A_4 = arith.constant 0 : index
    %get3A_5 = tpu.vector_load %arg9[%get3A_4] {strides = array<i32>} : memref<512xi32, #tpu.memory_space<vmem>>, vector<16xi32>,
    %slice3A = vector.extract_strided_slice %get3A_3 {offsets = [0], sizes = [1], strides = [1]} : vector<16xi32> to vector<1xi32>
    %squeeze3A = vector.extract %slice3A[0] : i32 from vector<1xi32>
    %slice3A_6 = vector.extract_strided_slice %get3A_5 {offsets = [0], sizes = [1], strides = [1]} : vector<16xi32> to vector<1xi32>
    %squeeze3A_7 = vector.extract %slice3A_6[0] : i32 from vector<1xi32>
    %shift_right_logical3A = arith.constant 7 : i32
    %shift_right_logical3A_8 = arith.shrui %squeeze3A, %shift_right_logical3A : i32
    %mul3A_9 = arith.constant 128 : i32
    %mul3A_10 = arith.muli %shift_right_logical3A_8, %mul3A_9 : i32
    %shift_right_logical3A_11 = arith.constant 7 : i32
    %shift_right_logical3A_12 = arith.shrui %squeeze3A_7, %shift_right_logical3A_11 : i32
    %mul3A_13 = arith.constant 128 : i32
    %mul3A_14 = arith.muli %shift_right_logical3A_12, %mul3A_13 : i32
    %dma_start3A = arith.constant 0 : i32
    %dma_start3A_15 = arith.constant 0 : i32
    %dma_start3A_16 = arith.constant 0 : i32
    %dma_start3A_17 = tpu.memref_slice %arg10[%dma_start3A, %dma_start3A_15, %dma_start3A_16] : memref<4x64x128xf32, #tpu.memory_space<vmem>> -> memref<1x64x128xf32, #tpu.memory_space<vmem>>
    %dma_start3A_18 = tpu.memref_squeeze %dma_start3A_17 : memref<1x64x128xf32, #tpu.memory_space<vmem>> -> memref<64x128xf32, #tpu.memory_space<vmem>>
    %dma_start3A_19 = arith.constant 0 : i32
    %dma_start3A_20 = tpu.memref_slice %arg4[%dma_start3A_19, %mul3A_10] : memref<64x1000000xf32, #tpu.memory_space<hbm>> -> memref<64x128xf32, #tpu.memory_space<hbm>>
    %dma_start3A_21 = arith.constant 0 : i32
    %dma_start3A_22 = arith.constant 0 : i32
    %dma_start3A_23 = tpu.memref_slice %arg10[%dma_start3A, %dma_start3A_21, %dma_start3A_22] : memref<4x64x128xf32, #tpu.memory_space<vmem>> -> memref<1x64x128xf32, #tpu.memory_space<vmem>>
    %dma_start3A_24 = tpu.memref_squeeze %dma_start3A_23 : memref<1x64x128xf32, #tpu.memory_space<vmem>> -> memref<64x128xf32, #tpu.memory_space<vmem>>
    %dma_start3A_25 = arith.constant 0 : i32
    %dma_start3A_26 = tpu.memref_slice %arg4[%dma_start3A_25, %mul3A_10] : memref<64x1000000xf32, #tpu.memory_space<hbm>> -> memref<64x128xf32, #tpu.memory_space<hbm>>
    tpu.enqueue_dma source(%dma_start3A_26 : memref<64x128xf32, #tpu.memory_space<hbm>>) target(%dma_start3A_24 : memref<64x128xf32, #tpu.memory_space<vmem>>) target_semaphore(%arg14 : memref<!tpu.dma_semaphore, #tpu.memory_space<semaphore_mem>>)
    %dma_start3A_27 = arith.constant 0 : i32
    %dma_start3A_28 = arith.constant 0 : i32
    %dma_start3A_29 = arith.constant 0 : i32
    %dma_start3A_30 = tpu.memref_slice %arg11[%dma_start3A_27, %dma_start3A_28, %dma_start3A_29] : memref<4x64x128xf32, #tpu.memory_space<vmem>> -> memref<1x64x128xf32, #tpu.memory_space<vmem>>
    %dma_start3A_31 = tpu.memref_squeeze %dma_start3A_30 : memref<1x64x128xf32, #tpu.memory_space<vmem>> -> memref<64x128xf32, #tpu.memory_space<vmem>>
    %dma_start3A_32 = arith.constant 0 : i32
    %dma_start3A_33 = tpu.memref_slice %arg5[%dma_start3A_32, %mul3A_14] : memref<64x1000000xf32, #tpu.memory_space<hbm>> -> memref<64x128xf32, #tpu.memory_space<hbm>>
    %dma_start3A_34 = arith.constant 0 : i32
    %dma_start3A_35 = arith.constant 0 : i32
    %dma_start3A_36 = tpu.memref_slice %arg11[%dma_start3A_27, %dma_start3A_34, %dma_start3A_35] : memref<4x64x128xf32, #tpu.memory_space<vmem>> -> memref<1x64x128xf32, #tpu.memory_space<vmem>>
    %dma_start3A_37 = tpu.memref_squeeze %dma_start3A_36 : memref<1x64x128xf32, #tpu.memory_space<vmem>> -> memref<64x128xf32, #tpu.memory_space<vmem>>
    %dma_start3A_38 = arith.constant 0 : i32
    %dma_start3A_39 = tpu.memref_slice %arg5[%dma_start3A_38, %mul3A_14] : memref<64x1000000xf32, #tpu.memory_space<hbm>> -> memref<64x128xf32, #tpu.memory_space<hbm>>
    tpu.enqueue_dma source(%dma_start3A_39 : memref<64x128xf32, #tpu.memory_space<hbm>>) target(%dma_start3A_37 : memref<64x128xf32, #tpu.memory_space<vmem>>) target_semaphore(%arg15 : memref<!tpu.dma_semaphore, #tpu.memory_space<semaphore_mem>>)
    %slice3A_40 = vector.extract_strided_slice %get3A_3 {offsets = [1], sizes = [1], strides = [1]} : vector<16xi32> to vector<1xi32>
    %squeeze3A_41 = vector.extract %slice3A_40[0] : i32 from vector<1xi32>
    %slice3A_42 = vector.extract_strided_slice %get3A_5 {offsets = [1], sizes = [1], strides = [1]} : vector<16xi32> to vector<1xi32>
    %squeeze3A_43 = vector.extract %slice3A_42[0] : i32 from vector<1xi32>
    %shift_right_logical3A_44 = arith.constant 7 : i32
    %shift_right_logical3A_45 = arith.shrui %squeeze3A_41, %shift_right_logical3A_44 : i32
    %mul3A_46 = arith.constant 128 : i32
    %mul3A_47 = arith.muli %shift_right_logical3A_45, %mul3A_46 : i32
    %shift_right_logical3A_48 = arith.constant 7 : i32
    %shift_right_logical3A_49 = arith.shrui %squeeze3A_43, %shift_right_logical3A_48 : i32
    %mul3A_50 = arith.constant 128 : i32
    %mul3A_51 = arith.muli %shift_right_logical3A_49, %mul3A_50 : i32
    %dma_start3A_52 = arith.constant 1 : i32
    %dma_start3A_53 = arith.constant 0 : i32
    %dma_start3A_54 = arith.constant 0 : i32
    %dma_start3A_55 = tpu.memref_slice %arg10[%dma_start3A_52, %dma_start3A_53, %dma_start3A_54] : memref<4x64x128xf32, #tpu.memory_space<vmem>> -> memref<1x64x128xf32, #tpu.memory_space<vmem>>
    %dma_start3A_56 = tpu.memref_squeeze %dma_start3A_55 : memref<1x64x128xf32, #tpu.memory_space<vmem>> -> memref<64x128xf32, #tpu.memory_space<vmem>>
    %dma_start3A_57 = arith.constant 0 : i32
    %dma_start3A_58 = tpu.memref_slice %arg4[%dma_start3A_57, %mul3A_47] : memref<64x1000000xf32, #tpu.memory_space<hbm>> -> memref<64x128xf32, #tpu.memory_space<hbm>>
    %dma_start3A_59 = arith.constant 0 : i32
    %dma_start3A_60 = arith.constant 0 : i32
    %dma_start3A_61 = tpu.memref_slice %arg10[%dma_start3A_52, %dma_start3A_59, %dma_start3A_60] : memref<4x64x128xf32, #tpu.memory_space<vmem>> -> memref<1x64x128xf32, #tpu.memory_space<vmem>>
    %dma_start3A_62 = tpu.memref_squeeze %dma_start3A_61 : memref<1x64x128xf32, #tpu.memory_space<vmem>> -> memref<64x128xf32, #tpu.memory_space<vmem>>
    %dma_start3A_63 = arith.constant 0 : i32
    %dma_start3A_64 = tpu.memref_slice %arg4[%dma_start3A_63, %mul3A_47] : memref<64x1000000xf32, #tpu.memory_space<hbm>> -> memref<64x128xf32, #tpu.memory_space<hbm>>
    tpu.enqueue_dma source(%dma_start3A_64 : memref<64x128xf32, #tpu.memory_space<hbm>>) target(%dma_start3A_62 : memref<64x128xf32, #tpu.memory_space<vmem>>) target_semaphore(%arg14 : memref<!tpu.dma_semaphore, #tpu.memory_space<semaphore_mem>>)
    %dma_start3A_65 = arith.constant 1 : i32
    %dma_start3A_66 = arith.constant 0 : i32
    %dma_start3A_67 = arith.constant 0 : i32
    %dma_start3A_68 = tpu.memref_slice %arg11[%dma_start3A_65, %dma_start3A_66, %dma_start3A_67] : memref<4x64x128xf32, #tpu.memory_space<vmem>> -> memref<1x64x128xf32, #tpu.memory_space<vmem>>
    %dma_start3A_69 = tpu.memref_squeeze %dma_start3A_68 : memref<1x64x128xf32, #tpu.memory_space<vmem>> -> memref<64x128xf32, #tpu.memory_space<vmem>>
    %dma_start3A_70 = arith.constant 0 : i32
    %dma_start3A_71 = tpu.memref_slice %arg5[%dma_start3A_70, %mul3A_51] : memref<64x1000000xf32, #tpu.memory_space<hbm>> -> memref<64x128xf32, #tpu.memory_space<hbm>>
    %dma_start3A_72 = arith.constant 0 : i32
    %dma_start3A_73 = arith.constant 0 : i32
    %dma_start3A_74 = tpu.memref_slice %arg11[%dma_start3A_65, %dma_start3A_72, %dma_start3A_73] : memref<4x64x128xf32, #tpu.memory_space<vmem>> -> memref<1x64x128xf32, #tpu.memory_space<vmem>>
    %dma_start3A_75 = tpu.memref_squeeze %dma_start3A_74 : memref<1x64x128xf32, #tpu.memory_space<vmem>> -> memref<64x128xf32, #tpu.memory_space<vmem>>
    %dma_start3A_76 = arith.constant 0 : i32
    %dma_start3A_77 = tpu.memref_slice %arg5[%dma_start3A_76, %mul3A_51] : memref<64x1000000xf32, #tpu.memory_space<hbm>> -> memref<64x128xf32, #tpu.memory_space<hbm>>
    tpu.enqueue_dma source(%dma_start3A_77 : memref<64x128xf32, #tpu.memory_space<hbm>>) target(%dma_start3A_75 : memref<64x128xf32, #tpu.memory_space<vmem>>) target_semaphore(%arg15 : memref<!tpu.dma_semaphore, #tpu.memory_space<semaphore_mem>>)
    %slice3A_78 = vector.extract_strided_slice %get3A_3 {offsets = [2], sizes = [1], strides = [1]} : vector<16xi32> to vector<1xi32>
    %squeeze3A_79 = vector.extract %slice3A_78[0] : i32 from vector<1xi32>
    %slice3A_80 = vector.extract_strided_slice %get3A_5 {offsets = [2], sizes = [1], strides = [1]} : vector<16xi32> to vector<1xi32>
    %squeeze3A_81 = vector.extract %slice3A_80[0] : i32 from vector<1xi32>
    %shift_right_logical3A_82 = arith.constant 7 : i32
    %shift_right_logical3A_83 = arith.shrui %squeeze3A_79, %shift_right_logical3A_82 : i32
    %mul3A_84 = arith.constant 128 : i32
    %mul3A_85 = arith.muli %shift_right_logical3A_83, %mul3A_84 : i32
    %shift_right_logical3A_86 = arith.constant 7 : i32
    %shift_right_logical3A_87 = arith.shrui %squeeze3A_81, %shift_right_logical3A_86 : i32
    %mul3A_88 = arith.constant 128 : i32
    %mul3A_89 = arith.muli %shift_right_logical3A_87, %mul3A_88 : i32
    %dma_start3A_90 = arith.constant 2 : i32
    %dma_start3A_91 = arith.constant 0 : i32
    %dma_start3A_92 = arith.constant 0 : i32
    %dma_start3A_93 = tpu.memref_slice %arg10[%dma_start3A_90, %dma_start3A_91, %dma_start3A_92] : memref<4x64x128xf32, #tpu.memory_space<vmem>> -> memref<1x64x128xf32, #tpu.memory_space<vmem>>
    %dma_start3A_94 = tpu.memref_squeeze %dma_start3A_93 : memref<1x64x128xf32, #tpu.memory_space<vmem>> -> memref<64x128xf32, #tpu.memory_space<vmem>>
    %dma_start3A_95 = arith.constant 0 : i32
    %dma_start3A_96 = tpu.memref_slice %arg4[%dma_start3A_95, %mul3A_85] : memref<64x1000000xf32, #tpu.memory_space<hbm>> -> memref<64x128xf32, #tpu.memory_space<hbm>>
    %dma_start3A_97 = arith.constant 0 : i32
    %dma_start3A_98 = arith.constant 0 : i32
    %dma_start3A_99 = tpu.memref_slice %arg10[%dma_start3A_90, %dma_start3A_97, %dma_start3A_98] : memref<4x64x128xf32, #tpu.memory_space<vmem>> -> memref<1x64x128xf32, #tpu.memory_space<vmem>>
    %dma_start3A_100 = tpu.memref_squeeze %dma_start3A_99 : memref<1x64x128xf32, #tpu.memory_space<vmem>> -> memref<64x128xf32, #tpu.memory_space<vmem>>
    %dma_start3A_101 = arith.constant 0 : i32
    %dma_start3A_102 = tpu.memref_slice %arg4[%dma_start3A_101, %mul3A_85] : memref<64x1000000xf32, #tpu.memory_space<hbm>> -> memref<64x128xf32, #tpu.memory_space<hbm>>
    tpu.enqueue_dma source(%dma_start3A_102 : memref<64x128xf32, #tpu.memory_space<hbm>>) target(%dma_start3A_100 : memref<64x128xf32, #tpu.memory_space<vmem>>) target_semaphore(%arg14 : memref<!tpu.dma_semaphore, #tpu.memory_space<semaphore_mem>>)
    %dma_start3A_103 = arith.constant 2 : i32
    %dma_start3A_104 = arith.constant 0 : i32
    %dma_start3A_105 = arith.constant 0 : i32
    %dma_start3A_106 = tpu.memref_slice %arg11[%dma_start3A_103, %dma_start3A_104, %dma_start3A_105] : memref<4x64x128xf32, #tpu.memory_space<vmem>> -> memref<1x64x128xf32, #tpu.memory_space<vmem>>
    %dma_start3A_107 = tpu.memref_squeeze %dma_start3A_106 : memref<1x64x128xf32, #tpu.memory_space<vmem>> -> memref<64x128xf32, #tpu.memory_space<vmem>>
    %dma_start3A_108 = arith.constant 0 : i32
    %dma_start3A_109 = tpu.memref_slice %arg5[%dma_start3A_108, %mul3A_89] : memref<64x1000000xf32, #tpu.memory_space<hbm>> -> memref<64x128xf32, #tpu.memory_space<hbm>>
    %dma_start3A_110 = arith.constant 0 : i32
    %dma_start3A_111 = arith.constant 0 : i32
    %dma_start3A_112 = tpu.memref_slice %arg11[%dma_start3A_103, %dma_start3A_110, %dma_start3A_111] : memref<4x64x128xf32, #tpu.memory_space<vmem>> -> memref<1x64x128xf32, #tpu.memory_space<vmem>>
    %dma_start3A_113 = tpu.memref_squeeze %dma_start3A_112 : memref<1x64x128xf32, #tpu.memory_space<vmem>> -> memref<64x128xf32, #tpu.memory_space<vmem>>
    %dma_start3A_114 = arith.constant 0 : i32
    %dma_start3A_115 = tpu.memref_slice %arg5[%dma_start3A_114, %mul3A_89] : memref<64x1000000xf32, #tpu.memory_space<hbm>> -> memref<64x128xf32, #tpu.memory_space<hbm>>
    tpu.enqueue_dma source(%dma_start3A_115 : memref<64x128xf32, #tpu.memory_space<hbm>>) target(%dma_start3A_113 : memref<64x128xf32, #tpu.memory_space<vmem>>) target_semaphore(%arg15 : memref<!tpu.dma_semaphore, #tpu.memory_space<semaphore_mem>>)
    %scan3A = arith.constant 0 : i32
    %scan3A_116 = arith.constant 0 : i32
    %scan3A_117 = arith.constant 32 : i32
    %scan3A_118 = arith.addi %scan3A_116, %scan3A_117 : i32
    %scan3A_119 = arith.constant 1 : i32
    scf.for %scan3A_121 = %scan3A_116 to %scan3A_118 step %scan3A_119  : i32 {
      %mul3A_122 = arith.constant 16 : i32
      %mul3A_123 = arith.muli %scan3A_121, %mul3A_122 : i32
      %get3A_124 = arith.index_cast %mul3A_123 : i32 to index
      %get3A_125 = tpu.vector_load %arg8[%get3A_124] {strides = array<i32>} : memref<512xi32, #tpu.memory_space<vmem>>, vector<16xi32>,
      %mul3A_126 = arith.constant 16 : i32
      %mul3A_127 = arith.muli %scan3A_121, %mul3A_126 : i32
      %get3A_128 = arith.index_cast %mul3A_127 : i32 to index
      %get3A_129 = tpu.vector_load %arg9[%get3A_128] {strides = array<i32>} : memref<512xi32, #tpu.memory_space<vmem>>, vector<16xi32>,
      %add3A_130 = arith.constant 1 : i32
      %add3A_131 = arith.addi %scan3A_121, %add3A_130 : i32
      %min3A = arith.constant 31 : i32
      %min3A_132 = arith.minsi %add3A_131, %min3A : i32
      %mul3A_133 = arith.constant 16 : i32
      %mul3A_134 = arith.muli %min3A_132, %mul3A_133 : i32
      %get3A_135 = arith.index_cast %mul3A_134 : i32 to index
      %get3A_136 = tpu.vector_load %arg8[%get3A_135] {strides = array<i32>} : memref<512xi32, #tpu.memory_space<vmem>>, vector<16xi32>,
      %mul3A_137 = arith.constant 16 : i32
      %mul3A_138 = arith.muli %min3A_132, %mul3A_137 : i32
      %get3A_139 = arith.index_cast %mul3A_138 : i32 to index
      %get3A_140 = tpu.vector_load %arg9[%get3A_139] {strides = array<i32>} : memref<512xi32, #tpu.memory_space<vmem>>, vector<16xi32>,
      %mul3A_141 = arith.constant 16 : i32
      %mul3A_142 = arith.muli %scan3A_121, %mul3A_141 : i32
      %get3A_143 = arith.index_cast %mul3A_142 : i32 to index
      %get3A_144 = tpu.vector_load %arg12[%get3A_143] {strides = array<i32>} : memref<512xf32, #tpu.memory_space<vmem>>, vector<16xf32>,
      %slice3A_145 = vector.extract_strided_slice %get3A_125 {offsets = [3], sizes = [1], strides = [1]} : vector<16xi32> to vector<1xi32>
      %squeeze3A_146 = vector.extract %slice3A_145[0] : i32 from vector<1xi32>
      %slice3A_147 = vector.extract_strided_slice %get3A_129 {offsets = [3], sizes = [1], strides = [1]} : vector<16xi32> to vector<1xi32>
      %squeeze3A_148 = vector.extract %slice3A_147[0] : i32 from vector<1xi32>
      %shift_right_logical3A_149 = arith.constant 7 : i32
      %shift_right_logical3A_150 = arith.shrui %squeeze3A_146, %shift_right_logical3A_149 : i32
      %mul3A_151 = arith.constant 128 : i32
      %mul3A_152 = arith.muli %shift_right_logical3A_150, %mul3A_151 : i32
      %shift_right_logical3A_153 = arith.constant 7 : i32
      %shift_right_logical3A_154 = arith.shrui %squeeze3A_148, %shift_right_logical3A_153 : i32
      %mul3A_155 = arith.constant 128 : i32
      %mul3A_156 = arith.muli %shift_right_logical3A_154, %mul3A_155 : i32
      %dma_start3A_157 = arith.constant 3 : i32
      %dma_start3A_158 = arith.constant 0 : i32
      %dma_start3A_159 = arith.constant 0 : i32
      %dma_start3A_160 = tpu.memref_slice %arg10[%dma_start3A_157, %dma_start3A_158, %dma_start3A_159] : memref<4x64x128xf32, #tpu.memory_space<vmem>> -> memref<1x64x128xf32, #tpu.memory_space<vmem>>
      %dma_start3A_161 = tpu.memref_squeeze %dma_start3A_160 : memref<1x64x128xf32, #tpu.memory_space<vmem>> -> memref<64x128xf32, #tpu.memory_space<vmem>>
      %dma_start3A_162 = arith.constant 0 : i32
      %dma_start3A_163 = tpu.memref_slice %arg4[%dma_start3A_162, %mul3A_152] : memref<64x1000000xf32, #tpu.memory_space<hbm>> -> memref<64x128xf32, #tpu.memory_space<hbm>>
      %dma_start3A_164 = arith.constant 0 : i32
      %dma_start3A_165 = arith.constant 0 : i32
      %dma_start3A_166 = tpu.memref_slice %arg10[%dma_start3A_157, %dma_start3A_164, %dma_start3A_165] : memref<4x64x128xf32, #tpu.memory_space<vmem>> -> memref<1x64x128xf32, #tpu.memory_space<vmem>>
      %dma_start3A_167 = tpu.memref_squeeze %dma_start3A_166 : memref<1x64x128xf32, #tpu.memory_space<vmem>> -> memref<64x128xf32, #tpu.memory_space<vmem>>
      %dma_start3A_168 = arith.constant 0 : i32
      %dma_start3A_169 = tpu.memref_slice %arg4[%dma_start3A_168, %mul3A_152] : memref<64x1000000xf32, #tpu.memory_space<hbm>> -> memref<64x128xf32, #tpu.memory_space<hbm>>
      tpu.enqueue_dma source(%dma_start3A_169 : memref<64x128xf32, #tpu.memory_space<hbm>>) target(%dma_start3A_167 : memref<64x128xf32, #tpu.memory_space<vmem>>) target_semaphore(%arg14 : memref<!tpu.dma_semaphore, #tpu.memory_space<semaphore_mem>>)
      %dma_start3A_170 = arith.constant 3 : i32
      %dma_start3A_171 = arith.constant 0 : i32
      %dma_start3A_172 = arith.constant 0 : i32
      %dma_start3A_173 = tpu.memref_slice %arg11[%dma_start3A_170, %dma_start3A_171, %dma_start3A_172] : memref<4x64x128xf32, #tpu.memory_space<vmem>> -> memref<1x64x128xf32, #tpu.memory_space<vmem>>
      %dma_start3A_174 = tpu.memref_squeeze %dma_start3A_173 : memref<1x64x128xf32, #tpu.memory_space<vmem>> -> memref<64x128xf32, #tpu.memory_space<vmem>>
      %dma_start3A_175 = arith.constant 0 : i32
      %dma_start3A_176 = tpu.memref_slice %arg5[%dma_start3A_175, %mul3A_156] : memref<64x1000000xf32, #tpu.memory_space<hbm>> -> memref<64x128xf32, #tpu.memory_space<hbm>>
      %dma_start3A_177 = arith.constant 0 : i32
      %dma_start3A_178 = arith.constant 0 : i32
      %dma_start3A_179 = tpu.memref_slice %arg11[%dma_start3A_170, %dma_start3A_177, %dma_start3A_178] : memref<4x64x128xf32, #tpu.memory_space<vmem>> -> memref<1x64x128xf32, #tpu.memory_space<vmem>>
      %dma_start3A_180 = tpu.memref_squeeze %dma_start3A_179 : memref<1x64x128xf32, #tpu.memory_space<vmem>> -> memref<64x128xf32, #tpu.memory_space<vmem>>
      %dma_start3A_181 = arith.constant 0 : i32
      %dma_start3A_182 = tpu.memref_slice %arg5[%dma_start3A_181, %mul3A_156] : memref<64x1000000xf32, #tpu.memory_space<hbm>> -> memref<64x128xf32, #tpu.memory_space<hbm>>
      tpu.enqueue_dma source(%dma_start3A_182 : memref<64x128xf32, #tpu.memory_space<hbm>>) target(%dma_start3A_180 : memref<64x128xf32, #tpu.memory_space<vmem>>) target_semaphore(%arg15 : memref<!tpu.dma_semaphore, #tpu.memory_space<semaphore_mem>>)
      %dma_wait3A = arith.constant 0 : i32
      %dma_wait3A_183 = arith.constant 0 : i32
      %dma_wait3A_184 = arith.constant 0 : i32
      %dma_wait3A_185 = tpu.memref_slice %arg10[%dma_wait3A, %dma_wait3A_183, %dma_wait3A_184] : memref<4x64x128xf32, #tpu.memory_space<vmem>> -> memref<1x64x128xf32, #tpu.memory_space<vmem>>
      %dma_wait3A_186 = tpu.memref_squeeze %dma_wait3A_185 : memref<1x64x128xf32, #tpu.memory_space<vmem>> -> memref<64x128xf32, #tpu.memory_space<vmem>>
      %dma_wait3A_187 = arith.constant 0 : i32
      %dma_wait3A_188 = arith.constant 0 : i32
      %dma_wait3A_189 = tpu.memref_slice %arg4[%dma_wait3A_187, %dma_wait3A_188] : memref<64x1000000xf32, #tpu.memory_space<hbm>> -> memref<64x128xf32, #tpu.memory_space<hbm>>
      %dma_wait3A_190 = arith.constant 0 : i32
      %dma_wait3A_191 = arith.constant 0 : i32
      %dma_wait3A_192 = tpu.memref_slice %arg10[%dma_wait3A, %dma_wait3A_190, %dma_wait3A_191] : memref<4x64x128xf32, #tpu.memory_space<vmem>> -> memref<1x64x128xf32, #tpu.memory_space<vmem>>
      %dma_wait3A_193 = tpu.memref_squeeze %dma_wait3A_192 : memref<1x64x128xf32, #tpu.memory_space<vmem>> -> memref<64x128xf32, #tpu.memory_space<vmem>>
      %dma_wait3A_194 = arith.constant 0 : i32
      %dma_wait3A_195 = arith.constant 0 : i32
      %dma_wait3A_196 = tpu.memref_slice %arg4[%dma_wait3A_194, %dma_wait3A_195] : memref<64x1000000xf32, #tpu.memory_space<hbm>> -> memref<64x128xf32, #tpu.memory_space<hbm>>
      tpu.wait_dma2 semaphore(%arg14 : memref<!tpu.dma_semaphore, #tpu.memory_space<semaphore_mem>>) src(%dma_wait3A_196 : memref<64x128xf32, #tpu.memory_space<hbm>>) dst(%dma_wait3A_193 : memref<64x128xf32, #tpu.memory_space<vmem>>)
      %dma_wait3A_197 = arith.constant 0 : i32
      %dma_wait3A_198 = arith.constant 0 : i32
      %dma_wait3A_199 = arith.constant 0 : i32
      %dma_wait3A_200 = tpu.memref_slice %arg11[%dma_wait3A_197, %dma_wait3A_198, %dma_wait3A_199] : memref<4x64x128xf32, #tpu.memory_space<vmem>> -> memref<1x64x128xf32, #tpu.memory_space<vmem>>
      %dma_wait3A_201 = tpu.memref_squeeze %dma_wait3A_200 : memref<1x64x128xf32, #tpu.memory_space<vmem>> -> memref<64x128xf32, #tpu.memory_space<vmem>>
      %dma_wait3A_202 = arith.constant 0 : i32
      %dma_wait3A_203 = arith.constant 0 : i32
      %dma_wait3A_204 = tpu.memref_slice %arg5[%dma_wait3A_202, %dma_wait3A_203] : memref<64x1000000xf32, #tpu.memory_space<hbm>> -> memref<64x128xf32, #tpu.memory_space<hbm>>
      %dma_wait3A_205 = arith.constant 0 : i32
      %dma_wait3A_206 = arith.constant 0 : i32
      %dma_wait3A_207 = tpu.memref_slice %arg11[%dma_wait3A_197, %dma_wait3A_205, %dma_wait3A_206] : memref<4x64x128xf32, #tpu.memory_space<vmem>> -> memref<1x64x128xf32, #tpu.memory_space<vmem>>
      %dma_wait3A_208 = tpu.memref_squeeze %dma_wait3A_207 : memref<1x64x128xf32, #tpu.memory_space<vmem>> -> memref<64x128xf32, #tpu.memory_space<vmem>>
      %dma_wait3A_209 = arith.constant 0 : i32
      %dma_wait3A_210 = arith.constant 0 : i32
      %dma_wait3A_211 = tpu.memref_slice %arg5[%dma_wait3A_209, %dma_wait3A_210] : memref<64x1000000xf32, #tpu.memory_space<hbm>> -> memref<64x128xf32, #tpu.memory_space<hbm>>
      tpu.wait_dma2 semaphore(%arg15 : memref<!tpu.dma_semaphore, #tpu.memory_space<semaphore_mem>>) src(%dma_wait3A_211 : memref<64x128xf32, #tpu.memory_space<hbm>>) dst(%dma_wait3A_208 : memref<64x128xf32, #tpu.memory_space<vmem>>)
      %slice3A_212 = vector.extract_strided_slice %get3A_125 {offsets = [0], sizes = [1], strides = [1]} : vector<16xi32> to vector<1xi32>
      %squeeze3A_213 = vector.extract %slice3A_212[0] : i32 from vector<1xi32>
      %and3A = arith.constant 127 : i32
      %and3A_214 = arith.andi %squeeze3A_213, %and3A : i32
      %broadcast_in_dim3A = vector.broadcast %and3A_214 : i32 to vector<16xi32>
      %slice3A_215 = vector.extract_strided_slice %get3A_129 {offsets = [0], sizes = [1], strides = [1]} : vector<16xi32> to vector<1xi32>
      %squeeze3A_216 = vector.extract %slice3A_215[0] : i32 from vector<1xi32>
      %and3A_217 = arith.constant 127 : i32
      %and3A_218 = arith.andi %squeeze3A_216, %and3A_217 : i32
      %broadcast_in_dim3A_219 = vector.broadcast %and3A_218 : i32 to vector<16xi32>
      %broadcast_in_dim3A_220 = arith.constant 0.000000e+00 : f32
      %broadcast_in_dim3A_221 = vector.broadcast %broadcast_in_dim3A_220 : f32 to vector<16xf32>
      %add3A_222 = arith.constant 0 : i32
      %add3A_223 = vector.broadcast %add3A_222 : i32 to vector<16xi32>
      %add3A_224 = arith.addi %add3A_223, %iota3A : vector<16xi32>
      %gather3A = arith.constant 0 : i32
      %gather3A_225 = arith.constant 0 : i32
      %gather3A_226 = arith.constant 0 : i32
      %gather3A_227 = tpu.memref_slice %arg10[%gather3A, %gather3A_225, %gather3A_226] : memref<4x64x128xf32, #tpu.memory_space<vmem>> -> memref<1x64x128xf32, #tpu.memory_space<vmem>>
      %gather3A_228 = tpu.memref_squeeze %gather3A_227 : memref<1x64x128xf32, #tpu.memory_space<vmem>> -> memref<64x128xf32, #tpu.memory_space<vmem>>
      %gather3A_229 = tpu.vector_load_idx %gather3A_228[%add3A_224, %broadcast_in_dim3A] : memref<64x128xf32, #tpu.memory_space<vmem>>[vector<16xi32>, vector<16xi32>], vector<16xf32>,
      %gather3A_230 = arith.constant 0 : i32
      %gather3A_231 = arith.constant 0 : i32
      %gather3A_232 = arith.constant 0 : i32
      %gather3A_233 = tpu.memref_slice %arg11[%gather3A_230, %gather3A_231, %gather3A_232] : memref<4x64x128xf32, #tpu.memory_space<vmem>> -> memref<1x64x128xf32, #tpu.memory_space<vmem>>
      %gather3A_234 = tpu.memref_squeeze %gather3A_233 : memref<1x64x128xf32, #tpu.memory_space<vmem>> -> memref<64x128xf32, #tpu.memory_space<vmem>>
      %gather3A_235 = tpu.vector_load_idx %gather3A_234[%add3A_224, %broadcast_in_dim3A_219] : memref<64x128xf32, #tpu.memory_space<vmem>>[vector<16xi32>, vector<16xi32>], vector<16xf32>,
      %mul3A_236 = arith.mulf %gather3A_229, %gather3A_235 : vector<16xf32>
      %add3A_237 = arith.addf %broadcast_in_dim3A_221, %mul3A_236 : vector<16xf32>
      %add3A_238 = arith.constant 16 : i32
      %add3A_239 = vector.broadcast %add3A_238 : i32 to vector<16xi32>
      %add3A_240 = arith.addi %add3A_239, %iota3A : vector<16xi32>
      %gather3A_241 = arith.constant 0 : i32
      %gather3A_242 = arith.constant 0 : i32
      %gather3A_243 = arith.constant 0 : i32
      %gather3A_244 = tpu.memref_slice %arg10[%gather3A_241, %gather3A_242, %gather3A_243] : memref<4x64x128xf32, #tpu.memory_space<vmem>> -> memref<1x64x128xf32, #tpu.memory_space<vmem>>
      %gather3A_245 = tpu.memref_squeeze %gather3A_244 : memref<1x64x128xf32, #tpu.memory_space<vmem>> -> memref<64x128xf32, #tpu.memory_space<vmem>>
      %gather3A_246 = tpu.vector_load_idx %gather3A_245[%add3A_240, %broadcast_in_dim3A] : memref<64x128xf32, #tpu.memory_space<vmem>>[vector<16xi32>, vector<16xi32>], vector<16xf32>,
      %gather3A_247 = arith.constant 0 : i32
      %gather3A_248 = arith.constant 0 : i32
      %gather3A_249 = arith.constant 0 : i32
      %gather3A_250 = tpu.memref_slice %arg11[%gather3A_247, %gather3A_248, %gather3A_249] : memref<4x64x128xf32, #tpu.memory_space<vmem>> -> memref<1x64x128xf32, #tpu.memory_space<vmem>>
      %gather3A_251 = tpu.memref_squeeze %gather3A_250 : memref<1x64x128xf32, #tpu.memory_space<vmem>> -> memref<64x128xf32, #tpu.memory_space<vmem>>
      %gather3A_252 = tpu.vector_load_idx %gather3A_251[%add3A_240, %broadcast_in_dim3A_219] : memref<64x128xf32, #tpu.memory_space<vmem>>[vector<16xi32>, vector<16xi32>], vector<16xf32>,
      %mul3A_253 = arith.mulf %gather3A_246, %gather3A_252 : vector<16xf32>
      %add3A_254 = arith.addf %add3A_237, %mul3A_253 : vector<16xf32>
      %add3A_255 = arith.constant 32 : i32
      %add3A_256 = vector.broadcast %add3A_255 : i32 to vector<16xi32>
      %add3A_257 = arith.addi %add3A_256, %iota3A : vector<16xi32>
      %gather3A_258 = arith.constant 0 : i32
      %gather3A_259 = arith.constant 0 : i32
      %gather3A_260 = arith.constant 0 : i32
      %gather3A_261 = tpu.memref_slice %arg10[%gather3A_258, %gather3A_259, %gather3A_260] : memref<4x64x128xf32, #tpu.memory_space<vmem>> -> memref<1x64x128xf32, #tpu.memory_space<vmem>>
      %gather3A_262 = tpu.memref_squeeze %gather3A_261 : memref<1x64x128xf32, #tpu.memory_space<vmem>> -> memref<64x128xf32, #tpu.memory_space<vmem>>
      %gather3A_263 = tpu.vector_load_idx %gather3A_262[%add3A_257, %broadcast_in_dim3A] : memref<64x128xf32, #tpu.memory_space<vmem>>[vector<16xi32>, vector<16xi32>], vector<16xf32>,
      %gather3A_264 = arith.constant 0 : i32
      %gather3A_265 = arith.constant 0 : i32
      %gather3A_266 = arith.constant 0 : i32
      %gather3A_267 = tpu.memref_slice %arg11[%gather3A_264, %gather3A_265, %gather3A_266] : memref<4x64x128xf32, #tpu.memory_space<vmem>> -> memref<1x64x128xf32, #tpu.memory_space<vmem>>
      %gather3A_268 = tpu.memref_squeeze %gather3A_267 : memref<1x64x128xf32, #tpu.memory_space<vmem>> -> memref<64x128xf32, #tpu.memory_space<vmem>>
      %gather3A_269 = tpu.vector_load_idx %gather3A_268[%add3A_257, %broadcast_in_dim3A_219] : memref<64x128xf32, #tpu.memory_space<vmem>>[vector<16xi32>, vector<16xi32>], vector<16xf32>,
      %mul3A_270 = arith.mulf %gather3A_263, %gather3A_269 : vector<16xf32>
      %add3A_271 = arith.addf %add3A_254, %mul3A_270 : vector<16xf32>
      %add3A_272 = arith.constant 48 : i32
      %add3A_273 = vector.broadcast %add3A_272 : i32 to vector<16xi32>
      %add3A_274 = arith.addi %add3A_273, %iota3A : vector<16xi32>
      %gather3A_275 = arith.constant 0 : i32
      %gather3A_276 = arith.constant 0 : i32
      %gather3A_277 = arith.constant 0 : i32
      %gather3A_278 = tpu.memref_slice %arg10[%gather3A_275, %gather3A_276, %gather3A_277] : memref<4x64x128xf32, #tpu.memory_space<vmem>> -> memref<1x64x128xf32, #tpu.memory_space<vmem>>
      %gather3A_279 = tpu.memref_squeeze %gather3A_278 : memref<1x64x128xf32, #tpu.memory_space<vmem>> -> memref<64x128xf32, #tpu.memory_space<vmem>>
      %gather3A_280 = tpu.vector_load_idx %gather3A_279[%add3A_274, %broadcast_in_dim3A] : memref<64x128xf32, #tpu.memory_space<vmem>>[vector<16xi32>, vector<16xi32>], vector<16xf32>,
      %gather3A_281 = arith.constant 0 : i32
      %gather3A_282 = arith.constant 0 : i32
      %gather3A_283 = arith.constant 0 : i32
      %gather3A_284 = tpu.memref_slice %arg11[%gather3A_281, %gather3A_282, %gather3A_283] : memref<4x64x128xf32, #tpu.memory_space<vmem>> -> memref<1x64x128xf32, #tpu.memory_space<vmem>>
      %gather3A_285 = tpu.memref_squeeze %gather3A_284 : memref<1x64x128xf32, #tpu.memory_space<vmem>> -> memref<64x128xf32, #tpu.memory_space<vmem>>
      %gather3A_286 = tpu.vector_load_idx %gather3A_285[%add3A_274, %broadcast_in_dim3A_219] : memref<64x128xf32, #tpu.memory_space<vmem>>[vector<16xi32>, vector<16xi32>], vector<16xf32>,
      %mul3A_287 = arith.mulf %gather3A_280, %gather3A_286 : vector<16xf32>
      %add3A_288 = arith.addf %add3A_271, %mul3A_287 : vector<16xf32>
      %reduce_sum3A = arith.constant true
      %reduce_sum3A_289 = vector.broadcast %reduce_sum3A : i1 to vector<16xi1>
      %reduce_sum3A_290 = tpu.scan <sum>, %add3A_288 masked %reduce_sum3A_289 : vector<16xf32>, vector<16xi1> -> vector<16xf32>
      %reduce_sum3A_291 = vector.extract %reduce_sum3A_290[15] : f32 from vector<16xf32>
      %eq3A = arith.constant 0 : i32
      %eq3A_292 = vector.broadcast %eq3A : i32 to vector<16xi32>
      %eq3A_293 = arith.cmpi eq, %iota3A, %eq3A_292 : vector<16xi32>
      %add3A_294 = vector.broadcast %reduce_sum3A_291 : f32 to vector<16xf32>
      %add3A_295 = arith.addf %get3A_144, %add3A_294 : vector<16xf32>
      %select_n3A = arith.select %eq3A_293, %add3A_295, %get3A_144 : vector<16xi1>, vector<16xf32>
      %slice3A_296 = vector.extract_strided_slice %get3A_125 {offsets = [4], sizes = [1], strides = [1]} : vector<16xi32> to vector<1xi32>
      %squeeze3A_297 = vector.extract %slice3A_296[0] : i32 from vector<1xi32>
      %slice3A_298 = vector.extract_strided_slice %get3A_129 {offsets = [4], sizes = [1], strides = [1]} : vector<16xi32> to vector<1xi32>
      %squeeze3A_299 = vector.extract %slice3A_298[0] : i32 from vector<1xi32>
      %shift_right_logical3A_300 = arith.constant 7 : i32
      %shift_right_logical3A_301 = arith.shrui %squeeze3A_297, %shift_right_logical3A_300 : i32
      %mul3A_302 = arith.constant 128 : i32
      %mul3A_303 = arith.muli %shift_right_logical3A_301, %mul3A_302 : i32
      %shift_right_logical3A_304 = arith.constant 7 : i32
      %shift_right_logical3A_305 = arith.shrui %squeeze3A_299, %shift_right_logical3A_304 : i32
      %mul3A_306 = arith.constant 128 : i32
      %mul3A_307 = arith.muli %shift_right_logical3A_305, %mul3A_306 : i32
      %dma_start3A_308 = arith.constant 0 : i32
      %dma_start3A_309 = arith.constant 0 : i32
      %dma_start3A_310 = arith.constant 0 : i32
      %dma_start3A_311 = tpu.memref_slice %arg10[%dma_start3A_308, %dma_start3A_309, %dma_start3A_310] : memref<4x64x128xf32, #tpu.memory_space<vmem>> -> memref<1x64x128xf32, #tpu.memory_space<vmem>>
      %dma_start3A_312 = tpu.memref_squeeze %dma_start3A_311 : memref<1x64x128xf32, #tpu.memory_space<vmem>> -> memref<64x128xf32, #tpu.memory_space<vmem>>
      %dma_start3A_313 = arith.constant 0 : i32
      %dma_start3A_314 = tpu.memref_slice %arg4[%dma_start3A_313, %mul3A_303] : memref<64x1000000xf32, #tpu.memory_space<hbm>> -> memref<64x128xf32, #tpu.memory_space<hbm>>
      %dma_start3A_315 = arith.constant 0 : i32
      %dma_start3A_316 = arith.constant 0 : i32
      %dma_start3A_317 = tpu.memref_slice %arg10[%dma_start3A_308, %dma_start3A_315, %dma_start3A_316] : memref<4x64x128xf32, #tpu.memory_space<vmem>> -> memref<1x64x128xf32, #tpu.memory_space<vmem>>
      %dma_start3A_318 = tpu.memref_squeeze %dma_start3A_317 : memref<1x64x128xf32, #tpu.memory_space<vmem>> -> memref<64x128xf32, #tpu.memory_space<vmem>>
      %dma_start3A_319 = arith.constant 0 : i32
      %dma_start3A_320 = tpu.memref_slice %arg4[%dma_start3A_319, %mul3A_303] : memref<64x1000000xf32, #tpu.memory_space<hbm>> -> memref<64x128xf32, #tpu.memory_space<hbm>>
      tpu.enqueue_dma source(%dma_start3A_320 : memref<64x128xf32, #tpu.memory_space<hbm>>) target(%dma_start3A_318 : memref<64x128xf32, #tpu.memory_space<vmem>>) target_semaphore(%arg14 : memref<!tpu.dma_semaphore, #tpu.memory_space<semaphore_mem>>)
      %dma_start3A_321 = arith.constant 0 : i32
      %dma_start3A_322 = arith.constant 0 : i32
      %dma_start3A_323 = arith.constant 0 : i32
      %dma_start3A_324 = tpu.memref_slice %arg11[%dma_start3A_321, %dma_start3A_322, %dma_start3A_323] : memref<4x64x128xf32, #tpu.memory_space<vmem>> -> memref<1x64x128xf32, #tpu.memory_space<vmem>>
      %dma_start3A_325 = tpu.memref_squeeze %dma_start3A_324 : memref<1x64x128xf32, #tpu.memory_space<vmem>> -> memref<64x128xf32, #tpu.memory_space<vmem>>
      %dma_start3A_326 = arith.constant 0 : i32
      %dma_start3A_327 = tpu.memref_slice %arg5[%dma_start3A_326, %mul3A_307] : memref<64x1000000xf32, #tpu.memory_space<hbm>> -> memref<64x128xf32, #tpu.memory_space<hbm>>
      %dma_start3A_328 = arith.constant 0 : i32
      %dma_start3A_329 = arith.constant 0 : i32
      %dma_start3A_330 = tpu.memref_slice %arg11[%dma_start3A_321, %dma_start3A_328, %dma_start3A_329] : memref<4x64x128xf32, #tpu.memory_space<vmem>> -> memref<1x64x128xf32, #tpu.memory_space<vmem>>
      %dma_start3A_331 = tpu.memref_squeeze %dma_start3A_330 : memref<1x64x128xf32, #tpu.memory_space<vmem>> -> memref<64x128xf32, #tpu.memory_space<vmem>>
      %dma_start3A_332 = arith.constant 0 : i32
      %dma_start3A_333 = tpu.memref_slice %arg5[%dma_start3A_332, %mul3A_307] : memref<64x1000000xf32, #tpu.memory_space<hbm>> -> memref<64x128xf32, #tpu.memory_space<hbm>>
      tpu.enqueue_dma source(%dma_start3A_333 : memref<64x128xf32, #tpu.memory_space<hbm>>) target(%dma_start3A_331 : memref<64x128xf32, #tpu.memory_space<vmem>>) target_semaphore(%arg15 : memref<!tpu.dma_semaphore, #tpu.memory_space<semaphore_mem>>)
      %dma_wait3A_334 = arith.constant 1 : i32
      %dma_wait3A_335 = arith.constant 0 : i32
      %dma_wait3A_336 = arith.constant 0 : i32
      %dma_wait3A_337 = tpu.memref_slice %arg10[%dma_wait3A_334, %dma_wait3A_335, %dma_wait3A_336] : memref<4x64x128xf32, #tpu.memory_space<vmem>> -> memref<1x64x128xf32, #tpu.memory_space<vmem>>
      %dma_wait3A_338 = tpu.memref_squeeze %dma_wait3A_337 : memref<1x64x128xf32, #tpu.memory_space<vmem>> -> memref<64x128xf32, #tpu.memory_space<vmem>>
      %dma_wait3A_339 = arith.constant 0 : i32
      %dma_wait3A_340 = arith.constant 0 : i32
      %dma_wait3A_341 = tpu.memref_slice %arg4[%dma_wait3A_339, %dma_wait3A_340] : memref<64x1000000xf32, #tpu.memory_space<hbm>> -> memref<64x128xf32, #tpu.memory_space<hbm>>
      %dma_wait3A_342 = arith.constant 0 : i32
      %dma_wait3A_343 = arith.constant 0 : i32
      %dma_wait3A_344 = tpu.memref_slice %arg10[%dma_wait3A_334, %dma_wait3A_342, %dma_wait3A_343] : memref<4x64x128xf32, #tpu.memory_space<vmem>> -> memref<1x64x128xf32, #tpu.memory_space<vmem>>
      %dma_wait3A_345 = tpu.memref_squeeze %dma_wait3A_344 : memref<1x64x128xf32, #tpu.memory_space<vmem>> -> memref<64x128xf32, #tpu.memory_space<vmem>>
      %dma_wait3A_346 = arith.constant 0 : i32
      %dma_wait3A_347 = arith.constant 0 : i32
      %dma_wait3A_348 = tpu.memref_slice %arg4[%dma_wait3A_346, %dma_wait3A_347] : memref<64x1000000xf32, #tpu.memory_space<hbm>> -> memref<64x128xf32, #tpu.memory_space<hbm>>
      tpu.wait_dma2 semaphore(%arg14 : memref<!tpu.dma_semaphore, #tpu.memory_space<semaphore_mem>>) src(%dma_wait3A_348 : memref<64x128xf32, #tpu.memory_space<hbm>>) dst(%dma_wait3A_345 : memref<64x128xf32, #tpu.memory_space<vmem>>)
      %dma_wait3A_349 = arith.constant 1 : i32
      %dma_wait3A_350 = arith.constant 0 : i32
      %dma_wait3A_351 = arith.constant 0 : i32
      %dma_wait3A_352 = tpu.memref_slice %arg11[%dma_wait3A_349, %dma_wait3A_350, %dma_wait3A_351] : memref<4x64x128xf32, #tpu.memory_space<vmem>> -> memref<1x64x128xf32, #tpu.memory_space<vmem>>
      %dma_wait3A_353 = tpu.memref_squeeze %dma_wait3A_352 : memref<1x64x128xf32, #tpu.memory_space<vmem>> -> memref<64x128xf32, #tpu.memory_space<vmem>>
      %dma_wait3A_354 = arith.constant 0 : i32
      %dma_wait3A_355 = arith.constant 0 : i32
      %dma_wait3A_356 = tpu.memref_slice %arg5[%dma_wait3A_354, %dma_wait3A_355] : memref<64x1000000xf32, #tpu.memory_space<hbm>> -> memref<64x128xf32, #tpu.memory_space<hbm>>
      %dma_wait3A_357 = arith.constant 0 : i32
      %dma_wait3A_358 = arith.constant 0 : i32
      %dma_wait3A_359 = tpu.memref_slice %arg11[%dma_wait3A_349, %dma_wait3A_357, %dma_wait3A_358] : memref<4x64x128xf32, #tpu.memory_space<vmem>> -> memref<1x64x128xf32, #tpu.memory_space<vmem>>
      %dma_wait3A_360 = tpu.memref_squeeze %dma_wait3A_359 : memref<1x64x128xf32, #tpu.memory_space<vmem>> -> memref<64x128xf32, #tpu.memory_space<vmem>>
      %dma_wait3A_361 = arith.constant 0 : i32
      %dma_wait3A_362 = arith.constant 0 : i32
      %dma_wait3A_363 = tpu.memref_slice %arg5[%dma_wait3A_361, %dma_wait3A_362] : memref<64x1000000xf32, #tpu.memory_space<hbm>> -> memref<64x128xf32, #tpu.memory_space<hbm>>
      tpu.wait_dma2 semaphore(%arg15 : memref<!tpu.dma_semaphore, #tpu.memory_space<semaphore_mem>>) src(%dma_wait3A_363 : memref<64x128xf32, #tpu.memory_space<hbm>>) dst(%dma_wait3A_360 : memref<64x128xf32, #tpu.memory_space<vmem>>)
      %slice3A_364 = vector.extract_strided_slice %get3A_125 {offsets = [1], sizes = [1], strides = [1]} : vector<16xi32> to vector<1xi32>
      %squeeze3A_365 = vector.extract %slice3A_364[0] : i32 from vector<1xi32>
      %and3A_366 = arith.constant 127 : i32
      %and3A_367 = arith.andi %squeeze3A_365, %and3A_366 : i32
      %broadcast_in_dim3A_368 = vector.broadcast %and3A_367 : i32 to vector<16xi32>
      %slice3A_369 = vector.extract_strided_slice %get3A_129 {offsets = [1], sizes = [1], strides = [1]} : vector<16xi32> to vector<1xi32>
      %squeeze3A_370 = vector.extract %slice3A_369[0] : i32 from vector<1xi32>
      %and3A_371 = arith.constant 127 : i32
      %and3A_372 = arith.andi %squeeze3A_370, %and3A_371 : i32
      %broadcast_in_dim3A_373 = vector.broadcast %and3A_372 : i32 to vector<16xi32>
      %broadcast_in_dim3A_374 = arith.constant 0.000000e+00 : f32
      %broadcast_in_dim3A_375 = vector.broadcast %broadcast_in_dim3A_374 : f32 to vector<16xf32>
      %add3A_376 = arith.constant 0 : i32
      %add3A_377 = vector.broadcast %add3A_376 : i32 to vector<16xi32>
      %add3A_378 = arith.addi %add3A_377, %iota3A : vector<16xi32>
      %gather3A_379 = arith.constant 1 : i32
      %gather3A_380 = arith.constant 0 : i32
      %gather3A_381 = arith.constant 0 : i32
      %gather3A_382 = tpu.memref_slice %arg10[%gather3A_379, %gather3A_380, %gather3A_381] : memref<4x64x128xf32, #tpu.memory_space<vmem>> -> memref<1x64x128xf32, #tpu.memory_space<vmem>>
      %gather3A_383 = tpu.memref_squeeze %gather3A_382 : memref<1x64x128xf32, #tpu.memory_space<vmem>> -> memref<64x128xf32, #tpu.memory_space<vmem>>
      %gather3A_384 = tpu.vector_load_idx %gather3A_383[%add3A_378, %broadcast_in_dim3A_368] : memref<64x128xf32, #tpu.memory_space<vmem>>[vector<16xi32>, vector<16xi32>], vector<16xf32>,
      %gather3A_385 = arith.constant 1 : i32
      %gather3A_386 = arith.constant 0 : i32
      %gather3A_387 = arith.constant 0 : i32
      %gather3A_388 = tpu.memref_slice %arg11[%gather3A_385, %gather3A_386, %gather3A_387] : memref<4x64x128xf32, #tpu.memory_space<vmem>> -> memref<1x64x128xf32, #tpu.memory_space<vmem>>
      %gather3A_389 = tpu.memref_squeeze %gather3A_388 : memref<1x64x128xf32, #tpu.memory_space<vmem>> -> memref<64x128xf32, #tpu.memory_space<vmem>>
      %gather3A_390 = tpu.vector_load_idx %gather3A_389[%add3A_378, %broadcast_in_dim3A_373] : memref<64x128xf32, #tpu.memory_space<vmem>>[vector<16xi32>, vector<16xi32>], vector<16xf32>,
      %mul3A_391 = arith.mulf %gather3A_384, %gather3A_390 : vector<16xf32>
      %add3A_392 = arith.addf %broadcast_in_dim3A_375, %mul3A_391 : vector<16xf32>
      %add3A_393 = arith.constant 16 : i32
      %add3A_394 = vector.broadcast %add3A_393 : i32 to vector<16xi32>
      %add3A_395 = arith.addi %add3A_394, %iota3A : vector<16xi32>
      %gather3A_396 = arith.constant 1 : i32
      %gather3A_397 = arith.constant 0 : i32
      %gather3A_398 = arith.constant 0 : i32
      %gather3A_399 = tpu.memref_slice %arg10[%gather3A_396, %gather3A_397, %gather3A_398] : memref<4x64x128xf32, #tpu.memory_space<vmem>> -> memref<1x64x128xf32, #tpu.memory_space<vmem>>
      %gather3A_400 = tpu.memref_squeeze %gather3A_399 : memref<1x64x128xf32, #tpu.memory_space<vmem>> -> memref<64x128xf32, #tpu.memory_space<vmem>>
      %gather3A_401 = tpu.vector_load_idx %gather3A_400[%add3A_395, %broadcast_in_dim3A_368] : memref<64x128xf32, #tpu.memory_space<vmem>>[vector<16xi32>, vector<16xi32>], vector<16xf32>,
      %gather3A_402 = arith.constant 1 : i32
      %gather3A_403 = arith.constant 0 : i32
      %gather3A_404 = arith.constant 0 : i32
      %gather3A_405 = tpu.memref_slice %arg11[%gather3A_402, %gather3A_403, %gather3A_404] : memref<4x64x128xf32, #tpu.memory_space<vmem>> -> memref<1x64x128xf32, #tpu.memory_space<vmem>>
      %gather3A_406 = tpu.memref_squeeze %gather3A_405 : memref<1x64x128xf32, #tpu.memory_space<vmem>> -> memref<64x128xf32, #tpu.memory_space<vmem>>
      %gather3A_407 = tpu.vector_load_idx %gather3A_406[%add3A_395, %broadcast_in_dim3A_373] : memref<64x128xf32, #tpu.memory_space<vmem>>[vector<16xi32>, vector<16xi32>], vector<16xf32>,
      %mul3A_408 = arith.mulf %gather3A_401, %gather3A_407 : vector<16xf32>
      %add3A_409 = arith.addf %add3A_392, %mul3A_408 : vector<16xf32>
      %add3A_410 = arith.constant 32 : i32
      %add3A_411 = vector.broadcast %add3A_410 : i32 to vector<16xi32>
      %add3A_412 = arith.addi %add3A_411, %iota3A : vector<16xi32>
      %gather3A_413 = arith.constant 1 : i32
      %gather3A_414 = arith.constant 0 : i32
      %gather3A_415 = arith.constant 0 : i32
      %gather3A_416 = tpu.memref_slice %arg10[%gather3A_413, %gather3A_414, %gather3A_415] : memref<4x64x128xf32, #tpu.memory_space<vmem>> -> memref<1x64x128xf32, #tpu.memory_space<vmem>>
      %gather3A_417 = tpu.memref_squeeze %gather3A_416 : memref<1x64x128xf32, #tpu.memory_space<vmem>> -> memref<64x128xf32, #tpu.memory_space<vmem>>
      %gather3A_418 = tpu.vector_load_idx %gather3A_417[%add3A_412, %broadcast_in_dim3A_368] : memref<64x128xf32, #tpu.memory_space<vmem>>[vector<16xi32>, vector<16xi32>], vector<16xf32>,
      %gather3A_419 = arith.constant 1 : i32
      %gather3A_420 = arith.constant 0 : i32
      %gather3A_421 = arith.constant 0 : i32
      %gather3A_422 = tpu.memref_slice %arg11[%gather3A_419, %gather3A_420, %gather3A_421] : memref<4x64x128xf32, #tpu.memory_space<vmem>> -> memref<1x64x128xf32, #tpu.memory_space<vmem>>
      %gather3A_423 = tpu.memref_squeeze %gather3A_422 : memref<1x64x128xf32, #tpu.memory_space<vmem>> -> memref<64x128xf32, #tpu.memory_space<vmem>>
      %gather3A_424 = tpu.vector_load_idx %gather3A_423[%add3A_412, %broadcast_in_dim3A_373] : memref<64x128xf32, #tpu.memory_space<vmem>>[vector<16xi32>, vector<16xi32>], vector<16xf32>,
      %mul3A_425 = arith.mulf %gather3A_418, %gather3A_424 : vector<16xf32>
      %add3A_426 = arith.addf %add3A_409, %mul3A_425 : vector<16xf32>
      %add3A_427 = arith.constant 48 : i32
      %add3A_428 = vector.broadcast %add3A_427 : i32 to vector<16xi32>
      %add3A_429 = arith.addi %add3A_428, %iota3A : vector<16xi32>
      %gather3A_430 = arith.constant 1 : i32
      %gather3A_431 = arith.constant 0 : i32
      %gather3A_432 = arith.constant 0 : i32
      %gather3A_433 = tpu.memref_slice %arg10[%gather3A_430, %gather3A_431, %gather3A_432] : memref<4x64x128xf32, #tpu.memory_space<vmem>> -> memref<1x64x128xf32, #tpu.memory_space<vmem>>
      %gather3A_434 = tpu.memref_squeeze %gather3A_433 : memref<1x64x128xf32, #tpu.memory_space<vmem>> -> memref<64x128xf32, #tpu.memory_space<vmem>>
      %gather3A_435 = tpu.vector_load_idx %gather3A_434[%add3A_429, %broadcast_in_dim3A_368] : memref<64x128xf32, #tpu.memory_space<vmem>>[vector<16xi32>, vector<16xi32>], vector<16xf32>,
      %gather3A_436 = arith.constant 1 : i32
      %gather3A_437 = arith.constant 0 : i32
      %gather3A_438 = arith.constant 0 : i32
      %gather3A_439 = tpu.memref_slice %arg11[%gather3A_436, %gather3A_437, %gather3A_438] : memref<4x64x128xf32, #tpu.memory_space<vmem>> -> memref<1x64x128xf32, #tpu.memory_space<vmem>>
      %gather3A_440 = tpu.memref_squeeze %gather3A_439 : memref<1x64x128xf32, #tpu.memory_space<vmem>> -> memref<64x128xf32, #tpu.memory_space<vmem>>
      %gather3A_441 = tpu.vector_load_idx %gather3A_440[%add3A_429, %broadcast_in_dim3A_373] : memref<64x128xf32, #tpu.memory_space<vmem>>[vector<16xi32>, vector<16xi32>], vector<16xf32>,
      %mul3A_442 = arith.mulf %gather3A_435, %gather3A_441 : vector<16xf32>
      %add3A_443 = arith.addf %add3A_426, %mul3A_442 : vector<16xf32>
      %reduce_sum3A_444 = arith.constant true
      %reduce_sum3A_445 = vector.broadcast %reduce_sum3A_444 : i1 to vector<16xi1>
      %reduce_sum3A_446 = tpu.scan <sum>, %add3A_443 masked %reduce_sum3A_445 : vector<16xf32>, vector<16xi1> -> vector<16xf32>
      %reduce_sum3A_447 = vector.extract %reduce_sum3A_446[15] : f32 from vector<16xf32>
      %eq3A_448 = arith.constant 1 : i32
      %eq3A_449 = vector.broadcast %eq3A_448 : i32 to vector<16xi32>
      %eq3A_450 = arith.cmpi eq, %iota3A, %eq3A_449 : vector<16xi32>
      %add3A_451 = vector.broadcast %reduce_sum3A_447 : f32 to vector<16xf32>
      %add3A_452 = arith.addf %select_n3A, %add3A_451 : vector<16xf32>
      %select_n3A_453 = arith.select %eq3A_450, %add3A_452, %select_n3A : vector<16xi1>, vector<16xf32>
      %slice3A_454 = vector.extract_strided_slice %get3A_125 {offsets = [5], sizes = [1], strides = [1]} : vector<16xi32> to vector<1xi32>
      %squeeze3A_455 = vector.extract %slice3A_454[0] : i32 from vector<1xi32>
      %slice3A_456 = vector.extract_strided_slice %get3A_129 {offsets = [5], sizes = [1], strides = [1]} : vector<16xi32> to vector<1xi32>
      %squeeze3A_457 = vector.extract %slice3A_456[0] : i32 from vector<1xi32>
      %shift_right_logical3A_458 = arith.constant 7 : i32
      %shift_right_logical3A_459 = arith.shrui %squeeze3A_455, %shift_right_logical3A_458 : i32
      %mul3A_460 = arith.constant 128 : i32
      %mul3A_461 = arith.muli %shift_right_logical3A_459, %mul3A_460 : i32
      %shift_right_logical3A_462 = arith.constant 7 : i32
      %shift_right_logical3A_463 = arith.shrui %squeeze3A_457, %shift_right_logical3A_462 : i32
      %mul3A_464 = arith.constant 128 : i32
      %mul3A_465 = arith.muli %shift_right_logical3A_463, %mul3A_464 : i32
      %dma_start3A_466 = arith.constant 1 : i32
      %dma_start3A_467 = arith.constant 0 : i32
      %dma_start3A_468 = arith.constant 0 : i32
      %dma_start3A_469 = tpu.memref_slice %arg10[%dma_start3A_466, %dma_start3A_467, %dma_start3A_468] : memref<4x64x128xf32, #tpu.memory_space<vmem>> -> memref<1x64x128xf32, #tpu.memory_space<vmem>>
      %dma_start3A_470 = tpu.memref_squeeze %dma_start3A_469 : memref<1x64x128xf32, #tpu.memory_space<vmem>> -> memref<64x128xf32, #tpu.memory_space<vmem>>
      %dma_start3A_471 = arith.constant 0 : i32
      %dma_start3A_472 = tpu.memref_slice %arg4[%dma_start3A_471, %mul3A_461] : memref<64x1000000xf32, #tpu.memory_space<hbm>> -> memref<64x128xf32, #tpu.memory_space<hbm>>
      %dma_start3A_473 = arith.constant 0 : i32
      %dma_start3A_474 = arith.constant 0 : i32
      %dma_start3A_475 = tpu.memref_slice %arg10[%dma_start3A_466, %dma_start3A_473, %dma_start3A_474] : memref<4x64x128xf32, #tpu.memory_space<vmem>> -> memref<1x64x128xf32, #tpu.memory_space<vmem>>
      %dma_start3A_476 = tpu.memref_squeeze %dma_start3A_475 : memref<1x64x128xf32, #tpu.memory_space<vmem>> -> memref<64x128xf32, #tpu.memory_space<vmem>>
      %dma_start3A_477 = arith.constant 0 : i32
      %dma_start3A_478 = tpu.memref_slice %arg4[%dma_start3A_477, %mul3A_461] : memref<64x1000000xf32, #tpu.memory_space<hbm>> -> memref<64x128xf32, #tpu.memory_space<hbm>>
      tpu.enqueue_dma source(%dma_start3A_478 : memref<64x128xf32, #tpu.memory_space<hbm>>) target(%dma_start3A_476 : memref<64x128xf32, #tpu.memory_space<vmem>>) target_semaphore(%arg14 : memref<!tpu.dma_semaphore, #tpu.memory_space<semaphore_mem>>)
      %dma_start3A_479 = arith.constant 1 : i32
      %dma_start3A_480 = arith.constant 0 : i32
      %dma_start3A_481 = arith.constant 0 : i32
      %dma_start3A_482 = tpu.memref_slice %arg11[%dma_start3A_479, %dma_start3A_480, %dma_start3A_481] : memref<4x64x128xf32, #tpu.memory_space<vmem>> -> memref<1x64x128xf32, #tpu.memory_space<vmem>>
      %dma_start3A_483 = tpu.memref_squeeze %dma_start3A_482 : memref<1x64x128xf32, #tpu.memory_space<vmem>> -> memref<64x128xf32, #tpu.memory_space<vmem>>
      %dma_start3A_484 = arith.constant 0 : i32
      %dma_start3A_485 = tpu.memref_slice %arg5[%dma_start3A_484, %mul3A_465] : memref<64x1000000xf32, #tpu.memory_space<hbm>> -> memref<64x128xf32, #tpu.memory_space<hbm>>
      %dma_start3A_486 = arith.constant 0 : i32
      %dma_start3A_487 = arith.constant 0 : i32
      %dma_start3A_488 = tpu.memref_slice %arg11[%dma_start3A_479, %dma_start3A_486, %dma_start3A_487] : memref<4x64x128xf32, #tpu.memory_space<vmem>> -> memref<1x64x128xf32, #tpu.memory_space<vmem>>
      %dma_start3A_489 = tpu.memref_squeeze %dma_start3A_488 : memref<1x64x128xf32, #tpu.memory_space<vmem>> -> memref<64x128xf32, #tpu.memory_space<vmem>>
      %dma_start3A_490 = arith.constant 0 : i32
      %dma_start3A_491 = tpu.memref_slice %arg5[%dma_start3A_490, %mul3A_465] : memref<64x1000000xf32, #tpu.memory_space<hbm>> -> memref<64x128xf32, #tpu.memory_space<hbm>>
      tpu.enqueue_dma source(%dma_start3A_491 : memref<64x128xf32, #tpu.memory_space<hbm>>) target(%dma_start3A_489 : memref<64x128xf32, #tpu.memory_space<vmem>>) target_semaphore(%arg15 : memref<!tpu.dma_semaphore, #tpu.memory_space<semaphore_mem>>)
      %dma_wait3A_492 = arith.constant 2 : i32
      %dma_wait3A_493 = arith.constant 0 : i32
      %dma_wait3A_494 = arith.constant 0 : i32
      %dma_wait3A_495 = tpu.memref_slice %arg10[%dma_wait3A_492, %dma_wait3A_493, %dma_wait3A_494] : memref<4x64x128xf32, #tpu.memory_space<vmem>> -> memref<1x64x128xf32, #tpu.memory_space<vmem>>
      %dma_wait3A_496 = tpu.memref_squeeze %dma_wait3A_495 : memref<1x64x128xf32, #tpu.memory_space<vmem>> -> memref<64x128xf32, #tpu.memory_space<vmem>>
      %dma_wait3A_497 = arith.constant 0 : i32
      %dma_wait3A_498 = arith.constant 0 : i32
      %dma_wait3A_499 = tpu.memref_slice %arg4[%dma_wait3A_497, %dma_wait3A_498] : memref<64x1000000xf32, #tpu.memory_space<hbm>> -> memref<64x128xf32, #tpu.memory_space<hbm>>
      %dma_wait3A_500 = arith.constant 0 : i32
      %dma_wait3A_501 = arith.constant 0 : i32
      %dma_wait3A_502 = tpu.memref_slice %arg10[%dma_wait3A_492, %dma_wait3A_500, %dma_wait3A_501] : memref<4x64x128xf32, #tpu.memory_space<vmem>> -> memref<1x64x128xf32, #tpu.memory_space<vmem>>
      %dma_wait3A_503 = tpu.memref_squeeze %dma_wait3A_502 : memref<1x64x128xf32, #tpu.memory_space<vmem>> -> memref<64x128xf32, #tpu.memory_space<vmem>>
      %dma_wait3A_504 = arith.constant 0 : i32
      %dma_wait3A_505 = arith.constant 0 : i32
      %dma_wait3A_506 = tpu.memref_slice %arg4[%dma_wait3A_504, %dma_wait3A_505] : memref<64x1000000xf32, #tpu.memory_space<hbm>> -> memref<64x128xf32, #tpu.memory_space<hbm>>
      tpu.wait_dma2 semaphore(%arg14 : memref<!tpu.dma_semaphore, #tpu.memory_space<semaphore_mem>>) src(%dma_wait3A_506 : memref<64x128xf32, #tpu.memory_space<hbm>>) dst(%dma_wait3A_503 : memref<64x128xf32, #tpu.memory_space<vmem>>)
      %dma_wait3A_507 = arith.constant 2 : i32
      %dma_wait3A_508 = arith.constant 0 : i32
      %dma_wait3A_509 = arith.constant 0 : i32
      %dma_wait3A_510 = tpu.memref_slice %arg11[%dma_wait3A_507, %dma_wait3A_508, %dma_wait3A_509] : memref<4x64x128xf32, #tpu.memory_space<vmem>> -> memref<1x64x128xf32, #tpu.memory_space<vmem>>
      %dma_wait3A_511 = tpu.memref_squeeze %dma_wait3A_510 : memref<1x64x128xf32, #tpu.memory_space<vmem>> -> memref<64x128xf32, #tpu.memory_space<vmem>>
      %dma_wait3A_512 = arith.constant 0 : i32
      %dma_wait3A_513 = arith.constant 0 : i32
      %dma_wait3A_514 = tpu.memref_slice %arg5[%dma_wait3A_512, %dma_wait3A_513] : memref<64x1000000xf32, #tpu.memory_space<hbm>> -> memref<64x128xf32, #tpu.memory_space<hbm>>
      %dma_wait3A_515 = arith.constant 0 : i32
      %dma_wait3A_516 = arith.constant 0 : i32
      %dma_wait3A_517 = tpu.memref_slice %arg11[%dma_wait3A_507, %dma_wait3A_515, %dma_wait3A_516] : memref<4x64x128xf32, #tpu.memory_space<vmem>> -> memref<1x64x128xf32, #tpu.memory_space<vmem>>
      %dma_wait3A_518 = tpu.memref_squeeze %dma_wait3A_517 : memref<1x64x128xf32, #tpu.memory_space<vmem>> -> memref<64x128xf32, #tpu.memory_space<vmem>>
      %dma_wait3A_519 = arith.constant 0 : i32
      %dma_wait3A_520 = arith.constant 0 : i32
      %dma_wait3A_521 = tpu.memref_slice %arg5[%dma_wait3A_519, %dma_wait3A_520] : memref<64x1000000xf32, #tpu.memory_space<hbm>> -> memref<64x128xf32, #tpu.memory_space<hbm>>
      tpu.wait_dma2 semaphore(%arg15 : memref<!tpu.dma_semaphore, #tpu.memory_space<semaphore_mem>>) src(%dma_wait3A_521 : memref<64x128xf32, #tpu.memory_space<hbm>>) dst(%dma_wait3A_518 : memref<64x128xf32, #tpu.memory_space<vmem>>)
      %slice3A_522 = vector.extract_strided_slice %get3A_125 {offsets = [2], sizes = [1], strides = [1]} : vector<16xi32> to vector<1xi32>
      %squeeze3A_523 = vector.extract %slice3A_522[0] : i32 from vector<1xi32>
      %and3A_524 = arith.constant 127 : i32
      %and3A_525 = arith.andi %squeeze3A_523, %and3A_524 : i32
      %broadcast_in_dim3A_526 = vector.broadcast %and3A_525 : i32 to vector<16xi32>
      %slice3A_527 = vector.extract_strided_slice %get3A_129 {offsets = [2], sizes = [1], strides = [1]} : vector<16xi32> to vector<1xi32>
      %squeeze3A_528 = vector.extract %slice3A_527[0] : i32 from vector<1xi32>
      %and3A_529 = arith.constant 127 : i32
      %and3A_530 = arith.andi %squeeze3A_528, %and3A_529 : i32
      %broadcast_in_dim3A_531 = vector.broadcast %and3A_530 : i32 to vector<16xi32>
      %broadcast_in_dim3A_532 = arith.constant 0.000000e+00 : f32
      %broadcast_in_dim3A_533 = vector.broadcast %broadcast_in_dim3A_532 : f32 to vector<16xf32>
      %add3A_534 = arith.constant 0 : i32
      %add3A_535 = vector.broadcast %add3A_534 : i32 to vector<16xi32>
      %add3A_536 = arith.addi %add3A_535, %iota3A : vector<16xi32>
      %gather3A_537 = arith.constant 2 : i32
      %gather3A_538 = arith.constant 0 : i32
      %gather3A_539 = arith.constant 0 : i32
      %gather3A_540 = tpu.memref_slice %arg10[%gather3A_537, %gather3A_538, %gather3A_539] : memref<4x64x128xf32, #tpu.memory_space<vmem>> -> memref<1x64x128xf32, #tpu.memory_space<vmem>>
      %gather3A_541 = tpu.memref_squeeze %gather3A_540 : memref<1x64x128xf32, #tpu.memory_space<vmem>> -> memref<64x128xf32, #tpu.memory_space<vmem>>
      %gather3A_542 = tpu.vector_load_idx %gather3A_541[%add3A_536, %broadcast_in_dim3A_526] : memref<64x128xf32, #tpu.memory_space<vmem>>[vector<16xi32>, vector<16xi32>], vector<16xf32>,
      %gather3A_543 = arith.constant 2 : i32
      %gather3A_544 = arith.constant 0 : i32
      %gather3A_545 = arith.constant 0 : i32
      %gather3A_546 = tpu.memref_slice %arg11[%gather3A_543, %gather3A_544, %gather3A_545] : memref<4x64x128xf32, #tpu.memory_space<vmem>> -> memref<1x64x128xf32, #tpu.memory_space<vmem>>
      %gather3A_547 = tpu.memref_squeeze %gather3A_546 : memref<1x64x128xf32, #tpu.memory_space<vmem>> -> memref<64x128xf32, #tpu.memory_space<vmem>>
      %gather3A_548 = tpu.vector_load_idx %gather3A_547[%add3A_536, %broadcast_in_dim3A_531] : memref<64x128xf32, #tpu.memory_space<vmem>>[vector<16xi32>, vector<16xi32>], vector<16xf32>,
      %mul3A_549 = arith.mulf %gather3A_542, %gather3A_548 : vector<16xf32>
      %add3A_550 = arith.addf %broadcast_in_dim3A_533, %mul3A_549 : vector<16xf32>
      %add3A_551 = arith.constant 16 : i32
      %add3A_552 = vector.broadcast %add3A_551 : i32 to vector<16xi32>
      %add3A_553 = arith.addi %add3A_552, %iota3A : vector<16xi32>
      %gather3A_554 = arith.constant 2 : i32
      %gather3A_555 = arith.constant 0 : i32
      %gather3A_556 = arith.constant 0 : i32
      %gather3A_557 = tpu.memref_slice %arg10[%gather3A_554, %gather3A_555, %gather3A_556] : memref<4x64x128xf32, #tpu.memory_space<vmem>> -> memref<1x64x128xf32, #tpu.memory_space<vmem>>
      %gather3A_558 = tpu.memref_squeeze %gather3A_557 : memref<1x64x128xf32, #tpu.memory_space<vmem>> -> memref<64x128xf32, #tpu.memory_space<vmem>>
      %gather3A_559 = tpu.vector_load_idx %gather3A_558[%add3A_553, %broadcast_in_dim3A_526] : memref<64x128xf32, #tpu.memory_space<vmem>>[vector<16xi32>, vector<16xi32>], vector<16xf32>,
      %gather3A_560 = arith.constant 2 : i32
      %gather3A_561 = arith.constant 0 : i32
      %gather3A_562 = arith.constant 0 : i32
      %gather3A_563 = tpu.memref_slice %arg11[%gather3A_560, %gather3A_561, %gather3A_562] : memref<4x64x128xf32, #tpu.memory_space<vmem>> -> memref<1x64x128xf32, #tpu.memory_space<vmem>>
      %gather3A_564 = tpu.memref_squeeze %gather3A_563 : memref<1x64x128xf32, #tpu.memory_space<vmem>> -> memref<64x128xf32, #tpu.memory_space<vmem>>
      %gather3A_565 = tpu.vector_load_idx %gather3A_564[%add3A_553, %broadcast_in_dim3A_531] : memref<64x128xf32, #tpu.memory_space<vmem>>[vector<16xi32>, vector<16xi32>], vector<16xf32>,
      %mul3A_566 = arith.mulf %gather3A_559, %gather3A_565 : vector<16xf32>
      %add3A_567 = arith.addf %add3A_550, %mul3A_566 : vector<16xf32>
      %add3A_568 = arith.constant 32 : i32
      %add3A_569 = vector.broadcast %add3A_568 : i32 to vector<16xi32>
      %add3A_570 = arith.addi %add3A_569, %iota3A : vector<16xi32>
      %gather3A_571 = arith.constant 2 : i32
      %gather3A_572 = arith.constant 0 : i32
      %gather3A_573 = arith.constant 0 : i32
      %gather3A_574 = tpu.memref_slice %arg10[%gather3A_571, %gather3A_572, %gather3A_573] : memref<4x64x128xf32, #tpu.memory_space<vmem>> -> memref<1x64x128xf32, #tpu.memory_space<vmem>>
      %gather3A_575 = tpu.memref_squeeze %gather3A_574 : memref<1x64x128xf32, #tpu.memory_space<vmem>> -> memref<64x128xf32, #tpu.memory_space<vmem>>
      %gather3A_576 = tpu.vector_load_idx %gather3A_575[%add3A_570, %broadcast_in_dim3A_526] : memref<64x128xf32, #tpu.memory_space<vmem>>[vector<16xi32>, vector<16xi32>], vector<16xf32>,
      %gather3A_577 = arith.constant 2 : i32
      %gather3A_578 = arith.constant 0 : i32
      %gather3A_579 = arith.constant 0 : i32
      %gather3A_580 = tpu.memref_slice %arg11[%gather3A_577, %gather3A_578, %gather3A_579] : memref<4x64x128xf32, #tpu.memory_space<vmem>> -> memref<1x64x128xf32, #tpu.memory_space<vmem>>
      %gather3A_581 = tpu.memref_squeeze %gather3A_580 : memref<1x64x128xf32, #tpu.memory_space<vmem>> -> memref<64x128xf32, #tpu.memory_space<vmem>>
      %gather3A_582 = tpu.vector_load_idx %gather3A_581[%add3A_570, %broadcast_in_dim3A_531] : memref<64x128xf32, #tpu.memory_space<vmem>>[vector<16xi32>, vector<16xi32>], vector<16xf32>,
      %mul3A_583 = arith.mulf %gather3A_576, %gather3A_582 : vector<16xf32>
      %add3A_584 = arith.addf %add3A_567, %mul3A_583 : vector<16xf32>
      %add3A_585 = arith.constant 48 : i32
      %add3A_586 = vector.broadcast %add3A_585 : i32 to vector<16xi32>
      %add3A_587 = arith.addi %add3A_586, %iota3A : vector<16xi32>
      %gather3A_588 = arith.constant 2 : i32
      %gather3A_589 = arith.constant 0 : i32
      %gather3A_590 = arith.constant 0 : i32
      %gather3A_591 = tpu.memref_slice %arg10[%gather3A_588, %gather3A_589, %gather3A_590] : memref<4x64x128xf32, #tpu.memory_space<vmem>> -> memref<1x64x128xf32, #tpu.memory_space<vmem>>
      %gather3A_592 = tpu.memref_squeeze %gather3A_591 : memref<1x64x128xf32, #tpu.memory_space<vmem>> -> memref<64x128xf32, #tpu.memory_space<vmem>>
      %gather3A_593 = tpu.vector_load_idx %gather3A_592[%add3A_587, %broadcast_in_dim3A_526] : memref<64x128xf32, #tpu.memory_space<vmem>>[vector<16xi32>, vector<16xi32>], vector<16xf32>,
      %gather3A_594 = arith.constant 2 : i32
      %gather3A_595 = arith.constant 0 : i32
      %gather3A_596 = arith.constant 0 : i32
      %gather3A_597 = tpu.memref_slice %arg11[%gather3A_594, %gather3A_595, %gather3A_596] : memref<4x64x128xf32, #tpu.memory_space<vmem>> -> memref<1x64x128xf32, #tpu.memory_space<vmem>>
      %gather3A_598 = tpu.memref_squeeze %gather3A_597 : memref<1x64x128xf32, #tpu.memory_space<vmem>> -> memref<64x128xf32, #tpu.memory_space<vmem>>
      %gather3A_599 = tpu.vector_load_idx %gather3A_598[%add3A_587, %broadcast_in_dim3A_531] : memref<64x128xf32, #tpu.memory_space<vmem>>[vector<16xi32>, vector<16xi32>], vector<16xf32>,
      %mul3A_600 = arith.mulf %gather3A_593, %gather3A_599 : vector<16xf32>
      %add3A_601 = arith.addf %add3A_584, %mul3A_600 : vector<16xf32>
      %reduce_sum3A_602 = arith.constant true
      %reduce_sum3A_603 = vector.broadcast %reduce_sum3A_602 : i1 to vector<16xi1>
      %reduce_sum3A_604 = tpu.scan <sum>, %add3A_601 masked %reduce_sum3A_603 : vector<16xf32>, vector<16xi1> -> vector<16xf32>
      %reduce_sum3A_605 = vector.extract %reduce_sum3A_604[15] : f32 from vector<16xf32>
      %eq3A_606 = arith.constant 2 : i32
      %eq3A_607 = vector.broadcast %eq3A_606 : i32 to vector<16xi32>
      %eq3A_608 = arith.cmpi eq, %iota3A, %eq3A_607 : vector<16xi32>
      %add3A_609 = vector.broadcast %reduce_sum3A_605 : f32 to vector<16xf32>
      %add3A_610 = arith.addf %select_n3A_453, %add3A_609 : vector<16xf32>
      %select_n3A_611 = arith.select %eq3A_608, %add3A_610, %select_n3A_453 : vector<16xi1>, vector<16xf32>
      %slice3A_612 = vector.extract_strided_slice %get3A_125 {offsets = [6], sizes = [1], strides = [1]} : vector<16xi32> to vector<1xi32>
      %squeeze3A_613 = vector.extract %slice3A_612[0] : i32 from vector<1xi32>
      %slice3A_614 = vector.extract_strided_slice %get3A_129 {offsets = [6], sizes = [1], strides = [1]} : vector<16xi32> to vector<1xi32>
      %squeeze3A_615 = vector.extract %slice3A_614[0] : i32 from vector<1xi32>
      %shift_right_logical3A_616 = arith.constant 7 : i32
      %shift_right_logical3A_617 = arith.shrui %squeeze3A_613, %shift_right_logical3A_616 : i32
      %mul3A_618 = arith.constant 128 : i32
      %mul3A_619 = arith.muli %shift_right_logical3A_617, %mul3A_618 : i32
      %shift_right_logical3A_620 = arith.constant 7 : i32
      %shift_right_logical3A_621 = arith.shrui %squeeze3A_615, %shift_right_logical3A_620 : i32
      %mul3A_622 = arith.constant 128 : i32
      %mul3A_623 = arith.muli %shift_right_logical3A_621, %mul3A_622 : i32
      %dma_start3A_624 = arith.constant 2 : i32
      %dma_start3A_625 = arith.constant 0 : i32
      %dma_start3A_626 = arith.constant 0 : i32
      %dma_start3A_627 = tpu.memref_slice %arg10[%dma_start3A_624, %dma_start3A_625, %dma_start3A_626] : memref<4x64x128xf32, #tpu.memory_space<vmem>> -> memref<1x64x128xf32, #tpu.memory_space<vmem>>
      %dma_start3A_628 = tpu.memref_squeeze %dma_start3A_627 : memref<1x64x128xf32, #tpu.memory_space<vmem>> -> memref<64x128xf32, #tpu.memory_space<vmem>>
      %dma_start3A_629 = arith.constant 0 : i32
      %dma_start3A_630 = tpu.memref_slice %arg4[%dma_start3A_629, %mul3A_619] : memref<64x1000000xf32, #tpu.memory_space<hbm>> -> memref<64x128xf32, #tpu.memory_space<hbm>>
      %dma_start3A_631 = arith.constant 0 : i32
      %dma_start3A_632 = arith.constant 0 : i32
      %dma_start3A_633 = tpu.memref_slice %arg10[%dma_start3A_624, %dma_start3A_631, %dma_start3A_632] : memref<4x64x128xf32, #tpu.memory_space<vmem>> -> memref<1x64x128xf32, #tpu.memory_space<vmem>>
      %dma_start3A_634 = tpu.memref_squeeze %dma_start3A_633 : memref<1x64x128xf32, #tpu.memory_space<vmem>> -> memref<64x128xf32, #tpu.memory_space<vmem>>
      %dma_start3A_635 = arith.constant 0 : i32
      %dma_start3A_636 = tpu.memref_slice %arg4[%dma_start3A_635, %mul3A_619] : memref<64x1000000xf32, #tpu.memory_space<hbm>> -> memref<64x128xf32, #tpu.memory_space<hbm>>
      tpu.enqueue_dma source(%dma_start3A_636 : memref<64x128xf32, #tpu.memory_space<hbm>>) target(%dma_start3A_634 : memref<64x128xf32, #tpu.memory_space<vmem>>) target_semaphore(%arg14 : memref<!tpu.dma_semaphore, #tpu.memory_space<semaphore_mem>>)
      %dma_start3A_637 = arith.constant 2 : i32
      %dma_start3A_638 = arith.constant 0 : i32
      %dma_start3A_639 = arith.constant 0 : i32
      %dma_start3A_640 = tpu.memref_slice %arg11[%dma_start3A_637, %dma_start3A_638, %dma_start3A_639] : memref<4x64x128xf32, #tpu.memory_space<vmem>> -> memref<1x64x128xf32, #tpu.memory_space<vmem>>
      %dma_start3A_641 = tpu.memref_squeeze %dma_start3A_640 : memref<1x64x128xf32, #tpu.memory_space<vmem>> -> memref<64x128xf32, #tpu.memory_space<vmem>>
      %dma_start3A_642 = arith.constant 0 : i32
      %dma_start3A_643 = tpu.memref_slice %arg5[%dma_start3A_642, %mul3A_623] : memref<64x1000000xf32, #tpu.memory_space<hbm>> -> memref<64x128xf32, #tpu.memory_space<hbm>>
      %dma_start3A_644 = arith.constant 0 : i32
      %dma_start3A_645 = arith.constant 0 : i32
      %dma_start3A_646 = tpu.memref_slice %arg11[%dma_start3A_637, %dma_start3A_644, %dma_start3A_645] : memref<4x64x128xf32, #tpu.memory_space<vmem>> -> memref<1x64x128xf32, #tpu.memory_space<vmem>>
      %dma_start3A_647 = tpu.memref_squeeze %dma_start3A_646 : memref<1x64x128xf32, #tpu.memory_space<vmem>> -> memref<64x128xf32, #tpu.memory_space<vmem>>
      %dma_start3A_648 = arith.constant 0 : i32
      %dma_start3A_649 = tpu.memref_slice %arg5[%dma_start3A_648, %mul3A_623] : memref<64x1000000xf32, #tpu.memory_space<hbm>> -> memref<64x128xf32, #tpu.memory_space<hbm>>
      tpu.enqueue_dma source(%dma_start3A_649 : memref<64x128xf32, #tpu.memory_space<hbm>>) target(%dma_start3A_647 : memref<64x128xf32, #tpu.memory_space<vmem>>) target_semaphore(%arg15 : memref<!tpu.dma_semaphore, #tpu.memory_space<semaphore_mem>>)
      %dma_wait3A_650 = arith.constant 3 : i32
      %dma_wait3A_651 = arith.constant 0 : i32
      %dma_wait3A_652 = arith.constant 0 : i32
      %dma_wait3A_653 = tpu.memref_slice %arg10[%dma_wait3A_650, %dma_wait3A_651, %dma_wait3A_652] : memref<4x64x128xf32, #tpu.memory_space<vmem>> -> memref<1x64x128xf32, #tpu.memory_space<vmem>>
      %dma_wait3A_654 = tpu.memref_squeeze %dma_wait3A_653 : memref<1x64x128xf32, #tpu.memory_space<vmem>> -> memref<64x128xf32, #tpu.memory_space<vmem>>
      %dma_wait3A_655 = arith.constant 0 : i32
      %dma_wait3A_656 = arith.constant 0 : i32
      %dma_wait3A_657 = tpu.memref_slice %arg4[%dma_wait3A_655, %dma_wait3A_656] : memref<64x1000000xf32, #tpu.memory_space<hbm>> -> memref<64x128xf32, #tpu.memory_space<hbm>>
      %dma_wait3A_658 = arith.constant 0 : i32
      %dma_wait3A_659 = arith.constant 0 : i32
      %dma_wait3A_660 = tpu.memref_slice %arg10[%dma_wait3A_650, %dma_wait3A_658, %dma_wait3A_659] : memref<4x64x128xf32, #tpu.memory_space<vmem>> -> memref<1x64x128xf32, #tpu.memory_space<vmem>>
      %dma_wait3A_661 = tpu.memref_squeeze %dma_wait3A_660 : memref<1x64x128xf32, #tpu.memory_space<vmem>> -> memref<64x128xf32, #tpu.memory_space<vmem>>
      %dma_wait3A_662 = arith.constant 0 : i32
      %dma_wait3A_663 = arith.constant 0 : i32
      %dma_wait3A_664 = tpu.memref_slice %arg4[%dma_wait3A_662, %dma_wait3A_663] : memref<64x1000000xf32, #tpu.memory_space<hbm>> -> memref<64x128xf32, #tpu.memory_space<hbm>>
      tpu.wait_dma2 semaphore(%arg14 : memref<!tpu.dma_semaphore, #tpu.memory_space<semaphore_mem>>) src(%dma_wait3A_664 : memref<64x128xf32, #tpu.memory_space<hbm>>) dst(%dma_wait3A_661 : memref<64x128xf32, #tpu.memory_space<vmem>>)
      %dma_wait3A_665 = arith.constant 3 : i32
      %dma_wait3A_666 = arith.constant 0 : i32
      %dma_wait3A_667 = arith.constant 0 : i32
      %dma_wait3A_668 = tpu.memref_slice %arg11[%dma_wait3A_665, %dma_wait3A_666, %dma_wait3A_667] : memref<4x64x128xf32, #tpu.memory_space<vmem>> -> memref<1x64x128xf32, #tpu.memory_space<vmem>>
      %dma_wait3A_669 = tpu.memref_squeeze %dma_wait3A_668 : memref<1x64x128xf32, #tpu.memory_space<vmem>> -> memref<64x128xf32, #tpu.memory_space<vmem>>
      %dma_wait3A_670 = arith.constant 0 : i32
      %dma_wait3A_671 = arith.constant 0 : i32
      %dma_wait3A_672 = tpu.memref_slice %arg5[%dma_wait3A_670, %dma_wait3A_671] : memref<64x1000000xf32, #tpu.memory_space<hbm>> -> memref<64x128xf32, #tpu.memory_space<hbm>>
      %dma_wait3A_673 = arith.constant 0 : i32
      %dma_wait3A_674 = arith.constant 0 : i32
      %dma_wait3A_675 = tpu.memref_slice %arg11[%dma_wait3A_665, %dma_wait3A_673, %dma_wait3A_674] : memref<4x64x128xf32, #tpu.memory_space<vmem>> -> memref<1x64x128xf32, #tpu.memory_space<vmem>>
      %dma_wait3A_676 = tpu.memref_squeeze %dma_wait3A_675 : memref<1x64x128xf32, #tpu.memory_space<vmem>> -> memref<64x128xf32, #tpu.memory_space<vmem>>
      %dma_wait3A_677 = arith.constant 0 : i32
      %dma_wait3A_678 = arith.constant 0 : i32
      %dma_wait3A_679 = tpu.memref_slice %arg5[%dma_wait3A_677, %dma_wait3A_678] : memref<64x1000000xf32, #tpu.memory_space<hbm>> -> memref<64x128xf32, #tpu.memory_space<hbm>>
      tpu.wait_dma2 semaphore(%arg15 : memref<!tpu.dma_semaphore, #tpu.memory_space<semaphore_mem>>) src(%dma_wait3A_679 : memref<64x128xf32, #tpu.memory_space<hbm>>) dst(%dma_wait3A_676 : memref<64x128xf32, #tpu.memory_space<vmem>>)
      %slice3A_680 = vector.extract_strided_slice %get3A_125 {offsets = [3], sizes = [1], strides = [1]} : vector<16xi32> to vector<1xi32>
      %squeeze3A_681 = vector.extract %slice3A_680[0] : i32 from vector<1xi32>
      %and3A_682 = arith.constant 127 : i32
      %and3A_683 = arith.andi %squeeze3A_681, %and3A_682 : i32
      %broadcast_in_dim3A_684 = vector.broadcast %and3A_683 : i32 to vector<16xi32>
      %slice3A_685 = vector.extract_strided_slice %get3A_129 {offsets = [3], sizes = [1], strides = [1]} : vector<16xi32> to vector<1xi32>
      %squeeze3A_686 = vector.extract %slice3A_685[0] : i32 from vector<1xi32>
      %and3A_687 = arith.constant 127 : i32
      %and3A_688 = arith.andi %squeeze3A_686, %and3A_687 : i32
      %broadcast_in_dim3A_689 = vector.broadcast %and3A_688 : i32 to vector<16xi32>
      %broadcast_in_dim3A_690 = arith.constant 0.000000e+00 : f32
      %broadcast_in_dim3A_691 = vector.broadcast %broadcast_in_dim3A_690 : f32 to vector<16xf32>
      %add3A_692 = arith.constant 0 : i32
      %add3A_693 = vector.broadcast %add3A_692 : i32 to vector<16xi32>
      %add3A_694 = arith.addi %add3A_693, %iota3A : vector<16xi32>
      %gather3A_695 = arith.constant 3 : i32
      %gather3A_696 = arith.constant 0 : i32
      %gather3A_697 = arith.constant 0 : i32
      %gather3A_698 = tpu.memref_slice %arg10[%gather3A_695, %gather3A_696, %gather3A_697] : memref<4x64x128xf32, #tpu.memory_space<vmem>> -> memref<1x64x128xf32, #tpu.memory_space<vmem>>
      %gather3A_699 = tpu.memref_squeeze %gather3A_698 : memref<1x64x128xf32, #tpu.memory_space<vmem>> -> memref<64x128xf32, #tpu.memory_space<vmem>>
      %gather3A_700 = tpu.vector_load_idx %gather3A_699[%add3A_694, %broadcast_in_dim3A_684] : memref<64x128xf32, #tpu.memory_space<vmem>>[vector<16xi32>, vector<16xi32>], vector<16xf32>,
      %gather3A_701 = arith.constant 3 : i32
      %gather3A_702 = arith.constant 0 : i32
      %gather3A_703 = arith.constant 0 : i32
      %gather3A_704 = tpu.memref_slice %arg11[%gather3A_701, %gather3A_702, %gather3A_703] : memref<4x64x128xf32, #tpu.memory_space<vmem>> -> memref<1x64x128xf32, #tpu.memory_space<vmem>>
      %gather3A_705 = tpu.memref_squeeze %gather3A_704 : memref<1x64x128xf32, #tpu.memory_space<vmem>> -> memref<64x128xf32, #tpu.memory_space<vmem>>
      %gather3A_706 = tpu.vector_load_idx %gather3A_705[%add3A_694, %broadcast_in_dim3A_689] : memref<64x128xf32, #tpu.memory_space<vmem>>[vector<16xi32>, vector<16xi32>], vector<16xf32>,
      %mul3A_707 = arith.mulf %gather3A_700, %gather3A_706 : vector<16xf32>
      %add3A_708 = arith.addf %broadcast_in_dim3A_691, %mul3A_707 : vector<16xf32>
      %add3A_709 = arith.constant 16 : i32
      %add3A_710 = vector.broadcast %add3A_709 : i32 to vector<16xi32>
      %add3A_711 = arith.addi %add3A_710, %iota3A : vector<16xi32>
      %gather3A_712 = arith.constant 3 : i32
      %gather3A_713 = arith.constant 0 : i32
      %gather3A_714 = arith.constant 0 : i32
      %gather3A_715 = tpu.memref_slice %arg10[%gather3A_712, %gather3A_713, %gather3A_714] : memref<4x64x128xf32, #tpu.memory_space<vmem>> -> memref<1x64x128xf32, #tpu.memory_space<vmem>>
      %gather3A_716 = tpu.memref_squeeze %gather3A_715 : memref<1x64x128xf32, #tpu.memory_space<vmem>> -> memref<64x128xf32, #tpu.memory_space<vmem>>
      %gather3A_717 = tpu.vector_load_idx %gather3A_716[%add3A_711, %broadcast_in_dim3A_684] : memref<64x128xf32, #tpu.memory_space<vmem>>[vector<16xi32>, vector<16xi32>], vector<16xf32>,
      %gather3A_718 = arith.constant 3 : i32
      %gather3A_719 = arith.constant 0 : i32
      %gather3A_720 = arith.constant 0 : i32
      %gather3A_721 = tpu.memref_slice %arg11[%gather3A_718, %gather3A_719, %gather3A_720] : memref<4x64x128xf32, #tpu.memory_space<vmem>> -> memref<1x64x128xf32, #tpu.memory_space<vmem>>
      %gather3A_722 = tpu.memref_squeeze %gather3A_721 : memref<1x64x128xf32, #tpu.memory_space<vmem>> -> memref<64x128xf32, #tpu.memory_space<vmem>>
      %gather3A_723 = tpu.vector_load_idx %gather3A_722[%add3A_711, %broadcast_in_dim3A_689] : memref<64x128xf32, #tpu.memory_space<vmem>>[vector<16xi32>, vector<16xi32>], vector<16xf32>,
      %mul3A_724 = arith.mulf %gather3A_717, %gather3A_723 : vector<16xf32>
      %add3A_725 = arith.addf %add3A_708, %mul3A_724 : vector<16xf32>
      %add3A_726 = arith.constant 32 : i32
      %add3A_727 = vector.broadcast %add3A_726 : i32 to vector<16xi32>
      %add3A_728 = arith.addi %add3A_727, %iota3A : vector<16xi32>
      %gather3A_729 = arith.constant 3 : i32
      %gather3A_730 = arith.constant 0 : i32
      %gather3A_731 = arith.constant 0 : i32
      %gather3A_732 = tpu.memref_slice %arg10[%gather3A_729, %gather3A_730, %gather3A_731] : memref<4x64x128xf32, #tpu.memory_space<vmem>> -> memref<1x64x128xf32, #tpu.memory_space<vmem>>
      %gather3A_733 = tpu.memref_squeeze %gather3A_732 : memref<1x64x128xf32, #tpu.memory_space<vmem>> -> memref<64x128xf32, #tpu.memory_space<vmem>>
      %gather3A_734 = tpu.vector_load_idx %gather3A_733[%add3A_728, %broadcast_in_dim3A_684] : memref<64x128xf32, #tpu.memory_space<vmem>>[vector<16xi32>, vector<16xi32>], vector<16xf32>,
      %gather3A_735 = arith.constant 3 : i32
      %gather3A_736 = arith.constant 0 : i32
      %gather3A_737 = arith.constant 0 : i32
      %gather3A_738 = tpu.memref_slice %arg11[%gather3A_735, %gather3A_736, %gather3A_737] : memref<4x64x128xf32, #tpu.memory_space<vmem>> -> memref<1x64x128xf32, #tpu.memory_space<vmem>>
      %gather3A_739 = tpu.memref_squeeze %gather3A_738 : memref<1x64x128xf32, #tpu.memory_space<vmem>> -> memref<64x128xf32, #tpu.memory_space<vmem>>
      %gather3A_740 = tpu.vector_load_idx %gather3A_739[%add3A_728, %broadcast_in_dim3A_689] : memref<64x128xf32, #tpu.memory_space<vmem>>[vector<16xi32>, vector<16xi32>], vector<16xf32>,
      %mul3A_741 = arith.mulf %gather3A_734, %gather3A_740 : vector<16xf32>
      %add3A_742 = arith.addf %add3A_725, %mul3A_741 : vector<16xf32>
      %add3A_743 = arith.constant 48 : i32
      %add3A_744 = vector.broadcast %add3A_743 : i32 to vector<16xi32>
      %add3A_745 = arith.addi %add3A_744, %iota3A : vector<16xi32>
      %gather3A_746 = arith.constant 3 : i32
      %gather3A_747 = arith.constant 0 : i32
      %gather3A_748 = arith.constant 0 : i32
      %gather3A_749 = tpu.memref_slice %arg10[%gather3A_746, %gather3A_747, %gather3A_748] : memref<4x64x128xf32, #tpu.memory_space<vmem>> -> memref<1x64x128xf32, #tpu.memory_space<vmem>>
      %gather3A_750 = tpu.memref_squeeze %gather3A_749 : memref<1x64x128xf32, #tpu.memory_space<vmem>> -> memref<64x128xf32, #tpu.memory_space<vmem>>
      %gather3A_751 = tpu.vector_load_idx %gather3A_750[%add3A_745, %broadcast_in_dim3A_684] : memref<64x128xf32, #tpu.memory_space<vmem>>[vector<16xi32>, vector<16xi32>], vector<16xf32>,
      %gather3A_752 = arith.constant 3 : i32
      %gather3A_753 = arith.constant 0 : i32
      %gather3A_754 = arith.constant 0 : i32
      %gather3A_755 = tpu.memref_slice %arg11[%gather3A_752, %gather3A_753, %gather3A_754] : memref<4x64x128xf32, #tpu.memory_space<vmem>> -> memref<1x64x128xf32, #tpu.memory_space<vmem>>
      %gather3A_756 = tpu.memref_squeeze %gather3A_755 : memref<1x64x128xf32, #tpu.memory_space<vmem>> -> memref<64x128xf32, #tpu.memory_space<vmem>>
      %gather3A_757 = tpu.vector_load_idx %gather3A_756[%add3A_745, %broadcast_in_dim3A_689] : memref<64x128xf32, #tpu.memory_space<vmem>>[vector<16xi32>, vector<16xi32>], vector<16xf32>,
      %mul3A_758 = arith.mulf %gather3A_751, %gather3A_757 : vector<16xf32>
      %add3A_759 = arith.addf %add3A_742, %mul3A_758 : vector<16xf32>
      %reduce_sum3A_760 = arith.constant true
      %reduce_sum3A_761 = vector.broadcast %reduce_sum3A_760 : i1 to vector<16xi1>
      %reduce_sum3A_762 = tpu.scan <sum>, %add3A_759 masked %reduce_sum3A_761 : vector<16xf32>, vector<16xi1> -> vector<16xf32>
      %reduce_sum3A_763 = vector.extract %reduce_sum3A_762[15] : f32 from vector<16xf32>
      %eq3A_764 = arith.constant 3 : i32
      %eq3A_765 = vector.broadcast %eq3A_764 : i32 to vector<16xi32>
      %eq3A_766 = arith.cmpi eq, %iota3A, %eq3A_765 : vector<16xi32>
      %add3A_767 = vector.broadcast %reduce_sum3A_763 : f32 to vector<16xf32>
      %add3A_768 = arith.addf %select_n3A_611, %add3A_767 : vector<16xf32>
      %select_n3A_769 = arith.select %eq3A_766, %add3A_768, %select_n3A_611 : vector<16xi1>, vector<16xf32>
      %slice3A_770 = vector.extract_strided_slice %get3A_125 {offsets = [7], sizes = [1], strides = [1]} : vector<16xi32> to vector<1xi32>
      %squeeze3A_771 = vector.extract %slice3A_770[0] : i32 from vector<1xi32>
      %slice3A_772 = vector.extract_strided_slice %get3A_129 {offsets = [7], sizes = [1], strides = [1]} : vector<16xi32> to vector<1xi32>
      %squeeze3A_773 = vector.extract %slice3A_772[0] : i32 from vector<1xi32>
      %shift_right_logical3A_774 = arith.constant 7 : i32
      %shift_right_logical3A_775 = arith.shrui %squeeze3A_771, %shift_right_logical3A_774 : i32
      %mul3A_776 = arith.constant 128 : i32
      %mul3A_777 = arith.muli %shift_right_logical3A_775, %mul3A_776 : i32
      %shift_right_logical3A_778 = arith.constant 7 : i32
      %shift_right_logical3A_779 = arith.shrui %squeeze3A_773, %shift_right_logical3A_778 : i32
      %mul3A_780 = arith.constant 128 : i32
      %mul3A_781 = arith.muli %shift_right_logical3A_779, %mul3A_780 : i32
      %dma_start3A_782 = arith.constant 3 : i32
      %dma_start3A_783 = arith.constant 0 : i32
      %dma_start3A_784 = arith.constant 0 : i32
      %dma_start3A_785 = tpu.memref_slice %arg10[%dma_start3A_782, %dma_start3A_783, %dma_start3A_784] : memref<4x64x128xf32, #tpu.memory_space<vmem>> -> memref<1x64x128xf32, #tpu.memory_space<vmem>>
      %dma_start3A_786 = tpu.memref_squeeze %dma_start3A_785 : memref<1x64x128xf32, #tpu.memory_space<vmem>> -> memref<64x128xf32, #tpu.memory_space<vmem>>
      %dma_start3A_787 = arith.constant 0 : i32
      %dma_start3A_788 = tpu.memref_slice %arg4[%dma_start3A_787, %mul3A_777] : memref<64x1000000xf32, #tpu.memory_space<hbm>> -> memref<64x128xf32, #tpu.memory_space<hbm>>
      %dma_start3A_789 = arith.constant 0 : i32
      %dma_start3A_790 = arith.constant 0 : i32
      %dma_start3A_791 = tpu.memref_slice %arg10[%dma_start3A_782, %dma_start3A_789, %dma_start3A_790] : memref<4x64x128xf32, #tpu.memory_space<vmem>> -> memref<1x64x128xf32, #tpu.memory_space<vmem>>
      %dma_start3A_792 = tpu.memref_squeeze %dma_start3A_791 : memref<1x64x128xf32, #tpu.memory_space<vmem>> -> memref<64x128xf32, #tpu.memory_space<vmem>>
      %dma_start3A_793 = arith.constant 0 : i32
      %dma_start3A_794 = tpu.memref_slice %arg4[%dma_start3A_793, %mul3A_777] : memref<64x1000000xf32, #tpu.memory_space<hbm>> -> memref<64x128xf32, #tpu.memory_space<hbm>>
      tpu.enqueue_dma source(%dma_start3A_794 : memref<64x128xf32, #tpu.memory_space<hbm>>) target(%dma_start3A_792 : memref<64x128xf32, #tpu.memory_space<vmem>>) target_semaphore(%arg14 : memref<!tpu.dma_semaphore, #tpu.memory_space<semaphore_mem>>)
      %dma_start3A_795 = arith.constant 3 : i32
      %dma_start3A_796 = arith.constant 0 : i32
      %dma_start3A_797 = arith.constant 0 : i32
      %dma_start3A_798 = tpu.memref_slice %arg11[%dma_start3A_795, %dma_start3A_796, %dma_start3A_797] : memref<4x64x128xf32, #tpu.memory_space<vmem>> -> memref<1x64x128xf32, #tpu.memory_space<vmem>>
      %dma_start3A_799 = tpu.memref_squeeze %dma_start3A_798 : memref<1x64x128xf32, #tpu.memory_space<vmem>> -> memref<64x128xf32, #tpu.memory_space<vmem>>
      %dma_start3A_800 = arith.constant 0 : i32
      %dma_start3A_801 = tpu.memref_slice %arg5[%dma_start3A_800, %mul3A_781] : memref<64x1000000xf32, #tpu.memory_space<hbm>> -> memref<64x128xf32, #tpu.memory_space<hbm>>
      %dma_start3A_802 = arith.constant 0 : i32
      %dma_start3A_803 = arith.constant 0 : i32
      %dma_start3A_804 = tpu.memref_slice %arg11[%dma_start3A_795, %dma_start3A_802, %dma_start3A_803] : memref<4x64x128xf32, #tpu.memory_space<vmem>> -> memref<1x64x128xf32, #tpu.memory_space<vmem>>
      %dma_start3A_805 = tpu.memref_squeeze %dma_start3A_804 : memref<1x64x128xf32, #tpu.memory_space<vmem>> -> memref<64x128xf32, #tpu.memory_space<vmem>>
      %dma_start3A_806 = arith.constant 0 : i32
      %dma_start3A_807 = tpu.memref_slice %arg5[%dma_start3A_806, %mul3A_781] : memref<64x1000000xf32, #tpu.memory_space<hbm>> -> memref<64x128xf32, #tpu.memory_space<hbm>>
      tpu.enqueue_dma source(%dma_start3A_807 : memref<64x128xf32, #tpu.memory_space<hbm>>) target(%dma_start3A_805 : memref<64x128xf32, #tpu.memory_space<vmem>>) target_semaphore(%arg15 : memref<!tpu.dma_semaphore, #tpu.memory_space<semaphore_mem>>)
      %dma_wait3A_808 = arith.constant 0 : i32
      %dma_wait3A_809 = arith.constant 0 : i32
      %dma_wait3A_810 = arith.constant 0 : i32
      %dma_wait3A_811 = tpu.memref_slice %arg10[%dma_wait3A_808, %dma_wait3A_809, %dma_wait3A_810] : memref<4x64x128xf32, #tpu.memory_space<vmem>> -> memref<1x64x128xf32, #tpu.memory_space<vmem>>
      %dma_wait3A_812 = tpu.memref_squeeze %dma_wait3A_811 : memref<1x64x128xf32, #tpu.memory_space<vmem>> -> memref<64x128xf32, #tpu.memory_space<vmem>>
      %dma_wait3A_813 = arith.constant 0 : i32
      %dma_wait3A_814 = arith.constant 0 : i32
      %dma_wait3A_815 = tpu.memref_slice %arg4[%dma_wait3A_813, %dma_wait3A_814] : memref<64x1000000xf32, #tpu.memory_space<hbm>> -> memref<64x128xf32, #tpu.memory_space<hbm>>
      %dma_wait3A_816 = arith.constant 0 : i32
      %dma_wait3A_817 = arith.constant 0 : i32
      %dma_wait3A_818 = tpu.memref_slice %arg10[%dma_wait3A_808, %dma_wait3A_816, %dma_wait3A_817] : memref<4x64x128xf32, #tpu.memory_space<vmem>> -> memref<1x64x128xf32, #tpu.memory_space<vmem>>
      %dma_wait3A_819 = tpu.memref_squeeze %dma_wait3A_818 : memref<1x64x128xf32, #tpu.memory_space<vmem>> -> memref<64x128xf32, #tpu.memory_space<vmem>>
      %dma_wait3A_820 = arith.constant 0 : i32
      %dma_wait3A_821 = arith.constant 0 : i32
      %dma_wait3A_822 = tpu.memref_slice %arg4[%dma_wait3A_820, %dma_wait3A_821] : memref<64x1000000xf32, #tpu.memory_space<hbm>> -> memref<64x128xf32, #tpu.memory_space<hbm>>
      tpu.wait_dma2 semaphore(%arg14 : memref<!tpu.dma_semaphore, #tpu.memory_space<semaphore_mem>>) src(%dma_wait3A_822 : memref<64x128xf32, #tpu.memory_space<hbm>>) dst(%dma_wait3A_819 : memref<64x128xf32, #tpu.memory_space<vmem>>)
      %dma_wait3A_823 = arith.constant 0 : i32
      %dma_wait3A_824 = arith.constant 0 : i32
      %dma_wait3A_825 = arith.constant 0 : i32
      %dma_wait3A_826 = tpu.memref_slice %arg11[%dma_wait3A_823, %dma_wait3A_824, %dma_wait3A_825] : memref<4x64x128xf32, #tpu.memory_space<vmem>> -> memref<1x64x128xf32, #tpu.memory_space<vmem>>
      %dma_wait3A_827 = tpu.memref_squeeze %dma_wait3A_826 : memref<1x64x128xf32, #tpu.memory_space<vmem>> -> memref<64x128xf32, #tpu.memory_space<vmem>>
      %dma_wait3A_828 = arith.constant 0 : i32
      %dma_wait3A_829 = arith.constant 0 : i32
      %dma_wait3A_830 = tpu.memref_slice %arg5[%dma_wait3A_828, %dma_wait3A_829] : memref<64x1000000xf32, #tpu.memory_space<hbm>> -> memref<64x128xf32, #tpu.memory_space<hbm>>
      %dma_wait3A_831 = arith.constant 0 : i32
      %dma_wait3A_832 = arith.constant 0 : i32
      %dma_wait3A_833 = tpu.memref_slice %arg11[%dma_wait3A_823, %dma_wait3A_831, %dma_wait3A_832] : memref<4x64x128xf32, #tpu.memory_space<vmem>> -> memref<1x64x128xf32, #tpu.memory_space<vmem>>
      %dma_wait3A_834 = tpu.memref_squeeze %dma_wait3A_833 : memref<1x64x128xf32, #tpu.memory_space<vmem>> -> memref<64x128xf32, #tpu.memory_space<vmem>>
      %dma_wait3A_835 = arith.constant 0 : i32
      %dma_wait3A_836 = arith.constant 0 : i32
      %dma_wait3A_837 = tpu.memref_slice %arg5[%dma_wait3A_835, %dma_wait3A_836] : memref<64x1000000xf32, #tpu.memory_space<hbm>> -> memref<64x128xf32, #tpu.memory_space<hbm>>
      tpu.wait_dma2 semaphore(%arg15 : memref<!tpu.dma_semaphore, #tpu.memory_space<semaphore_mem>>) src(%dma_wait3A_837 : memref<64x128xf32, #tpu.memory_space<hbm>>) dst(%dma_wait3A_834 : memref<64x128xf32, #tpu.memory_space<vmem>>)
      %slice3A_838 = vector.extract_strided_slice %get3A_125 {offsets = [4], sizes = [1], strides = [1]} : vector<16xi32> to vector<1xi32>
      %squeeze3A_839 = vector.extract %slice3A_838[0] : i32 from vector<1xi32>
      %and3A_840 = arith.constant 127 : i32
      %and3A_841 = arith.andi %squeeze3A_839, %and3A_840 : i32
      %broadcast_in_dim3A_842 = vector.broadcast %and3A_841 : i32 to vector<16xi32>
      %slice3A_843 = vector.extract_strided_slice %get3A_129 {offsets = [4], sizes = [1], strides = [1]} : vector<16xi32> to vector<1xi32>
      %squeeze3A_844 = vector.extract %slice3A_843[0] : i32 from vector<1xi32>
      %and3A_845 = arith.constant 127 : i32
      %and3A_846 = arith.andi %squeeze3A_844, %and3A_845 : i32
      %broadcast_in_dim3A_847 = vector.broadcast %and3A_846 : i32 to vector<16xi32>
      %broadcast_in_dim3A_848 = arith.constant 0.000000e+00 : f32
      %broadcast_in_dim3A_849 = vector.broadcast %broadcast_in_dim3A_848 : f32 to vector<16xf32>
      %add3A_850 = arith.constant 0 : i32
      %add3A_851 = vector.broadcast %add3A_850 : i32 to vector<16xi32>
      %add3A_852 = arith.addi %add3A_851, %iota3A : vector<16xi32>
      %gather3A_853 = arith.constant 0 : i32
      %gather3A_854 = arith.constant 0 : i32
      %gather3A_855 = arith.constant 0 : i32
      %gather3A_856 = tpu.memref_slice %arg10[%gather3A_853, %gather3A_854, %gather3A_855] : memref<4x64x128xf32, #tpu.memory_space<vmem>> -> memref<1x64x128xf32, #tpu.memory_space<vmem>>
      %gather3A_857 = tpu.memref_squeeze %gather3A_856 : memref<1x64x128xf32, #tpu.memory_space<vmem>> -> memref<64x128xf32, #tpu.memory_space<vmem>>
      %gather3A_858 = tpu.vector_load_idx %gather3A_857[%add3A_852, %broadcast_in_dim3A_842] : memref<64x128xf32, #tpu.memory_space<vmem>>[vector<16xi32>, vector<16xi32>], vector<16xf32>,
      %gather3A_859 = arith.constant 0 : i32
      %gather3A_860 = arith.constant 0 : i32
      %gather3A_861 = arith.constant 0 : i32
      %gather3A_862 = tpu.memref_slice %arg11[%gather3A_859, %gather3A_860, %gather3A_861] : memref<4x64x128xf32, #tpu.memory_space<vmem>> -> memref<1x64x128xf32, #tpu.memory_space<vmem>>
      %gather3A_863 = tpu.memref_squeeze %gather3A_862 : memref<1x64x128xf32, #tpu.memory_space<vmem>> -> memref<64x128xf32, #tpu.memory_space<vmem>>
      %gather3A_864 = tpu.vector_load_idx %gather3A_863[%add3A_852, %broadcast_in_dim3A_847] : memref<64x128xf32, #tpu.memory_space<vmem>>[vector<16xi32>, vector<16xi32>], vector<16xf32>,
      %mul3A_865 = arith.mulf %gather3A_858, %gather3A_864 : vector<16xf32>
      %add3A_866 = arith.addf %broadcast_in_dim3A_849, %mul3A_865 : vector<16xf32>
      %add3A_867 = arith.constant 16 : i32
      %add3A_868 = vector.broadcast %add3A_867 : i32 to vector<16xi32>
      %add3A_869 = arith.addi %add3A_868, %iota3A : vector<16xi32>
      %gather3A_870 = arith.constant 0 : i32
      %gather3A_871 = arith.constant 0 : i32
      %gather3A_872 = arith.constant 0 : i32
      %gather3A_873 = tpu.memref_slice %arg10[%gather3A_870, %gather3A_871, %gather3A_872] : memref<4x64x128xf32, #tpu.memory_space<vmem>> -> memref<1x64x128xf32, #tpu.memory_space<vmem>>
      %gather3A_874 = tpu.memref_squeeze %gather3A_873 : memref<1x64x128xf32, #tpu.memory_space<vmem>> -> memref<64x128xf32, #tpu.memory_space<vmem>>
      %gather3A_875 = tpu.vector_load_idx %gather3A_874[%add3A_869, %broadcast_in_dim3A_842] : memref<64x128xf32, #tpu.memory_space<vmem>>[vector<16xi32>, vector<16xi32>], vector<16xf32>,
      %gather3A_876 = arith.constant 0 : i32
      %gather3A_877 = arith.constant 0 : i32
      %gather3A_878 = arith.constant 0 : i32
      %gather3A_879 = tpu.memref_slice %arg11[%gather3A_876, %gather3A_877, %gather3A_878] : memref<4x64x128xf32, #tpu.memory_space<vmem>> -> memref<1x64x128xf32, #tpu.memory_space<vmem>>
      %gather3A_880 = tpu.memref_squeeze %gather3A_879 : memref<1x64x128xf32, #tpu.memory_space<vmem>> -> memref<64x128xf32, #tpu.memory_space<vmem>>
      %gather3A_881 = tpu.vector_load_idx %gather3A_880[%add3A_869, %broadcast_in_dim3A_847] : memref<64x128xf32, #tpu.memory_space<vmem>>[vector<16xi32>, vector<16xi32>], vector<16xf32>,
      %mul3A_882 = arith.mulf %gather3A_875, %gather3A_881 : vector<16xf32>
      %add3A_883 = arith.addf %add3A_866, %mul3A_882 : vector<16xf32>
      %add3A_884 = arith.constant 32 : i32
      %add3A_885 = vector.broadcast %add3A_884 : i32 to vector<16xi32>
      %add3A_886 = arith.addi %add3A_885, %iota3A : vector<16xi32>
      %gather3A_887 = arith.constant 0 : i32
      %gather3A_888 = arith.constant 0 : i32
      %gather3A_889 = arith.constant 0 : i32
      %gather3A_890 = tpu.memref_slice %arg10[%gather3A_887, %gather3A_888, %gather3A_889] : memref<4x64x128xf32, #tpu.memory_space<vmem>> -> memref<1x64x128xf32, #tpu.memory_space<vmem>>
      %gather3A_891 = tpu.memref_squeeze %gather3A_890 : memref<1x64x128xf32, #tpu.memory_space<vmem>> -> memref<64x128xf32, #tpu.memory_space<vmem>>
      %gather3A_892 = tpu.vector_load_idx %gather3A_891[%add3A_886, %broadcast_in_dim3A_842] : memref<64x128xf32, #tpu.memory_space<vmem>>[vector<16xi32>, vector<16xi32>], vector<16xf32>,
      %gather3A_893 = arith.constant 0 : i32
      %gather3A_894 = arith.constant 0 : i32
      %gather3A_895 = arith.constant 0 : i32
      %gather3A_896 = tpu.memref_slice %arg11[%gather3A_893, %gather3A_894, %gather3A_895] : memref<4x64x128xf32, #tpu.memory_space<vmem>> -> memref<1x64x128xf32, #tpu.memory_space<vmem>>
      %gather3A_897 = tpu.memref_squeeze %gather3A_896 : memref<1x64x128xf32, #tpu.memory_space<vmem>> -> memref<64x128xf32, #tpu.memory_space<vmem>>
      %gather3A_898 = tpu.vector_load_idx %gather3A_897[%add3A_886, %broadcast_in_dim3A_847] : memref<64x128xf32, #tpu.memory_space<vmem>>[vector<16xi32>, vector<16xi32>], vector<16xf32>,
      %mul3A_899 = arith.mulf %gather3A_892, %gather3A_898 : vector<16xf32>
      %add3A_900 = arith.addf %add3A_883, %mul3A_899 : vector<16xf32>
      %add3A_901 = arith.constant 48 : i32
      %add3A_902 = vector.broadcast %add3A_901 : i32 to vector<16xi32>
      %add3A_903 = arith.addi %add3A_902, %iota3A : vector<16xi32>
      %gather3A_904 = arith.constant 0 : i32
      %gather3A_905 = arith.constant 0 : i32
      %gather3A_906 = arith.constant 0 : i32
      %gather3A_907 = tpu.memref_slice %arg10[%gather3A_904, %gather3A_905, %gather3A_906] : memref<4x64x128xf32, #tpu.memory_space<vmem>> -> memref<1x64x128xf32, #tpu.memory_space<vmem>>
      %gather3A_908 = tpu.memref_squeeze %gather3A_907 : memref<1x64x128xf32, #tpu.memory_space<vmem>> -> memref<64x128xf32, #tpu.memory_space<vmem>>
      %gather3A_909 = tpu.vector_load_idx %gather3A_908[%add3A_903, %broadcast_in_dim3A_842] : memref<64x128xf32, #tpu.memory_space<vmem>>[vector<16xi32>, vector<16xi32>], vector<16xf32>,
      %gather3A_910 = arith.constant 0 : i32
      %gather3A_911 = arith.constant 0 : i32
      %gather3A_912 = arith.constant 0 : i32
      %gather3A_913 = tpu.memref_slice %arg11[%gather3A_910, %gather3A_911, %gather3A_912] : memref<4x64x128xf32, #tpu.memory_space<vmem>> -> memref<1x64x128xf32, #tpu.memory_space<vmem>>
      %gather3A_914 = tpu.memref_squeeze %gather3A_913 : memref<1x64x128xf32, #tpu.memory_space<vmem>> -> memref<64x128xf32, #tpu.memory_space<vmem>>
      %gather3A_915 = tpu.vector_load_idx %gather3A_914[%add3A_903, %broadcast_in_dim3A_847] : memref<64x128xf32, #tpu.memory_space<vmem>>[vector<16xi32>, vector<16xi32>], vector<16xf32>,
      %mul3A_916 = arith.mulf %gather3A_909, %gather3A_915 : vector<16xf32>
      %add3A_917 = arith.addf %add3A_900, %mul3A_916 : vector<16xf32>
      %reduce_sum3A_918 = arith.constant true
      %reduce_sum3A_919 = vector.broadcast %reduce_sum3A_918 : i1 to vector<16xi1>
      %reduce_sum3A_920 = tpu.scan <sum>, %add3A_917 masked %reduce_sum3A_919 : vector<16xf32>, vector<16xi1> -> vector<16xf32>
      %reduce_sum3A_921 = vector.extract %reduce_sum3A_920[15] : f32 from vector<16xf32>
      %eq3A_922 = arith.constant 4 : i32
      %eq3A_923 = vector.broadcast %eq3A_922 : i32 to vector<16xi32>
      %eq3A_924 = arith.cmpi eq, %iota3A, %eq3A_923 : vector<16xi32>
      %add3A_925 = vector.broadcast %reduce_sum3A_921 : f32 to vector<16xf32>
      %add3A_926 = arith.addf %select_n3A_769, %add3A_925 : vector<16xf32>
      %select_n3A_927 = arith.select %eq3A_924, %add3A_926, %select_n3A_769 : vector<16xi1>, vector<16xf32>
      %slice3A_928 = vector.extract_strided_slice %get3A_125 {offsets = [8], sizes = [1], strides = [1]} : vector<16xi32> to vector<1xi32>
      %squeeze3A_929 = vector.extract %slice3A_928[0] : i32 from vector<1xi32>
      %slice3A_930 = vector.extract_strided_slice %get3A_129 {offsets = [8], sizes = [1], strides = [1]} : vector<16xi32> to vector<1xi32>
      %squeeze3A_931 = vector.extract %slice3A_930[0] : i32 from vector<1xi32>
      %shift_right_logical3A_932 = arith.constant 7 : i32
      %shift_right_logical3A_933 = arith.shrui %squeeze3A_929, %shift_right_logical3A_932 : i32
      %mul3A_934 = arith.constant 128 : i32
      %mul3A_935 = arith.muli %shift_right_logical3A_933, %mul3A_934 : i32
      %shift_right_logical3A_936 = arith.constant 7 : i32
      %shift_right_logical3A_937 = arith.shrui %squeeze3A_931, %shift_right_logical3A_936 : i32
      %mul3A_938 = arith.constant 128 : i32
      %mul3A_939 = arith.muli %shift_right_logical3A_937, %mul3A_938 : i32
      %dma_start3A_940 = arith.constant 0 : i32
      %dma_start3A_941 = arith.constant 0 : i32
      %dma_start3A_942 = arith.constant 0 : i32
      %dma_start3A_943 = tpu.memref_slice %arg10[%dma_start3A_940, %dma_start3A_941, %dma_start3A_942] : memref<4x64x128xf32, #tpu.memory_space<vmem>> -> memref<1x64x128xf32, #tpu.memory_space<vmem>>
      %dma_start3A_944 = tpu.memref_squeeze %dma_start3A_943 : memref<1x64x128xf32, #tpu.memory_space<vmem>> -> memref<64x128xf32, #tpu.memory_space<vmem>>
      %dma_start3A_945 = arith.constant 0 : i32
      %dma_start3A_946 = tpu.memref_slice %arg4[%dma_start3A_945, %mul3A_935] : memref<64x1000000xf32, #tpu.memory_space<hbm>> -> memref<64x128xf32, #tpu.memory_space<hbm>>
      %dma_start3A_947 = arith.constant 0 : i32
      %dma_start3A_948 = arith.constant 0 : i32
      %dma_start3A_949 = tpu.memref_slice %arg10[%dma_start3A_940, %dma_start3A_947, %dma_start3A_948] : memref<4x64x128xf32, #tpu.memory_space<vmem>> -> memref<1x64x128xf32, #tpu.memory_space<vmem>>
      %dma_start3A_950 = tpu.memref_squeeze %dma_start3A_949 : memref<1x64x128xf32, #tpu.memory_space<vmem>> -> memref<64x128xf32, #tpu.memory_space<vmem>>
      %dma_start3A_951 = arith.constant 0 : i32
      %dma_start3A_952 = tpu.memref_slice %arg4[%dma_start3A_951, %mul3A_935] : memref<64x1000000xf32, #tpu.memory_space<hbm>> -> memref<64x128xf32, #tpu.memory_space<hbm>>
      tpu.enqueue_dma source(%dma_start3A_952 : memref<64x128xf32, #tpu.memory_space<hbm>>) target(%dma_start3A_950 : memref<64x128xf32, #tpu.memory_space<vmem>>) target_semaphore(%arg14 : memref<!tpu.dma_semaphore, #tpu.memory_space<semaphore_mem>>)
      %dma_start3A_953 = arith.constant 0 : i32
      %dma_start3A_954 = arith.constant 0 : i32
      %dma_start3A_955 = arith.constant 0 : i32
      %dma_start3A_956 = tpu.memref_slice %arg11[%dma_start3A_953, %dma_start3A_954, %dma_start3A_955] : memref<4x64x128xf32, #tpu.memory_space<vmem>> -> memref<1x64x128xf32, #tpu.memory_space<vmem>>
      %dma_start3A_957 = tpu.memref_squeeze %dma_start3A_956 : memref<1x64x128xf32, #tpu.memory_space<vmem>> -> memref<64x128xf32, #tpu.memory_space<vmem>>
      %dma_start3A_958 = arith.constant 0 : i32
      %dma_start3A_959 = tpu.memref_slice %arg5[%dma_start3A_958, %mul3A_939] : memref<64x1000000xf32, #tpu.memory_space<hbm>> -> memref<64x128xf32, #tpu.memory_space<hbm>>
      %dma_start3A_960 = arith.constant 0 : i32
      %dma_start3A_961 = arith.constant 0 : i32
      %dma_start3A_962 = tpu.memref_slice %arg11[%dma_start3A_953, %dma_start3A_960, %dma_start3A_961] : memref<4x64x128xf32, #tpu.memory_space<vmem>> -> memref<1x64x128xf32, #tpu.memory_space<vmem>>
      %dma_start3A_963 = tpu.memref_squeeze %dma_start3A_962 : memref<1x64x128xf32, #tpu.memory_space<vmem>> -> memref<64x128xf32, #tpu.memory_space<vmem>>
      %dma_start3A_964 = arith.constant 0 : i32
      %dma_start3A_965 = tpu.memref_slice %arg5[%dma_start3A_964, %mul3A_939] : memref<64x1000000xf32, #tpu.memory_space<hbm>> -> memref<64x128xf32, #tpu.memory_space<hbm>>
      tpu.enqueue_dma source(%dma_start3A_965 : memref<64x128xf32, #tpu.memory_space<hbm>>) target(%dma_start3A_963 : memref<64x128xf32, #tpu.memory_space<vmem>>) target_semaphore(%arg15 : memref<!tpu.dma_semaphore, #tpu.memory_space<semaphore_mem>>)
      %dma_wait3A_966 = arith.constant 1 : i32
      %dma_wait3A_967 = arith.constant 0 : i32
      %dma_wait3A_968 = arith.constant 0 : i32
      %dma_wait3A_969 = tpu.memref_slice %arg10[%dma_wait3A_966, %dma_wait3A_967, %dma_wait3A_968] : memref<4x64x128xf32, #tpu.memory_space<vmem>> -> memref<1x64x128xf32, #tpu.memory_space<vmem>>
      %dma_wait3A_970 = tpu.memref_squeeze %dma_wait3A_969 : memref<1x64x128xf32, #tpu.memory_space<vmem>> -> memref<64x128xf32, #tpu.memory_space<vmem>>
      %dma_wait3A_971 = arith.constant 0 : i32
      %dma_wait3A_972 = arith.constant 0 : i32
      %dma_wait3A_973 = tpu.memref_slice %arg4[%dma_wait3A_971, %dma_wait3A_972] : memref<64x1000000xf32, #tpu.memory_space<hbm>> -> memref<64x128xf32, #tpu.memory_space<hbm>>
      %dma_wait3A_974 = arith.constant 0 : i32
      %dma_wait3A_975 = arith.constant 0 : i32
      %dma_wait3A_976 = tpu.memref_slice %arg10[%dma_wait3A_966, %dma_wait3A_974, %dma_wait3A_975] : memref<4x64x128xf32, #tpu.memory_space<vmem>> -> memref<1x64x128xf32, #tpu.memory_space<vmem>>
      %dma_wait3A_977 = tpu.memref_squeeze %dma_wait3A_976 : memref<1x64x128xf32, #tpu.memory_space<vmem>> -> memref<64x128xf32, #tpu.memory_space<vmem>>
      %dma_wait3A_978 = arith.constant 0 : i32
      %dma_wait3A_979 = arith.constant 0 : i32
      %dma_wait3A_980 = tpu.memref_slice %arg4[%dma_wait3A_978, %dma_wait3A_979] : memref<64x1000000xf32, #tpu.memory_space<hbm>> -> memref<64x128xf32, #tpu.memory_space<hbm>>
      tpu.wait_dma2 semaphore(%arg14 : memref<!tpu.dma_semaphore, #tpu.memory_space<semaphore_mem>>) src(%dma_wait3A_980 : memref<64x128xf32, #tpu.memory_space<hbm>>) dst(%dma_wait3A_977 : memref<64x128xf32, #tpu.memory_space<vmem>>)
      %dma_wait3A_981 = arith.constant 1 : i32
      %dma_wait3A_982 = arith.constant 0 : i32
      %dma_wait3A_983 = arith.constant 0 : i32
      %dma_wait3A_984 = tpu.memref_slice %arg11[%dma_wait3A_981, %dma_wait3A_982, %dma_wait3A_983] : memref<4x64x128xf32, #tpu.memory_space<vmem>> -> memref<1x64x128xf32, #tpu.memory_space<vmem>>
      %dma_wait3A_985 = tpu.memref_squeeze %dma_wait3A_984 : memref<1x64x128xf32, #tpu.memory_space<vmem>> -> memref<64x128xf32, #tpu.memory_space<vmem>>
      %dma_wait3A_986 = arith.constant 0 : i32
      %dma_wait3A_987 = arith.constant 0 : i32
      %dma_wait3A_988 = tpu.memref_slice %arg5[%dma_wait3A_986, %dma_wait3A_987] : memref<64x1000000xf32, #tpu.memory_space<hbm>> -> memref<64x128xf32, #tpu.memory_space<hbm>>
      %dma_wait3A_989 = arith.constant 0 : i32
      %dma_wait3A_990 = arith.constant 0 : i32
      %dma_wait3A_991 = tpu.memref_slice %arg11[%dma_wait3A_981, %dma_wait3A_989, %dma_wait3A_990] : memref<4x64x128xf32, #tpu.memory_space<vmem>> -> memref<1x64x128xf32, #tpu.memory_space<vmem>>
      %dma_wait3A_992 = tpu.memref_squeeze %dma_wait3A_991 : memref<1x64x128xf32, #tpu.memory_space<vmem>> -> memref<64x128xf32, #tpu.memory_space<vmem>>
      %dma_wait3A_993 = arith.constant 0 : i32
      %dma_wait3A_994 = arith.constant 0 : i32
      %dma_wait3A_995 = tpu.memref_slice %arg5[%dma_wait3A_993, %dma_wait3A_994] : memref<64x1000000xf32, #tpu.memory_space<hbm>> -> memref<64x128xf32, #tpu.memory_space<hbm>>
      tpu.wait_dma2 semaphore(%arg15 : memref<!tpu.dma_semaphore, #tpu.memory_space<semaphore_mem>>) src(%dma_wait3A_995 : memref<64x128xf32, #tpu.memory_space<hbm>>) dst(%dma_wait3A_992 : memref<64x128xf32, #tpu.memory_space<vmem>>)
      %slice3A_996 = vector.extract_strided_slice %get3A_125 {offsets = [5], sizes = [1], strides = [1]} : vector<16xi32> to vector<1xi32>
      %squeeze3A_997 = vector.extract %slice3A_996[0] : i32 from vector<1xi32>
      %and3A_998 = arith.constant 127 : i32
      %and3A_999 = arith.andi %squeeze3A_997, %and3A_998 : i32
      %broadcast_in_dim3A_1000 = vector.broadcast %and3A_999 : i32 to vector<16xi32>
      %slice3A_1001 = vector.extract_strided_slice %get3A_129 {offsets = [5], sizes = [1], strides = [1]} : vector<16xi32> to vector<1xi32>
      %squeeze3A_1002 = vector.extract %slice3A_1001[0] : i32 from vector<1xi32>
      %and3A_1003 = arith.constant 127 : i32
      %and3A_1004 = arith.andi %squeeze3A_1002, %and3A_1003 : i32
      %broadcast_in_dim3A_1005 = vector.broadcast %and3A_1004 : i32 to vector<16xi32>
      %broadcast_in_dim3A_1006 = arith.constant 0.000000e+00 : f32
      %broadcast_in_dim3A_1007 = vector.broadcast %broadcast_in_dim3A_1006 : f32 to vector<16xf32>
      %add3A_1008 = arith.constant 0 : i32
      %add3A_1009 = vector.broadcast %add3A_1008 : i32 to vector<16xi32>
      %add3A_1010 = arith.addi %add3A_1009, %iota3A : vector<16xi32>
      %gather3A_1011 = arith.constant 1 : i32
      %gather3A_1012 = arith.constant 0 : i32
      %gather3A_1013 = arith.constant 0 : i32
      %gather3A_1014 = tpu.memref_slice %arg10[%gather3A_1011, %gather3A_1012, %gather3A_1013] : memref<4x64x128xf32, #tpu.memory_space<vmem>> -> memref<1x64x128xf32, #tpu.memory_space<vmem>>
      %gather3A_1015 = tpu.memref_squeeze %gather3A_1014 : memref<1x64x128xf32, #tpu.memory_space<vmem>> -> memref<64x128xf32, #tpu.memory_space<vmem>>
      %gather3A_1016 = tpu.vector_load_idx %gather3A_1015[%add3A_1010, %broadcast_in_dim3A_1000] : memref<64x128xf32, #tpu.memory_space<vmem>>[vector<16xi32>, vector<16xi32>], vector<16xf32>,
      %gather3A_1017 = arith.constant 1 : i32
      %gather3A_1018 = arith.constant 0 : i32
      %gather3A_1019 = arith.constant 0 : i32
      %gather3A_1020 = tpu.memref_slice %arg11[%gather3A_1017, %gather3A_1018, %gather3A_1019] : memref<4x64x128xf32, #tpu.memory_space<vmem>> -> memref<1x64x128xf32, #tpu.memory_space<vmem>>
      %gather3A_1021 = tpu.memref_squeeze %gather3A_1020 : memref<1x64x128xf32, #tpu.memory_space<vmem>> -> memref<64x128xf32, #tpu.memory_space<vmem>>
      %gather3A_1022 = tpu.vector_load_idx %gather3A_1021[%add3A_1010, %broadcast_in_dim3A_1005] : memref<64x128xf32, #tpu.memory_space<vmem>>[vector<16xi32>, vector<16xi32>], vector<16xf32>,
      %mul3A_1023 = arith.mulf %gather3A_1016, %gather3A_1022 : vector<16xf32>
      %add3A_1024 = arith.addf %broadcast_in_dim3A_1007, %mul3A_1023 : vector<16xf32>
      %add3A_1025 = arith.constant 16 : i32
      %add3A_1026 = vector.broadcast %add3A_1025 : i32 to vector<16xi32>
      %add3A_1027 = arith.addi %add3A_1026, %iota3A : vector<16xi32>
      %gather3A_1028 = arith.constant 1 : i32
      %gather3A_1029 = arith.constant 0 : i32
      %gather3A_1030 = arith.constant 0 : i32
      %gather3A_1031 = tpu.memref_slice %arg10[%gather3A_1028, %gather3A_1029, %gather3A_1030] : memref<4x64x128xf32, #tpu.memory_space<vmem>> -> memref<1x64x128xf32, #tpu.memory_space<vmem>>
      %gather3A_1032 = tpu.memref_squeeze %gather3A_1031 : memref<1x64x128xf32, #tpu.memory_space<vmem>> -> memref<64x128xf32, #tpu.memory_space<vmem>>
      %gather3A_1033 = tpu.vector_load_idx %gather3A_1032[%add3A_1027, %broadcast_in_dim3A_1000] : memref<64x128xf32, #tpu.memory_space<vmem>>[vector<16xi32>, vector<16xi32>], vector<16xf32>,
      %gather3A_1034 = arith.constant 1 : i32
      %gather3A_1035 = arith.constant 0 : i32
      %gather3A_1036 = arith.constant 0 : i32
      %gather3A_1037 = tpu.memref_slice %arg11[%gather3A_1034, %gather3A_1035, %gather3A_1036] : memref<4x64x128xf32, #tpu.memory_space<vmem>> -> memref<1x64x128xf32, #tpu.memory_space<vmem>>
      %gather3A_1038 = tpu.memref_squeeze %gather3A_1037 : memref<1x64x128xf32, #tpu.memory_space<vmem>> -> memref<64x128xf32, #tpu.memory_space<vmem>>
      %gather3A_1039 = tpu.vector_load_idx %gather3A_1038[%add3A_1027, %broadcast_in_dim3A_1005] : memref<64x128xf32, #tpu.memory_space<vmem>>[vector<16xi32>, vector<16xi32>], vector<16xf32>,
      %mul3A_1040 = arith.mulf %gather3A_1033, %gather3A_1039 : vector<16xf32>
      %add3A_1041 = arith.addf %add3A_1024, %mul3A_1040 : vector<16xf32>
      %add3A_1042 = arith.constant 32 : i32
      %add3A_1043 = vector.broadcast %add3A_1042 : i32 to vector<16xi32>
      %add3A_1044 = arith.addi %add3A_1043, %iota3A : vector<16xi32>
      %gather3A_1045 = arith.constant 1 : i32
      %gather3A_1046 = arith.constant 0 : i32
      %gather3A_1047 = arith.constant 0 : i32
      %gather3A_1048 = tpu.memref_slice %arg10[%gather3A_1045, %gather3A_1046, %gather3A_1047] : memref<4x64x128xf32, #tpu.memory_space<vmem>> -> memref<1x64x128xf32, #tpu.memory_space<vmem>>
      %gather3A_1049 = tpu.memref_squeeze %gather3A_1048 : memref<1x64x128xf32, #tpu.memory_space<vmem>> -> memref<64x128xf32, #tpu.memory_space<vmem>>
      %gather3A_1050 = tpu.vector_load_idx %gather3A_1049[%add3A_1044, %broadcast_in_dim3A_1000] : memref<64x128xf32, #tpu.memory_space<vmem>>[vector<16xi32>, vector<16xi32>], vector<16xf32>,
      %gather3A_1051 = arith.constant 1 : i32
      %gather3A_1052 = arith.constant 0 : i32
      %gather3A_1053 = arith.constant 0 : i32
      %gather3A_1054 = tpu.memref_slice %arg11[%gather3A_1051, %gather3A_1052, %gather3A_1053] : memref<4x64x128xf32, #tpu.memory_space<vmem>> -> memref<1x64x128xf32, #tpu.memory_space<vmem>>
      %gather3A_1055 = tpu.memref_squeeze %gather3A_1054 : memref<1x64x128xf32, #tpu.memory_space<vmem>> -> memref<64x128xf32, #tpu.memory_space<vmem>>
      %gather3A_1056 = tpu.vector_load_idx %gather3A_1055[%add3A_1044, %broadcast_in_dim3A_1005] : memref<64x128xf32, #tpu.memory_space<vmem>>[vector<16xi32>, vector<16xi32>], vector<16xf32>,
      %mul3A_1057 = arith.mulf %gather3A_1050, %gather3A_1056 : vector<16xf32>
      %add3A_1058 = arith.addf %add3A_1041, %mul3A_1057 : vector<16xf32>
      %add3A_1059 = arith.constant 48 : i32
      %add3A_1060 = vector.broadcast %add3A_1059 : i32 to vector<16xi32>
      %add3A_1061 = arith.addi %add3A_1060, %iota3A : vector<16xi32>
      %gather3A_1062 = arith.constant 1 : i32
      %gather3A_1063 = arith.constant 0 : i32
      %gather3A_1064 = arith.constant 0 : i32
      %gather3A_1065 = tpu.memref_slice %arg10[%gather3A_1062, %gather3A_1063, %gather3A_1064] : memref<4x64x128xf32, #tpu.memory_space<vmem>> -> memref<1x64x128xf32, #tpu.memory_space<vmem>>
      %gather3A_1066 = tpu.memref_squeeze %gather3A_1065 : memref<1x64x128xf32, #tpu.memory_space<vmem>> -> memref<64x128xf32, #tpu.memory_space<vmem>>
      %gather3A_1067 = tpu.vector_load_idx %gather3A_1066[%add3A_1061, %broadcast_in_dim3A_1000] : memref<64x128xf32, #tpu.memory_space<vmem>>[vector<16xi32>, vector<16xi32>], vector<16xf32>,
      %gather3A_1068 = arith.constant 1 : i32
      %gather3A_1069 = arith.constant 0 : i32
      %gather3A_1070 = arith.constant 0 : i32
      %gather3A_1071 = tpu.memref_slice %arg11[%gather3A_1068, %gather3A_1069, %gather3A_1070] : memref<4x64x128xf32, #tpu.memory_space<vmem>> -> memref<1x64x128xf32, #tpu.memory_space<vmem>>
      %gather3A_1072 = tpu.memref_squeeze %gather3A_1071 : memref<1x64x128xf32, #tpu.memory_space<vmem>> -> memref<64x128xf32, #tpu.memory_space<vmem>>
      %gather3A_1073 = tpu.vector_load_idx %gather3A_1072[%add3A_1061, %broadcast_in_dim3A_1005] : memref<64x128xf32, #tpu.memory_space<vmem>>[vector<16xi32>, vector<16xi32>], vector<16xf32>,
      %mul3A_1074 = arith.mulf %gather3A_1067, %gather3A_1073 : vector<16xf32>
      %add3A_1075 = arith.addf %add3A_1058, %mul3A_1074 : vector<16xf32>
      %reduce_sum3A_1076 = arith.constant true
      %reduce_sum3A_1077 = vector.broadcast %reduce_sum3A_1076 : i1 to vector<16xi1>
      %reduce_sum3A_1078 = tpu.scan <sum>, %add3A_1075 masked %reduce_sum3A_1077 : vector<16xf32>, vector<16xi1> -> vector<16xf32>
      %reduce_sum3A_1079 = vector.extract %reduce_sum3A_1078[15] : f32 from vector<16xf32>
      %eq3A_1080 = arith.constant 5 : i32
      %eq3A_1081 = vector.broadcast %eq3A_1080 : i32 to vector<16xi32>
      %eq3A_1082 = arith.cmpi eq, %iota3A, %eq3A_1081 : vector<16xi32>
      %add3A_1083 = vector.broadcast %reduce_sum3A_1079 : f32 to vector<16xf32>
      %add3A_1084 = arith.addf %select_n3A_927, %add3A_1083 : vector<16xf32>
      %select_n3A_1085 = arith.select %eq3A_1082, %add3A_1084, %select_n3A_927 : vector<16xi1>, vector<16xf32>
      %slice3A_1086 = vector.extract_strided_slice %get3A_125 {offsets = [9], sizes = [1], strides = [1]} : vector<16xi32> to vector<1xi32>
      %squeeze3A_1087 = vector.extract %slice3A_1086[0] : i32 from vector<1xi32>
      %slice3A_1088 = vector.extract_strided_slice %get3A_129 {offsets = [9], sizes = [1], strides = [1]} : vector<16xi32> to vector<1xi32>
      %squeeze3A_1089 = vector.extract %slice3A_1088[0] : i32 from vector<1xi32>
      %shift_right_logical3A_1090 = arith.constant 7 : i32
      %shift_right_logical3A_1091 = arith.shrui %squeeze3A_1087, %shift_right_logical3A_1090 : i32
      %mul3A_1092 = arith.constant 128 : i32
      %mul3A_1093 = arith.muli %shift_right_logical3A_1091, %mul3A_1092 : i32
      %shift_right_logical3A_1094 = arith.constant 7 : i32
      %shift_right_logical3A_1095 = arith.shrui %squeeze3A_1089, %shift_right_logical3A_1094 : i32
      %mul3A_1096 = arith.constant 128 : i32
      %mul3A_1097 = arith.muli %shift_right_logical3A_1095, %mul3A_1096 : i32
      %dma_start3A_1098 = arith.constant 1 : i32
      %dma_start3A_1099 = arith.constant 0 : i32
      %dma_start3A_1100 = arith.constant 0 : i32
      %dma_start3A_1101 = tpu.memref_slice %arg10[%dma_start3A_1098, %dma_start3A_1099, %dma_start3A_1100] : memref<4x64x128xf32, #tpu.memory_space<vmem>> -> memref<1x64x128xf32, #tpu.memory_space<vmem>>
      %dma_start3A_1102 = tpu.memref_squeeze %dma_start3A_1101 : memref<1x64x128xf32, #tpu.memory_space<vmem>> -> memref<64x128xf32, #tpu.memory_space<vmem>>
      %dma_start3A_1103 = arith.constant 0 : i32
      %dma_start3A_1104 = tpu.memref_slice %arg4[%dma_start3A_1103, %mul3A_1093] : memref<64x1000000xf32, #tpu.memory_space<hbm>> -> memref<64x128xf32, #tpu.memory_space<hbm>>
      %dma_start3A_1105 = arith.constant 0 : i32
      %dma_start3A_1106 = arith.constant 0 : i32
      %dma_start3A_1107 = tpu.memref_slice %arg10[%dma_start3A_1098, %dma_start3A_1105, %dma_start3A_1106] : memref<4x64x128xf32, #tpu.memory_space<vmem>> -> memref<1x64x128xf32, #tpu.memory_space<vmem>>
      %dma_start3A_1108 = tpu.memref_squeeze %dma_start3A_1107 : memref<1x64x128xf32, #tpu.memory_space<vmem>> -> memref<64x128xf32, #tpu.memory_space<vmem>>
      %dma_start3A_1109 = arith.constant 0 : i32
      %dma_start3A_1110 = tpu.memref_slice %arg4[%dma_start3A_1109, %mul3A_1093] : memref<64x1000000xf32, #tpu.memory_space<hbm>> -> memref<64x128xf32, #tpu.memory_space<hbm>>
      tpu.enqueue_dma source(%dma_start3A_1110 : memref<64x128xf32, #tpu.memory_space<hbm>>) target(%dma_start3A_1108 : memref<64x128xf32, #tpu.memory_space<vmem>>) target_semaphore(%arg14 : memref<!tpu.dma_semaphore, #tpu.memory_space<semaphore_mem>>)
      %dma_start3A_1111 = arith.constant 1 : i32
      %dma_start3A_1112 = arith.constant 0 : i32
      %dma_start3A_1113 = arith.constant 0 : i32
      %dma_start3A_1114 = tpu.memref_slice %arg11[%dma_start3A_1111, %dma_start3A_1112, %dma_start3A_1113] : memref<4x64x128xf32, #tpu.memory_space<vmem>> -> memref<1x64x128xf32, #tpu.memory_space<vmem>>
      %dma_start3A_1115 = tpu.memref_squeeze %dma_start3A_1114 : memref<1x64x128xf32, #tpu.memory_space<vmem>> -> memref<64x128xf32, #tpu.memory_space<vmem>>
      %dma_start3A_1116 = arith.constant 0 : i32
      %dma_start3A_1117 = tpu.memref_slice %arg5[%dma_start3A_1116, %mul3A_1097] : memref<64x1000000xf32, #tpu.memory_space<hbm>> -> memref<64x128xf32, #tpu.memory_space<hbm>>
      %dma_start3A_1118 = arith.constant 0 : i32
      %dma_start3A_1119 = arith.constant 0 : i32
      %dma_start3A_1120 = tpu.memref_slice %arg11[%dma_start3A_1111, %dma_start3A_1118, %dma_start3A_1119] : memref<4x64x128xf32, #tpu.memory_space<vmem>> -> memref<1x64x128xf32, #tpu.memory_space<vmem>>
      %dma_start3A_1121 = tpu.memref_squeeze %dma_start3A_1120 : memref<1x64x128xf32, #tpu.memory_space<vmem>> -> memref<64x128xf32, #tpu.memory_space<vmem>>
      %dma_start3A_1122 = arith.constant 0 : i32
      %dma_start3A_1123 = tpu.memref_slice %arg5[%dma_start3A_1122, %mul3A_1097] : memref<64x1000000xf32, #tpu.memory_space<hbm>> -> memref<64x128xf32, #tpu.memory_space<hbm>>
      tpu.enqueue_dma source(%dma_start3A_1123 : memref<64x128xf32, #tpu.memory_space<hbm>>) target(%dma_start3A_1121 : memref<64x128xf32, #tpu.memory_space<vmem>>) target_semaphore(%arg15 : memref<!tpu.dma_semaphore, #tpu.memory_space<semaphore_mem>>)
      %dma_wait3A_1124 = arith.constant 2 : i32
      %dma_wait3A_1125 = arith.constant 0 : i32
      %dma_wait3A_1126 = arith.constant 0 : i32
      %dma_wait3A_1127 = tpu.memref_slice %arg10[%dma_wait3A_1124, %dma_wait3A_1125, %dma_wait3A_1126] : memref<4x64x128xf32, #tpu.memory_space<vmem>> -> memref<1x64x128xf32, #tpu.memory_space<vmem>>
      %dma_wait3A_1128 = tpu.memref_squeeze %dma_wait3A_1127 : memref<1x64x128xf32, #tpu.memory_space<vmem>> -> memref<64x128xf32, #tpu.memory_space<vmem>>
      %dma_wait3A_1129 = arith.constant 0 : i32
      %dma_wait3A_1130 = arith.constant 0 : i32
      %dma_wait3A_1131 = tpu.memref_slice %arg4[%dma_wait3A_1129, %dma_wait3A_1130] : memref<64x1000000xf32, #tpu.memory_space<hbm>> -> memref<64x128xf32, #tpu.memory_space<hbm>>
      %dma_wait3A_1132 = arith.constant 0 : i32
      %dma_wait3A_1133 = arith.constant 0 : i32
      %dma_wait3A_1134 = tpu.memref_slice %arg10[%dma_wait3A_1124, %dma_wait3A_1132, %dma_wait3A_1133] : memref<4x64x128xf32, #tpu.memory_space<vmem>> -> memref<1x64x128xf32, #tpu.memory_space<vmem>>
      %dma_wait3A_1135 = tpu.memref_squeeze %dma_wait3A_1134 : memref<1x64x128xf32, #tpu.memory_space<vmem>> -> memref<64x128xf32, #tpu.memory_space<vmem>>
      %dma_wait3A_1136 = arith.constant 0 : i32
      %dma_wait3A_1137 = arith.constant 0 : i32
      %dma_wait3A_1138 = tpu.memref_slice %arg4[%dma_wait3A_1136, %dma_wait3A_1137] : memref<64x1000000xf32, #tpu.memory_space<hbm>> -> memref<64x128xf32, #tpu.memory_space<hbm>>
      tpu.wait_dma2 semaphore(%arg14 : memref<!tpu.dma_semaphore, #tpu.memory_space<semaphore_mem>>) src(%dma_wait3A_1138 : memref<64x128xf32, #tpu.memory_space<hbm>>) dst(%dma_wait3A_1135 : memref<64x128xf32, #tpu.memory_space<vmem>>)
      %dma_wait3A_1139 = arith.constant 2 : i32
      %dma_wait3A_1140 = arith.constant 0 : i32
      %dma_wait3A_1141 = arith.constant 0 : i32
      %dma_wait3A_1142 = tpu.memref_slice %arg11[%dma_wait3A_1139, %dma_wait3A_1140, %dma_wait3A_1141] : memref<4x64x128xf32, #tpu.memory_space<vmem>> -> memref<1x64x128xf32, #tpu.memory_space<vmem>>
      %dma_wait3A_1143 = tpu.memref_squeeze %dma_wait3A_1142 : memref<1x64x128xf32, #tpu.memory_space<vmem>> -> memref<64x128xf32, #tpu.memory_space<vmem>>
      %dma_wait3A_1144 = arith.constant 0 : i32
      %dma_wait3A_1145 = arith.constant 0 : i32
      %dma_wait3A_1146 = tpu.memref_slice %arg5[%dma_wait3A_1144, %dma_wait3A_1145] : memref<64x1000000xf32, #tpu.memory_space<hbm>> -> memref<64x128xf32, #tpu.memory_space<hbm>>
      %dma_wait3A_1147 = arith.constant 0 : i32
      %dma_wait3A_1148 = arith.constant 0 : i32
      %dma_wait3A_1149 = tpu.memref_slice %arg11[%dma_wait3A_1139, %dma_wait3A_1147, %dma_wait3A_1148] : memref<4x64x128xf32, #tpu.memory_space<vmem>> -> memref<1x64x128xf32, #tpu.memory_space<vmem>>
      %dma_wait3A_1150 = tpu.memref_squeeze %dma_wait3A_1149 : memref<1x64x128xf32, #tpu.memory_space<vmem>> -> memref<64x128xf32, #tpu.memory_space<vmem>>
      %dma_wait3A_1151 = arith.constant 0 : i32
      %dma_wait3A_1152 = arith.constant 0 : i32
      %dma_wait3A_1153 = tpu.memref_slice %arg5[%dma_wait3A_1151, %dma_wait3A_1152] : memref<64x1000000xf32, #tpu.memory_space<hbm>> -> memref<64x128xf32, #tpu.memory_space<hbm>>
      tpu.wait_dma2 semaphore(%arg15 : memref<!tpu.dma_semaphore, #tpu.memory_space<semaphore_mem>>) src(%dma_wait3A_1153 : memref<64x128xf32, #tpu.memory_space<hbm>>) dst(%dma_wait3A_1150 : memref<64x128xf32, #tpu.memory_space<vmem>>)
      %slice3A_1154 = vector.extract_strided_slice %get3A_125 {offsets = [6], sizes = [1], strides = [1]} : vector<16xi32> to vector<1xi32>
      %squeeze3A_1155 = vector.extract %slice3A_1154[0] : i32 from vector<1xi32>
      %and3A_1156 = arith.constant 127 : i32
      %and3A_1157 = arith.andi %squeeze3A_1155, %and3A_1156 : i32
      %broadcast_in_dim3A_1158 = vector.broadcast %and3A_1157 : i32 to vector<16xi32>
      %slice3A_1159 = vector.extract_strided_slice %get3A_129 {offsets = [6], sizes = [1], strides = [1]} : vector<16xi32> to vector<1xi32>
      %squeeze3A_1160 = vector.extract %slice3A_1159[0] : i32 from vector<1xi32>
      %and3A_1161 = arith.constant 127 : i32
      %and3A_1162 = arith.andi %squeeze3A_1160, %and3A_1161 : i32
      %broadcast_in_dim3A_1163 = vector.broadcast %and3A_1162 : i32 to vector<16xi32>
      %broadcast_in_dim3A_1164 = arith.constant 0.000000e+00 : f32
      %broadcast_in_dim3A_1165 = vector.broadcast %broadcast_in_dim3A_1164 : f32 to vector<16xf32>
      %add3A_1166 = arith.constant 0 : i32
      %add3A_1167 = vector.broadcast %add3A_1166 : i32 to vector<16xi32>
      %add3A_1168 = arith.addi %add3A_1167, %iota3A : vector<16xi32>
      %gather3A_1169 = arith.constant 2 : i32
      %gather3A_1170 = arith.constant 0 : i32
      %gather3A_1171 = arith.constant 0 : i32
      %gather3A_1172 = tpu.memref_slice %arg10[%gather3A_1169, %gather3A_1170, %gather3A_1171] : memref<4x64x128xf32, #tpu.memory_space<vmem>> -> memref<1x64x128xf32, #tpu.memory_space<vmem>>
      %gather3A_1173 = tpu.memref_squeeze %gather3A_1172 : memref<1x64x128xf32, #tpu.memory_space<vmem>> -> memref<64x128xf32, #tpu.memory_space<vmem>>
      %gather3A_1174 = tpu.vector_load_idx %gather3A_1173[%add3A_1168, %broadcast_in_dim3A_1158] : memref<64x128xf32, #tpu.memory_space<vmem>>[vector<16xi32>, vector<16xi32>], vector<16xf32>,
      %gather3A_1175 = arith.constant 2 : i32
      %gather3A_1176 = arith.constant 0 : i32
      %gather3A_1177 = arith.constant 0 : i32
      %gather3A_1178 = tpu.memref_slice %arg11[%gather3A_1175, %gather3A_1176, %gather3A_1177] : memref<4x64x128xf32, #tpu.memory_space<vmem>> -> memref<1x64x128xf32, #tpu.memory_space<vmem>>
      %gather3A_1179 = tpu.memref_squeeze %gather3A_1178 : memref<1x64x128xf32, #tpu.memory_space<vmem>> -> memref<64x128xf32, #tpu.memory_space<vmem>>
      %gather3A_1180 = tpu.vector_load_idx %gather3A_1179[%add3A_1168, %broadcast_in_dim3A_1163] : memref<64x128xf32, #tpu.memory_space<vmem>>[vector<16xi32>, vector<16xi32>], vector<16xf32>,
      %mul3A_1181 = arith.mulf %gather3A_1174, %gather3A_1180 : vector<16xf32>
      %add3A_1182 = arith.addf %broadcast_in_dim3A_1165, %mul3A_1181 : vector<16xf32>
      %add3A_1183 = arith.constant 16 : i32
      %add3A_1184 = vector.broadcast %add3A_1183 : i32 to vector<16xi32>
      %add3A_1185 = arith.addi %add3A_1184, %iota3A : vector<16xi32>
      %gather3A_1186 = arith.constant 2 : i32
      %gather3A_1187 = arith.constant 0 : i32
      %gather3A_1188 = arith.constant 0 : i32
      %gather3A_1189 = tpu.memref_slice %arg10[%gather3A_1186, %gather3A_1187, %gather3A_1188] : memref<4x64x128xf32, #tpu.memory_space<vmem>> -> memref<1x64x128xf32, #tpu.memory_space<vmem>>
      %gather3A_1190 = tpu.memref_squeeze %gather3A_1189 : memref<1x64x128xf32, #tpu.memory_space<vmem>> -> memref<64x128xf32, #tpu.memory_space<vmem>>
      %gather3A_1191 = tpu.vector_load_idx %gather3A_1190[%add3A_1185, %broadcast_in_dim3A_1158] : memref<64x128xf32, #tpu.memory_space<vmem>>[vector<16xi32>, vector<16xi32>], vector<16xf32>,
      %gather3A_1192 = arith.constant 2 : i32
      %gather3A_1193 = arith.constant 0 : i32
      %gather3A_1194 = arith.constant 0 : i32
      %gather3A_1195 = tpu.memref_slice %arg11[%gather3A_1192, %gather3A_1193, %gather3A_1194] : memref<4x64x128xf32, #tpu.memory_space<vmem>> -> memref<1x64x128xf32, #tpu.memory_space<vmem>>
      %gather3A_1196 = tpu.memref_squeeze %gather3A_1195 : memref<1x64x128xf32, #tpu.memory_space<vmem>> -> memref<64x128xf32, #tpu.memory_space<vmem>>
      %gather3A_1197 = tpu.vector_load_idx %gather3A_1196[%add3A_1185, %broadcast_in_dim3A_1163] : memref<64x128xf32, #tpu.memory_space<vmem>>[vector<16xi32>, vector<16xi32>], vector<16xf32>,
      %mul3A_1198 = arith.mulf %gather3A_1191, %gather3A_1197 : vector<16xf32>
      %add3A_1199 = arith.addf %add3A_1182, %mul3A_1198 : vector<16xf32>
      %add3A_1200 = arith.constant 32 : i32
      %add3A_1201 = vector.broadcast %add3A_1200 : i32 to vector<16xi32>
      %add3A_1202 = arith.addi %add3A_1201, %iota3A : vector<16xi32>
      %gather3A_1203 = arith.constant 2 : i32
      %gather3A_1204 = arith.constant 0 : i32
      %gather3A_1205 = arith.constant 0 : i32
      %gather3A_1206 = tpu.memref_slice %arg10[%gather3A_1203, %gather3A_1204, %gather3A_1205] : memref<4x64x128xf32, #tpu.memory_space<vmem>> -> memref<1x64x128xf32, #tpu.memory_space<vmem>>
      %gather3A_1207 = tpu.memref_squeeze %gather3A_1206 : memref<1x64x128xf32, #tpu.memory_space<vmem>> -> memref<64x128xf32, #tpu.memory_space<vmem>>
      %gather3A_1208 = tpu.vector_load_idx %gather3A_1207[%add3A_1202, %broadcast_in_dim3A_1158] : memref<64x128xf32, #tpu.memory_space<vmem>>[vector<16xi32>, vector<16xi32>], vector<16xf32>,
      %gather3A_1209 = arith.constant 2 : i32
      %gather3A_1210 = arith.constant 0 : i32
      %gather3A_1211 = arith.constant 0 : i32
      %gather3A_1212 = tpu.memref_slice %arg11[%gather3A_1209, %gather3A_1210, %gather3A_1211] : memref<4x64x128xf32, #tpu.memory_space<vmem>> -> memref<1x64x128xf32, #tpu.memory_space<vmem>>
      %gather3A_1213 = tpu.memref_squeeze %gather3A_1212 : memref<1x64x128xf32, #tpu.memory_space<vmem>> -> memref<64x128xf32, #tpu.memory_space<vmem>>
      %gather3A_1214 = tpu.vector_load_idx %gather3A_1213[%add3A_1202, %broadcast_in_dim3A_1163] : memref<64x128xf32, #tpu.memory_space<vmem>>[vector<16xi32>, vector<16xi32>], vector<16xf32>,
      %mul3A_1215 = arith.mulf %gather3A_1208, %gather3A_1214 : vector<16xf32>
      %add3A_1216 = arith.addf %add3A_1199, %mul3A_1215 : vector<16xf32>
      %add3A_1217 = arith.constant 48 : i32
      %add3A_1218 = vector.broadcast %add3A_1217 : i32 to vector<16xi32>
      %add3A_1219 = arith.addi %add3A_1218, %iota3A : vector<16xi32>
      %gather3A_1220 = arith.constant 2 : i32
      %gather3A_1221 = arith.constant 0 : i32
      %gather3A_1222 = arith.constant 0 : i32
      %gather3A_1223 = tpu.memref_slice %arg10[%gather3A_1220, %gather3A_1221, %gather3A_1222] : memref<4x64x128xf32, #tpu.memory_space<vmem>> -> memref<1x64x128xf32, #tpu.memory_space<vmem>>
      %gather3A_1224 = tpu.memref_squeeze %gather3A_1223 : memref<1x64x128xf32, #tpu.memory_space<vmem>> -> memref<64x128xf32, #tpu.memory_space<vmem>>
      %gather3A_1225 = tpu.vector_load_idx %gather3A_1224[%add3A_1219, %broadcast_in_dim3A_1158] : memref<64x128xf32, #tpu.memory_space<vmem>>[vector<16xi32>, vector<16xi32>], vector<16xf32>,
      %gather3A_1226 = arith.constant 2 : i32
      %gather3A_1227 = arith.constant 0 : i32
      %gather3A_1228 = arith.constant 0 : i32
      %gather3A_1229 = tpu.memref_slice %arg11[%gather3A_1226, %gather3A_1227, %gather3A_1228] : memref<4x64x128xf32, #tpu.memory_space<vmem>> -> memref<1x64x128xf32, #tpu.memory_space<vmem>>
      %gather3A_1230 = tpu.memref_squeeze %gather3A_1229 : memref<1x64x128xf32, #tpu.memory_space<vmem>> -> memref<64x128xf32, #tpu.memory_space<vmem>>
      %gather3A_1231 = tpu.vector_load_idx %gather3A_1230[%add3A_1219, %broadcast_in_dim3A_1163] : memref<64x128xf32, #tpu.memory_space<vmem>>[vector<16xi32>, vector<16xi32>], vector<16xf32>,
      %mul3A_1232 = arith.mulf %gather3A_1225, %gather3A_1231 : vector<16xf32>
      %add3A_1233 = arith.addf %add3A_1216, %mul3A_1232 : vector<16xf32>
      %reduce_sum3A_1234 = arith.constant true
      %reduce_sum3A_1235 = vector.broadcast %reduce_sum3A_1234 : i1 to vector<16xi1>
      %reduce_sum3A_1236 = tpu.scan <sum>, %add3A_1233 masked %reduce_sum3A_1235 : vector<16xf32>, vector<16xi1> -> vector<16xf32>
      %reduce_sum3A_1237 = vector.extract %reduce_sum3A_1236[15] : f32 from vector<16xf32>
      %eq3A_1238 = arith.constant 6 : i32
      %eq3A_1239 = vector.broadcast %eq3A_1238 : i32 to vector<16xi32>
      %eq3A_1240 = arith.cmpi eq, %iota3A, %eq3A_1239 : vector<16xi32>
      %add3A_1241 = vector.broadcast %reduce_sum3A_1237 : f32 to vector<16xf32>
      %add3A_1242 = arith.addf %select_n3A_1085, %add3A_1241 : vector<16xf32>
      %select_n3A_1243 = arith.select %eq3A_1240, %add3A_1242, %select_n3A_1085 : vector<16xi1>, vector<16xf32>
      %slice3A_1244 = vector.extract_strided_slice %get3A_125 {offsets = [10], sizes = [1], strides = [1]} : vector<16xi32> to vector<1xi32>
      %squeeze3A_1245 = vector.extract %slice3A_1244[0] : i32 from vector<1xi32>
      %slice3A_1246 = vector.extract_strided_slice %get3A_129 {offsets = [10], sizes = [1], strides = [1]} : vector<16xi32> to vector<1xi32>
      %squeeze3A_1247 = vector.extract %slice3A_1246[0] : i32 from vector<1xi32>
      %shift_right_logical3A_1248 = arith.constant 7 : i32
      %shift_right_logical3A_1249 = arith.shrui %squeeze3A_1245, %shift_right_logical3A_1248 : i32
      %mul3A_1250 = arith.constant 128 : i32
      %mul3A_1251 = arith.muli %shift_right_logical3A_1249, %mul3A_1250 : i32
      %shift_right_logical3A_1252 = arith.constant 7 : i32
      %shift_right_logical3A_1253 = arith.shrui %squeeze3A_1247, %shift_right_logical3A_1252 : i32
      %mul3A_1254 = arith.constant 128 : i32
      %mul3A_1255 = arith.muli %shift_right_logical3A_1253, %mul3A_1254 : i32
      %dma_start3A_1256 = arith.constant 2 : i32
      %dma_start3A_1257 = arith.constant 0 : i32
      %dma_start3A_1258 = arith.constant 0 : i32
      %dma_start3A_1259 = tpu.memref_slice %arg10[%dma_start3A_1256, %dma_start3A_1257, %dma_start3A_1258] : memref<4x64x128xf32, #tpu.memory_space<vmem>> -> memref<1x64x128xf32, #tpu.memory_space<vmem>>
      %dma_start3A_1260 = tpu.memref_squeeze %dma_start3A_1259 : memref<1x64x128xf32, #tpu.memory_space<vmem>> -> memref<64x128xf32, #tpu.memory_space<vmem>>
      %dma_start3A_1261 = arith.constant 0 : i32
      %dma_start3A_1262 = tpu.memref_slice %arg4[%dma_start3A_1261, %mul3A_1251] : memref<64x1000000xf32, #tpu.memory_space<hbm>> -> memref<64x128xf32, #tpu.memory_space<hbm>>
      %dma_start3A_1263 = arith.constant 0 : i32
      %dma_start3A_1264 = arith.constant 0 : i32
      %dma_start3A_1265 = tpu.memref_slice %arg10[%dma_start3A_1256, %dma_start3A_1263, %dma_start3A_1264] : memref<4x64x128xf32, #tpu.memory_space<vmem>> -> memref<1x64x128xf32, #tpu.memory_space<vmem>>
      %dma_start3A_1266 = tpu.memref_squeeze %dma_start3A_1265 : memref<1x64x128xf32, #tpu.memory_space<vmem>> -> memref<64x128xf32, #tpu.memory_space<vmem>>
      %dma_start3A_1267 = arith.constant 0 : i32
      %dma_start3A_1268 = tpu.memref_slice %arg4[%dma_start3A_1267, %mul3A_1251] : memref<64x1000000xf32, #tpu.memory_space<hbm>> -> memref<64x128xf32, #tpu.memory_space<hbm>>
      tpu.enqueue_dma source(%dma_start3A_1268 : memref<64x128xf32, #tpu.memory_space<hbm>>) target(%dma_start3A_1266 : memref<64x128xf32, #tpu.memory_space<vmem>>) target_semaphore(%arg14 : memref<!tpu.dma_semaphore, #tpu.memory_space<semaphore_mem>>)
      %dma_start3A_1269 = arith.constant 2 : i32
      %dma_start3A_1270 = arith.constant 0 : i32
      %dma_start3A_1271 = arith.constant 0 : i32
      %dma_start3A_1272 = tpu.memref_slice %arg11[%dma_start3A_1269, %dma_start3A_1270, %dma_start3A_1271] : memref<4x64x128xf32, #tpu.memory_space<vmem>> -> memref<1x64x128xf32, #tpu.memory_space<vmem>>
      %dma_start3A_1273 = tpu.memref_squeeze %dma_start3A_1272 : memref<1x64x128xf32, #tpu.memory_space<vmem>> -> memref<64x128xf32, #tpu.memory_space<vmem>>
      %dma_start3A_1274 = arith.constant 0 : i32
      %dma_start3A_1275 = tpu.memref_slice %arg5[%dma_start3A_1274, %mul3A_1255] : memref<64x1000000xf32, #tpu.memory_space<hbm>> -> memref<64x128xf32, #tpu.memory_space<hbm>>
      %dma_start3A_1276 = arith.constant 0 : i32
      %dma_start3A_1277 = arith.constant 0 : i32
      %dma_start3A_1278 = tpu.memref_slice %arg11[%dma_start3A_1269, %dma_start3A_1276, %dma_start3A_1277] : memref<4x64x128xf32, #tpu.memory_space<vmem>> -> memref<1x64x128xf32, #tpu.memory_space<vmem>>
      %dma_start3A_1279 = tpu.memref_squeeze %dma_start3A_1278 : memref<1x64x128xf32, #tpu.memory_space<vmem>> -> memref<64x128xf32, #tpu.memory_space<vmem>>
      %dma_start3A_1280 = arith.constant 0 : i32
      %dma_start3A_1281 = tpu.memref_slice %arg5[%dma_start3A_1280, %mul3A_1255] : memref<64x1000000xf32, #tpu.memory_space<hbm>> -> memref<64x128xf32, #tpu.memory_space<hbm>>
      tpu.enqueue_dma source(%dma_start3A_1281 : memref<64x128xf32, #tpu.memory_space<hbm>>) target(%dma_start3A_1279 : memref<64x128xf32, #tpu.memory_space<vmem>>) target_semaphore(%arg15 : memref<!tpu.dma_semaphore, #tpu.memory_space<semaphore_mem>>)
      %dma_wait3A_1282 = arith.constant 3 : i32
      %dma_wait3A_1283 = arith.constant 0 : i32
      %dma_wait3A_1284 = arith.constant 0 : i32
      %dma_wait3A_1285 = tpu.memref_slice %arg10[%dma_wait3A_1282, %dma_wait3A_1283, %dma_wait3A_1284] : memref<4x64x128xf32, #tpu.memory_space<vmem>> -> memref<1x64x128xf32, #tpu.memory_space<vmem>>
      %dma_wait3A_1286 = tpu.memref_squeeze %dma_wait3A_1285 : memref<1x64x128xf32, #tpu.memory_space<vmem>> -> memref<64x128xf32, #tpu.memory_space<vmem>>
      %dma_wait3A_1287 = arith.constant 0 : i32
      %dma_wait3A_1288 = arith.constant 0 : i32
      %dma_wait3A_1289 = tpu.memref_slice %arg4[%dma_wait3A_1287, %dma_wait3A_1288] : memref<64x1000000xf32, #tpu.memory_space<hbm>> -> memref<64x128xf32, #tpu.memory_space<hbm>>
      %dma_wait3A_1290 = arith.constant 0 : i32
      %dma_wait3A_1291 = arith.constant 0 : i32
      %dma_wait3A_1292 = tpu.memref_slice %arg10[%dma_wait3A_1282, %dma_wait3A_1290, %dma_wait3A_1291] : memref<4x64x128xf32, #tpu.memory_space<vmem>> -> memref<1x64x128xf32, #tpu.memory_space<vmem>>
      %dma_wait3A_1293 = tpu.memref_squeeze %dma_wait3A_1292 : memref<1x64x128xf32, #tpu.memory_space<vmem>> -> memref<64x128xf32, #tpu.memory_space<vmem>>
      %dma_wait3A_1294 = arith.constant 0 : i32
      %dma_wait3A_1295 = arith.constant 0 : i32
      %dma_wait3A_1296 = tpu.memref_slice %arg4[%dma_wait3A_1294, %dma_wait3A_1295] : memref<64x1000000xf32, #tpu.memory_space<hbm>> -> memref<64x128xf32, #tpu.memory_space<hbm>>
      tpu.wait_dma2 semaphore(%arg14 : memref<!tpu.dma_semaphore, #tpu.memory_space<semaphore_mem>>) src(%dma_wait3A_1296 : memref<64x128xf32, #tpu.memory_space<hbm>>) dst(%dma_wait3A_1293 : memref<64x128xf32, #tpu.memory_space<vmem>>)
      %dma_wait3A_1297 = arith.constant 3 : i32
      %dma_wait3A_1298 = arith.constant 0 : i32
      %dma_wait3A_1299 = arith.constant 0 : i32
      %dma_wait3A_1300 = tpu.memref_slice %arg11[%dma_wait3A_1297, %dma_wait3A_1298, %dma_wait3A_1299] : memref<4x64x128xf32, #tpu.memory_space<vmem>> -> memref<1x64x128xf32, #tpu.memory_space<vmem>>
      %dma_wait3A_1301 = tpu.memref_squeeze %dma_wait3A_1300 : memref<1x64x128xf32, #tpu.memory_space<vmem>> -> memref<64x128xf32, #tpu.memory_space<vmem>>
      %dma_wait3A_1302 = arith.constant 0 : i32
      %dma_wait3A_1303 = arith.constant 0 : i32
      %dma_wait3A_1304 = tpu.memref_slice %arg5[%dma_wait3A_1302, %dma_wait3A_1303] : memref<64x1000000xf32, #tpu.memory_space<hbm>> -> memref<64x128xf32, #tpu.memory_space<hbm>>
      %dma_wait3A_1305 = arith.constant 0 : i32
      %dma_wait3A_1306 = arith.constant 0 : i32
      %dma_wait3A_1307 = tpu.memref_slice %arg11[%dma_wait3A_1297, %dma_wait3A_1305, %dma_wait3A_1306] : memref<4x64x128xf32, #tpu.memory_space<vmem>> -> memref<1x64x128xf32, #tpu.memory_space<vmem>>
      %dma_wait3A_1308 = tpu.memref_squeeze %dma_wait3A_1307 : memref<1x64x128xf32, #tpu.memory_space<vmem>> -> memref<64x128xf32, #tpu.memory_space<vmem>>
      %dma_wait3A_1309 = arith.constant 0 : i32
      %dma_wait3A_1310 = arith.constant 0 : i32
      %dma_wait3A_1311 = tpu.memref_slice %arg5[%dma_wait3A_1309, %dma_wait3A_1310] : memref<64x1000000xf32, #tpu.memory_space<hbm>> -> memref<64x128xf32, #tpu.memory_space<hbm>>
      tpu.wait_dma2 semaphore(%arg15 : memref<!tpu.dma_semaphore, #tpu.memory_space<semaphore_mem>>) src(%dma_wait3A_1311 : memref<64x128xf32, #tpu.memory_space<hbm>>) dst(%dma_wait3A_1308 : memref<64x128xf32, #tpu.memory_space<vmem>>)
      %slice3A_1312 = vector.extract_strided_slice %get3A_125 {offsets = [7], sizes = [1], strides = [1]} : vector<16xi32> to vector<1xi32>
      %squeeze3A_1313 = vector.extract %slice3A_1312[0] : i32 from vector<1xi32>
      %and3A_1314 = arith.constant 127 : i32
      %and3A_1315 = arith.andi %squeeze3A_1313, %and3A_1314 : i32
      %broadcast_in_dim3A_1316 = vector.broadcast %and3A_1315 : i32 to vector<16xi32>
      %slice3A_1317 = vector.extract_strided_slice %get3A_129 {offsets = [7], sizes = [1], strides = [1]} : vector<16xi32> to vector<1xi32>
      %squeeze3A_1318 = vector.extract %slice3A_1317[0] : i32 from vector<1xi32>
      %and3A_1319 = arith.constant 127 : i32
      %and3A_1320 = arith.andi %squeeze3A_1318, %and3A_1319 : i32
      %broadcast_in_dim3A_1321 = vector.broadcast %and3A_1320 : i32 to vector<16xi32>
      %broadcast_in_dim3A_1322 = arith.constant 0.000000e+00 : f32
      %broadcast_in_dim3A_1323 = vector.broadcast %broadcast_in_dim3A_1322 : f32 to vector<16xf32>
      %add3A_1324 = arith.constant 0 : i32
      %add3A_1325 = vector.broadcast %add3A_1324 : i32 to vector<16xi32>
      %add3A_1326 = arith.addi %add3A_1325, %iota3A : vector<16xi32>
      %gather3A_1327 = arith.constant 3 : i32
      %gather3A_1328 = arith.constant 0 : i32
      %gather3A_1329 = arith.constant 0 : i32
      %gather3A_1330 = tpu.memref_slice %arg10[%gather3A_1327, %gather3A_1328, %gather3A_1329] : memref<4x64x128xf32, #tpu.memory_space<vmem>> -> memref<1x64x128xf32, #tpu.memory_space<vmem>>
      %gather3A_1331 = tpu.memref_squeeze %gather3A_1330 : memref<1x64x128xf32, #tpu.memory_space<vmem>> -> memref<64x128xf32, #tpu.memory_space<vmem>>
      %gather3A_1332 = tpu.vector_load_idx %gather3A_1331[%add3A_1326, %broadcast_in_dim3A_1316] : memref<64x128xf32, #tpu.memory_space<vmem>>[vector<16xi32>, vector<16xi32>], vector<16xf32>,
      %gather3A_1333 = arith.constant 3 : i32
      %gather3A_1334 = arith.constant 0 : i32
      %gather3A_1335 = arith.constant 0 : i32
      %gather3A_1336 = tpu.memref_slice %arg11[%gather3A_1333, %gather3A_1334, %gather3A_1335] : memref<4x64x128xf32, #tpu.memory_space<vmem>> -> memref<1x64x128xf32, #tpu.memory_space<vmem>>
      %gather3A_1337 = tpu.memref_squeeze %gather3A_1336 : memref<1x64x128xf32, #tpu.memory_space<vmem>> -> memref<64x128xf32, #tpu.memory_space<vmem>>
      %gather3A_1338 = tpu.vector_load_idx %gather3A_1337[%add3A_1326, %broadcast_in_dim3A_1321] : memref<64x128xf32, #tpu.memory_space<vmem>>[vector<16xi32>, vector<16xi32>], vector<16xf32>,
      %mul3A_1339 = arith.mulf %gather3A_1332, %gather3A_1338 : vector<16xf32>
      %add3A_1340 = arith.addf %broadcast_in_dim3A_1323, %mul3A_1339 : vector<16xf32>
      %add3A_1341 = arith.constant 16 : i32
      %add3A_1342 = vector.broadcast %add3A_1341 : i32 to vector<16xi32>
      %add3A_1343 = arith.addi %add3A_1342, %iota3A : vector<16xi32>
      %gather3A_1344 = arith.constant 3 : i32
      %gather3A_1345 = arith.constant 0 : i32
      %gather3A_1346 = arith.constant 0 : i32
      %gather3A_1347 = tpu.memref_slice %arg10[%gather3A_1344, %gather3A_1345, %gather3A_1346] : memref<4x64x128xf32, #tpu.memory_space<vmem>> -> memref<1x64x128xf32, #tpu.memory_space<vmem>>
      %gather3A_1348 = tpu.memref_squeeze %gather3A_1347 : memref<1x64x128xf32, #tpu.memory_space<vmem>> -> memref<64x128xf32, #tpu.memory_space<vmem>>
      %gather3A_1349 = tpu.vector_load_idx %gather3A_1348[%add3A_1343, %broadcast_in_dim3A_1316] : memref<64x128xf32, #tpu.memory_space<vmem>>[vector<16xi32>, vector<16xi32>], vector<16xf32>,
      %gather3A_1350 = arith.constant 3 : i32
      %gather3A_1351 = arith.constant 0 : i32
      %gather3A_1352 = arith.constant 0 : i32
      %gather3A_1353 = tpu.memref_slice %arg11[%gather3A_1350, %gather3A_1351, %gather3A_1352] : memref<4x64x128xf32, #tpu.memory_space<vmem>> -> memref<1x64x128xf32, #tpu.memory_space<vmem>>
      %gather3A_1354 = tpu.memref_squeeze %gather3A_1353 : memref<1x64x128xf32, #tpu.memory_space<vmem>> -> memref<64x128xf32, #tpu.memory_space<vmem>>
      %gather3A_1355 = tpu.vector_load_idx %gather3A_1354[%add3A_1343, %broadcast_in_dim3A_1321] : memref<64x128xf32, #tpu.memory_space<vmem>>[vector<16xi32>, vector<16xi32>], vector<16xf32>,
      %mul3A_1356 = arith.mulf %gather3A_1349, %gather3A_1355 : vector<16xf32>
      %add3A_1357 = arith.addf %add3A_1340, %mul3A_1356 : vector<16xf32>
      %add3A_1358 = arith.constant 32 : i32
      %add3A_1359 = vector.broadcast %add3A_1358 : i32 to vector<16xi32>
      %add3A_1360 = arith.addi %add3A_1359, %iota3A : vector<16xi32>
      %gather3A_1361 = arith.constant 3 : i32
      %gather3A_1362 = arith.constant 0 : i32
      %gather3A_1363 = arith.constant 0 : i32
      %gather3A_1364 = tpu.memref_slice %arg10[%gather3A_1361, %gather3A_1362, %gather3A_1363] : memref<4x64x128xf32, #tpu.memory_space<vmem>> -> memref<1x64x128xf32, #tpu.memory_space<vmem>>
      %gather3A_1365 = tpu.memref_squeeze %gather3A_1364 : memref<1x64x128xf32, #tpu.memory_space<vmem>> -> memref<64x128xf32, #tpu.memory_space<vmem>>
      %gather3A_1366 = tpu.vector_load_idx %gather3A_1365[%add3A_1360, %broadcast_in_dim3A_1316] : memref<64x128xf32, #tpu.memory_space<vmem>>[vector<16xi32>, vector<16xi32>], vector<16xf32>,
      %gather3A_1367 = arith.constant 3 : i32
      %gather3A_1368 = arith.constant 0 : i32
      %gather3A_1369 = arith.constant 0 : i32
      %gather3A_1370 = tpu.memref_slice %arg11[%gather3A_1367, %gather3A_1368, %gather3A_1369] : memref<4x64x128xf32, #tpu.memory_space<vmem>> -> memref<1x64x128xf32, #tpu.memory_space<vmem>>
      %gather3A_1371 = tpu.memref_squeeze %gather3A_1370 : memref<1x64x128xf32, #tpu.memory_space<vmem>> -> memref<64x128xf32, #tpu.memory_space<vmem>>
      %gather3A_1372 = tpu.vector_load_idx %gather3A_1371[%add3A_1360, %broadcast_in_dim3A_1321] : memref<64x128xf32, #tpu.memory_space<vmem>>[vector<16xi32>, vector<16xi32>], vector<16xf32>,
      %mul3A_1373 = arith.mulf %gather3A_1366, %gather3A_1372 : vector<16xf32>
      %add3A_1374 = arith.addf %add3A_1357, %mul3A_1373 : vector<16xf32>
      %add3A_1375 = arith.constant 48 : i32
      %add3A_1376 = vector.broadcast %add3A_1375 : i32 to vector<16xi32>
      %add3A_1377 = arith.addi %add3A_1376, %iota3A : vector<16xi32>
      %gather3A_1378 = arith.constant 3 : i32
      %gather3A_1379 = arith.constant 0 : i32
      %gather3A_1380 = arith.constant 0 : i32
      %gather3A_1381 = tpu.memref_slice %arg10[%gather3A_1378, %gather3A_1379, %gather3A_1380] : memref<4x64x128xf32, #tpu.memory_space<vmem>> -> memref<1x64x128xf32, #tpu.memory_space<vmem>>
      %gather3A_1382 = tpu.memref_squeeze %gather3A_1381 : memref<1x64x128xf32, #tpu.memory_space<vmem>> -> memref<64x128xf32, #tpu.memory_space<vmem>>
      %gather3A_1383 = tpu.vector_load_idx %gather3A_1382[%add3A_1377, %broadcast_in_dim3A_1316] : memref<64x128xf32, #tpu.memory_space<vmem>>[vector<16xi32>, vector<16xi32>], vector<16xf32>,
      %gather3A_1384 = arith.constant 3 : i32
      %gather3A_1385 = arith.constant 0 : i32
      %gather3A_1386 = arith.constant 0 : i32
      %gather3A_1387 = tpu.memref_slice %arg11[%gather3A_1384, %gather3A_1385, %gather3A_1386] : memref<4x64x128xf32, #tpu.memory_space<vmem>> -> memref<1x64x128xf32, #tpu.memory_space<vmem>>
      %gather3A_1388 = tpu.memref_squeeze %gather3A_1387 : memref<1x64x128xf32, #tpu.memory_space<vmem>> -> memref<64x128xf32, #tpu.memory_space<vmem>>
      %gather3A_1389 = tpu.vector_load_idx %gather3A_1388[%add3A_1377, %broadcast_in_dim3A_1321] : memref<64x128xf32, #tpu.memory_space<vmem>>[vector<16xi32>, vector<16xi32>], vector<16xf32>,
      %mul3A_1390 = arith.mulf %gather3A_1383, %gather3A_1389 : vector<16xf32>
      %add3A_1391 = arith.addf %add3A_1374, %mul3A_1390 : vector<16xf32>
      %reduce_sum3A_1392 = arith.constant true
      %reduce_sum3A_1393 = vector.broadcast %reduce_sum3A_1392 : i1 to vector<16xi1>
      %reduce_sum3A_1394 = tpu.scan <sum>, %add3A_1391 masked %reduce_sum3A_1393 : vector<16xf32>, vector<16xi1> -> vector<16xf32>
      %reduce_sum3A_1395 = vector.extract %reduce_sum3A_1394[15] : f32 from vector<16xf32>
      %eq3A_1396 = arith.constant 7 : i32
      %eq3A_1397 = vector.broadcast %eq3A_1396 : i32 to vector<16xi32>
      %eq3A_1398 = arith.cmpi eq, %iota3A, %eq3A_1397 : vector<16xi32>
      %add3A_1399 = vector.broadcast %reduce_sum3A_1395 : f32 to vector<16xf32>
      %add3A_1400 = arith.addf %select_n3A_1243, %add3A_1399 : vector<16xf32>
      %select_n3A_1401 = arith.select %eq3A_1398, %add3A_1400, %select_n3A_1243 : vector<16xi1>, vector<16xf32>
      %slice3A_1402 = vector.extract_strided_slice %get3A_125 {offsets = [11], sizes = [1], strides = [1]} : vector<16xi32> to vector<1xi32>
      %squeeze3A_1403 = vector.extract %slice3A_1402[0] : i32 from vector<1xi32>
      %slice3A_1404 = vector.extract_strided_slice %get3A_129 {offsets = [11], sizes = [1], strides = [1]} : vector<16xi32> to vector<1xi32>
      %squeeze3A_1405 = vector.extract %slice3A_1404[0] : i32 from vector<1xi32>
      %shift_right_logical3A_1406 = arith.constant 7 : i32
      %shift_right_logical3A_1407 = arith.shrui %squeeze3A_1403, %shift_right_logical3A_1406 : i32
      %mul3A_1408 = arith.constant 128 : i32
      %mul3A_1409 = arith.muli %shift_right_logical3A_1407, %mul3A_1408 : i32
      %shift_right_logical3A_1410 = arith.constant 7 : i32
      %shift_right_logical3A_1411 = arith.shrui %squeeze3A_1405, %shift_right_logical3A_1410 : i32
      %mul3A_1412 = arith.constant 128 : i32
      %mul3A_1413 = arith.muli %shift_right_logical3A_1411, %mul3A_1412 : i32
      %dma_start3A_1414 = arith.constant 3 : i32
      %dma_start3A_1415 = arith.constant 0 : i32
      %dma_start3A_1416 = arith.constant 0 : i32
      %dma_start3A_1417 = tpu.memref_slice %arg10[%dma_start3A_1414, %dma_start3A_1415, %dma_start3A_1416] : memref<4x64x128xf32, #tpu.memory_space<vmem>> -> memref<1x64x128xf32, #tpu.memory_space<vmem>>
      %dma_start3A_1418 = tpu.memref_squeeze %dma_start3A_1417 : memref<1x64x128xf32, #tpu.memory_space<vmem>> -> memref<64x128xf32, #tpu.memory_space<vmem>>
      %dma_start3A_1419 = arith.constant 0 : i32
      %dma_start3A_1420 = tpu.memref_slice %arg4[%dma_start3A_1419, %mul3A_1409] : memref<64x1000000xf32, #tpu.memory_space<hbm>> -> memref<64x128xf32, #tpu.memory_space<hbm>>
      %dma_start3A_1421 = arith.constant 0 : i32
      %dma_start3A_1422 = arith.constant 0 : i32
      %dma_start3A_1423 = tpu.memref_slice %arg10[%dma_start3A_1414, %dma_start3A_1421, %dma_start3A_1422] : memref<4x64x128xf32, #tpu.memory_space<vmem>> -> memref<1x64x128xf32, #tpu.memory_space<vmem>>
      %dma_start3A_1424 = tpu.memref_squeeze %dma_start3A_1423 : memref<1x64x128xf32, #tpu.memory_space<vmem>> -> memref<64x128xf32, #tpu.memory_space<vmem>>
      %dma_start3A_1425 = arith.constant 0 : i32
      %dma_start3A_1426 = tpu.memref_slice %arg4[%dma_start3A_1425, %mul3A_1409] : memref<64x1000000xf32, #tpu.memory_space<hbm>> -> memref<64x128xf32, #tpu.memory_space<hbm>>
      tpu.enqueue_dma source(%dma_start3A_1426 : memref<64x128xf32, #tpu.memory_space<hbm>>) target(%dma_start3A_1424 : memref<64x128xf32, #tpu.memory_space<vmem>>) target_semaphore(%arg14 : memref<!tpu.dma_semaphore, #tpu.memory_space<semaphore_mem>>)
      %dma_start3A_1427 = arith.constant 3 : i32
      %dma_start3A_1428 = arith.constant 0 : i32
      %dma_start3A_1429 = arith.constant 0 : i32
      %dma_start3A_1430 = tpu.memref_slice %arg11[%dma_start3A_1427, %dma_start3A_1428, %dma_start3A_1429] : memref<4x64x128xf32, #tpu.memory_space<vmem>> -> memref<1x64x128xf32, #tpu.memory_space<vmem>>
      %dma_start3A_1431 = tpu.memref_squeeze %dma_start3A_1430 : memref<1x64x128xf32, #tpu.memory_space<vmem>> -> memref<64x128xf32, #tpu.memory_space<vmem>>
      %dma_start3A_1432 = arith.constant 0 : i32
      %dma_start3A_1433 = tpu.memref_slice %arg5[%dma_start3A_1432, %mul3A_1413] : memref<64x1000000xf32, #tpu.memory_space<hbm>> -> memref<64x128xf32, #tpu.memory_space<hbm>>
      %dma_start3A_1434 = arith.constant 0 : i32
      %dma_start3A_1435 = arith.constant 0 : i32
      %dma_start3A_1436 = tpu.memref_slice %arg11[%dma_start3A_1427, %dma_start3A_1434, %dma_start3A_1435] : memref<4x64x128xf32, #tpu.memory_space<vmem>> -> memref<1x64x128xf32, #tpu.memory_space<vmem>>
      %dma_start3A_1437 = tpu.memref_squeeze %dma_start3A_1436 : memref<1x64x128xf32, #tpu.memory_space<vmem>> -> memref<64x128xf32, #tpu.memory_space<vmem>>
      %dma_start3A_1438 = arith.constant 0 : i32
      %dma_start3A_1439 = tpu.memref_slice %arg5[%dma_start3A_1438, %mul3A_1413] : memref<64x1000000xf32, #tpu.memory_space<hbm>> -> memref<64x128xf32, #tpu.memory_space<hbm>>
      tpu.enqueue_dma source(%dma_start3A_1439 : memref<64x128xf32, #tpu.memory_space<hbm>>) target(%dma_start3A_1437 : memref<64x128xf32, #tpu.memory_space<vmem>>) target_semaphore(%arg15 : memref<!tpu.dma_semaphore, #tpu.memory_space<semaphore_mem>>)
      %dma_wait3A_1440 = arith.constant 0 : i32
      %dma_wait3A_1441 = arith.constant 0 : i32
      %dma_wait3A_1442 = arith.constant 0 : i32
      %dma_wait3A_1443 = tpu.memref_slice %arg10[%dma_wait3A_1440, %dma_wait3A_1441, %dma_wait3A_1442] : memref<4x64x128xf32, #tpu.memory_space<vmem>> -> memref<1x64x128xf32, #tpu.memory_space<vmem>>
      %dma_wait3A_1444 = tpu.memref_squeeze %dma_wait3A_1443 : memref<1x64x128xf32, #tpu.memory_space<vmem>> -> memref<64x128xf32, #tpu.memory_space<vmem>>
      %dma_wait3A_1445 = arith.constant 0 : i32
      %dma_wait3A_1446 = arith.constant 0 : i32
      %dma_wait3A_1447 = tpu.memref_slice %arg4[%dma_wait3A_1445, %dma_wait3A_1446] : memref<64x1000000xf32, #tpu.memory_space<hbm>> -> memref<64x128xf32, #tpu.memory_space<hbm>>
      %dma_wait3A_1448 = arith.constant 0 : i32
      %dma_wait3A_1449 = arith.constant 0 : i32
      %dma_wait3A_1450 = tpu.memref_slice %arg10[%dma_wait3A_1440, %dma_wait3A_1448, %dma_wait3A_1449] : memref<4x64x128xf32, #tpu.memory_space<vmem>> -> memref<1x64x128xf32, #tpu.memory_space<vmem>>
      %dma_wait3A_1451 = tpu.memref_squeeze %dma_wait3A_1450 : memref<1x64x128xf32, #tpu.memory_space<vmem>> -> memref<64x128xf32, #tpu.memory_space<vmem>>
      %dma_wait3A_1452 = arith.constant 0 : i32
      %dma_wait3A_1453 = arith.constant 0 : i32
      %dma_wait3A_1454 = tpu.memref_slice %arg4[%dma_wait3A_1452, %dma_wait3A_1453] : memref<64x1000000xf32, #tpu.memory_space<hbm>> -> memref<64x128xf32, #tpu.memory_space<hbm>>
      tpu.wait_dma2 semaphore(%arg14 : memref<!tpu.dma_semaphore, #tpu.memory_space<semaphore_mem>>) src(%dma_wait3A_1454 : memref<64x128xf32, #tpu.memory_space<hbm>>) dst(%dma_wait3A_1451 : memref<64x128xf32, #tpu.memory_space<vmem>>)
      %dma_wait3A_1455 = arith.constant 0 : i32
      %dma_wait3A_1456 = arith.constant 0 : i32
      %dma_wait3A_1457 = arith.constant 0 : i32
      %dma_wait3A_1458 = tpu.memref_slice %arg11[%dma_wait3A_1455, %dma_wait3A_1456, %dma_wait3A_1457] : memref<4x64x128xf32, #tpu.memory_space<vmem>> -> memref<1x64x128xf32, #tpu.memory_space<vmem>>
      %dma_wait3A_1459 = tpu.memref_squeeze %dma_wait3A_1458 : memref<1x64x128xf32, #tpu.memory_space<vmem>> -> memref<64x128xf32, #tpu.memory_space<vmem>>
      %dma_wait3A_1460 = arith.constant 0 : i32
      %dma_wait3A_1461 = arith.constant 0 : i32
      %dma_wait3A_1462 = tpu.memref_slice %arg5[%dma_wait3A_1460, %dma_wait3A_1461] : memref<64x1000000xf32, #tpu.memory_space<hbm>> -> memref<64x128xf32, #tpu.memory_space<hbm>>
      %dma_wait3A_1463 = arith.constant 0 : i32
      %dma_wait3A_1464 = arith.constant 0 : i32
      %dma_wait3A_1465 = tpu.memref_slice %arg11[%dma_wait3A_1455, %dma_wait3A_1463, %dma_wait3A_1464] : memref<4x64x128xf32, #tpu.memory_space<vmem>> -> memref<1x64x128xf32, #tpu.memory_space<vmem>>
      %dma_wait3A_1466 = tpu.memref_squeeze %dma_wait3A_1465 : memref<1x64x128xf32, #tpu.memory_space<vmem>> -> memref<64x128xf32, #tpu.memory_space<vmem>>
      %dma_wait3A_1467 = arith.constant 0 : i32
      %dma_wait3A_1468 = arith.constant 0 : i32
      %dma_wait3A_1469 = tpu.memref_slice %arg5[%dma_wait3A_1467, %dma_wait3A_1468] : memref<64x1000000xf32, #tpu.memory_space<hbm>> -> memref<64x128xf32, #tpu.memory_space<hbm>>
      tpu.wait_dma2 semaphore(%arg15 : memref<!tpu.dma_semaphore, #tpu.memory_space<semaphore_mem>>) src(%dma_wait3A_1469 : memref<64x128xf32, #tpu.memory_space<hbm>>) dst(%dma_wait3A_1466 : memref<64x128xf32, #tpu.memory_space<vmem>>)
      %slice3A_1470 = vector.extract_strided_slice %get3A_125 {offsets = [8], sizes = [1], strides = [1]} : vector<16xi32> to vector<1xi32>
      %squeeze3A_1471 = vector.extract %slice3A_1470[0] : i32 from vector<1xi32>
      %and3A_1472 = arith.constant 127 : i32
      %and3A_1473 = arith.andi %squeeze3A_1471, %and3A_1472 : i32
      %broadcast_in_dim3A_1474 = vector.broadcast %and3A_1473 : i32 to vector<16xi32>
      %slice3A_1475 = vector.extract_strided_slice %get3A_129 {offsets = [8], sizes = [1], strides = [1]} : vector<16xi32> to vector<1xi32>
      %squeeze3A_1476 = vector.extract %slice3A_1475[0] : i32 from vector<1xi32>
      %and3A_1477 = arith.constant 127 : i32
      %and3A_1478 = arith.andi %squeeze3A_1476, %and3A_1477 : i32
      %broadcast_in_dim3A_1479 = vector.broadcast %and3A_1478 : i32 to vector<16xi32>
      %broadcast_in_dim3A_1480 = arith.constant 0.000000e+00 : f32
      %broadcast_in_dim3A_1481 = vector.broadcast %broadcast_in_dim3A_1480 : f32 to vector<16xf32>
      %add3A_1482 = arith.constant 0 : i32
      %add3A_1483 = vector.broadcast %add3A_1482 : i32 to vector<16xi32>
      %add3A_1484 = arith.addi %add3A_1483, %iota3A : vector<16xi32>
      %gather3A_1485 = arith.constant 0 : i32
      %gather3A_1486 = arith.constant 0 : i32
      %gather3A_1487 = arith.constant 0 : i32
      %gather3A_1488 = tpu.memref_slice %arg10[%gather3A_1485, %gather3A_1486, %gather3A_1487] : memref<4x64x128xf32, #tpu.memory_space<vmem>> -> memref<1x64x128xf32, #tpu.memory_space<vmem>>
      %gather3A_1489 = tpu.memref_squeeze %gather3A_1488 : memref<1x64x128xf32, #tpu.memory_space<vmem>> -> memref<64x128xf32, #tpu.memory_space<vmem>>
      %gather3A_1490 = tpu.vector_load_idx %gather3A_1489[%add3A_1484, %broadcast_in_dim3A_1474] : memref<64x128xf32, #tpu.memory_space<vmem>>[vector<16xi32>, vector<16xi32>], vector<16xf32>,
      %gather3A_1491 = arith.constant 0 : i32
      %gather3A_1492 = arith.constant 0 : i32
      %gather3A_1493 = arith.constant 0 : i32
      %gather3A_1494 = tpu.memref_slice %arg11[%gather3A_1491, %gather3A_1492, %gather3A_1493] : memref<4x64x128xf32, #tpu.memory_space<vmem>> -> memref<1x64x128xf32, #tpu.memory_space<vmem>>
      %gather3A_1495 = tpu.memref_squeeze %gather3A_1494 : memref<1x64x128xf32, #tpu.memory_space<vmem>> -> memref<64x128xf32, #tpu.memory_space<vmem>>
      %gather3A_1496 = tpu.vector_load_idx %gather3A_1495[%add3A_1484, %broadcast_in_dim3A_1479] : memref<64x128xf32, #tpu.memory_space<vmem>>[vector<16xi32>, vector<16xi32>], vector<16xf32>,
      %mul3A_1497 = arith.mulf %gather3A_1490, %gather3A_1496 : vector<16xf32>
      %add3A_1498 = arith.addf %broadcast_in_dim3A_1481, %mul3A_1497 : vector<16xf32>
      %add3A_1499 = arith.constant 16 : i32
      %add3A_1500 = vector.broadcast %add3A_1499 : i32 to vector<16xi32>
      %add3A_1501 = arith.addi %add3A_1500, %iota3A : vector<16xi32>
      %gather3A_1502 = arith.constant 0 : i32
      %gather3A_1503 = arith.constant 0 : i32
      %gather3A_1504 = arith.constant 0 : i32
      %gather3A_1505 = tpu.memref_slice %arg10[%gather3A_1502, %gather3A_1503, %gather3A_1504] : memref<4x64x128xf32, #tpu.memory_space<vmem>> -> memref<1x64x128xf32, #tpu.memory_space<vmem>>
      %gather3A_1506 = tpu.memref_squeeze %gather3A_1505 : memref<1x64x128xf32, #tpu.memory_space<vmem>> -> memref<64x128xf32, #tpu.memory_space<vmem>>
      %gather3A_1507 = tpu.vector_load_idx %gather3A_1506[%add3A_1501, %broadcast_in_dim3A_1474] : memref<64x128xf32, #tpu.memory_space<vmem>>[vector<16xi32>, vector<16xi32>], vector<16xf32>,
      %gather3A_1508 = arith.constant 0 : i32
      %gather3A_1509 = arith.constant 0 : i32
      %gather3A_1510 = arith.constant 0 : i32
      %gather3A_1511 = tpu.memref_slice %arg11[%gather3A_1508, %gather3A_1509, %gather3A_1510] : memref<4x64x128xf32, #tpu.memory_space<vmem>> -> memref<1x64x128xf32, #tpu.memory_space<vmem>>
      %gather3A_1512 = tpu.memref_squeeze %gather3A_1511 : memref<1x64x128xf32, #tpu.memory_space<vmem>> -> memref<64x128xf32, #tpu.memory_space<vmem>>
      %gather3A_1513 = tpu.vector_load_idx %gather3A_1512[%add3A_1501, %broadcast_in_dim3A_1479] : memref<64x128xf32, #tpu.memory_space<vmem>>[vector<16xi32>, vector<16xi32>], vector<16xf32>,
      %mul3A_1514 = arith.mulf %gather3A_1507, %gather3A_1513 : vector<16xf32>
      %add3A_1515 = arith.addf %add3A_1498, %mul3A_1514 : vector<16xf32>
      %add3A_1516 = arith.constant 32 : i32
      %add3A_1517 = vector.broadcast %add3A_1516 : i32 to vector<16xi32>
      %add3A_1518 = arith.addi %add3A_1517, %iota3A : vector<16xi32>
      %gather3A_1519 = arith.constant 0 : i32
      %gather3A_1520 = arith.constant 0 : i32
      %gather3A_1521 = arith.constant 0 : i32
      %gather3A_1522 = tpu.memref_slice %arg10[%gather3A_1519, %gather3A_1520, %gather3A_1521] : memref<4x64x128xf32, #tpu.memory_space<vmem>> -> memref<1x64x128xf32, #tpu.memory_space<vmem>>
      %gather3A_1523 = tpu.memref_squeeze %gather3A_1522 : memref<1x64x128xf32, #tpu.memory_space<vmem>> -> memref<64x128xf32, #tpu.memory_space<vmem>>
      %gather3A_1524 = tpu.vector_load_idx %gather3A_1523[%add3A_1518, %broadcast_in_dim3A_1474] : memref<64x128xf32, #tpu.memory_space<vmem>>[vector<16xi32>, vector<16xi32>], vector<16xf32>,
      %gather3A_1525 = arith.constant 0 : i32
      %gather3A_1526 = arith.constant 0 : i32
      %gather3A_1527 = arith.constant 0 : i32
      %gather3A_1528 = tpu.memref_slice %arg11[%gather3A_1525, %gather3A_1526, %gather3A_1527] : memref<4x64x128xf32, #tpu.memory_space<vmem>> -> memref<1x64x128xf32, #tpu.memory_space<vmem>>
      %gather3A_1529 = tpu.memref_squeeze %gather3A_1528 : memref<1x64x128xf32, #tpu.memory_space<vmem>> -> memref<64x128xf32, #tpu.memory_space<vmem>>
      %gather3A_1530 = tpu.vector_load_idx %gather3A_1529[%add3A_1518, %broadcast_in_dim3A_1479] : memref<64x128xf32, #tpu.memory_space<vmem>>[vector<16xi32>, vector<16xi32>], vector<16xf32>,
      %mul3A_1531 = arith.mulf %gather3A_1524, %gather3A_1530 : vector<16xf32>
      %add3A_1532 = arith.addf %add3A_1515, %mul3A_1531 : vector<16xf32>
      %add3A_1533 = arith.constant 48 : i32
      %add3A_1534 = vector.broadcast %add3A_1533 : i32 to vector<16xi32>
      %add3A_1535 = arith.addi %add3A_1534, %iota3A : vector<16xi32>
      %gather3A_1536 = arith.constant 0 : i32
      %gather3A_1537 = arith.constant 0 : i32
      %gather3A_1538 = arith.constant 0 : i32
      %gather3A_1539 = tpu.memref_slice %arg10[%gather3A_1536, %gather3A_1537, %gather3A_1538] : memref<4x64x128xf32, #tpu.memory_space<vmem>> -> memref<1x64x128xf32, #tpu.memory_space<vmem>>
      %gather3A_1540 = tpu.memref_squeeze %gather3A_1539 : memref<1x64x128xf32, #tpu.memory_space<vmem>> -> memref<64x128xf32, #tpu.memory_space<vmem>>
      %gather3A_1541 = tpu.vector_load_idx %gather3A_1540[%add3A_1535, %broadcast_in_dim3A_1474] : memref<64x128xf32, #tpu.memory_space<vmem>>[vector<16xi32>, vector<16xi32>], vector<16xf32>,
      %gather3A_1542 = arith.constant 0 : i32
      %gather3A_1543 = arith.constant 0 : i32
      %gather3A_1544 = arith.constant 0 : i32
      %gather3A_1545 = tpu.memref_slice %arg11[%gather3A_1542, %gather3A_1543, %gather3A_1544] : memref<4x64x128xf32, #tpu.memory_space<vmem>> -> memref<1x64x128xf32, #tpu.memory_space<vmem>>
      %gather3A_1546 = tpu.memref_squeeze %gather3A_1545 : memref<1x64x128xf32, #tpu.memory_space<vmem>> -> memref<64x128xf32, #tpu.memory_space<vmem>>
      %gather3A_1547 = tpu.vector_load_idx %gather3A_1546[%add3A_1535, %broadcast_in_dim3A_1479] : memref<64x128xf32, #tpu.memory_space<vmem>>[vector<16xi32>, vector<16xi32>], vector<16xf32>,
      %mul3A_1548 = arith.mulf %gather3A_1541, %gather3A_1547 : vector<16xf32>
      %add3A_1549 = arith.addf %add3A_1532, %mul3A_1548 : vector<16xf32>
      %reduce_sum3A_1550 = arith.constant true
      %reduce_sum3A_1551 = vector.broadcast %reduce_sum3A_1550 : i1 to vector<16xi1>
      %reduce_sum3A_1552 = tpu.scan <sum>, %add3A_1549 masked %reduce_sum3A_1551 : vector<16xf32>, vector<16xi1> -> vector<16xf32>
      %reduce_sum3A_1553 = vector.extract %reduce_sum3A_1552[15] : f32 from vector<16xf32>
      %eq3A_1554 = arith.constant 8 : i32
      %eq3A_1555 = vector.broadcast %eq3A_1554 : i32 to vector<16xi32>
      %eq3A_1556 = arith.cmpi eq, %iota3A, %eq3A_1555 : vector<16xi32>
      %add3A_1557 = vector.broadcast %reduce_sum3A_1553 : f32 to vector<16xf32>
      %add3A_1558 = arith.addf %select_n3A_1401, %add3A_1557 : vector<16xf32>
      %select_n3A_1559 = arith.select %eq3A_1556, %add3A_1558, %select_n3A_1401 : vector<16xi1>, vector<16xf32>
      %slice3A_1560 = vector.extract_strided_slice %get3A_125 {offsets = [12], sizes = [1], strides = [1]} : vector<16xi32> to vector<1xi32>
      %squeeze3A_1561 = vector.extract %slice3A_1560[0] : i32 from vector<1xi32>
      %slice3A_1562 = vector.extract_strided_slice %get3A_129 {offsets = [12], sizes = [1], strides = [1]} : vector<16xi32> to vector<1xi32>
      %squeeze3A_1563 = vector.extract %slice3A_1562[0] : i32 from vector<1xi32>
      %shift_right_logical3A_1564 = arith.constant 7 : i32
      %shift_right_logical3A_1565 = arith.shrui %squeeze3A_1561, %shift_right_logical3A_1564 : i32
      %mul3A_1566 = arith.constant 128 : i32
      %mul3A_1567 = arith.muli %shift_right_logical3A_1565, %mul3A_1566 : i32
      %shift_right_logical3A_1568 = arith.constant 7 : i32
      %shift_right_logical3A_1569 = arith.shrui %squeeze3A_1563, %shift_right_logical3A_1568 : i32
      %mul3A_1570 = arith.constant 128 : i32
      %mul3A_1571 = arith.muli %shift_right_logical3A_1569, %mul3A_1570 : i32
      %dma_start3A_1572 = arith.constant 0 : i32
      %dma_start3A_1573 = arith.constant 0 : i32
      %dma_start3A_1574 = arith.constant 0 : i32
      %dma_start3A_1575 = tpu.memref_slice %arg10[%dma_start3A_1572, %dma_start3A_1573, %dma_start3A_1574] : memref<4x64x128xf32, #tpu.memory_space<vmem>> -> memref<1x64x128xf32, #tpu.memory_space<vmem>>
      %dma_start3A_1576 = tpu.memref_squeeze %dma_start3A_1575 : memref<1x64x128xf32, #tpu.memory_space<vmem>> -> memref<64x128xf32, #tpu.memory_space<vmem>>
      %dma_start3A_1577 = arith.constant 0 : i32
      %dma_start3A_1578 = tpu.memref_slice %arg4[%dma_start3A_1577, %mul3A_1567] : memref<64x1000000xf32, #tpu.memory_space<hbm>> -> memref<64x128xf32, #tpu.memory_space<hbm>>
      %dma_start3A_1579 = arith.constant 0 : i32
      %dma_start3A_1580 = arith.constant 0 : i32
      %dma_start3A_1581 = tpu.memref_slice %arg10[%dma_start3A_1572, %dma_start3A_1579, %dma_start3A_1580] : memref<4x64x128xf32, #tpu.memory_space<vmem>> -> memref<1x64x128xf32, #tpu.memory_space<vmem>>
      %dma_start3A_1582 = tpu.memref_squeeze %dma_start3A_1581 : memref<1x64x128xf32, #tpu.memory_space<vmem>> -> memref<64x128xf32, #tpu.memory_space<vmem>>
      %dma_start3A_1583 = arith.constant 0 : i32
      %dma_start3A_1584 = tpu.memref_slice %arg4[%dma_start3A_1583, %mul3A_1567] : memref<64x1000000xf32, #tpu.memory_space<hbm>> -> memref<64x128xf32, #tpu.memory_space<hbm>>
      tpu.enqueue_dma source(%dma_start3A_1584 : memref<64x128xf32, #tpu.memory_space<hbm>>) target(%dma_start3A_1582 : memref<64x128xf32, #tpu.memory_space<vmem>>) target_semaphore(%arg14 : memref<!tpu.dma_semaphore, #tpu.memory_space<semaphore_mem>>)
      %dma_start3A_1585 = arith.constant 0 : i32
      %dma_start3A_1586 = arith.constant 0 : i32
      %dma_start3A_1587 = arith.constant 0 : i32
      %dma_start3A_1588 = tpu.memref_slice %arg11[%dma_start3A_1585, %dma_start3A_1586, %dma_start3A_1587] : memref<4x64x128xf32, #tpu.memory_space<vmem>> -> memref<1x64x128xf32, #tpu.memory_space<vmem>>
      %dma_start3A_1589 = tpu.memref_squeeze %dma_start3A_1588 : memref<1x64x128xf32, #tpu.memory_space<vmem>> -> memref<64x128xf32, #tpu.memory_space<vmem>>
      %dma_start3A_1590 = arith.constant 0 : i32
      %dma_start3A_1591 = tpu.memref_slice %arg5[%dma_start3A_1590, %mul3A_1571] : memref<64x1000000xf32, #tpu.memory_space<hbm>> -> memref<64x128xf32, #tpu.memory_space<hbm>>
      %dma_start3A_1592 = arith.constant 0 : i32
      %dma_start3A_1593 = arith.constant 0 : i32
      %dma_start3A_1594 = tpu.memref_slice %arg11[%dma_start3A_1585, %dma_start3A_1592, %dma_start3A_1593] : memref<4x64x128xf32, #tpu.memory_space<vmem>> -> memref<1x64x128xf32, #tpu.memory_space<vmem>>
      %dma_start3A_1595 = tpu.memref_squeeze %dma_start3A_1594 : memref<1x64x128xf32, #tpu.memory_space<vmem>> -> memref<64x128xf32, #tpu.memory_space<vmem>>
      %dma_start3A_1596 = arith.constant 0 : i32
      %dma_start3A_1597 = tpu.memref_slice %arg5[%dma_start3A_1596, %mul3A_1571] : memref<64x1000000xf32, #tpu.memory_space<hbm>> -> memref<64x128xf32, #tpu.memory_space<hbm>>
      tpu.enqueue_dma source(%dma_start3A_1597 : memref<64x128xf32, #tpu.memory_space<hbm>>) target(%dma_start3A_1595 : memref<64x128xf32, #tpu.memory_space<vmem>>) target_semaphore(%arg15 : memref<!tpu.dma_semaphore, #tpu.memory_space<semaphore_mem>>)
      %dma_wait3A_1598 = arith.constant 1 : i32
      %dma_wait3A_1599 = arith.constant 0 : i32
      %dma_wait3A_1600 = arith.constant 0 : i32
      %dma_wait3A_1601 = tpu.memref_slice %arg10[%dma_wait3A_1598, %dma_wait3A_1599, %dma_wait3A_1600] : memref<4x64x128xf32, #tpu.memory_space<vmem>> -> memref<1x64x128xf32, #tpu.memory_space<vmem>>
      %dma_wait3A_1602 = tpu.memref_squeeze %dma_wait3A_1601 : memref<1x64x128xf32, #tpu.memory_space<vmem>> -> memref<64x128xf32, #tpu.memory_space<vmem>>
      %dma_wait3A_1603 = arith.constant 0 : i32
      %dma_wait3A_1604 = arith.constant 0 : i32
      %dma_wait3A_1605 = tpu.memref_slice %arg4[%dma_wait3A_1603, %dma_wait3A_1604] : memref<64x1000000xf32, #tpu.memory_space<hbm>> -> memref<64x128xf32, #tpu.memory_space<hbm>>
      %dma_wait3A_1606 = arith.constant 0 : i32
      %dma_wait3A_1607 = arith.constant 0 : i32
      %dma_wait3A_1608 = tpu.memref_slice %arg10[%dma_wait3A_1598, %dma_wait3A_1606, %dma_wait3A_1607] : memref<4x64x128xf32, #tpu.memory_space<vmem>> -> memref<1x64x128xf32, #tpu.memory_space<vmem>>
      %dma_wait3A_1609 = tpu.memref_squeeze %dma_wait3A_1608 : memref<1x64x128xf32, #tpu.memory_space<vmem>> -> memref<64x128xf32, #tpu.memory_space<vmem>>
      %dma_wait3A_1610 = arith.constant 0 : i32
      %dma_wait3A_1611 = arith.constant 0 : i32
      %dma_wait3A_1612 = tpu.memref_slice %arg4[%dma_wait3A_1610, %dma_wait3A_1611] : memref<64x1000000xf32, #tpu.memory_space<hbm>> -> memref<64x128xf32, #tpu.memory_space<hbm>>
      tpu.wait_dma2 semaphore(%arg14 : memref<!tpu.dma_semaphore, #tpu.memory_space<semaphore_mem>>) src(%dma_wait3A_1612 : memref<64x128xf32, #tpu.memory_space<hbm>>) dst(%dma_wait3A_1609 : memref<64x128xf32, #tpu.memory_space<vmem>>)
      %dma_wait3A_1613 = arith.constant 1 : i32
      %dma_wait3A_1614 = arith.constant 0 : i32
      %dma_wait3A_1615 = arith.constant 0 : i32
      %dma_wait3A_1616 = tpu.memref_slice %arg11[%dma_wait3A_1613, %dma_wait3A_1614, %dma_wait3A_1615] : memref<4x64x128xf32, #tpu.memory_space<vmem>> -> memref<1x64x128xf32, #tpu.memory_space<vmem>>
      %dma_wait3A_1617 = tpu.memref_squeeze %dma_wait3A_1616 : memref<1x64x128xf32, #tpu.memory_space<vmem>> -> memref<64x128xf32, #tpu.memory_space<vmem>>
      %dma_wait3A_1618 = arith.constant 0 : i32
      %dma_wait3A_1619 = arith.constant 0 : i32
      %dma_wait3A_1620 = tpu.memref_slice %arg5[%dma_wait3A_1618, %dma_wait3A_1619] : memref<64x1000000xf32, #tpu.memory_space<hbm>> -> memref<64x128xf32, #tpu.memory_space<hbm>>
      %dma_wait3A_1621 = arith.constant 0 : i32
      %dma_wait3A_1622 = arith.constant 0 : i32
      %dma_wait3A_1623 = tpu.memref_slice %arg11[%dma_wait3A_1613, %dma_wait3A_1621, %dma_wait3A_1622] : memref<4x64x128xf32, #tpu.memory_space<vmem>> -> memref<1x64x128xf32, #tpu.memory_space<vmem>>
      %dma_wait3A_1624 = tpu.memref_squeeze %dma_wait3A_1623 : memref<1x64x128xf32, #tpu.memory_space<vmem>> -> memref<64x128xf32, #tpu.memory_space<vmem>>
      %dma_wait3A_1625 = arith.constant 0 : i32
      %dma_wait3A_1626 = arith.constant 0 : i32
      %dma_wait3A_1627 = tpu.memref_slice %arg5[%dma_wait3A_1625, %dma_wait3A_1626] : memref<64x1000000xf32, #tpu.memory_space<hbm>> -> memref<64x128xf32, #tpu.memory_space<hbm>>
      tpu.wait_dma2 semaphore(%arg15 : memref<!tpu.dma_semaphore, #tpu.memory_space<semaphore_mem>>) src(%dma_wait3A_1627 : memref<64x128xf32, #tpu.memory_space<hbm>>) dst(%dma_wait3A_1624 : memref<64x128xf32, #tpu.memory_space<vmem>>)
      %slice3A_1628 = vector.extract_strided_slice %get3A_125 {offsets = [9], sizes = [1], strides = [1]} : vector<16xi32> to vector<1xi32>
      %squeeze3A_1629 = vector.extract %slice3A_1628[0] : i32 from vector<1xi32>
      %and3A_1630 = arith.constant 127 : i32
      %and3A_1631 = arith.andi %squeeze3A_1629, %and3A_1630 : i32
      %broadcast_in_dim3A_1632 = vector.broadcast %and3A_1631 : i32 to vector<16xi32>
      %slice3A_1633 = vector.extract_strided_slice %get3A_129 {offsets = [9], sizes = [1], strides = [1]} : vector<16xi32> to vector<1xi32>
      %squeeze3A_1634 = vector.extract %slice3A_1633[0] : i32 from vector<1xi32>
      %and3A_1635 = arith.constant 127 : i32
      %and3A_1636 = arith.andi %squeeze3A_1634, %and3A_1635 : i32
      %broadcast_in_dim3A_1637 = vector.broadcast %and3A_1636 : i32 to vector<16xi32>
      %broadcast_in_dim3A_1638 = arith.constant 0.000000e+00 : f32
      %broadcast_in_dim3A_1639 = vector.broadcast %broadcast_in_dim3A_1638 : f32 to vector<16xf32>
      %add3A_1640 = arith.constant 0 : i32
      %add3A_1641 = vector.broadcast %add3A_1640 : i32 to vector<16xi32>
      %add3A_1642 = arith.addi %add3A_1641, %iota3A : vector<16xi32>
      %gather3A_1643 = arith.constant 1 : i32
      %gather3A_1644 = arith.constant 0 : i32
      %gather3A_1645 = arith.constant 0 : i32
      %gather3A_1646 = tpu.memref_slice %arg10[%gather3A_1643, %gather3A_1644, %gather3A_1645] : memref<4x64x128xf32, #tpu.memory_space<vmem>> -> memref<1x64x128xf32, #tpu.memory_space<vmem>>
      %gather3A_1647 = tpu.memref_squeeze %gather3A_1646 : memref<1x64x128xf32, #tpu.memory_space<vmem>> -> memref<64x128xf32, #tpu.memory_space<vmem>>
      %gather3A_1648 = tpu.vector_load_idx %gather3A_1647[%add3A_1642, %broadcast_in_dim3A_1632] : memref<64x128xf32, #tpu.memory_space<vmem>>[vector<16xi32>, vector<16xi32>], vector<16xf32>,
      %gather3A_1649 = arith.constant 1 : i32
      %gather3A_1650 = arith.constant 0 : i32
      %gather3A_1651 = arith.constant 0 : i32
      %gather3A_1652 = tpu.memref_slice %arg11[%gather3A_1649, %gather3A_1650, %gather3A_1651] : memref<4x64x128xf32, #tpu.memory_space<vmem>> -> memref<1x64x128xf32, #tpu.memory_space<vmem>>
      %gather3A_1653 = tpu.memref_squeeze %gather3A_1652 : memref<1x64x128xf32, #tpu.memory_space<vmem>> -> memref<64x128xf32, #tpu.memory_space<vmem>>
      %gather3A_1654 = tpu.vector_load_idx %gather3A_1653[%add3A_1642, %broadcast_in_dim3A_1637] : memref<64x128xf32, #tpu.memory_space<vmem>>[vector<16xi32>, vector<16xi32>], vector<16xf32>,
      %mul3A_1655 = arith.mulf %gather3A_1648, %gather3A_1654 : vector<16xf32>
      %add3A_1656 = arith.addf %broadcast_in_dim3A_1639, %mul3A_1655 : vector<16xf32>
      %add3A_1657 = arith.constant 16 : i32
      %add3A_1658 = vector.broadcast %add3A_1657 : i32 to vector<16xi32>
      %add3A_1659 = arith.addi %add3A_1658, %iota3A : vector<16xi32>
      %gather3A_1660 = arith.constant 1 : i32
      %gather3A_1661 = arith.constant 0 : i32
      %gather3A_1662 = arith.constant 0 : i32
      %gather3A_1663 = tpu.memref_slice %arg10[%gather3A_1660, %gather3A_1661, %gather3A_1662] : memref<4x64x128xf32, #tpu.memory_space<vmem>> -> memref<1x64x128xf32, #tpu.memory_space<vmem>>
      %gather3A_1664 = tpu.memref_squeeze %gather3A_1663 : memref<1x64x128xf32, #tpu.memory_space<vmem>> -> memref<64x128xf32, #tpu.memory_space<vmem>>
      %gather3A_1665 = tpu.vector_load_idx %gather3A_1664[%add3A_1659, %broadcast_in_dim3A_1632] : memref<64x128xf32, #tpu.memory_space<vmem>>[vector<16xi32>, vector<16xi32>], vector<16xf32>,
      %gather3A_1666 = arith.constant 1 : i32
      %gather3A_1667 = arith.constant 0 : i32
      %gather3A_1668 = arith.constant 0 : i32
      %gather3A_1669 = tpu.memref_slice %arg11[%gather3A_1666, %gather3A_1667, %gather3A_1668] : memref<4x64x128xf32, #tpu.memory_space<vmem>> -> memref<1x64x128xf32, #tpu.memory_space<vmem>>
      %gather3A_1670 = tpu.memref_squeeze %gather3A_1669 : memref<1x64x128xf32, #tpu.memory_space<vmem>> -> memref<64x128xf32, #tpu.memory_space<vmem>>
      %gather3A_1671 = tpu.vector_load_idx %gather3A_1670[%add3A_1659, %broadcast_in_dim3A_1637] : memref<64x128xf32, #tpu.memory_space<vmem>>[vector<16xi32>, vector<16xi32>], vector<16xf32>,
      %mul3A_1672 = arith.mulf %gather3A_1665, %gather3A_1671 : vector<16xf32>
      %add3A_1673 = arith.addf %add3A_1656, %mul3A_1672 : vector<16xf32>
      %add3A_1674 = arith.constant 32 : i32
      %add3A_1675 = vector.broadcast %add3A_1674 : i32 to vector<16xi32>
      %add3A_1676 = arith.addi %add3A_1675, %iota3A : vector<16xi32>
      %gather3A_1677 = arith.constant 1 : i32
      %gather3A_1678 = arith.constant 0 : i32
      %gather3A_1679 = arith.constant 0 : i32
      %gather3A_1680 = tpu.memref_slice %arg10[%gather3A_1677, %gather3A_1678, %gather3A_1679] : memref<4x64x128xf32, #tpu.memory_space<vmem>> -> memref<1x64x128xf32, #tpu.memory_space<vmem>>
      %gather3A_1681 = tpu.memref_squeeze %gather3A_1680 : memref<1x64x128xf32, #tpu.memory_space<vmem>> -> memref<64x128xf32, #tpu.memory_space<vmem>>
      %gather3A_1682 = tpu.vector_load_idx %gather3A_1681[%add3A_1676, %broadcast_in_dim3A_1632] : memref<64x128xf32, #tpu.memory_space<vmem>>[vector<16xi32>, vector<16xi32>], vector<16xf32>,
      %gather3A_1683 = arith.constant 1 : i32
      %gather3A_1684 = arith.constant 0 : i32
      %gather3A_1685 = arith.constant 0 : i32
      %gather3A_1686 = tpu.memref_slice %arg11[%gather3A_1683, %gather3A_1684, %gather3A_1685] : memref<4x64x128xf32, #tpu.memory_space<vmem>> -> memref<1x64x128xf32, #tpu.memory_space<vmem>>
      %gather3A_1687 = tpu.memref_squeeze %gather3A_1686 : memref<1x64x128xf32, #tpu.memory_space<vmem>> -> memref<64x128xf32, #tpu.memory_space<vmem>>
      %gather3A_1688 = tpu.vector_load_idx %gather3A_1687[%add3A_1676, %broadcast_in_dim3A_1637] : memref<64x128xf32, #tpu.memory_space<vmem>>[vector<16xi32>, vector<16xi32>], vector<16xf32>,
      %mul3A_1689 = arith.mulf %gather3A_1682, %gather3A_1688 : vector<16xf32>
      %add3A_1690 = arith.addf %add3A_1673, %mul3A_1689 : vector<16xf32>
      %add3A_1691 = arith.constant 48 : i32
      %add3A_1692 = vector.broadcast %add3A_1691 : i32 to vector<16xi32>
      %add3A_1693 = arith.addi %add3A_1692, %iota3A : vector<16xi32>
      %gather3A_1694 = arith.constant 1 : i32
      %gather3A_1695 = arith.constant 0 : i32
      %gather3A_1696 = arith.constant 0 : i32
      %gather3A_1697 = tpu.memref_slice %arg10[%gather3A_1694, %gather3A_1695, %gather3A_1696] : memref<4x64x128xf32, #tpu.memory_space<vmem>> -> memref<1x64x128xf32, #tpu.memory_space<vmem>>
      %gather3A_1698 = tpu.memref_squeeze %gather3A_1697 : memref<1x64x128xf32, #tpu.memory_space<vmem>> -> memref<64x128xf32, #tpu.memory_space<vmem>>
      %gather3A_1699 = tpu.vector_load_idx %gather3A_1698[%add3A_1693, %broadcast_in_dim3A_1632] : memref<64x128xf32, #tpu.memory_space<vmem>>[vector<16xi32>, vector<16xi32>], vector<16xf32>,
      %gather3A_1700 = arith.constant 1 : i32
      %gather3A_1701 = arith.constant 0 : i32
      %gather3A_1702 = arith.constant 0 : i32
      %gather3A_1703 = tpu.memref_slice %arg11[%gather3A_1700, %gather3A_1701, %gather3A_1702] : memref<4x64x128xf32, #tpu.memory_space<vmem>> -> memref<1x64x128xf32, #tpu.memory_space<vmem>>
      %gather3A_1704 = tpu.memref_squeeze %gather3A_1703 : memref<1x64x128xf32, #tpu.memory_space<vmem>> -> memref<64x128xf32, #tpu.memory_space<vmem>>
      %gather3A_1705 = tpu.vector_load_idx %gather3A_1704[%add3A_1693, %broadcast_in_dim3A_1637] : memref<64x128xf32, #tpu.memory_space<vmem>>[vector<16xi32>, vector<16xi32>], vector<16xf32>,
      %mul3A_1706 = arith.mulf %gather3A_1699, %gather3A_1705 : vector<16xf32>
      %add3A_1707 = arith.addf %add3A_1690, %mul3A_1706 : vector<16xf32>
      %reduce_sum3A_1708 = arith.constant true
      %reduce_sum3A_1709 = vector.broadcast %reduce_sum3A_1708 : i1 to vector<16xi1>
      %reduce_sum3A_1710 = tpu.scan <sum>, %add3A_1707 masked %reduce_sum3A_1709 : vector<16xf32>, vector<16xi1> -> vector<16xf32>
      %reduce_sum3A_1711 = vector.extract %reduce_sum3A_1710[15] : f32 from vector<16xf32>
      %eq3A_1712 = arith.constant 9 : i32
      %eq3A_1713 = vector.broadcast %eq3A_1712 : i32 to vector<16xi32>
      %eq3A_1714 = arith.cmpi eq, %iota3A, %eq3A_1713 : vector<16xi32>
      %add3A_1715 = vector.broadcast %reduce_sum3A_1711 : f32 to vector<16xf32>
      %add3A_1716 = arith.addf %select_n3A_1559, %add3A_1715 : vector<16xf32>
      %select_n3A_1717 = arith.select %eq3A_1714, %add3A_1716, %select_n3A_1559 : vector<16xi1>, vector<16xf32>
      %slice3A_1718 = vector.extract_strided_slice %get3A_125 {offsets = [13], sizes = [1], strides = [1]} : vector<16xi32> to vector<1xi32>
      %squeeze3A_1719 = vector.extract %slice3A_1718[0] : i32 from vector<1xi32>
      %slice3A_1720 = vector.extract_strided_slice %get3A_129 {offsets = [13], sizes = [1], strides = [1]} : vector<16xi32> to vector<1xi32>
      %squeeze3A_1721 = vector.extract %slice3A_1720[0] : i32 from vector<1xi32>
      %shift_right_logical3A_1722 = arith.constant 7 : i32
      %shift_right_logical3A_1723 = arith.shrui %squeeze3A_1719, %shift_right_logical3A_1722 : i32
      %mul3A_1724 = arith.constant 128 : i32
      %mul3A_1725 = arith.muli %shift_right_logical3A_1723, %mul3A_1724 : i32
      %shift_right_logical3A_1726 = arith.constant 7 : i32
      %shift_right_logical3A_1727 = arith.shrui %squeeze3A_1721, %shift_right_logical3A_1726 : i32
      %mul3A_1728 = arith.constant 128 : i32
      %mul3A_1729 = arith.muli %shift_right_logical3A_1727, %mul3A_1728 : i32
      %dma_start3A_1730 = arith.constant 1 : i32
      %dma_start3A_1731 = arith.constant 0 : i32
      %dma_start3A_1732 = arith.constant 0 : i32
      %dma_start3A_1733 = tpu.memref_slice %arg10[%dma_start3A_1730, %dma_start3A_1731, %dma_start3A_1732] : memref<4x64x128xf32, #tpu.memory_space<vmem>> -> memref<1x64x128xf32, #tpu.memory_space<vmem>>
      %dma_start3A_1734 = tpu.memref_squeeze %dma_start3A_1733 : memref<1x64x128xf32, #tpu.memory_space<vmem>> -> memref<64x128xf32, #tpu.memory_space<vmem>>
      %dma_start3A_1735 = arith.constant 0 : i32
      %dma_start3A_1736 = tpu.memref_slice %arg4[%dma_start3A_1735, %mul3A_1725] : memref<64x1000000xf32, #tpu.memory_space<hbm>> -> memref<64x128xf32, #tpu.memory_space<hbm>>
      %dma_start3A_1737 = arith.constant 0 : i32
      %dma_start3A_1738 = arith.constant 0 : i32
      %dma_start3A_1739 = tpu.memref_slice %arg10[%dma_start3A_1730, %dma_start3A_1737, %dma_start3A_1738] : memref<4x64x128xf32, #tpu.memory_space<vmem>> -> memref<1x64x128xf32, #tpu.memory_space<vmem>>
      %dma_start3A_1740 = tpu.memref_squeeze %dma_start3A_1739 : memref<1x64x128xf32, #tpu.memory_space<vmem>> -> memref<64x128xf32, #tpu.memory_space<vmem>>
      %dma_start3A_1741 = arith.constant 0 : i32
      %dma_start3A_1742 = tpu.memref_slice %arg4[%dma_start3A_1741, %mul3A_1725] : memref<64x1000000xf32, #tpu.memory_space<hbm>> -> memref<64x128xf32, #tpu.memory_space<hbm>>
      tpu.enqueue_dma source(%dma_start3A_1742 : memref<64x128xf32, #tpu.memory_space<hbm>>) target(%dma_start3A_1740 : memref<64x128xf32, #tpu.memory_space<vmem>>) target_semaphore(%arg14 : memref<!tpu.dma_semaphore, #tpu.memory_space<semaphore_mem>>)
      %dma_start3A_1743 = arith.constant 1 : i32
      %dma_start3A_1744 = arith.constant 0 : i32
      %dma_start3A_1745 = arith.constant 0 : i32
      %dma_start3A_1746 = tpu.memref_slice %arg11[%dma_start3A_1743, %dma_start3A_1744, %dma_start3A_1745] : memref<4x64x128xf32, #tpu.memory_space<vmem>> -> memref<1x64x128xf32, #tpu.memory_space<vmem>>
      %dma_start3A_1747 = tpu.memref_squeeze %dma_start3A_1746 : memref<1x64x128xf32, #tpu.memory_space<vmem>> -> memref<64x128xf32, #tpu.memory_space<vmem>>
      %dma_start3A_1748 = arith.constant 0 : i32
      %dma_start3A_1749 = tpu.memref_slice %arg5[%dma_start3A_1748, %mul3A_1729] : memref<64x1000000xf32, #tpu.memory_space<hbm>> -> memref<64x128xf32, #tpu.memory_space<hbm>>
      %dma_start3A_1750 = arith.constant 0 : i32
      %dma_start3A_1751 = arith.constant 0 : i32
      %dma_start3A_1752 = tpu.memref_slice %arg11[%dma_start3A_1743, %dma_start3A_1750, %dma_start3A_1751] : memref<4x64x128xf32, #tpu.memory_space<vmem>> -> memref<1x64x128xf32, #tpu.memory_space<vmem>>
      %dma_start3A_1753 = tpu.memref_squeeze %dma_start3A_1752 : memref<1x64x128xf32, #tpu.memory_space<vmem>> -> memref<64x128xf32, #tpu.memory_space<vmem>>
      %dma_start3A_1754 = arith.constant 0 : i32
      %dma_start3A_1755 = tpu.memref_slice %arg5[%dma_start3A_1754, %mul3A_1729] : memref<64x1000000xf32, #tpu.memory_space<hbm>> -> memref<64x128xf32, #tpu.memory_space<hbm>>
      tpu.enqueue_dma source(%dma_start3A_1755 : memref<64x128xf32, #tpu.memory_space<hbm>>) target(%dma_start3A_1753 : memref<64x128xf32, #tpu.memory_space<vmem>>) target_semaphore(%arg15 : memref<!tpu.dma_semaphore, #tpu.memory_space<semaphore_mem>>)
      %dma_wait3A_1756 = arith.constant 2 : i32
      %dma_wait3A_1757 = arith.constant 0 : i32
      %dma_wait3A_1758 = arith.constant 0 : i32
      %dma_wait3A_1759 = tpu.memref_slice %arg10[%dma_wait3A_1756, %dma_wait3A_1757, %dma_wait3A_1758] : memref<4x64x128xf32, #tpu.memory_space<vmem>> -> memref<1x64x128xf32, #tpu.memory_space<vmem>>
      %dma_wait3A_1760 = tpu.memref_squeeze %dma_wait3A_1759 : memref<1x64x128xf32, #tpu.memory_space<vmem>> -> memref<64x128xf32, #tpu.memory_space<vmem>>
      %dma_wait3A_1761 = arith.constant 0 : i32
      %dma_wait3A_1762 = arith.constant 0 : i32
      %dma_wait3A_1763 = tpu.memref_slice %arg4[%dma_wait3A_1761, %dma_wait3A_1762] : memref<64x1000000xf32, #tpu.memory_space<hbm>> -> memref<64x128xf32, #tpu.memory_space<hbm>>
      %dma_wait3A_1764 = arith.constant 0 : i32
      %dma_wait3A_1765 = arith.constant 0 : i32
      %dma_wait3A_1766 = tpu.memref_slice %arg10[%dma_wait3A_1756, %dma_wait3A_1764, %dma_wait3A_1765] : memref<4x64x128xf32, #tpu.memory_space<vmem>> -> memref<1x64x128xf32, #tpu.memory_space<vmem>>
      %dma_wait3A_1767 = tpu.memref_squeeze %dma_wait3A_1766 : memref<1x64x128xf32, #tpu.memory_space<vmem>> -> memref<64x128xf32, #tpu.memory_space<vmem>>
      %dma_wait3A_1768 = arith.constant 0 : i32
      %dma_wait3A_1769 = arith.constant 0 : i32
      %dma_wait3A_1770 = tpu.memref_slice %arg4[%dma_wait3A_1768, %dma_wait3A_1769] : memref<64x1000000xf32, #tpu.memory_space<hbm>> -> memref<64x128xf32, #tpu.memory_space<hbm>>
      tpu.wait_dma2 semaphore(%arg14 : memref<!tpu.dma_semaphore, #tpu.memory_space<semaphore_mem>>) src(%dma_wait3A_1770 : memref<64x128xf32, #tpu.memory_space<hbm>>) dst(%dma_wait3A_1767 : memref<64x128xf32, #tpu.memory_space<vmem>>)
      %dma_wait3A_1771 = arith.constant 2 : i32
      %dma_wait3A_1772 = arith.constant 0 : i32
      %dma_wait3A_1773 = arith.constant 0 : i32
      %dma_wait3A_1774 = tpu.memref_slice %arg11[%dma_wait3A_1771, %dma_wait3A_1772, %dma_wait3A_1773] : memref<4x64x128xf32, #tpu.memory_space<vmem>> -> memref<1x64x128xf32, #tpu.memory_space<vmem>>
      %dma_wait3A_1775 = tpu.memref_squeeze %dma_wait3A_1774 : memref<1x64x128xf32, #tpu.memory_space<vmem>> -> memref<64x128xf32, #tpu.memory_space<vmem>>
      %dma_wait3A_1776 = arith.constant 0 : i32
      %dma_wait3A_1777 = arith.constant 0 : i32
      %dma_wait3A_1778 = tpu.memref_slice %arg5[%dma_wait3A_1776, %dma_wait3A_1777] : memref<64x1000000xf32, #tpu.memory_space<hbm>> -> memref<64x128xf32, #tpu.memory_space<hbm>>
      %dma_wait3A_1779 = arith.constant 0 : i32
      %dma_wait3A_1780 = arith.constant 0 : i32
      %dma_wait3A_1781 = tpu.memref_slice %arg11[%dma_wait3A_1771, %dma_wait3A_1779, %dma_wait3A_1780] : memref<4x64x128xf32, #tpu.memory_space<vmem>> -> memref<1x64x128xf32, #tpu.memory_space<vmem>>
      %dma_wait3A_1782 = tpu.memref_squeeze %dma_wait3A_1781 : memref<1x64x128xf32, #tpu.memory_space<vmem>> -> memref<64x128xf32, #tpu.memory_space<vmem>>
      %dma_wait3A_1783 = arith.constant 0 : i32
      %dma_wait3A_1784 = arith.constant 0 : i32
      %dma_wait3A_1785 = tpu.memref_slice %arg5[%dma_wait3A_1783, %dma_wait3A_1784] : memref<64x1000000xf32, #tpu.memory_space<hbm>> -> memref<64x128xf32, #tpu.memory_space<hbm>>
      tpu.wait_dma2 semaphore(%arg15 : memref<!tpu.dma_semaphore, #tpu.memory_space<semaphore_mem>>) src(%dma_wait3A_1785 : memref<64x128xf32, #tpu.memory_space<hbm>>) dst(%dma_wait3A_1782 : memref<64x128xf32, #tpu.memory_space<vmem>>)
      %slice3A_1786 = vector.extract_strided_slice %get3A_125 {offsets = [10], sizes = [1], strides = [1]} : vector<16xi32> to vector<1xi32>
      %squeeze3A_1787 = vector.extract %slice3A_1786[0] : i32 from vector<1xi32>
      %and3A_1788 = arith.constant 127 : i32
      %and3A_1789 = arith.andi %squeeze3A_1787, %and3A_1788 : i32
      %broadcast_in_dim3A_1790 = vector.broadcast %and3A_1789 : i32 to vector<16xi32>
      %slice3A_1791 = vector.extract_strided_slice %get3A_129 {offsets = [10], sizes = [1], strides = [1]} : vector<16xi32> to vector<1xi32>
      %squeeze3A_1792 = vector.extract %slice3A_1791[0] : i32 from vector<1xi32>
      %and3A_1793 = arith.constant 127 : i32
      %and3A_1794 = arith.andi %squeeze3A_1792, %and3A_1793 : i32
      %broadcast_in_dim3A_1795 = vector.broadcast %and3A_1794 : i32 to vector<16xi32>
      %broadcast_in_dim3A_1796 = arith.constant 0.000000e+00 : f32
      %broadcast_in_dim3A_1797 = vector.broadcast %broadcast_in_dim3A_1796 : f32 to vector<16xf32>
      %add3A_1798 = arith.constant 0 : i32
      %add3A_1799 = vector.broadcast %add3A_1798 : i32 to vector<16xi32>
      %add3A_1800 = arith.addi %add3A_1799, %iota3A : vector<16xi32>
      %gather3A_1801 = arith.constant 2 : i32
      %gather3A_1802 = arith.constant 0 : i32
      %gather3A_1803 = arith.constant 0 : i32
      %gather3A_1804 = tpu.memref_slice %arg10[%gather3A_1801, %gather3A_1802, %gather3A_1803] : memref<4x64x128xf32, #tpu.memory_space<vmem>> -> memref<1x64x128xf32, #tpu.memory_space<vmem>>
      %gather3A_1805 = tpu.memref_squeeze %gather3A_1804 : memref<1x64x128xf32, #tpu.memory_space<vmem>> -> memref<64x128xf32, #tpu.memory_space<vmem>>
      %gather3A_1806 = tpu.vector_load_idx %gather3A_1805[%add3A_1800, %broadcast_in_dim3A_1790] : memref<64x128xf32, #tpu.memory_space<vmem>>[vector<16xi32>, vector<16xi32>], vector<16xf32>,
      %gather3A_1807 = arith.constant 2 : i32
      %gather3A_1808 = arith.constant 0 : i32
      %gather3A_1809 = arith.constant 0 : i32
      %gather3A_1810 = tpu.memref_slice %arg11[%gather3A_1807, %gather3A_1808, %gather3A_1809] : memref<4x64x128xf32, #tpu.memory_space<vmem>> -> memref<1x64x128xf32, #tpu.memory_space<vmem>>
      %gather3A_1811 = tpu.memref_squeeze %gather3A_1810 : memref<1x64x128xf32, #tpu.memory_space<vmem>> -> memref<64x128xf32, #tpu.memory_space<vmem>>
      %gather3A_1812 = tpu.vector_load_idx %gather3A_1811[%add3A_1800, %broadcast_in_dim3A_1795] : memref<64x128xf32, #tpu.memory_space<vmem>>[vector<16xi32>, vector<16xi32>], vector<16xf32>,
      %mul3A_1813 = arith.mulf %gather3A_1806, %gather3A_1812 : vector<16xf32>
      %add3A_1814 = arith.addf %broadcast_in_dim3A_1797, %mul3A_1813 : vector<16xf32>
      %add3A_1815 = arith.constant 16 : i32
      %add3A_1816 = vector.broadcast %add3A_1815 : i32 to vector<16xi32>
      %add3A_1817 = arith.addi %add3A_1816, %iota3A : vector<16xi32>
      %gather3A_1818 = arith.constant 2 : i32
      %gather3A_1819 = arith.constant 0 : i32
      %gather3A_1820 = arith.constant 0 : i32
      %gather3A_1821 = tpu.memref_slice %arg10[%gather3A_1818, %gather3A_1819, %gather3A_1820] : memref<4x64x128xf32, #tpu.memory_space<vmem>> -> memref<1x64x128xf32, #tpu.memory_space<vmem>>
      %gather3A_1822 = tpu.memref_squeeze %gather3A_1821 : memref<1x64x128xf32, #tpu.memory_space<vmem>> -> memref<64x128xf32, #tpu.memory_space<vmem>>
      %gather3A_1823 = tpu.vector_load_idx %gather3A_1822[%add3A_1817, %broadcast_in_dim3A_1790] : memref<64x128xf32, #tpu.memory_space<vmem>>[vector<16xi32>, vector<16xi32>], vector<16xf32>,
      %gather3A_1824 = arith.constant 2 : i32
      %gather3A_1825 = arith.constant 0 : i32
      %gather3A_1826 = arith.constant 0 : i32
      %gather3A_1827 = tpu.memref_slice %arg11[%gather3A_1824, %gather3A_1825, %gather3A_1826] : memref<4x64x128xf32, #tpu.memory_space<vmem>> -> memref<1x64x128xf32, #tpu.memory_space<vmem>>
      %gather3A_1828 = tpu.memref_squeeze %gather3A_1827 : memref<1x64x128xf32, #tpu.memory_space<vmem>> -> memref<64x128xf32, #tpu.memory_space<vmem>>
      %gather3A_1829 = tpu.vector_load_idx %gather3A_1828[%add3A_1817, %broadcast_in_dim3A_1795] : memref<64x128xf32, #tpu.memory_space<vmem>>[vector<16xi32>, vector<16xi32>], vector<16xf32>,
      %mul3A_1830 = arith.mulf %gather3A_1823, %gather3A_1829 : vector<16xf32>
      %add3A_1831 = arith.addf %add3A_1814, %mul3A_1830 : vector<16xf32>
      %add3A_1832 = arith.constant 32 : i32
      %add3A_1833 = vector.broadcast %add3A_1832 : i32 to vector<16xi32>
      %add3A_1834 = arith.addi %add3A_1833, %iota3A : vector<16xi32>
      %gather3A_1835 = arith.constant 2 : i32
      %gather3A_1836 = arith.constant 0 : i32
      %gather3A_1837 = arith.constant 0 : i32
      %gather3A_1838 = tpu.memref_slice %arg10[%gather3A_1835, %gather3A_1836, %gather3A_1837] : memref<4x64x128xf32, #tpu.memory_space<vmem>> -> memref<1x64x128xf32, #tpu.memory_space<vmem>>
      %gather3A_1839 = tpu.memref_squeeze %gather3A_1838 : memref<1x64x128xf32, #tpu.memory_space<vmem>> -> memref<64x128xf32, #tpu.memory_space<vmem>>
      %gather3A_1840 = tpu.vector_load_idx %gather3A_1839[%add3A_1834, %broadcast_in_dim3A_1790] : memref<64x128xf32, #tpu.memory_space<vmem>>[vector<16xi32>, vector<16xi32>], vector<16xf32>,
      %gather3A_1841 = arith.constant 2 : i32
      %gather3A_1842 = arith.constant 0 : i32
      %gather3A_1843 = arith.constant 0 : i32
      %gather3A_1844 = tpu.memref_slice %arg11[%gather3A_1841, %gather3A_1842, %gather3A_1843] : memref<4x64x128xf32, #tpu.memory_space<vmem>> -> memref<1x64x128xf32, #tpu.memory_space<vmem>>
      %gather3A_1845 = tpu.memref_squeeze %gather3A_1844 : memref<1x64x128xf32, #tpu.memory_space<vmem>> -> memref<64x128xf32, #tpu.memory_space<vmem>>
      %gather3A_1846 = tpu.vector_load_idx %gather3A_1845[%add3A_1834, %broadcast_in_dim3A_1795] : memref<64x128xf32, #tpu.memory_space<vmem>>[vector<16xi32>, vector<16xi32>], vector<16xf32>,
      %mul3A_1847 = arith.mulf %gather3A_1840, %gather3A_1846 : vector<16xf32>
      %add3A_1848 = arith.addf %add3A_1831, %mul3A_1847 : vector<16xf32>
      %add3A_1849 = arith.constant 48 : i32
      %add3A_1850 = vector.broadcast %add3A_1849 : i32 to vector<16xi32>
      %add3A_1851 = arith.addi %add3A_1850, %iota3A : vector<16xi32>
      %gather3A_1852 = arith.constant 2 : i32
      %gather3A_1853 = arith.constant 0 : i32
      %gather3A_1854 = arith.constant 0 : i32
      %gather3A_1855 = tpu.memref_slice %arg10[%gather3A_1852, %gather3A_1853, %gather3A_1854] : memref<4x64x128xf32, #tpu.memory_space<vmem>> -> memref<1x64x128xf32, #tpu.memory_space<vmem>>
      %gather3A_1856 = tpu.memref_squeeze %gather3A_1855 : memref<1x64x128xf32, #tpu.memory_space<vmem>> -> memref<64x128xf32, #tpu.memory_space<vmem>>
      %gather3A_1857 = tpu.vector_load_idx %gather3A_1856[%add3A_1851, %broadcast_in_dim3A_1790] : memref<64x128xf32, #tpu.memory_space<vmem>>[vector<16xi32>, vector<16xi32>], vector<16xf32>,
      %gather3A_1858 = arith.constant 2 : i32
      %gather3A_1859 = arith.constant 0 : i32
      %gather3A_1860 = arith.constant 0 : i32
      %gather3A_1861 = tpu.memref_slice %arg11[%gather3A_1858, %gather3A_1859, %gather3A_1860] : memref<4x64x128xf32, #tpu.memory_space<vmem>> -> memref<1x64x128xf32, #tpu.memory_space<vmem>>
      %gather3A_1862 = tpu.memref_squeeze %gather3A_1861 : memref<1x64x128xf32, #tpu.memory_space<vmem>> -> memref<64x128xf32, #tpu.memory_space<vmem>>
      %gather3A_1863 = tpu.vector_load_idx %gather3A_1862[%add3A_1851, %broadcast_in_dim3A_1795] : memref<64x128xf32, #tpu.memory_space<vmem>>[vector<16xi32>, vector<16xi32>], vector<16xf32>,
      %mul3A_1864 = arith.mulf %gather3A_1857, %gather3A_1863 : vector<16xf32>
      %add3A_1865 = arith.addf %add3A_1848, %mul3A_1864 : vector<16xf32>
      %reduce_sum3A_1866 = arith.constant true
      %reduce_sum3A_1867 = vector.broadcast %reduce_sum3A_1866 : i1 to vector<16xi1>
      %reduce_sum3A_1868 = tpu.scan <sum>, %add3A_1865 masked %reduce_sum3A_1867 : vector<16xf32>, vector<16xi1> -> vector<16xf32>
      %reduce_sum3A_1869 = vector.extract %reduce_sum3A_1868[15] : f32 from vector<16xf32>
      %eq3A_1870 = arith.constant 10 : i32
      %eq3A_1871 = vector.broadcast %eq3A_1870 : i32 to vector<16xi32>
      %eq3A_1872 = arith.cmpi eq, %iota3A, %eq3A_1871 : vector<16xi32>
      %add3A_1873 = vector.broadcast %reduce_sum3A_1869 : f32 to vector<16xf32>
      %add3A_1874 = arith.addf %select_n3A_1717, %add3A_1873 : vector<16xf32>
      %select_n3A_1875 = arith.select %eq3A_1872, %add3A_1874, %select_n3A_1717 : vector<16xi1>, vector<16xf32>
      %slice3A_1876 = vector.extract_strided_slice %get3A_125 {offsets = [14], sizes = [1], strides = [1]} : vector<16xi32> to vector<1xi32>
      %squeeze3A_1877 = vector.extract %slice3A_1876[0] : i32 from vector<1xi32>
      %slice3A_1878 = vector.extract_strided_slice %get3A_129 {offsets = [14], sizes = [1], strides = [1]} : vector<16xi32> to vector<1xi32>
      %squeeze3A_1879 = vector.extract %slice3A_1878[0] : i32 from vector<1xi32>
      %shift_right_logical3A_1880 = arith.constant 7 : i32
      %shift_right_logical3A_1881 = arith.shrui %squeeze3A_1877, %shift_right_logical3A_1880 : i32
      %mul3A_1882 = arith.constant 128 : i32
      %mul3A_1883 = arith.muli %shift_right_logical3A_1881, %mul3A_1882 : i32
      %shift_right_logical3A_1884 = arith.constant 7 : i32
      %shift_right_logical3A_1885 = arith.shrui %squeeze3A_1879, %shift_right_logical3A_1884 : i32
      %mul3A_1886 = arith.constant 128 : i32
      %mul3A_1887 = arith.muli %shift_right_logical3A_1885, %mul3A_1886 : i32
      %dma_start3A_1888 = arith.constant 2 : i32
      %dma_start3A_1889 = arith.constant 0 : i32
      %dma_start3A_1890 = arith.constant 0 : i32
      %dma_start3A_1891 = tpu.memref_slice %arg10[%dma_start3A_1888, %dma_start3A_1889, %dma_start3A_1890] : memref<4x64x128xf32, #tpu.memory_space<vmem>> -> memref<1x64x128xf32, #tpu.memory_space<vmem>>
      %dma_start3A_1892 = tpu.memref_squeeze %dma_start3A_1891 : memref<1x64x128xf32, #tpu.memory_space<vmem>> -> memref<64x128xf32, #tpu.memory_space<vmem>>
      %dma_start3A_1893 = arith.constant 0 : i32
      %dma_start3A_1894 = tpu.memref_slice %arg4[%dma_start3A_1893, %mul3A_1883] : memref<64x1000000xf32, #tpu.memory_space<hbm>> -> memref<64x128xf32, #tpu.memory_space<hbm>>
      %dma_start3A_1895 = arith.constant 0 : i32
      %dma_start3A_1896 = arith.constant 0 : i32
      %dma_start3A_1897 = tpu.memref_slice %arg10[%dma_start3A_1888, %dma_start3A_1895, %dma_start3A_1896] : memref<4x64x128xf32, #tpu.memory_space<vmem>> -> memref<1x64x128xf32, #tpu.memory_space<vmem>>
      %dma_start3A_1898 = tpu.memref_squeeze %dma_start3A_1897 : memref<1x64x128xf32, #tpu.memory_space<vmem>> -> memref<64x128xf32, #tpu.memory_space<vmem>>
      %dma_start3A_1899 = arith.constant 0 : i32
      %dma_start3A_1900 = tpu.memref_slice %arg4[%dma_start3A_1899, %mul3A_1883] : memref<64x1000000xf32, #tpu.memory_space<hbm>> -> memref<64x128xf32, #tpu.memory_space<hbm>>
      tpu.enqueue_dma source(%dma_start3A_1900 : memref<64x128xf32, #tpu.memory_space<hbm>>) target(%dma_start3A_1898 : memref<64x128xf32, #tpu.memory_space<vmem>>) target_semaphore(%arg14 : memref<!tpu.dma_semaphore, #tpu.memory_space<semaphore_mem>>)
      %dma_start3A_1901 = arith.constant 2 : i32
      %dma_start3A_1902 = arith.constant 0 : i32
      %dma_start3A_1903 = arith.constant 0 : i32
      %dma_start3A_1904 = tpu.memref_slice %arg11[%dma_start3A_1901, %dma_start3A_1902, %dma_start3A_1903] : memref<4x64x128xf32, #tpu.memory_space<vmem>> -> memref<1x64x128xf32, #tpu.memory_space<vmem>>
      %dma_start3A_1905 = tpu.memref_squeeze %dma_start3A_1904 : memref<1x64x128xf32, #tpu.memory_space<vmem>> -> memref<64x128xf32, #tpu.memory_space<vmem>>
      %dma_start3A_1906 = arith.constant 0 : i32
      %dma_start3A_1907 = tpu.memref_slice %arg5[%dma_start3A_1906, %mul3A_1887] : memref<64x1000000xf32, #tpu.memory_space<hbm>> -> memref<64x128xf32, #tpu.memory_space<hbm>>
      %dma_start3A_1908 = arith.constant 0 : i32
      %dma_start3A_1909 = arith.constant 0 : i32
      %dma_start3A_1910 = tpu.memref_slice %arg11[%dma_start3A_1901, %dma_start3A_1908, %dma_start3A_1909] : memref<4x64x128xf32, #tpu.memory_space<vmem>> -> memref<1x64x128xf32, #tpu.memory_space<vmem>>
      %dma_start3A_1911 = tpu.memref_squeeze %dma_start3A_1910 : memref<1x64x128xf32, #tpu.memory_space<vmem>> -> memref<64x128xf32, #tpu.memory_space<vmem>>
      %dma_start3A_1912 = arith.constant 0 : i32
      %dma_start3A_1913 = tpu.memref_slice %arg5[%dma_start3A_1912, %mul3A_1887] : memref<64x1000000xf32, #tpu.memory_space<hbm>> -> memref<64x128xf32, #tpu.memory_space<hbm>>
      tpu.enqueue_dma source(%dma_start3A_1913 : memref<64x128xf32, #tpu.memory_space<hbm>>) target(%dma_start3A_1911 : memref<64x128xf32, #tpu.memory_space<vmem>>) target_semaphore(%arg15 : memref<!tpu.dma_semaphore, #tpu.memory_space<semaphore_mem>>)
      %dma_wait3A_1914 = arith.constant 3 : i32
      %dma_wait3A_1915 = arith.constant 0 : i32
      %dma_wait3A_1916 = arith.constant 0 : i32
      %dma_wait3A_1917 = tpu.memref_slice %arg10[%dma_wait3A_1914, %dma_wait3A_1915, %dma_wait3A_1916] : memref<4x64x128xf32, #tpu.memory_space<vmem>> -> memref<1x64x128xf32, #tpu.memory_space<vmem>>
      %dma_wait3A_1918 = tpu.memref_squeeze %dma_wait3A_1917 : memref<1x64x128xf32, #tpu.memory_space<vmem>> -> memref<64x128xf32, #tpu.memory_space<vmem>>
      %dma_wait3A_1919 = arith.constant 0 : i32
      %dma_wait3A_1920 = arith.constant 0 : i32
      %dma_wait3A_1921 = tpu.memref_slice %arg4[%dma_wait3A_1919, %dma_wait3A_1920] : memref<64x1000000xf32, #tpu.memory_space<hbm>> -> memref<64x128xf32, #tpu.memory_space<hbm>>
      %dma_wait3A_1922 = arith.constant 0 : i32
      %dma_wait3A_1923 = arith.constant 0 : i32
      %dma_wait3A_1924 = tpu.memref_slice %arg10[%dma_wait3A_1914, %dma_wait3A_1922, %dma_wait3A_1923] : memref<4x64x128xf32, #tpu.memory_space<vmem>> -> memref<1x64x128xf32, #tpu.memory_space<vmem>>
      %dma_wait3A_1925 = tpu.memref_squeeze %dma_wait3A_1924 : memref<1x64x128xf32, #tpu.memory_space<vmem>> -> memref<64x128xf32, #tpu.memory_space<vmem>>
      %dma_wait3A_1926 = arith.constant 0 : i32
      %dma_wait3A_1927 = arith.constant 0 : i32
      %dma_wait3A_1928 = tpu.memref_slice %arg4[%dma_wait3A_1926, %dma_wait3A_1927] : memref<64x1000000xf32, #tpu.memory_space<hbm>> -> memref<64x128xf32, #tpu.memory_space<hbm>>
      tpu.wait_dma2 semaphore(%arg14 : memref<!tpu.dma_semaphore, #tpu.memory_space<semaphore_mem>>) src(%dma_wait3A_1928 : memref<64x128xf32, #tpu.memory_space<hbm>>) dst(%dma_wait3A_1925 : memref<64x128xf32, #tpu.memory_space<vmem>>)
      %dma_wait3A_1929 = arith.constant 3 : i32
      %dma_wait3A_1930 = arith.constant 0 : i32
      %dma_wait3A_1931 = arith.constant 0 : i32
      %dma_wait3A_1932 = tpu.memref_slice %arg11[%dma_wait3A_1929, %dma_wait3A_1930, %dma_wait3A_1931] : memref<4x64x128xf32, #tpu.memory_space<vmem>> -> memref<1x64x128xf32, #tpu.memory_space<vmem>>
      %dma_wait3A_1933 = tpu.memref_squeeze %dma_wait3A_1932 : memref<1x64x128xf32, #tpu.memory_space<vmem>> -> memref<64x128xf32, #tpu.memory_space<vmem>>
      %dma_wait3A_1934 = arith.constant 0 : i32
      %dma_wait3A_1935 = arith.constant 0 : i32
      %dma_wait3A_1936 = tpu.memref_slice %arg5[%dma_wait3A_1934, %dma_wait3A_1935] : memref<64x1000000xf32, #tpu.memory_space<hbm>> -> memref<64x128xf32, #tpu.memory_space<hbm>>
      %dma_wait3A_1937 = arith.constant 0 : i32
      %dma_wait3A_1938 = arith.constant 0 : i32
      %dma_wait3A_1939 = tpu.memref_slice %arg11[%dma_wait3A_1929, %dma_wait3A_1937, %dma_wait3A_1938] : memref<4x64x128xf32, #tpu.memory_space<vmem>> -> memref<1x64x128xf32, #tpu.memory_space<vmem>>
      %dma_wait3A_1940 = tpu.memref_squeeze %dma_wait3A_1939 : memref<1x64x128xf32, #tpu.memory_space<vmem>> -> memref<64x128xf32, #tpu.memory_space<vmem>>
      %dma_wait3A_1941 = arith.constant 0 : i32
      %dma_wait3A_1942 = arith.constant 0 : i32
      %dma_wait3A_1943 = tpu.memref_slice %arg5[%dma_wait3A_1941, %dma_wait3A_1942] : memref<64x1000000xf32, #tpu.memory_space<hbm>> -> memref<64x128xf32, #tpu.memory_space<hbm>>
      tpu.wait_dma2 semaphore(%arg15 : memref<!tpu.dma_semaphore, #tpu.memory_space<semaphore_mem>>) src(%dma_wait3A_1943 : memref<64x128xf32, #tpu.memory_space<hbm>>) dst(%dma_wait3A_1940 : memref<64x128xf32, #tpu.memory_space<vmem>>)
      %slice3A_1944 = vector.extract_strided_slice %get3A_125 {offsets = [11], sizes = [1], strides = [1]} : vector<16xi32> to vector<1xi32>
      %squeeze3A_1945 = vector.extract %slice3A_1944[0] : i32 from vector<1xi32>
      %and3A_1946 = arith.constant 127 : i32
      %and3A_1947 = arith.andi %squeeze3A_1945, %and3A_1946 : i32
      %broadcast_in_dim3A_1948 = vector.broadcast %and3A_1947 : i32 to vector<16xi32>
      %slice3A_1949 = vector.extract_strided_slice %get3A_129 {offsets = [11], sizes = [1], strides = [1]} : vector<16xi32> to vector<1xi32>
      %squeeze3A_1950 = vector.extract %slice3A_1949[0] : i32 from vector<1xi32>
      %and3A_1951 = arith.constant 127 : i32
      %and3A_1952 = arith.andi %squeeze3A_1950, %and3A_1951 : i32
      %broadcast_in_dim3A_1953 = vector.broadcast %and3A_1952 : i32 to vector<16xi32>
      %broadcast_in_dim3A_1954 = arith.constant 0.000000e+00 : f32
      %broadcast_in_dim3A_1955 = vector.broadcast %broadcast_in_dim3A_1954 : f32 to vector<16xf32>
      %add3A_1956 = arith.constant 0 : i32
      %add3A_1957 = vector.broadcast %add3A_1956 : i32 to vector<16xi32>
      %add3A_1958 = arith.addi %add3A_1957, %iota3A : vector<16xi32>
      %gather3A_1959 = arith.constant 3 : i32
      %gather3A_1960 = arith.constant 0 : i32
      %gather3A_1961 = arith.constant 0 : i32
      %gather3A_1962 = tpu.memref_slice %arg10[%gather3A_1959, %gather3A_1960, %gather3A_1961] : memref<4x64x128xf32, #tpu.memory_space<vmem>> -> memref<1x64x128xf32, #tpu.memory_space<vmem>>
      %gather3A_1963 = tpu.memref_squeeze %gather3A_1962 : memref<1x64x128xf32, #tpu.memory_space<vmem>> -> memref<64x128xf32, #tpu.memory_space<vmem>>
      %gather3A_1964 = tpu.vector_load_idx %gather3A_1963[%add3A_1958, %broadcast_in_dim3A_1948] : memref<64x128xf32, #tpu.memory_space<vmem>>[vector<16xi32>, vector<16xi32>], vector<16xf32>,
      %gather3A_1965 = arith.constant 3 : i32
      %gather3A_1966 = arith.constant 0 : i32
      %gather3A_1967 = arith.constant 0 : i32
      %gather3A_1968 = tpu.memref_slice %arg11[%gather3A_1965, %gather3A_1966, %gather3A_1967] : memref<4x64x128xf32, #tpu.memory_space<vmem>> -> memref<1x64x128xf32, #tpu.memory_space<vmem>>
      %gather3A_1969 = tpu.memref_squeeze %gather3A_1968 : memref<1x64x128xf32, #tpu.memory_space<vmem>> -> memref<64x128xf32, #tpu.memory_space<vmem>>
      %gather3A_1970 = tpu.vector_load_idx %gather3A_1969[%add3A_1958, %broadcast_in_dim3A_1953] : memref<64x128xf32, #tpu.memory_space<vmem>>[vector<16xi32>, vector<16xi32>], vector<16xf32>,
      %mul3A_1971 = arith.mulf %gather3A_1964, %gather3A_1970 : vector<16xf32>
      %add3A_1972 = arith.addf %broadcast_in_dim3A_1955, %mul3A_1971 : vector<16xf32>
      %add3A_1973 = arith.constant 16 : i32
      %add3A_1974 = vector.broadcast %add3A_1973 : i32 to vector<16xi32>
      %add3A_1975 = arith.addi %add3A_1974, %iota3A : vector<16xi32>
      %gather3A_1976 = arith.constant 3 : i32
      %gather3A_1977 = arith.constant 0 : i32
      %gather3A_1978 = arith.constant 0 : i32
      %gather3A_1979 = tpu.memref_slice %arg10[%gather3A_1976, %gather3A_1977, %gather3A_1978] : memref<4x64x128xf32, #tpu.memory_space<vmem>> -> memref<1x64x128xf32, #tpu.memory_space<vmem>>
      %gather3A_1980 = tpu.memref_squeeze %gather3A_1979 : memref<1x64x128xf32, #tpu.memory_space<vmem>> -> memref<64x128xf32, #tpu.memory_space<vmem>>
      %gather3A_1981 = tpu.vector_load_idx %gather3A_1980[%add3A_1975, %broadcast_in_dim3A_1948] : memref<64x128xf32, #tpu.memory_space<vmem>>[vector<16xi32>, vector<16xi32>], vector<16xf32>,
      %gather3A_1982 = arith.constant 3 : i32
      %gather3A_1983 = arith.constant 0 : i32
      %gather3A_1984 = arith.constant 0 : i32
      %gather3A_1985 = tpu.memref_slice %arg11[%gather3A_1982, %gather3A_1983, %gather3A_1984] : memref<4x64x128xf32, #tpu.memory_space<vmem>> -> memref<1x64x128xf32, #tpu.memory_space<vmem>>
      %gather3A_1986 = tpu.memref_squeeze %gather3A_1985 : memref<1x64x128xf32, #tpu.memory_space<vmem>> -> memref<64x128xf32, #tpu.memory_space<vmem>>
      %gather3A_1987 = tpu.vector_load_idx %gather3A_1986[%add3A_1975, %broadcast_in_dim3A_1953] : memref<64x128xf32, #tpu.memory_space<vmem>>[vector<16xi32>, vector<16xi32>], vector<16xf32>,
      %mul3A_1988 = arith.mulf %gather3A_1981, %gather3A_1987 : vector<16xf32>
      %add3A_1989 = arith.addf %add3A_1972, %mul3A_1988 : vector<16xf32>
      %add3A_1990 = arith.constant 32 : i32
      %add3A_1991 = vector.broadcast %add3A_1990 : i32 to vector<16xi32>
      %add3A_1992 = arith.addi %add3A_1991, %iota3A : vector<16xi32>
      %gather3A_1993 = arith.constant 3 : i32
      %gather3A_1994 = arith.constant 0 : i32
      %gather3A_1995 = arith.constant 0 : i32
      %gather3A_1996 = tpu.memref_slice %arg10[%gather3A_1993, %gather3A_1994, %gather3A_1995] : memref<4x64x128xf32, #tpu.memory_space<vmem>> -> memref<1x64x128xf32, #tpu.memory_space<vmem>>
      %gather3A_1997 = tpu.memref_squeeze %gather3A_1996 : memref<1x64x128xf32, #tpu.memory_space<vmem>> -> memref<64x128xf32, #tpu.memory_space<vmem>>
      %gather3A_1998 = tpu.vector_load_idx %gather3A_1997[%add3A_1992, %broadcast_in_dim3A_1948] : memref<64x128xf32, #tpu.memory_space<vmem>>[vector<16xi32>, vector<16xi32>], vector<16xf32>,
      %gather3A_1999 = arith.constant 3 : i32
      %gather3A_2000 = arith.constant 0 : i32
      %gather3A_2001 = arith.constant 0 : i32
      %gather3A_2002 = tpu.memref_slice %arg11[%gather3A_1999, %gather3A_2000, %gather3A_2001] : memref<4x64x128xf32, #tpu.memory_space<vmem>> -> memref<1x64x128xf32, #tpu.memory_space<vmem>>
      %gather3A_2003 = tpu.memref_squeeze %gather3A_2002 : memref<1x64x128xf32, #tpu.memory_space<vmem>> -> memref<64x128xf32, #tpu.memory_space<vmem>>
      %gather3A_2004 = tpu.vector_load_idx %gather3A_2003[%add3A_1992, %broadcast_in_dim3A_1953] : memref<64x128xf32, #tpu.memory_space<vmem>>[vector<16xi32>, vector<16xi32>], vector<16xf32>,
      %mul3A_2005 = arith.mulf %gather3A_1998, %gather3A_2004 : vector<16xf32>
      %add3A_2006 = arith.addf %add3A_1989, %mul3A_2005 : vector<16xf32>
      %add3A_2007 = arith.constant 48 : i32
      %add3A_2008 = vector.broadcast %add3A_2007 : i32 to vector<16xi32>
      %add3A_2009 = arith.addi %add3A_2008, %iota3A : vector<16xi32>
      %gather3A_2010 = arith.constant 3 : i32
      %gather3A_2011 = arith.constant 0 : i32
      %gather3A_2012 = arith.constant 0 : i32
      %gather3A_2013 = tpu.memref_slice %arg10[%gather3A_2010, %gather3A_2011, %gather3A_2012] : memref<4x64x128xf32, #tpu.memory_space<vmem>> -> memref<1x64x128xf32, #tpu.memory_space<vmem>>
      %gather3A_2014 = tpu.memref_squeeze %gather3A_2013 : memref<1x64x128xf32, #tpu.memory_space<vmem>> -> memref<64x128xf32, #tpu.memory_space<vmem>>
      %gather3A_2015 = tpu.vector_load_idx %gather3A_2014[%add3A_2009, %broadcast_in_dim3A_1948] : memref<64x128xf32, #tpu.memory_space<vmem>>[vector<16xi32>, vector<16xi32>], vector<16xf32>,
      %gather3A_2016 = arith.constant 3 : i32
      %gather3A_2017 = arith.constant 0 : i32
      %gather3A_2018 = arith.constant 0 : i32
      %gather3A_2019 = tpu.memref_slice %arg11[%gather3A_2016, %gather3A_2017, %gather3A_2018] : memref<4x64x128xf32, #tpu.memory_space<vmem>> -> memref<1x64x128xf32, #tpu.memory_space<vmem>>
      %gather3A_2020 = tpu.memref_squeeze %gather3A_2019 : memref<1x64x128xf32, #tpu.memory_space<vmem>> -> memref<64x128xf32, #tpu.memory_space<vmem>>
      %gather3A_2021 = tpu.vector_load_idx %gather3A_2020[%add3A_2009, %broadcast_in_dim3A_1953] : memref<64x128xf32, #tpu.memory_space<vmem>>[vector<16xi32>, vector<16xi32>], vector<16xf32>,
      %mul3A_2022 = arith.mulf %gather3A_2015, %gather3A_2021 : vector<16xf32>
      %add3A_2023 = arith.addf %add3A_2006, %mul3A_2022 : vector<16xf32>
      %reduce_sum3A_2024 = arith.constant true
      %reduce_sum3A_2025 = vector.broadcast %reduce_sum3A_2024 : i1 to vector<16xi1>
      %reduce_sum3A_2026 = tpu.scan <sum>, %add3A_2023 masked %reduce_sum3A_2025 : vector<16xf32>, vector<16xi1> -> vector<16xf32>
      %reduce_sum3A_2027 = vector.extract %reduce_sum3A_2026[15] : f32 from vector<16xf32>
      %eq3A_2028 = arith.constant 11 : i32
      %eq3A_2029 = vector.broadcast %eq3A_2028 : i32 to vector<16xi32>
      %eq3A_2030 = arith.cmpi eq, %iota3A, %eq3A_2029 : vector<16xi32>
      %add3A_2031 = vector.broadcast %reduce_sum3A_2027 : f32 to vector<16xf32>
      %add3A_2032 = arith.addf %select_n3A_1875, %add3A_2031 : vector<16xf32>
      %select_n3A_2033 = arith.select %eq3A_2030, %add3A_2032, %select_n3A_1875 : vector<16xi1>, vector<16xf32>
      %slice3A_2034 = vector.extract_strided_slice %get3A_125 {offsets = [15], sizes = [1], strides = [1]} : vector<16xi32> to vector<1xi32>
      %squeeze3A_2035 = vector.extract %slice3A_2034[0] : i32 from vector<1xi32>
      %slice3A_2036 = vector.extract_strided_slice %get3A_129 {offsets = [15], sizes = [1], strides = [1]} : vector<16xi32> to vector<1xi32>
      %squeeze3A_2037 = vector.extract %slice3A_2036[0] : i32 from vector<1xi32>
      %shift_right_logical3A_2038 = arith.constant 7 : i32
      %shift_right_logical3A_2039 = arith.shrui %squeeze3A_2035, %shift_right_logical3A_2038 : i32
      %mul3A_2040 = arith.constant 128 : i32
      %mul3A_2041 = arith.muli %shift_right_logical3A_2039, %mul3A_2040 : i32
      %shift_right_logical3A_2042 = arith.constant 7 : i32
      %shift_right_logical3A_2043 = arith.shrui %squeeze3A_2037, %shift_right_logical3A_2042 : i32
      %mul3A_2044 = arith.constant 128 : i32
      %mul3A_2045 = arith.muli %shift_right_logical3A_2043, %mul3A_2044 : i32
      %dma_start3A_2046 = arith.constant 3 : i32
      %dma_start3A_2047 = arith.constant 0 : i32
      %dma_start3A_2048 = arith.constant 0 : i32
      %dma_start3A_2049 = tpu.memref_slice %arg10[%dma_start3A_2046, %dma_start3A_2047, %dma_start3A_2048] : memref<4x64x128xf32, #tpu.memory_space<vmem>> -> memref<1x64x128xf32, #tpu.memory_space<vmem>>
      %dma_start3A_2050 = tpu.memref_squeeze %dma_start3A_2049 : memref<1x64x128xf32, #tpu.memory_space<vmem>> -> memref<64x128xf32, #tpu.memory_space<vmem>>
      %dma_start3A_2051 = arith.constant 0 : i32
      %dma_start3A_2052 = tpu.memref_slice %arg4[%dma_start3A_2051, %mul3A_2041] : memref<64x1000000xf32, #tpu.memory_space<hbm>> -> memref<64x128xf32, #tpu.memory_space<hbm>>
      %dma_start3A_2053 = arith.constant 0 : i32
      %dma_start3A_2054 = arith.constant 0 : i32
      %dma_start3A_2055 = tpu.memref_slice %arg10[%dma_start3A_2046, %dma_start3A_2053, %dma_start3A_2054] : memref<4x64x128xf32, #tpu.memory_space<vmem>> -> memref<1x64x128xf32, #tpu.memory_space<vmem>>
      %dma_start3A_2056 = tpu.memref_squeeze %dma_start3A_2055 : memref<1x64x128xf32, #tpu.memory_space<vmem>> -> memref<64x128xf32, #tpu.memory_space<vmem>>
      %dma_start3A_2057 = arith.constant 0 : i32
      %dma_start3A_2058 = tpu.memref_slice %arg4[%dma_start3A_2057, %mul3A_2041] : memref<64x1000000xf32, #tpu.memory_space<hbm>> -> memref<64x128xf32, #tpu.memory_space<hbm>>
      tpu.enqueue_dma source(%dma_start3A_2058 : memref<64x128xf32, #tpu.memory_space<hbm>>) target(%dma_start3A_2056 : memref<64x128xf32, #tpu.memory_space<vmem>>) target_semaphore(%arg14 : memref<!tpu.dma_semaphore, #tpu.memory_space<semaphore_mem>>)
      %dma_start3A_2059 = arith.constant 3 : i32
      %dma_start3A_2060 = arith.constant 0 : i32
      %dma_start3A_2061 = arith.constant 0 : i32
      %dma_start3A_2062 = tpu.memref_slice %arg11[%dma_start3A_2059, %dma_start3A_2060, %dma_start3A_2061] : memref<4x64x128xf32, #tpu.memory_space<vmem>> -> memref<1x64x128xf32, #tpu.memory_space<vmem>>
      %dma_start3A_2063 = tpu.memref_squeeze %dma_start3A_2062 : memref<1x64x128xf32, #tpu.memory_space<vmem>> -> memref<64x128xf32, #tpu.memory_space<vmem>>
      %dma_start3A_2064 = arith.constant 0 : i32
      %dma_start3A_2065 = tpu.memref_slice %arg5[%dma_start3A_2064, %mul3A_2045] : memref<64x1000000xf32, #tpu.memory_space<hbm>> -> memref<64x128xf32, #tpu.memory_space<hbm>>
      %dma_start3A_2066 = arith.constant 0 : i32
      %dma_start3A_2067 = arith.constant 0 : i32
      %dma_start3A_2068 = tpu.memref_slice %arg11[%dma_start3A_2059, %dma_start3A_2066, %dma_start3A_2067] : memref<4x64x128xf32, #tpu.memory_space<vmem>> -> memref<1x64x128xf32, #tpu.memory_space<vmem>>
      %dma_start3A_2069 = tpu.memref_squeeze %dma_start3A_2068 : memref<1x64x128xf32, #tpu.memory_space<vmem>> -> memref<64x128xf32, #tpu.memory_space<vmem>>
      %dma_start3A_2070 = arith.constant 0 : i32
      %dma_start3A_2071 = tpu.memref_slice %arg5[%dma_start3A_2070, %mul3A_2045] : memref<64x1000000xf32, #tpu.memory_space<hbm>> -> memref<64x128xf32, #tpu.memory_space<hbm>>
      tpu.enqueue_dma source(%dma_start3A_2071 : memref<64x128xf32, #tpu.memory_space<hbm>>) target(%dma_start3A_2069 : memref<64x128xf32, #tpu.memory_space<vmem>>) target_semaphore(%arg15 : memref<!tpu.dma_semaphore, #tpu.memory_space<semaphore_mem>>)
      %dma_wait3A_2072 = arith.constant 0 : i32
      %dma_wait3A_2073 = arith.constant 0 : i32
      %dma_wait3A_2074 = arith.constant 0 : i32
      %dma_wait3A_2075 = tpu.memref_slice %arg10[%dma_wait3A_2072, %dma_wait3A_2073, %dma_wait3A_2074] : memref<4x64x128xf32, #tpu.memory_space<vmem>> -> memref<1x64x128xf32, #tpu.memory_space<vmem>>
      %dma_wait3A_2076 = tpu.memref_squeeze %dma_wait3A_2075 : memref<1x64x128xf32, #tpu.memory_space<vmem>> -> memref<64x128xf32, #tpu.memory_space<vmem>>
      %dma_wait3A_2077 = arith.constant 0 : i32
      %dma_wait3A_2078 = arith.constant 0 : i32
      %dma_wait3A_2079 = tpu.memref_slice %arg4[%dma_wait3A_2077, %dma_wait3A_2078] : memref<64x1000000xf32, #tpu.memory_space<hbm>> -> memref<64x128xf32, #tpu.memory_space<hbm>>
      %dma_wait3A_2080 = arith.constant 0 : i32
      %dma_wait3A_2081 = arith.constant 0 : i32
      %dma_wait3A_2082 = tpu.memref_slice %arg10[%dma_wait3A_2072, %dma_wait3A_2080, %dma_wait3A_2081] : memref<4x64x128xf32, #tpu.memory_space<vmem>> -> memref<1x64x128xf32, #tpu.memory_space<vmem>>
      %dma_wait3A_2083 = tpu.memref_squeeze %dma_wait3A_2082 : memref<1x64x128xf32, #tpu.memory_space<vmem>> -> memref<64x128xf32, #tpu.memory_space<vmem>>
      %dma_wait3A_2084 = arith.constant 0 : i32
      %dma_wait3A_2085 = arith.constant 0 : i32
      %dma_wait3A_2086 = tpu.memref_slice %arg4[%dma_wait3A_2084, %dma_wait3A_2085] : memref<64x1000000xf32, #tpu.memory_space<hbm>> -> memref<64x128xf32, #tpu.memory_space<hbm>>
      tpu.wait_dma2 semaphore(%arg14 : memref<!tpu.dma_semaphore, #tpu.memory_space<semaphore_mem>>) src(%dma_wait3A_2086 : memref<64x128xf32, #tpu.memory_space<hbm>>) dst(%dma_wait3A_2083 : memref<64x128xf32, #tpu.memory_space<vmem>>)
      %dma_wait3A_2087 = arith.constant 0 : i32
      %dma_wait3A_2088 = arith.constant 0 : i32
      %dma_wait3A_2089 = arith.constant 0 : i32
      %dma_wait3A_2090 = tpu.memref_slice %arg11[%dma_wait3A_2087, %dma_wait3A_2088, %dma_wait3A_2089] : memref<4x64x128xf32, #tpu.memory_space<vmem>> -> memref<1x64x128xf32, #tpu.memory_space<vmem>>
      %dma_wait3A_2091 = tpu.memref_squeeze %dma_wait3A_2090 : memref<1x64x128xf32, #tpu.memory_space<vmem>> -> memref<64x128xf32, #tpu.memory_space<vmem>>
      %dma_wait3A_2092 = arith.constant 0 : i32
      %dma_wait3A_2093 = arith.constant 0 : i32
      %dma_wait3A_2094 = tpu.memref_slice %arg5[%dma_wait3A_2092, %dma_wait3A_2093] : memref<64x1000000xf32, #tpu.memory_space<hbm>> -> memref<64x128xf32, #tpu.memory_space<hbm>>
      %dma_wait3A_2095 = arith.constant 0 : i32
      %dma_wait3A_2096 = arith.constant 0 : i32
      %dma_wait3A_2097 = tpu.memref_slice %arg11[%dma_wait3A_2087, %dma_wait3A_2095, %dma_wait3A_2096] : memref<4x64x128xf32, #tpu.memory_space<vmem>> -> memref<1x64x128xf32, #tpu.memory_space<vmem>>
      %dma_wait3A_2098 = tpu.memref_squeeze %dma_wait3A_2097 : memref<1x64x128xf32, #tpu.memory_space<vmem>> -> memref<64x128xf32, #tpu.memory_space<vmem>>
      %dma_wait3A_2099 = arith.constant 0 : i32
      %dma_wait3A_2100 = arith.constant 0 : i32
      %dma_wait3A_2101 = tpu.memref_slice %arg5[%dma_wait3A_2099, %dma_wait3A_2100] : memref<64x1000000xf32, #tpu.memory_space<hbm>> -> memref<64x128xf32, #tpu.memory_space<hbm>>
      tpu.wait_dma2 semaphore(%arg15 : memref<!tpu.dma_semaphore, #tpu.memory_space<semaphore_mem>>) src(%dma_wait3A_2101 : memref<64x128xf32, #tpu.memory_space<hbm>>) dst(%dma_wait3A_2098 : memref<64x128xf32, #tpu.memory_space<vmem>>)
      %slice3A_2102 = vector.extract_strided_slice %get3A_125 {offsets = [12], sizes = [1], strides = [1]} : vector<16xi32> to vector<1xi32>
      %squeeze3A_2103 = vector.extract %slice3A_2102[0] : i32 from vector<1xi32>
      %and3A_2104 = arith.constant 127 : i32
      %and3A_2105 = arith.andi %squeeze3A_2103, %and3A_2104 : i32
      %broadcast_in_dim3A_2106 = vector.broadcast %and3A_2105 : i32 to vector<16xi32>
      %slice3A_2107 = vector.extract_strided_slice %get3A_129 {offsets = [12], sizes = [1], strides = [1]} : vector<16xi32> to vector<1xi32>
      %squeeze3A_2108 = vector.extract %slice3A_2107[0] : i32 from vector<1xi32>
      %and3A_2109 = arith.constant 127 : i32
      %and3A_2110 = arith.andi %squeeze3A_2108, %and3A_2109 : i32
      %broadcast_in_dim3A_2111 = vector.broadcast %and3A_2110 : i32 to vector<16xi32>
      %broadcast_in_dim3A_2112 = arith.constant 0.000000e+00 : f32
      %broadcast_in_dim3A_2113 = vector.broadcast %broadcast_in_dim3A_2112 : f32 to vector<16xf32>
      %add3A_2114 = arith.constant 0 : i32
      %add3A_2115 = vector.broadcast %add3A_2114 : i32 to vector<16xi32>
      %add3A_2116 = arith.addi %add3A_2115, %iota3A : vector<16xi32>
      %gather3A_2117 = arith.constant 0 : i32
      %gather3A_2118 = arith.constant 0 : i32
      %gather3A_2119 = arith.constant 0 : i32
      %gather3A_2120 = tpu.memref_slice %arg10[%gather3A_2117, %gather3A_2118, %gather3A_2119] : memref<4x64x128xf32, #tpu.memory_space<vmem>> -> memref<1x64x128xf32, #tpu.memory_space<vmem>>
      %gather3A_2121 = tpu.memref_squeeze %gather3A_2120 : memref<1x64x128xf32, #tpu.memory_space<vmem>> -> memref<64x128xf32, #tpu.memory_space<vmem>>
      %gather3A_2122 = tpu.vector_load_idx %gather3A_2121[%add3A_2116, %broadcast_in_dim3A_2106] : memref<64x128xf32, #tpu.memory_space<vmem>>[vector<16xi32>, vector<16xi32>], vector<16xf32>,
      %gather3A_2123 = arith.constant 0 : i32
      %gather3A_2124 = arith.constant 0 : i32
      %gather3A_2125 = arith.constant 0 : i32
      %gather3A_2126 = tpu.memref_slice %arg11[%gather3A_2123, %gather3A_2124, %gather3A_2125] : memref<4x64x128xf32, #tpu.memory_space<vmem>> -> memref<1x64x128xf32, #tpu.memory_space<vmem>>
      %gather3A_2127 = tpu.memref_squeeze %gather3A_2126 : memref<1x64x128xf32, #tpu.memory_space<vmem>> -> memref<64x128xf32, #tpu.memory_space<vmem>>
      %gather3A_2128 = tpu.vector_load_idx %gather3A_2127[%add3A_2116, %broadcast_in_dim3A_2111] : memref<64x128xf32, #tpu.memory_space<vmem>>[vector<16xi32>, vector<16xi32>], vector<16xf32>,
      %mul3A_2129 = arith.mulf %gather3A_2122, %gather3A_2128 : vector<16xf32>
      %add3A_2130 = arith.addf %broadcast_in_dim3A_2113, %mul3A_2129 : vector<16xf32>
      %add3A_2131 = arith.constant 16 : i32
      %add3A_2132 = vector.broadcast %add3A_2131 : i32 to vector<16xi32>
      %add3A_2133 = arith.addi %add3A_2132, %iota3A : vector<16xi32>
      %gather3A_2134 = arith.constant 0 : i32
      %gather3A_2135 = arith.constant 0 : i32
      %gather3A_2136 = arith.constant 0 : i32
      %gather3A_2137 = tpu.memref_slice %arg10[%gather3A_2134, %gather3A_2135, %gather3A_2136] : memref<4x64x128xf32, #tpu.memory_space<vmem>> -> memref<1x64x128xf32, #tpu.memory_space<vmem>>
      %gather3A_2138 = tpu.memref_squeeze %gather3A_2137 : memref<1x64x128xf32, #tpu.memory_space<vmem>> -> memref<64x128xf32, #tpu.memory_space<vmem>>
      %gather3A_2139 = tpu.vector_load_idx %gather3A_2138[%add3A_2133, %broadcast_in_dim3A_2106] : memref<64x128xf32, #tpu.memory_space<vmem>>[vector<16xi32>, vector<16xi32>], vector<16xf32>,
      %gather3A_2140 = arith.constant 0 : i32
      %gather3A_2141 = arith.constant 0 : i32
      %gather3A_2142 = arith.constant 0 : i32
      %gather3A_2143 = tpu.memref_slice %arg11[%gather3A_2140, %gather3A_2141, %gather3A_2142] : memref<4x64x128xf32, #tpu.memory_space<vmem>> -> memref<1x64x128xf32, #tpu.memory_space<vmem>>
      %gather3A_2144 = tpu.memref_squeeze %gather3A_2143 : memref<1x64x128xf32, #tpu.memory_space<vmem>> -> memref<64x128xf32, #tpu.memory_space<vmem>>
      %gather3A_2145 = tpu.vector_load_idx %gather3A_2144[%add3A_2133, %broadcast_in_dim3A_2111] : memref<64x128xf32, #tpu.memory_space<vmem>>[vector<16xi32>, vector<16xi32>], vector<16xf32>,
      %mul3A_2146 = arith.mulf %gather3A_2139, %gather3A_2145 : vector<16xf32>
      %add3A_2147 = arith.addf %add3A_2130, %mul3A_2146 : vector<16xf32>
      %add3A_2148 = arith.constant 32 : i32
      %add3A_2149 = vector.broadcast %add3A_2148 : i32 to vector<16xi32>
      %add3A_2150 = arith.addi %add3A_2149, %iota3A : vector<16xi32>
      %gather3A_2151 = arith.constant 0 : i32
      %gather3A_2152 = arith.constant 0 : i32
      %gather3A_2153 = arith.constant 0 : i32
      %gather3A_2154 = tpu.memref_slice %arg10[%gather3A_2151, %gather3A_2152, %gather3A_2153] : memref<4x64x128xf32, #tpu.memory_space<vmem>> -> memref<1x64x128xf32, #tpu.memory_space<vmem>>
      %gather3A_2155 = tpu.memref_squeeze %gather3A_2154 : memref<1x64x128xf32, #tpu.memory_space<vmem>> -> memref<64x128xf32, #tpu.memory_space<vmem>>
      %gather3A_2156 = tpu.vector_load_idx %gather3A_2155[%add3A_2150, %broadcast_in_dim3A_2106] : memref<64x128xf32, #tpu.memory_space<vmem>>[vector<16xi32>, vector<16xi32>], vector<16xf32>,
      %gather3A_2157 = arith.constant 0 : i32
      %gather3A_2158 = arith.constant 0 : i32
      %gather3A_2159 = arith.constant 0 : i32
      %gather3A_2160 = tpu.memref_slice %arg11[%gather3A_2157, %gather3A_2158, %gather3A_2159] : memref<4x64x128xf32, #tpu.memory_space<vmem>> -> memref<1x64x128xf32, #tpu.memory_space<vmem>>
      %gather3A_2161 = tpu.memref_squeeze %gather3A_2160 : memref<1x64x128xf32, #tpu.memory_space<vmem>> -> memref<64x128xf32, #tpu.memory_space<vmem>>
      %gather3A_2162 = tpu.vector_load_idx %gather3A_2161[%add3A_2150, %broadcast_in_dim3A_2111] : memref<64x128xf32, #tpu.memory_space<vmem>>[vector<16xi32>, vector<16xi32>], vector<16xf32>,
      %mul3A_2163 = arith.mulf %gather3A_2156, %gather3A_2162 : vector<16xf32>
      %add3A_2164 = arith.addf %add3A_2147, %mul3A_2163 : vector<16xf32>
      %add3A_2165 = arith.constant 48 : i32
      %add3A_2166 = vector.broadcast %add3A_2165 : i32 to vector<16xi32>
      %add3A_2167 = arith.addi %add3A_2166, %iota3A : vector<16xi32>
      %gather3A_2168 = arith.constant 0 : i32
      %gather3A_2169 = arith.constant 0 : i32
      %gather3A_2170 = arith.constant 0 : i32
      %gather3A_2171 = tpu.memref_slice %arg10[%gather3A_2168, %gather3A_2169, %gather3A_2170] : memref<4x64x128xf32, #tpu.memory_space<vmem>> -> memref<1x64x128xf32, #tpu.memory_space<vmem>>
      %gather3A_2172 = tpu.memref_squeeze %gather3A_2171 : memref<1x64x128xf32, #tpu.memory_space<vmem>> -> memref<64x128xf32, #tpu.memory_space<vmem>>
      %gather3A_2173 = tpu.vector_load_idx %gather3A_2172[%add3A_2167, %broadcast_in_dim3A_2106] : memref<64x128xf32, #tpu.memory_space<vmem>>[vector<16xi32>, vector<16xi32>], vector<16xf32>,
      %gather3A_2174 = arith.constant 0 : i32
      %gather3A_2175 = arith.constant 0 : i32
      %gather3A_2176 = arith.constant 0 : i32
      %gather3A_2177 = tpu.memref_slice %arg11[%gather3A_2174, %gather3A_2175, %gather3A_2176] : memref<4x64x128xf32, #tpu.memory_space<vmem>> -> memref<1x64x128xf32, #tpu.memory_space<vmem>>
      %gather3A_2178 = tpu.memref_squeeze %gather3A_2177 : memref<1x64x128xf32, #tpu.memory_space<vmem>> -> memref<64x128xf32, #tpu.memory_space<vmem>>
      %gather3A_2179 = tpu.vector_load_idx %gather3A_2178[%add3A_2167, %broadcast_in_dim3A_2111] : memref<64x128xf32, #tpu.memory_space<vmem>>[vector<16xi32>, vector<16xi32>], vector<16xf32>,
      %mul3A_2180 = arith.mulf %gather3A_2173, %gather3A_2179 : vector<16xf32>
      %add3A_2181 = arith.addf %add3A_2164, %mul3A_2180 : vector<16xf32>
      %reduce_sum3A_2182 = arith.constant true
      %reduce_sum3A_2183 = vector.broadcast %reduce_sum3A_2182 : i1 to vector<16xi1>
      %reduce_sum3A_2184 = tpu.scan <sum>, %add3A_2181 masked %reduce_sum3A_2183 : vector<16xf32>, vector<16xi1> -> vector<16xf32>
      %reduce_sum3A_2185 = vector.extract %reduce_sum3A_2184[15] : f32 from vector<16xf32>
      %eq3A_2186 = arith.constant 12 : i32
      %eq3A_2187 = vector.broadcast %eq3A_2186 : i32 to vector<16xi32>
      %eq3A_2188 = arith.cmpi eq, %iota3A, %eq3A_2187 : vector<16xi32>
      %add3A_2189 = vector.broadcast %reduce_sum3A_2185 : f32 to vector<16xf32>
      %add3A_2190 = arith.addf %select_n3A_2033, %add3A_2189 : vector<16xf32>
      %select_n3A_2191 = arith.select %eq3A_2188, %add3A_2190, %select_n3A_2033 : vector<16xi1>, vector<16xf32>
      %lt3A = arith.constant 31 : i32
      %lt3A_2192 = arith.cmpi slt, %scan3A_121, %lt3A : i32
      %convert_element_type3A = arith.extui %lt3A_2192 : i1 to i32
      %cond3A = arith.constant 0 : i32
      %cond3A_2193 = arith.cmpi ne, %convert_element_type3A, %cond3A : i32
      scf.if %cond3A_2193 {
        %slice3A_2567 = vector.extract_strided_slice %get3A_136 {offsets = [0], sizes = [1], strides = [1]} : vector<16xi32> to vector<1xi32>
        %squeeze3A_2568 = vector.extract %slice3A_2567[0] : i32 from vector<1xi32>
        %slice3A_2569 = vector.extract_strided_slice %get3A_140 {offsets = [0], sizes = [1], strides = [1]} : vector<16xi32> to vector<1xi32>
        %squeeze3A_2570 = vector.extract %slice3A_2569[0] : i32 from vector<1xi32>
        %shift_right_logical3A_2571 = arith.constant 7 : i32
        %shift_right_logical3A_2572 = arith.shrui %squeeze3A_2568, %shift_right_logical3A_2571 : i32
        %mul3A_2573 = arith.constant 128 : i32
        %mul3A_2574 = arith.muli %shift_right_logical3A_2572, %mul3A_2573 : i32
        %shift_right_logical3A_2575 = arith.constant 7 : i32
        %shift_right_logical3A_2576 = arith.shrui %squeeze3A_2570, %shift_right_logical3A_2575 : i32
        %mul3A_2577 = arith.constant 128 : i32
        %mul3A_2578 = arith.muli %shift_right_logical3A_2576, %mul3A_2577 : i32
        %dma_start3A_2579 = arith.constant 0 : i32
        %dma_start3A_2580 = arith.constant 0 : i32
        %dma_start3A_2581 = arith.constant 0 : i32
        %dma_start3A_2582 = tpu.memref_slice %arg10[%dma_start3A_2579, %dma_start3A_2580, %dma_start3A_2581] : memref<4x64x128xf32, #tpu.memory_space<vmem>> -> memref<1x64x128xf32, #tpu.memory_space<vmem>>
        %dma_start3A_2583 = tpu.memref_squeeze %dma_start3A_2582 : memref<1x64x128xf32, #tpu.memory_space<vmem>> -> memref<64x128xf32, #tpu.memory_space<vmem>>
        %dma_start3A_2584 = arith.constant 0 : i32
        %dma_start3A_2585 = tpu.memref_slice %arg4[%dma_start3A_2584, %mul3A_2574] : memref<64x1000000xf32, #tpu.memory_space<hbm>> -> memref<64x128xf32, #tpu.memory_space<hbm>>
        %dma_start3A_2586 = arith.constant 0 : i32
        %dma_start3A_2587 = arith.constant 0 : i32
        %dma_start3A_2588 = tpu.memref_slice %arg10[%dma_start3A_2579, %dma_start3A_2586, %dma_start3A_2587] : memref<4x64x128xf32, #tpu.memory_space<vmem>> -> memref<1x64x128xf32, #tpu.memory_space<vmem>>
        %dma_start3A_2589 = tpu.memref_squeeze %dma_start3A_2588 : memref<1x64x128xf32, #tpu.memory_space<vmem>> -> memref<64x128xf32, #tpu.memory_space<vmem>>
        %dma_start3A_2590 = arith.constant 0 : i32
        %dma_start3A_2591 = tpu.memref_slice %arg4[%dma_start3A_2590, %mul3A_2574] : memref<64x1000000xf32, #tpu.memory_space<hbm>> -> memref<64x128xf32, #tpu.memory_space<hbm>>
        tpu.enqueue_dma source(%dma_start3A_2591 : memref<64x128xf32, #tpu.memory_space<hbm>>) target(%dma_start3A_2589 : memref<64x128xf32, #tpu.memory_space<vmem>>) target_semaphore(%arg14 : memref<!tpu.dma_semaphore, #tpu.memory_space<semaphore_mem>>)
        %dma_start3A_2592 = arith.constant 0 : i32
        %dma_start3A_2593 = arith.constant 0 : i32
        %dma_start3A_2594 = arith.constant 0 : i32
        %dma_start3A_2595 = tpu.memref_slice %arg11[%dma_start3A_2592, %dma_start3A_2593, %dma_start3A_2594] : memref<4x64x128xf32, #tpu.memory_space<vmem>> -> memref<1x64x128xf32, #tpu.memory_space<vmem>>
        %dma_start3A_2596 = tpu.memref_squeeze %dma_start3A_2595 : memref<1x64x128xf32, #tpu.memory_space<vmem>> -> memref<64x128xf32, #tpu.memory_space<vmem>>
        %dma_start3A_2597 = arith.constant 0 : i32
        %dma_start3A_2598 = tpu.memref_slice %arg5[%dma_start3A_2597, %mul3A_2578] : memref<64x1000000xf32, #tpu.memory_space<hbm>> -> memref<64x128xf32, #tpu.memory_space<hbm>>
        %dma_start3A_2599 = arith.constant 0 : i32
        %dma_start3A_2600 = arith.constant 0 : i32
        %dma_start3A_2601 = tpu.memref_slice %arg11[%dma_start3A_2592, %dma_start3A_2599, %dma_start3A_2600] : memref<4x64x128xf32, #tpu.memory_space<vmem>> -> memref<1x64x128xf32, #tpu.memory_space<vmem>>
        %dma_start3A_2602 = tpu.memref_squeeze %dma_start3A_2601 : memref<1x64x128xf32, #tpu.memory_space<vmem>> -> memref<64x128xf32, #tpu.memory_space<vmem>>
        %dma_start3A_2603 = arith.constant 0 : i32
        %dma_start3A_2604 = tpu.memref_slice %arg5[%dma_start3A_2603, %mul3A_2578] : memref<64x1000000xf32, #tpu.memory_space<hbm>> -> memref<64x128xf32, #tpu.memory_space<hbm>>
        tpu.enqueue_dma source(%dma_start3A_2604 : memref<64x128xf32, #tpu.memory_space<hbm>>) target(%dma_start3A_2602 : memref<64x128xf32, #tpu.memory_space<vmem>>) target_semaphore(%arg15 : memref<!tpu.dma_semaphore, #tpu.memory_space<semaphore_mem>>)
      } else {
      }
      %dma_wait3A_2194 = arith.constant 1 : i32
      %dma_wait3A_2195 = arith.constant 0 : i32
      %dma_wait3A_2196 = arith.constant 0 : i32
      %dma_wait3A_2197 = tpu.memref_slice %arg10[%dma_wait3A_2194, %dma_wait3A_2195, %dma_wait3A_2196] : memref<4x64x128xf32, #tpu.memory_space<vmem>> -> memref<1x64x128xf32, #tpu.memory_space<vmem>>
      %dma_wait3A_2198 = tpu.memref_squeeze %dma_wait3A_2197 : memref<1x64x128xf32, #tpu.memory_space<vmem>> -> memref<64x128xf32, #tpu.memory_space<vmem>>
      %dma_wait3A_2199 = arith.constant 0 : i32
      %dma_wait3A_2200 = arith.constant 0 : i32
      %dma_wait3A_2201 = tpu.memref_slice %arg4[%dma_wait3A_2199, %dma_wait3A_2200] : memref<64x1000000xf32, #tpu.memory_space<hbm>> -> memref<64x128xf32, #tpu.memory_space<hbm>>
      %dma_wait3A_2202 = arith.constant 0 : i32
      %dma_wait3A_2203 = arith.constant 0 : i32
      %dma_wait3A_2204 = tpu.memref_slice %arg10[%dma_wait3A_2194, %dma_wait3A_2202, %dma_wait3A_2203] : memref<4x64x128xf32, #tpu.memory_space<vmem>> -> memref<1x64x128xf32, #tpu.memory_space<vmem>>
      %dma_wait3A_2205 = tpu.memref_squeeze %dma_wait3A_2204 : memref<1x64x128xf32, #tpu.memory_space<vmem>> -> memref<64x128xf32, #tpu.memory_space<vmem>>
      %dma_wait3A_2206 = arith.constant 0 : i32
      %dma_wait3A_2207 = arith.constant 0 : i32
      %dma_wait3A_2208 = tpu.memref_slice %arg4[%dma_wait3A_2206, %dma_wait3A_2207] : memref<64x1000000xf32, #tpu.memory_space<hbm>> -> memref<64x128xf32, #tpu.memory_space<hbm>>
      tpu.wait_dma2 semaphore(%arg14 : memref<!tpu.dma_semaphore, #tpu.memory_space<semaphore_mem>>) src(%dma_wait3A_2208 : memref<64x128xf32, #tpu.memory_space<hbm>>) dst(%dma_wait3A_2205 : memref<64x128xf32, #tpu.memory_space<vmem>>)
      %dma_wait3A_2209 = arith.constant 1 : i32
      %dma_wait3A_2210 = arith.constant 0 : i32
      %dma_wait3A_2211 = arith.constant 0 : i32
      %dma_wait3A_2212 = tpu.memref_slice %arg11[%dma_wait3A_2209, %dma_wait3A_2210, %dma_wait3A_2211] : memref<4x64x128xf32, #tpu.memory_space<vmem>> -> memref<1x64x128xf32, #tpu.memory_space<vmem>>
      %dma_wait3A_2213 = tpu.memref_squeeze %dma_wait3A_2212 : memref<1x64x128xf32, #tpu.memory_space<vmem>> -> memref<64x128xf32, #tpu.memory_space<vmem>>
      %dma_wait3A_2214 = arith.constant 0 : i32
      %dma_wait3A_2215 = arith.constant 0 : i32
      %dma_wait3A_2216 = tpu.memref_slice %arg5[%dma_wait3A_2214, %dma_wait3A_2215] : memref<64x1000000xf32, #tpu.memory_space<hbm>> -> memref<64x128xf32, #tpu.memory_space<hbm>>
      %dma_wait3A_2217 = arith.constant 0 : i32
      %dma_wait3A_2218 = arith.constant 0 : i32
      %dma_wait3A_2219 = tpu.memref_slice %arg11[%dma_wait3A_2209, %dma_wait3A_2217, %dma_wait3A_2218] : memref<4x64x128xf32, #tpu.memory_space<vmem>> -> memref<1x64x128xf32, #tpu.memory_space<vmem>>
      %dma_wait3A_2220 = tpu.memref_squeeze %dma_wait3A_2219 : memref<1x64x128xf32, #tpu.memory_space<vmem>> -> memref<64x128xf32, #tpu.memory_space<vmem>>
      %dma_wait3A_2221 = arith.constant 0 : i32
      %dma_wait3A_2222 = arith.constant 0 : i32
      %dma_wait3A_2223 = tpu.memref_slice %arg5[%dma_wait3A_2221, %dma_wait3A_2222] : memref<64x1000000xf32, #tpu.memory_space<hbm>> -> memref<64x128xf32, #tpu.memory_space<hbm>>
      tpu.wait_dma2 semaphore(%arg15 : memref<!tpu.dma_semaphore, #tpu.memory_space<semaphore_mem>>) src(%dma_wait3A_2223 : memref<64x128xf32, #tpu.memory_space<hbm>>) dst(%dma_wait3A_2220 : memref<64x128xf32, #tpu.memory_space<vmem>>)
      %slice3A_2224 = vector.extract_strided_slice %get3A_125 {offsets = [13], sizes = [1], strides = [1]} : vector<16xi32> to vector<1xi32>
      %squeeze3A_2225 = vector.extract %slice3A_2224[0] : i32 from vector<1xi32>
      %and3A_2226 = arith.constant 127 : i32
      %and3A_2227 = arith.andi %squeeze3A_2225, %and3A_2226 : i32
      %broadcast_in_dim3A_2228 = vector.broadcast %and3A_2227 : i32 to vector<16xi32>
      %slice3A_2229 = vector.extract_strided_slice %get3A_129 {offsets = [13], sizes = [1], strides = [1]} : vector<16xi32> to vector<1xi32>
      %squeeze3A_2230 = vector.extract %slice3A_2229[0] : i32 from vector<1xi32>
      %and3A_2231 = arith.constant 127 : i32
      %and3A_2232 = arith.andi %squeeze3A_2230, %and3A_2231 : i32
      %broadcast_in_dim3A_2233 = vector.broadcast %and3A_2232 : i32 to vector<16xi32>
      %broadcast_in_dim3A_2234 = arith.constant 0.000000e+00 : f32
      %broadcast_in_dim3A_2235 = vector.broadcast %broadcast_in_dim3A_2234 : f32 to vector<16xf32>
      %add3A_2236 = arith.constant 0 : i32
      %add3A_2237 = vector.broadcast %add3A_2236 : i32 to vector<16xi32>
      %add3A_2238 = arith.addi %add3A_2237, %iota3A : vector<16xi32>
      %gather3A_2239 = arith.constant 1 : i32
      %gather3A_2240 = arith.constant 0 : i32
      %gather3A_2241 = arith.constant 0 : i32
      %gather3A_2242 = tpu.memref_slice %arg10[%gather3A_2239, %gather3A_2240, %gather3A_2241] : memref<4x64x128xf32, #tpu.memory_space<vmem>> -> memref<1x64x128xf32, #tpu.memory_space<vmem>>
      %gather3A_2243 = tpu.memref_squeeze %gather3A_2242 : memref<1x64x128xf32, #tpu.memory_space<vmem>> -> memref<64x128xf32, #tpu.memory_space<vmem>>
      %gather3A_2244 = tpu.vector_load_idx %gather3A_2243[%add3A_2238, %broadcast_in_dim3A_2228] : memref<64x128xf32, #tpu.memory_space<vmem>>[vector<16xi32>, vector<16xi32>], vector<16xf32>,
      %gather3A_2245 = arith.constant 1 : i32
      %gather3A_2246 = arith.constant 0 : i32
      %gather3A_2247 = arith.constant 0 : i32
      %gather3A_2248 = tpu.memref_slice %arg11[%gather3A_2245, %gather3A_2246, %gather3A_2247] : memref<4x64x128xf32, #tpu.memory_space<vmem>> -> memref<1x64x128xf32, #tpu.memory_space<vmem>>
      %gather3A_2249 = tpu.memref_squeeze %gather3A_2248 : memref<1x64x128xf32, #tpu.memory_space<vmem>> -> memref<64x128xf32, #tpu.memory_space<vmem>>
      %gather3A_2250 = tpu.vector_load_idx %gather3A_2249[%add3A_2238, %broadcast_in_dim3A_2233] : memref<64x128xf32, #tpu.memory_space<vmem>>[vector<16xi32>, vector<16xi32>], vector<16xf32>,
      %mul3A_2251 = arith.mulf %gather3A_2244, %gather3A_2250 : vector<16xf32>
      %add3A_2252 = arith.addf %broadcast_in_dim3A_2235, %mul3A_2251 : vector<16xf32>
      %add3A_2253 = arith.constant 16 : i32
      %add3A_2254 = vector.broadcast %add3A_2253 : i32 to vector<16xi32>
      %add3A_2255 = arith.addi %add3A_2254, %iota3A : vector<16xi32>
      %gather3A_2256 = arith.constant 1 : i32
      %gather3A_2257 = arith.constant 0 : i32
      %gather3A_2258 = arith.constant 0 : i32
      %gather3A_2259 = tpu.memref_slice %arg10[%gather3A_2256, %gather3A_2257, %gather3A_2258] : memref<4x64x128xf32, #tpu.memory_space<vmem>> -> memref<1x64x128xf32, #tpu.memory_space<vmem>>
      %gather3A_2260 = tpu.memref_squeeze %gather3A_2259 : memref<1x64x128xf32, #tpu.memory_space<vmem>> -> memref<64x128xf32, #tpu.memory_space<vmem>>
      %gather3A_2261 = tpu.vector_load_idx %gather3A_2260[%add3A_2255, %broadcast_in_dim3A_2228] : memref<64x128xf32, #tpu.memory_space<vmem>>[vector<16xi32>, vector<16xi32>], vector<16xf32>,
      %gather3A_2262 = arith.constant 1 : i32
      %gather3A_2263 = arith.constant 0 : i32
      %gather3A_2264 = arith.constant 0 : i32
      %gather3A_2265 = tpu.memref_slice %arg11[%gather3A_2262, %gather3A_2263, %gather3A_2264] : memref<4x64x128xf32, #tpu.memory_space<vmem>> -> memref<1x64x128xf32, #tpu.memory_space<vmem>>
      %gather3A_2266 = tpu.memref_squeeze %gather3A_2265 : memref<1x64x128xf32, #tpu.memory_space<vmem>> -> memref<64x128xf32, #tpu.memory_space<vmem>>
      %gather3A_2267 = tpu.vector_load_idx %gather3A_2266[%add3A_2255, %broadcast_in_dim3A_2233] : memref<64x128xf32, #tpu.memory_space<vmem>>[vector<16xi32>, vector<16xi32>], vector<16xf32>,
      %mul3A_2268 = arith.mulf %gather3A_2261, %gather3A_2267 : vector<16xf32>
      %add3A_2269 = arith.addf %add3A_2252, %mul3A_2268 : vector<16xf32>
      %add3A_2270 = arith.constant 32 : i32
      %add3A_2271 = vector.broadcast %add3A_2270 : i32 to vector<16xi32>
      %add3A_2272 = arith.addi %add3A_2271, %iota3A : vector<16xi32>
      %gather3A_2273 = arith.constant 1 : i32
      %gather3A_2274 = arith.constant 0 : i32
      %gather3A_2275 = arith.constant 0 : i32
      %gather3A_2276 = tpu.memref_slice %arg10[%gather3A_2273, %gather3A_2274, %gather3A_2275] : memref<4x64x128xf32, #tpu.memory_space<vmem>> -> memref<1x64x128xf32, #tpu.memory_space<vmem>>
      %gather3A_2277 = tpu.memref_squeeze %gather3A_2276 : memref<1x64x128xf32, #tpu.memory_space<vmem>> -> memref<64x128xf32, #tpu.memory_space<vmem>>
      %gather3A_2278 = tpu.vector_load_idx %gather3A_2277[%add3A_2272, %broadcast_in_dim3A_2228] : memref<64x128xf32, #tpu.memory_space<vmem>>[vector<16xi32>, vector<16xi32>], vector<16xf32>,
      %gather3A_2279 = arith.constant 1 : i32
      %gather3A_2280 = arith.constant 0 : i32
      %gather3A_2281 = arith.constant 0 : i32
      %gather3A_2282 = tpu.memref_slice %arg11[%gather3A_2279, %gather3A_2280, %gather3A_2281] : memref<4x64x128xf32, #tpu.memory_space<vmem>> -> memref<1x64x128xf32, #tpu.memory_space<vmem>>
      %gather3A_2283 = tpu.memref_squeeze %gather3A_2282 : memref<1x64x128xf32, #tpu.memory_space<vmem>> -> memref<64x128xf32, #tpu.memory_space<vmem>>
      %gather3A_2284 = tpu.vector_load_idx %gather3A_2283[%add3A_2272, %broadcast_in_dim3A_2233] : memref<64x128xf32, #tpu.memory_space<vmem>>[vector<16xi32>, vector<16xi32>], vector<16xf32>,
      %mul3A_2285 = arith.mulf %gather3A_2278, %gather3A_2284 : vector<16xf32>
      %add3A_2286 = arith.addf %add3A_2269, %mul3A_2285 : vector<16xf32>
      %add3A_2287 = arith.constant 48 : i32
      %add3A_2288 = vector.broadcast %add3A_2287 : i32 to vector<16xi32>
      %add3A_2289 = arith.addi %add3A_2288, %iota3A : vector<16xi32>
      %gather3A_2290 = arith.constant 1 : i32
      %gather3A_2291 = arith.constant 0 : i32
      %gather3A_2292 = arith.constant 0 : i32
      %gather3A_2293 = tpu.memref_slice %arg10[%gather3A_2290, %gather3A_2291, %gather3A_2292] : memref<4x64x128xf32, #tpu.memory_space<vmem>> -> memref<1x64x128xf32, #tpu.memory_space<vmem>>
      %gather3A_2294 = tpu.memref_squeeze %gather3A_2293 : memref<1x64x128xf32, #tpu.memory_space<vmem>> -> memref<64x128xf32, #tpu.memory_space<vmem>>
      %gather3A_2295 = tpu.vector_load_idx %gather3A_2294[%add3A_2289, %broadcast_in_dim3A_2228] : memref<64x128xf32, #tpu.memory_space<vmem>>[vector<16xi32>, vector<16xi32>], vector<16xf32>,
      %gather3A_2296 = arith.constant 1 : i32
      %gather3A_2297 = arith.constant 0 : i32
      %gather3A_2298 = arith.constant 0 : i32
      %gather3A_2299 = tpu.memref_slice %arg11[%gather3A_2296, %gather3A_2297, %gather3A_2298] : memref<4x64x128xf32, #tpu.memory_space<vmem>> -> memref<1x64x128xf32, #tpu.memory_space<vmem>>
      %gather3A_2300 = tpu.memref_squeeze %gather3A_2299 : memref<1x64x128xf32, #tpu.memory_space<vmem>> -> memref<64x128xf32, #tpu.memory_space<vmem>>
      %gather3A_2301 = tpu.vector_load_idx %gather3A_2300[%add3A_2289, %broadcast_in_dim3A_2233] : memref<64x128xf32, #tpu.memory_space<vmem>>[vector<16xi32>, vector<16xi32>], vector<16xf32>,
      %mul3A_2302 = arith.mulf %gather3A_2295, %gather3A_2301 : vector<16xf32>
      %add3A_2303 = arith.addf %add3A_2286, %mul3A_2302 : vector<16xf32>
      %reduce_sum3A_2304 = arith.constant true
      %reduce_sum3A_2305 = vector.broadcast %reduce_sum3A_2304 : i1 to vector<16xi1>
      %reduce_sum3A_2306 = tpu.scan <sum>, %add3A_2303 masked %reduce_sum3A_2305 : vector<16xf32>, vector<16xi1> -> vector<16xf32>
      %reduce_sum3A_2307 = vector.extract %reduce_sum3A_2306[15] : f32 from vector<16xf32>
      %eq3A_2308 = arith.constant 13 : i32
      %eq3A_2309 = vector.broadcast %eq3A_2308 : i32 to vector<16xi32>
      %eq3A_2310 = arith.cmpi eq, %iota3A, %eq3A_2309 : vector<16xi32>
      %add3A_2311 = vector.broadcast %reduce_sum3A_2307 : f32 to vector<16xf32>
      %add3A_2312 = arith.addf %select_n3A_2191, %add3A_2311 : vector<16xf32>
      %select_n3A_2313 = arith.select %eq3A_2310, %add3A_2312, %select_n3A_2191 : vector<16xi1>, vector<16xf32>
      %lt3A_2314 = arith.constant 31 : i32
      %lt3A_2315 = arith.cmpi slt, %scan3A_121, %lt3A_2314 : i32
      %convert_element_type3A_2316 = arith.extui %lt3A_2315 : i1 to i32
      %cond3A_2317 = arith.constant 0 : i32
      %cond3A_2318 = arith.cmpi ne, %convert_element_type3A_2316, %cond3A_2317 : i32
      scf.if %cond3A_2318 {
        %slice3A_2567 = vector.extract_strided_slice %get3A_136 {offsets = [1], sizes = [1], strides = [1]} : vector<16xi32> to vector<1xi32>
        %squeeze3A_2568 = vector.extract %slice3A_2567[0] : i32 from vector<1xi32>
        %slice3A_2569 = vector.extract_strided_slice %get3A_140 {offsets = [1], sizes = [1], strides = [1]} : vector<16xi32> to vector<1xi32>
        %squeeze3A_2570 = vector.extract %slice3A_2569[0] : i32 from vector<1xi32>
        %shift_right_logical3A_2571 = arith.constant 7 : i32
        %shift_right_logical3A_2572 = arith.shrui %squeeze3A_2568, %shift_right_logical3A_2571 : i32
        %mul3A_2573 = arith.constant 128 : i32
        %mul3A_2574 = arith.muli %shift_right_logical3A_2572, %mul3A_2573 : i32
        %shift_right_logical3A_2575 = arith.constant 7 : i32
        %shift_right_logical3A_2576 = arith.shrui %squeeze3A_2570, %shift_right_logical3A_2575 : i32
        %mul3A_2577 = arith.constant 128 : i32
        %mul3A_2578 = arith.muli %shift_right_logical3A_2576, %mul3A_2577 : i32
        %dma_start3A_2579 = arith.constant 1 : i32
        %dma_start3A_2580 = arith.constant 0 : i32
        %dma_start3A_2581 = arith.constant 0 : i32
        %dma_start3A_2582 = tpu.memref_slice %arg10[%dma_start3A_2579, %dma_start3A_2580, %dma_start3A_2581] : memref<4x64x128xf32, #tpu.memory_space<vmem>> -> memref<1x64x128xf32, #tpu.memory_space<vmem>>
        %dma_start3A_2583 = tpu.memref_squeeze %dma_start3A_2582 : memref<1x64x128xf32, #tpu.memory_space<vmem>> -> memref<64x128xf32, #tpu.memory_space<vmem>>
        %dma_start3A_2584 = arith.constant 0 : i32
        %dma_start3A_2585 = tpu.memref_slice %arg4[%dma_start3A_2584, %mul3A_2574] : memref<64x1000000xf32, #tpu.memory_space<hbm>> -> memref<64x128xf32, #tpu.memory_space<hbm>>
        %dma_start3A_2586 = arith.constant 0 : i32
        %dma_start3A_2587 = arith.constant 0 : i32
        %dma_start3A_2588 = tpu.memref_slice %arg10[%dma_start3A_2579, %dma_start3A_2586, %dma_start3A_2587] : memref<4x64x128xf32, #tpu.memory_space<vmem>> -> memref<1x64x128xf32, #tpu.memory_space<vmem>>
        %dma_start3A_2589 = tpu.memref_squeeze %dma_start3A_2588 : memref<1x64x128xf32, #tpu.memory_space<vmem>> -> memref<64x128xf32, #tpu.memory_space<vmem>>
        %dma_start3A_2590 = arith.constant 0 : i32
        %dma_start3A_2591 = tpu.memref_slice %arg4[%dma_start3A_2590, %mul3A_2574] : memref<64x1000000xf32, #tpu.memory_space<hbm>> -> memref<64x128xf32, #tpu.memory_space<hbm>>
        tpu.enqueue_dma source(%dma_start3A_2591 : memref<64x128xf32, #tpu.memory_space<hbm>>) target(%dma_start3A_2589 : memref<64x128xf32, #tpu.memory_space<vmem>>) target_semaphore(%arg14 : memref<!tpu.dma_semaphore, #tpu.memory_space<semaphore_mem>>)
        %dma_start3A_2592 = arith.constant 1 : i32
        %dma_start3A_2593 = arith.constant 0 : i32
        %dma_start3A_2594 = arith.constant 0 : i32
        %dma_start3A_2595 = tpu.memref_slice %arg11[%dma_start3A_2592, %dma_start3A_2593, %dma_start3A_2594] : memref<4x64x128xf32, #tpu.memory_space<vmem>> -> memref<1x64x128xf32, #tpu.memory_space<vmem>>
        %dma_start3A_2596 = tpu.memref_squeeze %dma_start3A_2595 : memref<1x64x128xf32, #tpu.memory_space<vmem>> -> memref<64x128xf32, #tpu.memory_space<vmem>>
        %dma_start3A_2597 = arith.constant 0 : i32
        %dma_start3A_2598 = tpu.memref_slice %arg5[%dma_start3A_2597, %mul3A_2578] : memref<64x1000000xf32, #tpu.memory_space<hbm>> -> memref<64x128xf32, #tpu.memory_space<hbm>>
        %dma_start3A_2599 = arith.constant 0 : i32
        %dma_start3A_2600 = arith.constant 0 : i32
        %dma_start3A_2601 = tpu.memref_slice %arg11[%dma_start3A_2592, %dma_start3A_2599, %dma_start3A_2600] : memref<4x64x128xf32, #tpu.memory_space<vmem>> -> memref<1x64x128xf32, #tpu.memory_space<vmem>>
        %dma_start3A_2602 = tpu.memref_squeeze %dma_start3A_2601 : memref<1x64x128xf32, #tpu.memory_space<vmem>> -> memref<64x128xf32, #tpu.memory_space<vmem>>
        %dma_start3A_2603 = arith.constant 0 : i32
        %dma_start3A_2604 = tpu.memref_slice %arg5[%dma_start3A_2603, %mul3A_2578] : memref<64x1000000xf32, #tpu.memory_space<hbm>> -> memref<64x128xf32, #tpu.memory_space<hbm>>
        tpu.enqueue_dma source(%dma_start3A_2604 : memref<64x128xf32, #tpu.memory_space<hbm>>) target(%dma_start3A_2602 : memref<64x128xf32, #tpu.memory_space<vmem>>) target_semaphore(%arg15 : memref<!tpu.dma_semaphore, #tpu.memory_space<semaphore_mem>>)
      } else {
      }
      %dma_wait3A_2319 = arith.constant 2 : i32
      %dma_wait3A_2320 = arith.constant 0 : i32
      %dma_wait3A_2321 = arith.constant 0 : i32
      %dma_wait3A_2322 = tpu.memref_slice %arg10[%dma_wait3A_2319, %dma_wait3A_2320, %dma_wait3A_2321] : memref<4x64x128xf32, #tpu.memory_space<vmem>> -> memref<1x64x128xf32, #tpu.memory_space<vmem>>
      %dma_wait3A_2323 = tpu.memref_squeeze %dma_wait3A_2322 : memref<1x64x128xf32, #tpu.memory_space<vmem>> -> memref<64x128xf32, #tpu.memory_space<vmem>>
      %dma_wait3A_2324 = arith.constant 0 : i32
      %dma_wait3A_2325 = arith.constant 0 : i32
      %dma_wait3A_2326 = tpu.memref_slice %arg4[%dma_wait3A_2324, %dma_wait3A_2325] : memref<64x1000000xf32, #tpu.memory_space<hbm>> -> memref<64x128xf32, #tpu.memory_space<hbm>>
      %dma_wait3A_2327 = arith.constant 0 : i32
      %dma_wait3A_2328 = arith.constant 0 : i32
      %dma_wait3A_2329 = tpu.memref_slice %arg10[%dma_wait3A_2319, %dma_wait3A_2327, %dma_wait3A_2328] : memref<4x64x128xf32, #tpu.memory_space<vmem>> -> memref<1x64x128xf32, #tpu.memory_space<vmem>>
      %dma_wait3A_2330 = tpu.memref_squeeze %dma_wait3A_2329 : memref<1x64x128xf32, #tpu.memory_space<vmem>> -> memref<64x128xf32, #tpu.memory_space<vmem>>
      %dma_wait3A_2331 = arith.constant 0 : i32
      %dma_wait3A_2332 = arith.constant 0 : i32
      %dma_wait3A_2333 = tpu.memref_slice %arg4[%dma_wait3A_2331, %dma_wait3A_2332] : memref<64x1000000xf32, #tpu.memory_space<hbm>> -> memref<64x128xf32, #tpu.memory_space<hbm>>
      tpu.wait_dma2 semaphore(%arg14 : memref<!tpu.dma_semaphore, #tpu.memory_space<semaphore_mem>>) src(%dma_wait3A_2333 : memref<64x128xf32, #tpu.memory_space<hbm>>) dst(%dma_wait3A_2330 : memref<64x128xf32, #tpu.memory_space<vmem>>)
      %dma_wait3A_2334 = arith.constant 2 : i32
      %dma_wait3A_2335 = arith.constant 0 : i32
      %dma_wait3A_2336 = arith.constant 0 : i32
      %dma_wait3A_2337 = tpu.memref_slice %arg11[%dma_wait3A_2334, %dma_wait3A_2335, %dma_wait3A_2336] : memref<4x64x128xf32, #tpu.memory_space<vmem>> -> memref<1x64x128xf32, #tpu.memory_space<vmem>>
      %dma_wait3A_2338 = tpu.memref_squeeze %dma_wait3A_2337 : memref<1x64x128xf32, #tpu.memory_space<vmem>> -> memref<64x128xf32, #tpu.memory_space<vmem>>
      %dma_wait3A_2339 = arith.constant 0 : i32
      %dma_wait3A_2340 = arith.constant 0 : i32
      %dma_wait3A_2341 = tpu.memref_slice %arg5[%dma_wait3A_2339, %dma_wait3A_2340] : memref<64x1000000xf32, #tpu.memory_space<hbm>> -> memref<64x128xf32, #tpu.memory_space<hbm>>
      %dma_wait3A_2342 = arith.constant 0 : i32
      %dma_wait3A_2343 = arith.constant 0 : i32
      %dma_wait3A_2344 = tpu.memref_slice %arg11[%dma_wait3A_2334, %dma_wait3A_2342, %dma_wait3A_2343] : memref<4x64x128xf32, #tpu.memory_space<vmem>> -> memref<1x64x128xf32, #tpu.memory_space<vmem>>
      %dma_wait3A_2345 = tpu.memref_squeeze %dma_wait3A_2344 : memref<1x64x128xf32, #tpu.memory_space<vmem>> -> memref<64x128xf32, #tpu.memory_space<vmem>>
      %dma_wait3A_2346 = arith.constant 0 : i32
      %dma_wait3A_2347 = arith.constant 0 : i32
      %dma_wait3A_2348 = tpu.memref_slice %arg5[%dma_wait3A_2346, %dma_wait3A_2347] : memref<64x1000000xf32, #tpu.memory_space<hbm>> -> memref<64x128xf32, #tpu.memory_space<hbm>>
      tpu.wait_dma2 semaphore(%arg15 : memref<!tpu.dma_semaphore, #tpu.memory_space<semaphore_mem>>) src(%dma_wait3A_2348 : memref<64x128xf32, #tpu.memory_space<hbm>>) dst(%dma_wait3A_2345 : memref<64x128xf32, #tpu.memory_space<vmem>>)
      %slice3A_2349 = vector.extract_strided_slice %get3A_125 {offsets = [14], sizes = [1], strides = [1]} : vector<16xi32> to vector<1xi32>
      %squeeze3A_2350 = vector.extract %slice3A_2349[0] : i32 from vector<1xi32>
      %and3A_2351 = arith.constant 127 : i32
      %and3A_2352 = arith.andi %squeeze3A_2350, %and3A_2351 : i32
      %broadcast_in_dim3A_2353 = vector.broadcast %and3A_2352 : i32 to vector<16xi32>
      %slice3A_2354 = vector.extract_strided_slice %get3A_129 {offsets = [14], sizes = [1], strides = [1]} : vector<16xi32> to vector<1xi32>
      %squeeze3A_2355 = vector.extract %slice3A_2354[0] : i32 from vector<1xi32>
      %and3A_2356 = arith.constant 127 : i32
      %and3A_2357 = arith.andi %squeeze3A_2355, %and3A_2356 : i32
      %broadcast_in_dim3A_2358 = vector.broadcast %and3A_2357 : i32 to vector<16xi32>
      %broadcast_in_dim3A_2359 = arith.constant 0.000000e+00 : f32
      %broadcast_in_dim3A_2360 = vector.broadcast %broadcast_in_dim3A_2359 : f32 to vector<16xf32>
      %add3A_2361 = arith.constant 0 : i32
      %add3A_2362 = vector.broadcast %add3A_2361 : i32 to vector<16xi32>
      %add3A_2363 = arith.addi %add3A_2362, %iota3A : vector<16xi32>
      %gather3A_2364 = arith.constant 2 : i32
      %gather3A_2365 = arith.constant 0 : i32
      %gather3A_2366 = arith.constant 0 : i32
      %gather3A_2367 = tpu.memref_slice %arg10[%gather3A_2364, %gather3A_2365, %gather3A_2366] : memref<4x64x128xf32, #tpu.memory_space<vmem>> -> memref<1x64x128xf32, #tpu.memory_space<vmem>>
      %gather3A_2368 = tpu.memref_squeeze %gather3A_2367 : memref<1x64x128xf32, #tpu.memory_space<vmem>> -> memref<64x128xf32, #tpu.memory_space<vmem>>
      %gather3A_2369 = tpu.vector_load_idx %gather3A_2368[%add3A_2363, %broadcast_in_dim3A_2353] : memref<64x128xf32, #tpu.memory_space<vmem>>[vector<16xi32>, vector<16xi32>], vector<16xf32>,
      %gather3A_2370 = arith.constant 2 : i32
      %gather3A_2371 = arith.constant 0 : i32
      %gather3A_2372 = arith.constant 0 : i32
      %gather3A_2373 = tpu.memref_slice %arg11[%gather3A_2370, %gather3A_2371, %gather3A_2372] : memref<4x64x128xf32, #tpu.memory_space<vmem>> -> memref<1x64x128xf32, #tpu.memory_space<vmem>>
      %gather3A_2374 = tpu.memref_squeeze %gather3A_2373 : memref<1x64x128xf32, #tpu.memory_space<vmem>> -> memref<64x128xf32, #tpu.memory_space<vmem>>
      %gather3A_2375 = tpu.vector_load_idx %gather3A_2374[%add3A_2363, %broadcast_in_dim3A_2358] : memref<64x128xf32, #tpu.memory_space<vmem>>[vector<16xi32>, vector<16xi32>], vector<16xf32>,
      %mul3A_2376 = arith.mulf %gather3A_2369, %gather3A_2375 : vector<16xf32>
      %add3A_2377 = arith.addf %broadcast_in_dim3A_2360, %mul3A_2376 : vector<16xf32>
      %add3A_2378 = arith.constant 16 : i32
      %add3A_2379 = vector.broadcast %add3A_2378 : i32 to vector<16xi32>
      %add3A_2380 = arith.addi %add3A_2379, %iota3A : vector<16xi32>
      %gather3A_2381 = arith.constant 2 : i32
      %gather3A_2382 = arith.constant 0 : i32
      %gather3A_2383 = arith.constant 0 : i32
      %gather3A_2384 = tpu.memref_slice %arg10[%gather3A_2381, %gather3A_2382, %gather3A_2383] : memref<4x64x128xf32, #tpu.memory_space<vmem>> -> memref<1x64x128xf32, #tpu.memory_space<vmem>>
      %gather3A_2385 = tpu.memref_squeeze %gather3A_2384 : memref<1x64x128xf32, #tpu.memory_space<vmem>> -> memref<64x128xf32, #tpu.memory_space<vmem>>
      %gather3A_2386 = tpu.vector_load_idx %gather3A_2385[%add3A_2380, %broadcast_in_dim3A_2353] : memref<64x128xf32, #tpu.memory_space<vmem>>[vector<16xi32>, vector<16xi32>], vector<16xf32>,
      %gather3A_2387 = arith.constant 2 : i32
      %gather3A_2388 = arith.constant 0 : i32
      %gather3A_2389 = arith.constant 0 : i32
      %gather3A_2390 = tpu.memref_slice %arg11[%gather3A_2387, %gather3A_2388, %gather3A_2389] : memref<4x64x128xf32, #tpu.memory_space<vmem>> -> memref<1x64x128xf32, #tpu.memory_space<vmem>>
      %gather3A_2391 = tpu.memref_squeeze %gather3A_2390 : memref<1x64x128xf32, #tpu.memory_space<vmem>> -> memref<64x128xf32, #tpu.memory_space<vmem>>
      %gather3A_2392 = tpu.vector_load_idx %gather3A_2391[%add3A_2380, %broadcast_in_dim3A_2358] : memref<64x128xf32, #tpu.memory_space<vmem>>[vector<16xi32>, vector<16xi32>], vector<16xf32>,
      %mul3A_2393 = arith.mulf %gather3A_2386, %gather3A_2392 : vector<16xf32>
      %add3A_2394 = arith.addf %add3A_2377, %mul3A_2393 : vector<16xf32>
      %add3A_2395 = arith.constant 32 : i32
      %add3A_2396 = vector.broadcast %add3A_2395 : i32 to vector<16xi32>
      %add3A_2397 = arith.addi %add3A_2396, %iota3A : vector<16xi32>
      %gather3A_2398 = arith.constant 2 : i32
      %gather3A_2399 = arith.constant 0 : i32
      %gather3A_2400 = arith.constant 0 : i32
      %gather3A_2401 = tpu.memref_slice %arg10[%gather3A_2398, %gather3A_2399, %gather3A_2400] : memref<4x64x128xf32, #tpu.memory_space<vmem>> -> memref<1x64x128xf32, #tpu.memory_space<vmem>>
      %gather3A_2402 = tpu.memref_squeeze %gather3A_2401 : memref<1x64x128xf32, #tpu.memory_space<vmem>> -> memref<64x128xf32, #tpu.memory_space<vmem>>
      %gather3A_2403 = tpu.vector_load_idx %gather3A_2402[%add3A_2397, %broadcast_in_dim3A_2353] : memref<64x128xf32, #tpu.memory_space<vmem>>[vector<16xi32>, vector<16xi32>], vector<16xf32>,
      %gather3A_2404 = arith.constant 2 : i32
      %gather3A_2405 = arith.constant 0 : i32
      %gather3A_2406 = arith.constant 0 : i32
      %gather3A_2407 = tpu.memref_slice %arg11[%gather3A_2404, %gather3A_2405, %gather3A_2406] : memref<4x64x128xf32, #tpu.memory_space<vmem>> -> memref<1x64x128xf32, #tpu.memory_space<vmem>>
      %gather3A_2408 = tpu.memref_squeeze %gather3A_2407 : memref<1x64x128xf32, #tpu.memory_space<vmem>> -> memref<64x128xf32, #tpu.memory_space<vmem>>
      %gather3A_2409 = tpu.vector_load_idx %gather3A_2408[%add3A_2397, %broadcast_in_dim3A_2358] : memref<64x128xf32, #tpu.memory_space<vmem>>[vector<16xi32>, vector<16xi32>], vector<16xf32>,
      %mul3A_2410 = arith.mulf %gather3A_2403, %gather3A_2409 : vector<16xf32>
      %add3A_2411 = arith.addf %add3A_2394, %mul3A_2410 : vector<16xf32>
      %add3A_2412 = arith.constant 48 : i32
      %add3A_2413 = vector.broadcast %add3A_2412 : i32 to vector<16xi32>
      %add3A_2414 = arith.addi %add3A_2413, %iota3A : vector<16xi32>
      %gather3A_2415 = arith.constant 2 : i32
      %gather3A_2416 = arith.constant 0 : i32
      %gather3A_2417 = arith.constant 0 : i32
      %gather3A_2418 = tpu.memref_slice %arg10[%gather3A_2415, %gather3A_2416, %gather3A_2417] : memref<4x64x128xf32, #tpu.memory_space<vmem>> -> memref<1x64x128xf32, #tpu.memory_space<vmem>>
      %gather3A_2419 = tpu.memref_squeeze %gather3A_2418 : memref<1x64x128xf32, #tpu.memory_space<vmem>> -> memref<64x128xf32, #tpu.memory_space<vmem>>
      %gather3A_2420 = tpu.vector_load_idx %gather3A_2419[%add3A_2414, %broadcast_in_dim3A_2353] : memref<64x128xf32, #tpu.memory_space<vmem>>[vector<16xi32>, vector<16xi32>], vector<16xf32>,
      %gather3A_2421 = arith.constant 2 : i32
      %gather3A_2422 = arith.constant 0 : i32
      %gather3A_2423 = arith.constant 0 : i32
      %gather3A_2424 = tpu.memref_slice %arg11[%gather3A_2421, %gather3A_2422, %gather3A_2423] : memref<4x64x128xf32, #tpu.memory_space<vmem>> -> memref<1x64x128xf32, #tpu.memory_space<vmem>>
      %gather3A_2425 = tpu.memref_squeeze %gather3A_2424 : memref<1x64x128xf32, #tpu.memory_space<vmem>> -> memref<64x128xf32, #tpu.memory_space<vmem>>
      %gather3A_2426 = tpu.vector_load_idx %gather3A_2425[%add3A_2414, %broadcast_in_dim3A_2358] : memref<64x128xf32, #tpu.memory_space<vmem>>[vector<16xi32>, vector<16xi32>], vector<16xf32>,
      %mul3A_2427 = arith.mulf %gather3A_2420, %gather3A_2426 : vector<16xf32>
      %add3A_2428 = arith.addf %add3A_2411, %mul3A_2427 : vector<16xf32>
      %reduce_sum3A_2429 = arith.constant true
      %reduce_sum3A_2430 = vector.broadcast %reduce_sum3A_2429 : i1 to vector<16xi1>
      %reduce_sum3A_2431 = tpu.scan <sum>, %add3A_2428 masked %reduce_sum3A_2430 : vector<16xf32>, vector<16xi1> -> vector<16xf32>
      %reduce_sum3A_2432 = vector.extract %reduce_sum3A_2431[15] : f32 from vector<16xf32>
      %eq3A_2433 = arith.constant 14 : i32
      %eq3A_2434 = vector.broadcast %eq3A_2433 : i32 to vector<16xi32>
      %eq3A_2435 = arith.cmpi eq, %iota3A, %eq3A_2434 : vector<16xi32>
      %add3A_2436 = vector.broadcast %reduce_sum3A_2432 : f32 to vector<16xf32>
      %add3A_2437 = arith.addf %select_n3A_2313, %add3A_2436 : vector<16xf32>
      %select_n3A_2438 = arith.select %eq3A_2435, %add3A_2437, %select_n3A_2313 : vector<16xi1>, vector<16xf32>
      %lt3A_2439 = arith.constant 31 : i32
      %lt3A_2440 = arith.cmpi slt, %scan3A_121, %lt3A_2439 : i32
      %convert_element_type3A_2441 = arith.extui %lt3A_2440 : i1 to i32
      %cond3A_2442 = arith.constant 0 : i32
      %cond3A_2443 = arith.cmpi ne, %convert_element_type3A_2441, %cond3A_2442 : i32
      scf.if %cond3A_2443 {
        %slice3A_2567 = vector.extract_strided_slice %get3A_136 {offsets = [2], sizes = [1], strides = [1]} : vector<16xi32> to vector<1xi32>
        %squeeze3A_2568 = vector.extract %slice3A_2567[0] : i32 from vector<1xi32>
        %slice3A_2569 = vector.extract_strided_slice %get3A_140 {offsets = [2], sizes = [1], strides = [1]} : vector<16xi32> to vector<1xi32>
        %squeeze3A_2570 = vector.extract %slice3A_2569[0] : i32 from vector<1xi32>
        %shift_right_logical3A_2571 = arith.constant 7 : i32
        %shift_right_logical3A_2572 = arith.shrui %squeeze3A_2568, %shift_right_logical3A_2571 : i32
        %mul3A_2573 = arith.constant 128 : i32
        %mul3A_2574 = arith.muli %shift_right_logical3A_2572, %mul3A_2573 : i32
        %shift_right_logical3A_2575 = arith.constant 7 : i32
        %shift_right_logical3A_2576 = arith.shrui %squeeze3A_2570, %shift_right_logical3A_2575 : i32
        %mul3A_2577 = arith.constant 128 : i32
        %mul3A_2578 = arith.muli %shift_right_logical3A_2576, %mul3A_2577 : i32
        %dma_start3A_2579 = arith.constant 2 : i32
        %dma_start3A_2580 = arith.constant 0 : i32
        %dma_start3A_2581 = arith.constant 0 : i32
        %dma_start3A_2582 = tpu.memref_slice %arg10[%dma_start3A_2579, %dma_start3A_2580, %dma_start3A_2581] : memref<4x64x128xf32, #tpu.memory_space<vmem>> -> memref<1x64x128xf32, #tpu.memory_space<vmem>>
        %dma_start3A_2583 = tpu.memref_squeeze %dma_start3A_2582 : memref<1x64x128xf32, #tpu.memory_space<vmem>> -> memref<64x128xf32, #tpu.memory_space<vmem>>
        %dma_start3A_2584 = arith.constant 0 : i32
        %dma_start3A_2585 = tpu.memref_slice %arg4[%dma_start3A_2584, %mul3A_2574] : memref<64x1000000xf32, #tpu.memory_space<hbm>> -> memref<64x128xf32, #tpu.memory_space<hbm>>
        %dma_start3A_2586 = arith.constant 0 : i32
        %dma_start3A_2587 = arith.constant 0 : i32
        %dma_start3A_2588 = tpu.memref_slice %arg10[%dma_start3A_2579, %dma_start3A_2586, %dma_start3A_2587] : memref<4x64x128xf32, #tpu.memory_space<vmem>> -> memref<1x64x128xf32, #tpu.memory_space<vmem>>
        %dma_start3A_2589 = tpu.memref_squeeze %dma_start3A_2588 : memref<1x64x128xf32, #tpu.memory_space<vmem>> -> memref<64x128xf32, #tpu.memory_space<vmem>>
        %dma_start3A_2590 = arith.constant 0 : i32
        %dma_start3A_2591 = tpu.memref_slice %arg4[%dma_start3A_2590, %mul3A_2574] : memref<64x1000000xf32, #tpu.memory_space<hbm>> -> memref<64x128xf32, #tpu.memory_space<hbm>>
        tpu.enqueue_dma source(%dma_start3A_2591 : memref<64x128xf32, #tpu.memory_space<hbm>>) target(%dma_start3A_2589 : memref<64x128xf32, #tpu.memory_space<vmem>>) target_semaphore(%arg14 : memref<!tpu.dma_semaphore, #tpu.memory_space<semaphore_mem>>)
        %dma_start3A_2592 = arith.constant 2 : i32
        %dma_start3A_2593 = arith.constant 0 : i32
        %dma_start3A_2594 = arith.constant 0 : i32
        %dma_start3A_2595 = tpu.memref_slice %arg11[%dma_start3A_2592, %dma_start3A_2593, %dma_start3A_2594] : memref<4x64x128xf32, #tpu.memory_space<vmem>> -> memref<1x64x128xf32, #tpu.memory_space<vmem>>
        %dma_start3A_2596 = tpu.memref_squeeze %dma_start3A_2595 : memref<1x64x128xf32, #tpu.memory_space<vmem>> -> memref<64x128xf32, #tpu.memory_space<vmem>>
        %dma_start3A_2597 = arith.constant 0 : i32
        %dma_start3A_2598 = tpu.memref_slice %arg5[%dma_start3A_2597, %mul3A_2578] : memref<64x1000000xf32, #tpu.memory_space<hbm>> -> memref<64x128xf32, #tpu.memory_space<hbm>>
        %dma_start3A_2599 = arith.constant 0 : i32
        %dma_start3A_2600 = arith.constant 0 : i32
        %dma_start3A_2601 = tpu.memref_slice %arg11[%dma_start3A_2592, %dma_start3A_2599, %dma_start3A_2600] : memref<4x64x128xf32, #tpu.memory_space<vmem>> -> memref<1x64x128xf32, #tpu.memory_space<vmem>>
        %dma_start3A_2602 = tpu.memref_squeeze %dma_start3A_2601 : memref<1x64x128xf32, #tpu.memory_space<vmem>> -> memref<64x128xf32, #tpu.memory_space<vmem>>
        %dma_start3A_2603 = arith.constant 0 : i32
        %dma_start3A_2604 = tpu.memref_slice %arg5[%dma_start3A_2603, %mul3A_2578] : memref<64x1000000xf32, #tpu.memory_space<hbm>> -> memref<64x128xf32, #tpu.memory_space<hbm>>
        tpu.enqueue_dma source(%dma_start3A_2604 : memref<64x128xf32, #tpu.memory_space<hbm>>) target(%dma_start3A_2602 : memref<64x128xf32, #tpu.memory_space<vmem>>) target_semaphore(%arg15 : memref<!tpu.dma_semaphore, #tpu.memory_space<semaphore_mem>>)
      } else {
      }
      %dma_wait3A_2444 = arith.constant 3 : i32
      %dma_wait3A_2445 = arith.constant 0 : i32
      %dma_wait3A_2446 = arith.constant 0 : i32
      %dma_wait3A_2447 = tpu.memref_slice %arg10[%dma_wait3A_2444, %dma_wait3A_2445, %dma_wait3A_2446] : memref<4x64x128xf32, #tpu.memory_space<vmem>> -> memref<1x64x128xf32, #tpu.memory_space<vmem>>
      %dma_wait3A_2448 = tpu.memref_squeeze %dma_wait3A_2447 : memref<1x64x128xf32, #tpu.memory_space<vmem>> -> memref<64x128xf32, #tpu.memory_space<vmem>>
      %dma_wait3A_2449 = arith.constant 0 : i32
      %dma_wait3A_2450 = arith.constant 0 : i32
      %dma_wait3A_2451 = tpu.memref_slice %arg4[%dma_wait3A_2449, %dma_wait3A_2450] : memref<64x1000000xf32, #tpu.memory_space<hbm>> -> memref<64x128xf32, #tpu.memory_space<hbm>>
      %dma_wait3A_2452 = arith.constant 0 : i32
      %dma_wait3A_2453 = arith.constant 0 : i32
      %dma_wait3A_2454 = tpu.memref_slice %arg10[%dma_wait3A_2444, %dma_wait3A_2452, %dma_wait3A_2453] : memref<4x64x128xf32, #tpu.memory_space<vmem>> -> memref<1x64x128xf32, #tpu.memory_space<vmem>>
      %dma_wait3A_2455 = tpu.memref_squeeze %dma_wait3A_2454 : memref<1x64x128xf32, #tpu.memory_space<vmem>> -> memref<64x128xf32, #tpu.memory_space<vmem>>
      %dma_wait3A_2456 = arith.constant 0 : i32
      %dma_wait3A_2457 = arith.constant 0 : i32
      %dma_wait3A_2458 = tpu.memref_slice %arg4[%dma_wait3A_2456, %dma_wait3A_2457] : memref<64x1000000xf32, #tpu.memory_space<hbm>> -> memref<64x128xf32, #tpu.memory_space<hbm>>
      tpu.wait_dma2 semaphore(%arg14 : memref<!tpu.dma_semaphore, #tpu.memory_space<semaphore_mem>>) src(%dma_wait3A_2458 : memref<64x128xf32, #tpu.memory_space<hbm>>) dst(%dma_wait3A_2455 : memref<64x128xf32, #tpu.memory_space<vmem>>)
      %dma_wait3A_2459 = arith.constant 3 : i32
      %dma_wait3A_2460 = arith.constant 0 : i32
      %dma_wait3A_2461 = arith.constant 0 : i32
      %dma_wait3A_2462 = tpu.memref_slice %arg11[%dma_wait3A_2459, %dma_wait3A_2460, %dma_wait3A_2461] : memref<4x64x128xf32, #tpu.memory_space<vmem>> -> memref<1x64x128xf32, #tpu.memory_space<vmem>>
      %dma_wait3A_2463 = tpu.memref_squeeze %dma_wait3A_2462 : memref<1x64x128xf32, #tpu.memory_space<vmem>> -> memref<64x128xf32, #tpu.memory_space<vmem>>
      %dma_wait3A_2464 = arith.constant 0 : i32
      %dma_wait3A_2465 = arith.constant 0 : i32
      %dma_wait3A_2466 = tpu.memref_slice %arg5[%dma_wait3A_2464, %dma_wait3A_2465] : memref<64x1000000xf32, #tpu.memory_space<hbm>> -> memref<64x128xf32, #tpu.memory_space<hbm>>
      %dma_wait3A_2467 = arith.constant 0 : i32
      %dma_wait3A_2468 = arith.constant 0 : i32
      %dma_wait3A_2469 = tpu.memref_slice %arg11[%dma_wait3A_2459, %dma_wait3A_2467, %dma_wait3A_2468] : memref<4x64x128xf32, #tpu.memory_space<vmem>> -> memref<1x64x128xf32, #tpu.memory_space<vmem>>
      %dma_wait3A_2470 = tpu.memref_squeeze %dma_wait3A_2469 : memref<1x64x128xf32, #tpu.memory_space<vmem>> -> memref<64x128xf32, #tpu.memory_space<vmem>>
      %dma_wait3A_2471 = arith.constant 0 : i32
      %dma_wait3A_2472 = arith.constant 0 : i32
      %dma_wait3A_2473 = tpu.memref_slice %arg5[%dma_wait3A_2471, %dma_wait3A_2472] : memref<64x1000000xf32, #tpu.memory_space<hbm>> -> memref<64x128xf32, #tpu.memory_space<hbm>>
      tpu.wait_dma2 semaphore(%arg15 : memref<!tpu.dma_semaphore, #tpu.memory_space<semaphore_mem>>) src(%dma_wait3A_2473 : memref<64x128xf32, #tpu.memory_space<hbm>>) dst(%dma_wait3A_2470 : memref<64x128xf32, #tpu.memory_space<vmem>>)
      %slice3A_2474 = vector.extract_strided_slice %get3A_125 {offsets = [15], sizes = [1], strides = [1]} : vector<16xi32> to vector<1xi32>
      %squeeze3A_2475 = vector.extract %slice3A_2474[0] : i32 from vector<1xi32>
      %and3A_2476 = arith.constant 127 : i32
      %and3A_2477 = arith.andi %squeeze3A_2475, %and3A_2476 : i32
      %broadcast_in_dim3A_2478 = vector.broadcast %and3A_2477 : i32 to vector<16xi32>
      %slice3A_2479 = vector.extract_strided_slice %get3A_129 {offsets = [15], sizes = [1], strides = [1]} : vector<16xi32> to vector<1xi32>
      %squeeze3A_2480 = vector.extract %slice3A_2479[0] : i32 from vector<1xi32>
      %and3A_2481 = arith.constant 127 : i32
      %and3A_2482 = arith.andi %squeeze3A_2480, %and3A_2481 : i32
      %broadcast_in_dim3A_2483 = vector.broadcast %and3A_2482 : i32 to vector<16xi32>
      %broadcast_in_dim3A_2484 = arith.constant 0.000000e+00 : f32
      %broadcast_in_dim3A_2485 = vector.broadcast %broadcast_in_dim3A_2484 : f32 to vector<16xf32>
      %add3A_2486 = arith.constant 0 : i32
      %add3A_2487 = vector.broadcast %add3A_2486 : i32 to vector<16xi32>
      %add3A_2488 = arith.addi %add3A_2487, %iota3A : vector<16xi32>
      %gather3A_2489 = arith.constant 3 : i32
      %gather3A_2490 = arith.constant 0 : i32
      %gather3A_2491 = arith.constant 0 : i32
      %gather3A_2492 = tpu.memref_slice %arg10[%gather3A_2489, %gather3A_2490, %gather3A_2491] : memref<4x64x128xf32, #tpu.memory_space<vmem>> -> memref<1x64x128xf32, #tpu.memory_space<vmem>>
      %gather3A_2493 = tpu.memref_squeeze %gather3A_2492 : memref<1x64x128xf32, #tpu.memory_space<vmem>> -> memref<64x128xf32, #tpu.memory_space<vmem>>
      %gather3A_2494 = tpu.vector_load_idx %gather3A_2493[%add3A_2488, %broadcast_in_dim3A_2478] : memref<64x128xf32, #tpu.memory_space<vmem>>[vector<16xi32>, vector<16xi32>], vector<16xf32>,
      %gather3A_2495 = arith.constant 3 : i32
      %gather3A_2496 = arith.constant 0 : i32
      %gather3A_2497 = arith.constant 0 : i32
      %gather3A_2498 = tpu.memref_slice %arg11[%gather3A_2495, %gather3A_2496, %gather3A_2497] : memref<4x64x128xf32, #tpu.memory_space<vmem>> -> memref<1x64x128xf32, #tpu.memory_space<vmem>>
      %gather3A_2499 = tpu.memref_squeeze %gather3A_2498 : memref<1x64x128xf32, #tpu.memory_space<vmem>> -> memref<64x128xf32, #tpu.memory_space<vmem>>
      %gather3A_2500 = tpu.vector_load_idx %gather3A_2499[%add3A_2488, %broadcast_in_dim3A_2483] : memref<64x128xf32, #tpu.memory_space<vmem>>[vector<16xi32>, vector<16xi32>], vector<16xf32>,
      %mul3A_2501 = arith.mulf %gather3A_2494, %gather3A_2500 : vector<16xf32>
      %add3A_2502 = arith.addf %broadcast_in_dim3A_2485, %mul3A_2501 : vector<16xf32>
      %add3A_2503 = arith.constant 16 : i32
      %add3A_2504 = vector.broadcast %add3A_2503 : i32 to vector<16xi32>
      %add3A_2505 = arith.addi %add3A_2504, %iota3A : vector<16xi32>
      %gather3A_2506 = arith.constant 3 : i32
      %gather3A_2507 = arith.constant 0 : i32
      %gather3A_2508 = arith.constant 0 : i32
      %gather3A_2509 = tpu.memref_slice %arg10[%gather3A_2506, %gather3A_2507, %gather3A_2508] : memref<4x64x128xf32, #tpu.memory_space<vmem>> -> memref<1x64x128xf32, #tpu.memory_space<vmem>>
      %gather3A_2510 = tpu.memref_squeeze %gather3A_2509 : memref<1x64x128xf32, #tpu.memory_space<vmem>> -> memref<64x128xf32, #tpu.memory_space<vmem>>
      %gather3A_2511 = tpu.vector_load_idx %gather3A_2510[%add3A_2505, %broadcast_in_dim3A_2478] : memref<64x128xf32, #tpu.memory_space<vmem>>[vector<16xi32>, vector<16xi32>], vector<16xf32>,
      %gather3A_2512 = arith.constant 3 : i32
      %gather3A_2513 = arith.constant 0 : i32
      %gather3A_2514 = arith.constant 0 : i32
      %gather3A_2515 = tpu.memref_slice %arg11[%gather3A_2512, %gather3A_2513, %gather3A_2514] : memref<4x64x128xf32, #tpu.memory_space<vmem>> -> memref<1x64x128xf32, #tpu.memory_space<vmem>>
      %gather3A_2516 = tpu.memref_squeeze %gather3A_2515 : memref<1x64x128xf32, #tpu.memory_space<vmem>> -> memref<64x128xf32, #tpu.memory_space<vmem>>
      %gather3A_2517 = tpu.vector_load_idx %gather3A_2516[%add3A_2505, %broadcast_in_dim3A_2483] : memref<64x128xf32, #tpu.memory_space<vmem>>[vector<16xi32>, vector<16xi32>], vector<16xf32>,
      %mul3A_2518 = arith.mulf %gather3A_2511, %gather3A_2517 : vector<16xf32>
      %add3A_2519 = arith.addf %add3A_2502, %mul3A_2518 : vector<16xf32>
      %add3A_2520 = arith.constant 32 : i32
      %add3A_2521 = vector.broadcast %add3A_2520 : i32 to vector<16xi32>
      %add3A_2522 = arith.addi %add3A_2521, %iota3A : vector<16xi32>
      %gather3A_2523 = arith.constant 3 : i32
      %gather3A_2524 = arith.constant 0 : i32
      %gather3A_2525 = arith.constant 0 : i32
      %gather3A_2526 = tpu.memref_slice %arg10[%gather3A_2523, %gather3A_2524, %gather3A_2525] : memref<4x64x128xf32, #tpu.memory_space<vmem>> -> memref<1x64x128xf32, #tpu.memory_space<vmem>>
      %gather3A_2527 = tpu.memref_squeeze %gather3A_2526 : memref<1x64x128xf32, #tpu.memory_space<vmem>> -> memref<64x128xf32, #tpu.memory_space<vmem>>
      %gather3A_2528 = tpu.vector_load_idx %gather3A_2527[%add3A_2522, %broadcast_in_dim3A_2478] : memref<64x128xf32, #tpu.memory_space<vmem>>[vector<16xi32>, vector<16xi32>], vector<16xf32>,
      %gather3A_2529 = arith.constant 3 : i32
      %gather3A_2530 = arith.constant 0 : i32
      %gather3A_2531 = arith.constant 0 : i32
      %gather3A_2532 = tpu.memref_slice %arg11[%gather3A_2529, %gather3A_2530, %gather3A_2531] : memref<4x64x128xf32, #tpu.memory_space<vmem>> -> memref<1x64x128xf32, #tpu.memory_space<vmem>>
      %gather3A_2533 = tpu.memref_squeeze %gather3A_2532 : memref<1x64x128xf32, #tpu.memory_space<vmem>> -> memref<64x128xf32, #tpu.memory_space<vmem>>
      %gather3A_2534 = tpu.vector_load_idx %gather3A_2533[%add3A_2522, %broadcast_in_dim3A_2483] : memref<64x128xf32, #tpu.memory_space<vmem>>[vector<16xi32>, vector<16xi32>], vector<16xf32>,
      %mul3A_2535 = arith.mulf %gather3A_2528, %gather3A_2534 : vector<16xf32>
      %add3A_2536 = arith.addf %add3A_2519, %mul3A_2535 : vector<16xf32>
      %add3A_2537 = arith.constant 48 : i32
      %add3A_2538 = vector.broadcast %add3A_2537 : i32 to vector<16xi32>
      %add3A_2539 = arith.addi %add3A_2538, %iota3A : vector<16xi32>
      %gather3A_2540 = arith.constant 3 : i32
      %gather3A_2541 = arith.constant 0 : i32
      %gather3A_2542 = arith.constant 0 : i32
      %gather3A_2543 = tpu.memref_slice %arg10[%gather3A_2540, %gather3A_2541, %gather3A_2542] : memref<4x64x128xf32, #tpu.memory_space<vmem>> -> memref<1x64x128xf32, #tpu.memory_space<vmem>>
      %gather3A_2544 = tpu.memref_squeeze %gather3A_2543 : memref<1x64x128xf32, #tpu.memory_space<vmem>> -> memref<64x128xf32, #tpu.memory_space<vmem>>
      %gather3A_2545 = tpu.vector_load_idx %gather3A_2544[%add3A_2539, %broadcast_in_dim3A_2478] : memref<64x128xf32, #tpu.memory_space<vmem>>[vector<16xi32>, vector<16xi32>], vector<16xf32>,
      %gather3A_2546 = arith.constant 3 : i32
      %gather3A_2547 = arith.constant 0 : i32
      %gather3A_2548 = arith.constant 0 : i32
      %gather3A_2549 = tpu.memref_slice %arg11[%gather3A_2546, %gather3A_2547, %gather3A_2548] : memref<4x64x128xf32, #tpu.memory_space<vmem>> -> memref<1x64x128xf32, #tpu.memory_space<vmem>>
      %gather3A_2550 = tpu.memref_squeeze %gather3A_2549 : memref<1x64x128xf32, #tpu.memory_space<vmem>> -> memref<64x128xf32, #tpu.memory_space<vmem>>
      %gather3A_2551 = tpu.vector_load_idx %gather3A_2550[%add3A_2539, %broadcast_in_dim3A_2483] : memref<64x128xf32, #tpu.memory_space<vmem>>[vector<16xi32>, vector<16xi32>], vector<16xf32>,
      %mul3A_2552 = arith.mulf %gather3A_2545, %gather3A_2551 : vector<16xf32>
      %add3A_2553 = arith.addf %add3A_2536, %mul3A_2552 : vector<16xf32>
      %reduce_sum3A_2554 = arith.constant true
      %reduce_sum3A_2555 = vector.broadcast %reduce_sum3A_2554 : i1 to vector<16xi1>
      %reduce_sum3A_2556 = tpu.scan <sum>, %add3A_2553 masked %reduce_sum3A_2555 : vector<16xf32>, vector<16xi1> -> vector<16xf32>
      %reduce_sum3A_2557 = vector.extract %reduce_sum3A_2556[15] : f32 from vector<16xf32>
      %eq3A_2558 = arith.constant 15 : i32
      %eq3A_2559 = vector.broadcast %eq3A_2558 : i32 to vector<16xi32>
      %eq3A_2560 = arith.cmpi eq, %iota3A, %eq3A_2559 : vector<16xi32>
      %add3A_2561 = vector.broadcast %reduce_sum3A_2557 : f32 to vector<16xf32>
      %add3A_2562 = arith.addf %select_n3A_2438, %add3A_2561 : vector<16xf32>
      %select_n3A_2563 = arith.select %eq3A_2560, %add3A_2562, %select_n3A_2438 : vector<16xi1>, vector<16xf32>
      %mul3A_2564 = arith.constant 16 : i32
      %mul3A_2565 = arith.muli %scan3A_121, %mul3A_2564 : i32
      %swap3A = arith.index_cast %mul3A_2565 : i32 to index
      %swap3A_2566 = tpu.vector_load %arg13[%swap3A] {strides = array<i32>} : memref<512xf32, #tpu.memory_space<vmem>>, vector<16xf32>,
      tpu.vector_store %arg13[%swap3A], %select_n3A_2563 {strides = array<i32>} : memref<512xf32, #tpu.memory_space<vmem>>, vector<16xf32>,
    }
    %scan3A_120 = arith.constant 32 : i32
    "tpu.region"() ({
      %run_scoped3A = tpu.sem_alloc : memref<!tpu.dma_semaphore, #tpu.memory_space<semaphore_mem>>
      %dma_start3A_121 = tpu.memref_slice %arg7[%mul3A_2] : memref<16384xf32, #tpu.memory_space<hbm>> -> memref<512xf32, #tpu.memory_space<hbm>>
      %dma_start3A_122 = tpu.memref_slice %arg7[%mul3A_2] : memref<16384xf32, #tpu.memory_space<hbm>> -> memref<512xf32, #tpu.memory_space<hbm>>
      tpu.enqueue_dma source(%arg13 : memref<512xf32, #tpu.memory_space<vmem>>) target(%dma_start3A_122 : memref<512xf32, #tpu.memory_space<hbm>>) target_semaphore(%run_scoped3A : memref<!tpu.dma_semaphore, #tpu.memory_space<semaphore_mem>>)
      %dma_wait3A = tpu.memref_slice %arg7[%mul3A_2] : memref<16384xf32, #tpu.memory_space<hbm>> -> memref<512xf32, #tpu.memory_space<hbm>>
      %dma_wait3A_123 = tpu.memref_slice %arg7[%mul3A_2] : memref<16384xf32, #tpu.memory_space<hbm>> -> memref<512xf32, #tpu.memory_space<hbm>>
      tpu.wait_dma2 semaphore(%run_scoped3A : memref<!tpu.dma_semaphore, #tpu.memory_space<semaphore_mem>>) src(%arg13 : memref<512xf32, #tpu.memory_space<vmem>>) dst(%dma_wait3A_123 : memref<512xf32, #tpu.memory_space<hbm>>)
      tpu.yield
    }) : () -> ()
    return
  }
}

</mosaic_0001>

<sc_bundles>
// kernel: kernel.4.cloned.1.call-start
scs
__scs_entry_jumppad:
0x0: {  	(pc) =	sbr.rel $0x88, $3  }
0x1: {  	(tag) =	ssettag $0x0;
	lr =	simm.s32 $0x1  }
0x2: {  	[smem:$0x3F9C] =	sst lr;
	_ =	strace $0xD0000000  }
0x3: {  	_ = 	snop  }
0x4: {  	_ = 	snop  }
0x5: {  	_ = 	snop  }
0x6: {  	_ = 	snop  }
0x7: {  	_ = 	snop  }
__scs_overlays_trampoline_lowered:
0x8: {  	[smem:$0x3FAB] =	sst s0  }
0x9: {  	[smem:$0x3FAC] =	sst s1  }
0xa: {  	[smem:$0x3FAD] =	sst s2  }
0xb: {  	[smem:$0x3FAE] =	sst s3  }
0xc: {  	[smem:$0x3FAF] =	sst s4  }
0xd: {  	[smem:$0x3FB0] =	sst s5  }
0xe: {  	[smem:$0x3FB1] =	sst s6  }
0xf: {  	[smem:$0x3FB2] =	sst s7  }
0x10: {  	[smem:$0x3FB3] =	sst s8  }
0x11: {  	[smem:$0x3FB4] =	sst s9;
	s0 =	simm.s32 @!p0 $0x0  }
0x12: {  	s1 =	sld [smem:$0x3F9A];
	s0 =	simm.s32 @p0 $0x1  }
0x13: {  	[smem:$0x3FB5] =	sst s0;
	s0 =	simm.s32 @!p1 $0x0  }
0x14: {  	s2 =	sld [smem:$0x3F99];
	s0 =	simm.s32 @p1 $0x1  }
0x15: {  	[smem:$0x3FB6] =	sst s0;
	s0 =	simm.s32 @!p2 $0x0  }
0x16: {  	s3 =	sld [smem:$0x3FDB];
	s0 =	simm.s32 @p2 $0x1  }
0x17: {  	s4 =	simm.s32 $0x1BF5;
	[smem:$0x3FB8] =	sst s0  }
0x18: {  	s0 =	sld [smem:$0x3F9B];
	_ =	swait.ge [sflag:s4], $0x0  }
0x19: {  	s7 =	sld [smem:$0x3F9C]  }
0x1a: {  	s8 =	sadd.s32 $0xFFFFE003, lr  }
0x1b: {  	s9 =	sadd.s32 $0xFFFFFEF7, lr;
	s5 =	simm.s32 $0xFFFFFFFF;
	p2 =	slt.u32 s8, $0xFFFFF086  }
0x1c: {  	p1 =	slt.u32 s9, $0xF7A;
	s5 =	simm.s32 @!p2 $0x0  }
0x1d: {  	s5 =	simm.s32 @p1 $0x1;
	p0 =	seq.s32 s7, s2  }
0x1e: {  	s7 =	smul.u32 @!p0 $0xF7A, s2;
	p2 =	seq.s32 @!p0 s5, $0x0  }
0x1f: {  	s9 =	smul.u32 $0xF7A, s1;
	s8 =	simm.s32 @!p0 $0x1BF5;
	p2 =	por !p2, p0  }
0x20: {  	[sflag:s8] =	ssyncset.s32 @!p0 $0xFFFFF086;
	s6 =	sadd.s32 @!p0 s3, s7;
	s7 =	simm.s32 @!p0 $0x108  }
0x21: {  	s3 =	sadd.s32 s3, s9;
	s6 =	sadd.s32 @!p0 $0x88, s6;
	s7 =	simm.s32 @p2 $0x1082  }
0x22: {  	[simem:s7], [sflag:s8] =	dma.local @!p0 [hbm:s6], $0xF7A  }
0x23: {  	s9 =	sor.u32 $0xD0000000, s2;
	s6 =	simm.s32 $0x108;
	_ =	swait.ge @!p0 [sflag:s8], $0x0  }
0x24: {  	s3 =	sadd.s32 $0x88, s3;
	s6 =	simm.s32 @!p1 $0x1082;
	[sflag:s4] =	ssyncset.s32 $0xFFFFF086  }
0x25: {  	[simem:s6], [sflag:s4] =	dma.local [hbm:s3], $0xF7A  }
0x26: {  	[smem:$0x3F9C] =	sst s1;
	(tag) =	ssettag s2;
	_ =	strace s9  }
0x27: {  	s1 =	sld [smem:$0x3FAC]  }
0x28: {  	s2 =	sld [smem:$0x3FAD]  }
0x29: {  	s4 =	sld [smem:$0x3FAF]  }
0x2a: {  	p0 =	seq.s32 s5, $0x0;
	s5 =	sld [smem:$0x3FB0]  }
0x2b: {  	s6 =	sld [smem:$0x3FB1]  }
0x2c: {  	s7 =	sld [smem:$0x3FB2]  }
0x2d: {  	s3 =	simm.s32 $0x108;
	s8 =	sld [smem:$0x3FB3]  }
0x2e: {  	s3 =	simm.s32 @!p0 $0x1082;
	s9 =	sld [smem:$0x3FB4]  }
0x2f: {  	lr =	sadd.s32 s0, s3;
	s0 =	sld [smem:$0x3FAB]  }
0x30: {  	s3 =	sld [smem:$0x3FAE]  }
0x31: {  	[smem:$0x3FB7] =	sst s10  }
0x32: {  	s10 =	sld [smem:$0x3FB5];
	_ =	sdelay $0x3  }
0x33: {  	p0 =	seq.s32 s10, $0x1;
	s10 =	sld [smem:$0x3FB7];
	_ =	sdelay $0x3  }
0x34: {  	[smem:$0x3FB7] =	sst s10  }
0x35: {  	s10 =	sld [smem:$0x3FB6];
	_ =	sdelay $0x3  }
0x36: {  	p1 =	seq.s32 s10, $0x1;
	s10 =	sld [smem:$0x3FB7];
	_ =	sdelay $0x3  }
0x37: {  	[smem:$0x3FB7] =	sst s10  }
0x38: {  	s10 =	sld [smem:$0x3FB8]  }
0x39: {  	_ = 	snop;
	(pc) =	sbr.ind lr, $3  }
0x3a: {  	_ = 	snop  }
0x3b: {  	_ = 	snop  }
0x3c: {  	p2 =	seq.s32 s10, $0x1;
	s10 =	sld [smem:$0x3FB7]  }
0x3d: {  	_ =	shalt  }
0x3e: {  	_ =	shalt  }
0x3f: {  	_ =	shalt  }
0x40: {  	_ =	shalt  }
0x41: {  	_ =	shalt  }
0x42: {  	_ =	shalt  }
0x43: {  	_ =	shalt  }
0x44: {  	_ =	shalt  }
0x45: {  	_ =	shalt  }
0x46: {  	_ =	shalt  }
0x47: {  	_ =	shalt  }
0x48: {  	_ =	shalt  }
0x49: {  	_ =	shalt  }
0x4a: {  	_ =	shalt  }
0x4b: {  	_ =	shalt  }
0x4c: {  	_ =	shalt  }
0x4d: {  	_ =	shalt  }
0x4e: {  	_ =	shalt  }
0x4f: {  	_ =	shalt  }
0x50: {  	_ =	shalt  }
0x51: {  	_ =	shalt  }
0x52: {  	_ =	shalt  }
0x53: {  	_ =	shalt  }
0x54: {  	_ =	shalt  }
0x55: {  	_ =	shalt  }
0x56: {  	_ =	shalt  }
0x57: {  	_ =	shalt  }
0x58: {  	_ =	shalt  }
0x59: {  	_ =	shalt  }
0x5a: {  	_ =	shalt  }
0x5b: {  	_ =	shalt  }
0x5c: {  	_ =	shalt  }
0x5d: {  	_ =	shalt  }
0x5e: {  	_ =	shalt  }
0x5f: {  	_ =	shalt  }
0x60: {  	_ =	shalt  }
0x61: {  	_ =	shalt  }
0x62: {  	_ =	shalt  }
0x63: {  	_ =	shalt  }
0x64: {  	_ =	shalt  }
0x65: {  	_ =	shalt  }
0x66: {  	_ =	shalt  }
0x67: {  	_ =	shalt  }
0x68: {  	_ =	shalt  }
0x69: {  	_ =	shalt  }
0x6a: {  	_ =	shalt  }
0x6b: {  	_ =	shalt  }
0x6c: {  	_ =	shalt  }
0x6d: {  	_ =	shalt  }
0x6e: {  	_ =	shalt  }
0x6f: {  	_ =	shalt  }
0x70: {  	_ =	shalt  }
0x71: {  	_ =	shalt  }
0x72: {  	_ =	shalt  }
0x73: {  	_ =	shalt  }
0x74: {  	_ =	shalt  }
0x75: {  	_ =	shalt  }
0x76: {  	_ =	shalt  }
0x77: {  	_ =	shalt  }
0x78: {  	_ =	shalt  }
0x79: {  	_ =	shalt  }
0x7a: {  	_ =	shalt  }
0x7b: {  	_ =	shalt  }
0x7c: {  	_ =	shalt  }
0x7d: {  	_ =	shalt  }
0x7e: {  	_ =	shalt  }
0x7f: {  	_ =	shalt  }
0x80: {  	_ =	shalt  }
0x81: {  	_ =	shalt  }
0x82: {  	_ =	shalt  }
0x83: {  	_ =	shalt  }
0x84: {  	_ =	shalt  }
0x85: {  	_ =	shalt  }
0x86: {  	_ =	shalt  }
0x87: {  	_ =	shalt  }
.Lfunc_end0:
.L_simem_size_0:
called_computation_lowered:
.L_overlay_start_0:
0x88: {  	s2 =	sld [smem:$0x3FD9]  }
0x89: {  	s3 =	sld [smem:$0x3FFE];
	_ =	sdelay $0x1  }
0x8a: {  	s1 =	srdreg.scid  }
0x8b: {  	s0 =	sand.u32 $0x1, s1  }
0x8c: {  	s17 =	sshll.u32 s0, $0xA;
	s2 =	sadd.s32 s3, s2  }
0x8d: {  	s2 =	sadd.s32 s2, s17  }
0x8e: {  	[smem:$0x3FC3] =	sst s2  }
0x8f: {  	_ = 	snop  }
0x90: {  	s2 =	sld [smem:$0x3FC8];
	(tm) =	ssettm $0x1  }
0x91: {  	s18 =	sld [smem:$0x3FFB];
	_ =	sdelay $0x3  }
0x92: {  	_ =	strace s18  }
0x93: {  	s3 =	sld [smem:$0x3FFC];
	_ =	sdelay $0x3  }
0x94: {  	_ =	strace s3  }
0x95: {  	s3 =	sld [smem:$0x3FFD];
	_ =	sdelay $0x3  }
0x96: {  	_ =	strace s3  }
0x97: {  	_ =	strace $0x8FFFFFFF  }
0x98: {  	s19 =	sld [smem:$0x3FDB];
	_ =	sdelay $0x1  }
0x99: {  	s4 =	simm.s32 $_scs_section_size  }
0x9a: {  	s5 =	simm.s32 $_size__tile_overlayer_lowered;
	s6 =	simm.s32 $_tile_overlayer_lowered  }
0x9b: {  	s22 =	simm.s32 $0x1BFF;
	s21 =	sshll.u32 s6, $0x1;
	s3 =	sadd.s32 s4, s19  }
0x9c: {  	s7 =	simm.s32 $0x0;
	s20 =	sshll.u32 s5, $0x1;
	s5 =	sadd.s32 s21, s3  }
0x9d: {  	[timem:s7], [sflag:s22] =	dma.local [hbm:s5], s20  }
0x9e: {  	_ =	swait.ge [sflag:s22], s20  }
0x9f: {  	s4 =	ssub.s32 $0x0, s20;
	[sflag:s22] =	ssyncset.done $0x0  }
0xa0: {  	[sflag:s22] =	ssyncadd.s32 s4;
	_ =	sdelay $0x1  }
0xa1: {  	s23 =	simm.s32 $0x1B8B  }
0xa2: {  	_ =	swait.ge [sflag:s23], $0x1  }
0xa3: {  	[sflag:s23] =	ssyncset.done $0x0  }
0xa4: {  	s25 =	simm.s32 $0x1B8E;
	s24 =	sld [smem:$0x3FFE];
	[sflag:s23] =	ssyncadd.s32 $0xFFFFFFFF  }
0xa5: {  	s26 =	simm.s32 $execute0_lowered;
	[smem:$0x3FD2] =	sst s25  }
0xa6: {  	s5 =	sshll.u32 s26, $0x1;
	_ =	strace $0x80000046;
	[dreg:$0x1] =	wrdreg $0xFFFFFFFF  }
0xa7: {  	s28 =	simm.s32 $_size_execute0_lowered;
	s3 =	sadd.s32 s3, s5;
	[dreg:$0x0] =	wrdreg $0x0  }
0xa8: {  	s5 =	sshll.u32 s28, $0x1;
	[dreg:$0x2] =	wrdreg s3  }
0xa9: {  	[dreg:$0x3] =	wrdreg s5  }
0xaa: {  	[dreg:$0x4] =	wrdreg $0xC0  }
0xab: {  	_ =	task [dreg:s7], $0x5FFFF  }
0xac: {  	[dreg:$0x1] =	wrdreg $0xFFFFFFFF  }
0xad: {  	[dreg:$0x0] =	wrdreg $0x60  }
0xae: {  	[dreg:$0x2] =	wrdreg s2  }
0xaf: {  	[dreg:$0x3] =	wrdreg s24  }
0xb0: {  	[dreg:$0x4] =	wrdreg $0x9  }
0xb1: {  	_ =	task.clear_ibuf [dreg:s7], $0x5FFFF;
	_ =	strace $0x90000046  }
0xb2: {  	s29 =	simm.s32 $0x9;
	_ =	strace $0x80000048  }
0xb3: {  	_ =	swait.ge [sflag:s29], $0x1  }
0xb4: {  	[sflag:s29] =	ssyncadd.s32 $0xFFFFFFFF  }
0xb5: {  	_ =	strace $0x90000048  }
0xb6: {  	_ =	sfence  }
0xb7: {  	s30 =	sld [smem:$0x0];
	_ =	sdelay $0x2  }
0xb8: {  	s31 =	sshll.u32 s1, $0xD;
	s1 =	sshrl.u32 s1, $0x2  }
0xb9: {  	s3 =	sand.u32 $0x4000, s31;
	s1 =	sadd.s32 s1, s30  }
0xba: {  	s0 =	sor.u32 s3, s0;
	s1 =	sshll.u32 s1, $0x11  }
0xbb: {  	s0 =	sor.u32 s1, s0  }
0xbc: {  	s0 =	sadd.s32 $0x8F2B, s0  }
0xbd: {  	[sflag:s0] =	ssyncadd.remote.s32 $0x1  }
0xbe: {  	_ =	sfence.sel $0xFFFF  }
0xbf: {  	[dreg:$0x0] =	wrdreg $0xFFFFFFFF;
	(pc) =	sbr.abs _section_cstart, $3  }
0xc0: {  	[dreg:$0x1] =	wrdreg $0xFFFFFFFF  }
0xc1: {  	_ =	task.clear_ibuf [dreg:s7], $0x2FFFF;
	_ =	strace $0x9FFFFFFF  }
0xc2: {  	(tm) =	ssettm $0x7FFFFFFF  }
0xc3: {  	_ =	shalt  }
tec
execute0_lowered:
.L_overlay_start_1:
0x0: {  	(tag) =	ssettag $0x1  }
0x1: {  	s3 =	rddreg [dreg:$0x0]  }
0x2: {  	s14 =	rddreg [dreg:$0x1];
	s2 =	srdreg.scid  }
0x3: {  	s0 =	rddreg [dreg:$0x2];
	s1 =	stileid.u32;
	s15 =	sand.u32 $0x1, s2  }
0x4: {  	s2 =	simm.s32 $0x0;
	s4 =	sshll.u32 s1, $0x7;
	s5 =	sshll.u32 s15, $0x6  }
0x5: {  	[smem:$0x7FF] =	sst s2;
	s16 =	sor.u32 s5, s4  }
0x6: {  	_ =	strace $0x80000047;
	s4 =	sadd.s32 s3, s16;
	s3 =	simm.s32 $0x2  }
0x7: {  	[tilespmem:s2], [sflag:$0x2] =	stream.linear.gather [hbm4b:s4+s2], $0x200, $0x38;
	[tilespmem:$0x400] =	vst v63  }
0x8: {  	_ =	swait.ge [sflag:s3], $0x200  }
0x9: {  	s6 =	simm.s32 $0x80;
	[sflag:s3] =	ssyncset.done $0x0  }
0xa: {  	s7 =	simm.s32 $0x200;
	s5 =	sadd.s32 $0x400, s14;
	[sflag:s3] =	ssyncadd.s32 $0xFFFFFE00  }
0xb: {  	[tilespmem:s7], [sflag:$0x1] =	stream.indirect.gather [hbm4b:s5+s6], $0x1, s2, s6, $0xb8;
	[tilespmem:$0x400] =	vst v63  }
0xc: {  	s8 =	simm.s32 $0x280  }
0xd: {  	[tilespmem:s8], [sflag:$0x1] =	stream.indirect.gather [hbm4b:s5+s6], $0x1, s6, s6, $0xb8;
	[tilespmem:$0x400] =	vst v63  }
0xe: {  	s9 =	simm.s32 $0x100;
	s10 =	simm.s32 $0x300  }
0xf: {  	[tilespmem:s10], [sflag:$0x1] =	stream.indirect.gather [hbm4b:s5+s6], $0x1, s9, s6, $0xb8;
	[tilespmem:$0x400] =	vst v63  }
0x10: {  	s11 =	simm.s32 $0x180;
	s12 =	simm.s32 $0x380;
	s13 =	simm.s32 $0x1  }
0x11: {  	[tilespmem:s12], [sflag:$0x1] =	stream.indirect.gather [hbm4b:s5+s6], $0x1, s11, s6, $0xb8;
	[tilespmem:$0x400] =	vst v63  }
0x12: {  	_ =	swait.ge [sflag:s13], $0x80  }
0x13: {  	[sflag:s13] =	ssyncset.done $0x0  }
0x14: {  	[sflag:s13] =	ssyncadd.s32 $0xFFFFFF80  }
0x15: {  	_ =	swait.ge [sflag:s13], $0x80  }
0x16: {  	[sflag:s13] =	ssyncset.done $0x0  }
0x17: {  	s15 =	ssub.s32 $0x2, s15;
	[sflag:s13] =	ssyncadd.s32 $0xFFFFFF80  }
0x18: {  	s17 =	sshrl.u32 s15, $0x1;
	_ =	swait.ge [sflag:s13], $0x80  }
0x19: {  	s15 =	ssub.s32 s15, s17;
	[sflag:s13] =	ssyncset.done $0x0  }
0x1a: {  	s15 =	smax.u32 s15, $0x1;
	[sflag:s13] =	ssyncadd.s32 $0xFFFFFF80  }
0x1b: {  	p0 =	sne.s32 s15, $0x1;
	_ =	swait.ge [sflag:s13], $0x80  }
.Ltmp0:
0x1c: {  	s14 =	sadd.s32 s16, s14;
	[sflag:s13] =	ssyncset.done $0x0;
	(pc) =	sbr.rel @!p0 .LBB2_2-.Ltmp0, $4  }
0x1d: {  	s14 =	sadd.s32 $0x1EE00, s14;
	[sflag:s13] =	ssyncadd.s32 $0xFFFFFF80  }
0x1e: {  	[hbm4b:s14+s2] =	stream.linear.scatter [tilespmem:s7], [sflag:$0x2], $0x200, $0x38;
	[tilespmem:$0x400] =	vst v63  }
0x1f: {  	_ =	swait.ge [sflag:s3], $0x200  }
0x20: {  	s15 =	sadd.s32 $0xFFFFFFFF, s15;
	[sflag:s3] =	ssyncset.done $0x0  }
.LBB2_1:
0x21: {  	p0 =	sne.s32 s15, $0x1;
	s15 =	sadd.s32 $0xFFFFFFFF, s15;
	[sflag:s3] =	ssyncadd.s32 $0xFFFFFE00  }
0x22: {  	[tilespmem:s2], [sflag:$0x2] =	stream.linear.gather [hbm4b:s4+s2], $0x200, $0x38;
	[tilespmem:$0x400] =	vst v63  }
0x23: {  	_ =	swait.ge [sflag:s3], $0x200  }
0x24: {  	[sflag:s3] =	ssyncset.done $0x0  }
0x25: {  	[sflag:s3] =	ssyncadd.s32 $0xFFFFFE00  }
0x26: {  	[tilespmem:s7], [sflag:$0x1] =	stream.indirect.gather [hbm4b:s5+s6], $0x1, s2, s6, $0xb8;
	[tilespmem:$0x400] =	vst v63  }
0x27: {  	_ = 	snop  }
0x28: {  	[tilespmem:s8], [sflag:$0x1] =	stream.indirect.gather [hbm4b:s5+s6], $0x1, s6, s6, $0xb8;
	[tilespmem:$0x400] =	vst v63  }
0x29: {  	_ = 	snop  }
0x2a: {  	[tilespmem:s10], [sflag:$0x1] =	stream.indirect.gather [hbm4b:s5+s6], $0x1, s9, s6, $0xb8;
	[tilespmem:$0x400] =	vst v63  }
0x2b: {  	_ = 	snop  }
0x2c: {  	[tilespmem:s12], [sflag:$0x1] =	stream.indirect.gather [hbm4b:s5+s6], $0x1, s11, s6, $0xb8;
	[tilespmem:$0x400] =	vst v63  }
0x2d: {  	_ =	swait.ge [sflag:s13], $0x80  }
0x2e: {  	[sflag:s13] =	ssyncset.done $0x0  }
0x2f: {  	[sflag:s13] =	ssyncadd.s32 $0xFFFFFF80  }
0x30: {  	_ =	swait.ge [sflag:s13], $0x80  }
0x31: {  	[sflag:s13] =	ssyncset.done $0x0  }
0x32: {  	[sflag:s13] =	ssyncadd.s32 $0xFFFFFF80  }
0x33: {  	_ =	swait.ge [sflag:s13], $0x80  }
0x34: {  	[sflag:s13] =	ssyncset.done $0x0  }
0x35: {  	[sflag:s13] =	ssyncadd.s32 $0xFFFFFF80  }
0x36: {  	_ =	swait.ge [sflag:s13], $0x80  }
.Ltmp1:
0x37: {  	[sflag:s13] =	ssyncset.done $0x0;
	(pc) =	sbr.rel @p0 .LBB2_1-.Ltmp1, $4  }
0x38: {  	[sflag:s13] =	ssyncadd.s32 $0xFFFFFF80  }
0x39: {  	[hbm4b:s14+s2] =	stream.linear.scatter [tilespmem:s7], [sflag:$0x2], $0x200, $0x38;
	[tilespmem:$0x400] =	vst v63  }
0x3a: {  	_ =	swait.ge [sflag:s3], $0x200  }
0x3b: {  	[sflag:s3] =	ssyncset.done $0x0  }
.LBB2_2:
0x3c: {  	[sflag:s3] =	ssyncadd.s32 $0xFFFFFE00  }
0x3d: {  	_ =	sfence.sel $0x180000  }
0x3e: {  	[bflag:$0x0] =	sbarrier.arrive $0xFFFF  }
0x3f: {  	p0 =	sne.s32 s1, $0x0;
	_ =	strace $0x90000047  }
0x40: {  	s0 =	sadd.s32 @!p0 $0x100000, s0;
	[bflag:$0x2] =	sbarrier.arrive $0xFFFF  }
0x41: {  	[sflag:s0] =	ssyncadd.tile.s32 @!p0 $0x1;
	_ =	shalt  }
.Lfunc_end2:
_tile_overlayer_lowered:
.L_overlay_start_2:
0x42: {  	(tag) =	ssettag $0x2  }
0x43: {  	s0 =	rddreg [dreg:$0x0];
	s2 =	stileid.u32  }
0x44: {  	s1 =	rddreg [dreg:$0x1];
	p0 =	sne.s32 s2, $0x0  }
0x45: {  	s3 =	rddreg [dreg:$0x2];
	[bflag:$0x3] =	sbarrier.arrive $0xFFFF;
	s2 =	simm.s32 @!p0 $0x1C02  }
0x46: {  	[timem:s3], [sflag:s2] =	dma.local @!p0 [hbm:s0], s1  }
0x47: {  	s0 =	simm.s32 @!p0 $0x2  }
0x48: {  	_ =	swait.ge @!p0 [sflag:s0], s1  }
0x49: {  	s1 =	ssub.s32 @!p0 $0x0, s1;
	[sflag:s0] =	ssyncset.done @!p0 $0x0  }
0x4a: {  	[sflag:s0] =	ssyncadd.s32 @!p0 s1  }
0x4b: {  	[bflag:$0x3] =	sbarrier.arrive $0xFFFF  }
0x4c: {  	_ =	shalt  }

// kernel: kernel.7.cloned.1.call-start
scs
__scs_entry_jumppad:
0x0: {  	(pc) =	sbr.rel $0x88, $3  }
0x1: {  	(tag) =	ssettag $0x0;
	lr =	simm.s32 $0x1  }
0x2: {  	[smem:$0x3F9C] =	sst lr;
	_ =	strace $0xD0000000  }
0x3: {  	_ = 	snop  }
0x4: {  	_ = 	snop  }
0x5: {  	_ = 	snop  }
0x6: {  	_ = 	snop  }
0x7: {  	_ = 	snop  }
__scs_overlays_trampoline_lowered:
0x8: {  	[smem:$0x3FAB] =	sst s0  }
0x9: {  	[smem:$0x3FAC] =	sst s1  }
0xa: {  	[smem:$0x3FAD] =	sst s2  }
0xb: {  	[smem:$0x3FAE] =	sst s3  }
0xc: {  	[smem:$0x3FAF] =	sst s4  }
0xd: {  	[smem:$0x3FB0] =	sst s5  }
0xe: {  	[smem:$0x3FB1] =	sst s6  }
0xf: {  	[smem:$0x3FB2] =	sst s7  }
0x10: {  	[smem:$0x3FB3] =	sst s8  }
0x11: {  	[smem:$0x3FB4] =	sst s9;
	s0 =	simm.s32 @!p0 $0x0  }
0x12: {  	s1 =	sld [smem:$0x3F9A];
	s0 =	simm.s32 @p0 $0x1  }
0x13: {  	[smem:$0x3FB5] =	sst s0;
	s0 =	simm.s32 @!p1 $0x0  }
0x14: {  	s2 =	sld [smem:$0x3F99];
	s0 =	simm.s32 @p1 $0x1  }
0x15: {  	[smem:$0x3FB6] =	sst s0;
	s0 =	simm.s32 @!p2 $0x0  }
0x16: {  	s3 =	sld [smem:$0x3FDB];
	s0 =	simm.s32 @p2 $0x1  }
0x17: {  	s4 =	simm.s32 $0x1BF5;
	[smem:$0x3FB8] =	sst s0  }
0x18: {  	s0 =	sld [smem:$0x3F9B];
	_ =	swait.ge [sflag:s4], $0x0  }
0x19: {  	s7 =	sld [smem:$0x3F9C]  }
0x1a: {  	s8 =	sadd.s32 $0xFFFFE003, lr  }
0x1b: {  	s9 =	sadd.s32 $0xFFFFFEF7, lr;
	s5 =	simm.s32 $0xFFFFFFFF;
	p2 =	slt.u32 s8, $0xFFFFF086  }
0x1c: {  	p1 =	slt.u32 s9, $0xF7A;
	s5 =	simm.s32 @!p2 $0x0  }
0x1d: {  	s5 =	simm.s32 @p1 $0x1;
	p0 =	seq.s32 s7, s2  }
0x1e: {  	s7 =	smul.u32 @!p0 $0xF7A, s2;
	p2 =	seq.s32 @!p0 s5, $0x0  }
0x1f: {  	s9 =	smul.u32 $0xF7A, s1;
	s8 =	simm.s32 @!p0 $0x1BF5;
	p2 =	por !p2, p0  }
0x20: {  	[sflag:s8] =	ssyncset.s32 @!p0 $0xFFFFF086;
	s6 =	sadd.s32 @!p0 s3, s7;
	s7 =	simm.s32 @!p0 $0x108  }
0x21: {  	s3 =	sadd.s32 s3, s9;
	s6 =	sadd.s32 @!p0 $0x88, s6;
	s7 =	simm.s32 @p2 $0x1082  }
0x22: {  	[simem:s7], [sflag:s8] =	dma.local @!p0 [hbm:s6], $0xF7A  }
0x23: {  	s9 =	sor.u32 $0xD0000000, s2;
	s6 =	simm.s32 $0x108;
	_ =	swait.ge @!p0 [sflag:s8], $0x0  }
0x24: {  	s3 =	sadd.s32 $0x88, s3;
	s6 =	simm.s32 @!p1 $0x1082;
	[sflag:s4] =	ssyncset.s32 $0xFFFFF086  }
0x25: {  	[simem:s6], [sflag:s4] =	dma.local [hbm:s3], $0xF7A  }
0x26: {  	[smem:$0x3F9C] =	sst s1;
	(tag) =	ssettag s2;
	_ =	strace s9  }
0x27: {  	s1 =	sld [smem:$0x3FAC]  }
0x28: {  	s2 =	sld [smem:$0x3FAD]  }
0x29: {  	s4 =	sld [smem:$0x3FAF]  }
0x2a: {  	p0 =	seq.s32 s5, $0x0;
	s5 =	sld [smem:$0x3FB0]  }
0x2b: {  	s6 =	sld [smem:$0x3FB1]  }
0x2c: {  	s7 =	sld [smem:$0x3FB2]  }
0x2d: {  	s3 =	simm.s32 $0x108;
	s8 =	sld [smem:$0x3FB3]  }
0x2e: {  	s3 =	simm.s32 @!p0 $0x1082;
	s9 =	sld [smem:$0x3FB4]  }
0x2f: {  	lr =	sadd.s32 s0, s3;
	s0 =	sld [smem:$0x3FAB]  }
0x30: {  	s3 =	sld [smem:$0x3FAE]  }
0x31: {  	[smem:$0x3FB7] =	sst s10  }
0x32: {  	s10 =	sld [smem:$0x3FB5];
	_ =	sdelay $0x3  }
0x33: {  	p0 =	seq.s32 s10, $0x1;
	s10 =	sld [smem:$0x3FB7];
	_ =	sdelay $0x3  }
0x34: {  	[smem:$0x3FB7] =	sst s10  }
0x35: {  	s10 =	sld [smem:$0x3FB6];
	_ =	sdelay $0x3  }
0x36: {  	p1 =	seq.s32 s10, $0x1;
	s10 =	sld [smem:$0x3FB7];
	_ =	sdelay $0x3  }
0x37: {  	[smem:$0x3FB7] =	sst s10  }
0x38: {  	s10 =	sld [smem:$0x3FB8]  }
0x39: {  	_ = 	snop;
	(pc) =	sbr.ind lr, $3  }
0x3a: {  	_ = 	snop  }
0x3b: {  	_ = 	snop  }
0x3c: {  	p2 =	seq.s32 s10, $0x1;
	s10 =	sld [smem:$0x3FB7]  }
0x3d: {  	_ =	shalt  }
0x3e: {  	_ =	shalt  }
0x3f: {  	_ =	shalt  }
0x40: {  	_ =	shalt  }
0x41: {  	_ =	shalt  }
0x42: {  	_ =	shalt  }
0x43: {  	_ =	shalt  }
0x44: {  	_ =	shalt  }
0x45: {  	_ =	shalt  }
0x46: {  	_ =	shalt  }
0x47: {  	_ =	shalt  }
0x48: {  	_ =	shalt  }
0x49: {  	_ =	shalt  }
0x4a: {  	_ =	shalt  }
0x4b: {  	_ =	shalt  }
0x4c: {  	_ =	shalt  }
0x4d: {  	_ =	shalt  }
0x4e: {  	_ =	shalt  }
0x4f: {  	_ =	shalt  }
0x50: {  	_ =	shalt  }
0x51: {  	_ =	shalt  }
0x52: {  	_ =	shalt  }
0x53: {  	_ =	shalt  }
0x54: {  	_ =	shalt  }
0x55: {  	_ =	shalt  }
0x56: {  	_ =	shalt  }
0x57: {  	_ =	shalt  }
0x58: {  	_ =	shalt  }
0x59: {  	_ =	shalt  }
0x5a: {  	_ =	shalt  }
0x5b: {  	_ =	shalt  }
0x5c: {  	_ =	shalt  }
0x5d: {  	_ =	shalt  }
0x5e: {  	_ =	shalt  }
0x5f: {  	_ =	shalt  }
0x60: {  	_ =	shalt  }
0x61: {  	_ =	shalt  }
0x62: {  	_ =	shalt  }
0x63: {  	_ =	shalt  }
0x64: {  	_ =	shalt  }
0x65: {  	_ =	shalt  }
0x66: {  	_ =	shalt  }
0x67: {  	_ =	shalt  }
0x68: {  	_ =	shalt  }
0x69: {  	_ =	shalt  }
0x6a: {  	_ =	shalt  }
0x6b: {  	_ =	shalt  }
0x6c: {  	_ =	shalt  }
0x6d: {  	_ =	shalt  }
0x6e: {  	_ =	shalt  }
0x6f: {  	_ =	shalt  }
0x70: {  	_ =	shalt  }
0x71: {  	_ =	shalt  }
0x72: {  	_ =	shalt  }
0x73: {  	_ =	shalt  }
0x74: {  	_ =	shalt  }
0x75: {  	_ =	shalt  }
0x76: {  	_ =	shalt  }
0x77: {  	_ =	shalt  }
0x78: {  	_ =	shalt  }
0x79: {  	_ =	shalt  }
0x7a: {  	_ =	shalt  }
0x7b: {  	_ =	shalt  }
0x7c: {  	_ =	shalt  }
0x7d: {  	_ =	shalt  }
0x7e: {  	_ =	shalt  }
0x7f: {  	_ =	shalt  }
0x80: {  	_ =	shalt  }
0x81: {  	_ =	shalt  }
0x82: {  	_ =	shalt  }
0x83: {  	_ =	shalt  }
0x84: {  	_ =	shalt  }
0x85: {  	_ =	shalt  }
0x86: {  	_ =	shalt  }
0x87: {  	_ =	shalt  }
.Lfunc_end0:
.L_simem_size_0:
called_computation.1_lowered:
.L_overlay_start_0:
0x88: {  	s2 =	sld [smem:$0x3FD9]  }
0x89: {  	s3 =	sld [smem:$0x3FFE];
	_ =	sdelay $0x1  }
0x8a: {  	s1 =	srdreg.scid  }
0x8b: {  	s0 =	sand.u32 $0x1, s1  }
0x8c: {  	s17 =	sshll.u32 s0, $0xA;
	s2 =	sadd.s32 s3, s2  }
0x8d: {  	s2 =	sadd.s32 s2, s17  }
0x8e: {  	[smem:$0x3FC3] =	sst s2  }
0x8f: {  	_ = 	snop  }
0x90: {  	s2 =	sld [smem:$0x3FC9]  }
0x91: {  	s18 =	sld [smem:$0x3FC8]  }
0x92: {  	s4 =	sld [smem:$0x3FC7]  }
0x93: {  	s5 =	sld [smem:$0x3FC6]  }
0x94: {  	s6 =	sld [smem:$0x3FD0];
	(tm) =	ssettm $0x1  }
0x95: {  	s7 =	sld [smem:$0x3FFB];
	_ =	sdelay $0x3  }
0x96: {  	_ =	strace s7  }
0x97: {  	s7 =	sld [smem:$0x3FFC];
	_ =	sdelay $0x3  }
0x98: {  	_ =	strace s7  }
0x99: {  	s7 =	sld [smem:$0x3FFD];
	_ =	sdelay $0x3  }
0x9a: {  	_ =	strace s7  }
0x9b: {  	_ =	strace $0x8FFFFFFF  }
0x9c: {  	s19 =	sld [smem:$0x3FDB];
	_ =	sdelay $0x1  }
0x9d: {  	s8 =	simm.s32 $_scs_section_size  }
0x9e: {  	s9 =	simm.s32 $_size__tile_overlayer_lowered;
	s10 =	simm.s32 $_tile_overlayer_lowered  }
0x9f: {  	s22 =	simm.s32 $0x1BFF;
	s21 =	sshll.u32 s10, $0x1;
	s7 =	sadd.s32 s8, s19  }
0xa0: {  	s11 =	simm.s32 $0x0;
	s20 =	sshll.u32 s9, $0x1;
	s9 =	sadd.s32 s21, s7  }
0xa1: {  	[timem:s11], [sflag:s22] =	dma.local [hbm:s9], s20  }
0xa2: {  	_ =	swait.ge [sflag:s22], s20  }
0xa3: {  	s8 =	ssub.s32 $0x0, s20;
	[sflag:s22] =	ssyncset.done $0x0  }
0xa4: {  	[sflag:s22] =	ssyncadd.s32 s8;
	_ =	sdelay $0x1  }
0xa5: {  	s23 =	simm.s32 $0x1B8B  }
0xa6: {  	_ =	swait.ge [sflag:s23], $0x1  }
0xa7: {  	[sflag:s23] =	ssyncset.done $0x0  }
0xa8: {  	s25 =	simm.s32 $0x1B8E;
	s24 =	sld [smem:$0x3FFE];
	[sflag:s23] =	ssyncadd.s32 $0xFFFFFFFF  }
0xa9: {  	s26 =	simm.s32 $execute0_lowered;
	[smem:$0x3FD2] =	sst s25  }
0xaa: {  	s9 =	sshll.u32 s26, $0x1;
	_ =	strace $0x80000049;
	[dreg:$0x1] =	wrdreg $0xFFFFFFFF  }
0xab: {  	s28 =	simm.s32 $_size_execute0_lowered;
	s7 =	sadd.s32 s7, s9;
	[dreg:$0x0] =	wrdreg $0x0  }
0xac: {  	s9 =	sshll.u32 s28, $0x1;
	[dreg:$0x2] =	wrdreg s7  }
0xad: {  	[dreg:$0x3] =	wrdreg s9  }
0xae: {  	[dreg:$0x4] =	wrdreg $0xC0  }
0xaf: {  	_ =	task [dreg:s11], $0x5FFFF  }
0xb0: {  	[dreg:$0x1] =	wrdreg $0xFFFFFFFF  }
0xb1: {  	[dreg:$0x0] =	wrdreg $0x60  }
0xb2: {  	[dreg:$0x2] =	wrdreg s2  }
0xb3: {  	[dreg:$0x3] =	wrdreg s18  }
0xb4: {  	[dreg:$0x4] =	wrdreg s4  }
0xb5: {  	[dreg:$0x5] =	wrdreg s5  }
0xb6: {  	[dreg:$0x6] =	wrdreg s24  }
0xb7: {  	[dreg:$0x7] =	wrdreg s6  }
0xb8: {  	[dreg:$0x8] =	wrdreg $0x9  }
0xb9: {  	_ =	task.clear_ibuf [dreg:s11], $0x9FFFF;
	_ =	strace $0x90000049  }
0xba: {  	s29 =	simm.s32 $0x9;
	_ =	strace $0x8000004B  }
0xbb: {  	_ =	swait.ge [sflag:s29], $0x1  }
0xbc: {  	[sflag:s29] =	ssyncadd.s32 $0xFFFFFFFF  }
0xbd: {  	_ =	strace $0x9000004B  }
0xbe: {  	_ =	sfence  }
0xbf: {  	s30 =	sld [smem:$0x0];
	_ =	sdelay $0x2  }
0xc0: {  	s31 =	sshll.u32 s1, $0xD;
	s1 =	sshrl.u32 s1, $0x2  }
0xc1: {  	s3 =	sand.u32 $0x4000, s31;
	s1 =	sadd.s32 s1, s30  }
0xc2: {  	s0 =	sor.u32 s3, s0;
	s1 =	sshll.u32 s1, $0x11  }
0xc3: {  	s0 =	sor.u32 s1, s0  }
0xc4: {  	s0 =	sadd.s32 $0x8F2B, s0  }
0xc5: {  	[sflag:s0] =	ssyncadd.remote.s32 $0x1  }
0xc6: {  	_ =	sfence.sel $0xFFFF  }
0xc7: {  	[dreg:$0x0] =	wrdreg $0xFFFFFFFF;
	(pc) =	sbr.abs _section_cstart, $3  }
0xc8: {  	[dreg:$0x1] =	wrdreg $0xFFFFFFFF  }
0xc9: {  	_ =	task.clear_ibuf [dreg:s11], $0x2FFFF;
	_ =	strace $0x9FFFFFFF  }
0xca: {  	(tm) =	ssettm $0x7FFFFFFF  }
0xcb: {  	_ =	shalt  }
tec
execute0_lowered:
.L_overlay_start_1:
0x0: {  	(tag) =	ssettag $0x1  }
0x1: {  	s0 =	rddreg [dreg:$0x0]  }
0x2: {  	s3 =	rddreg [dreg:$0x1]  }
0x3: {  	s1 =	rddreg [dreg:$0x2]  }
0x4: {  	s2 =	rddreg [dreg:$0x3]  }
0x5: {  	s5 =	rddreg [dreg:$0x4]  }
0x6: {  	s6 =	rddreg [dreg:$0x5]  }
0x7: {  	s4 =	simm.s32 $0x0;
	s7 =	srdreg.scid;
	s8 =	stileid.u32  }
0x8: {  	s10 =	simm.s32 $0x3;
	s11 =	simm.s32 $0x7A1400;
	s12 =	simm.s32 $0x400  }
0x9: {  	s13 =	simm.s32 $0x8400;
	s14 =	simm.s32 $0x2400;
	s15 =	simm.s32 $0xA400  }
0xa: {  	v0 =	vlaneseq.u32;
	s16 =	simm.s32 $0x4400;
	s17 =	simm.s32 $0xC400;
	s7 =	sand.u32 $0x1, s7  }
0xb: {  	vm0 =	vmmov $0x1;
	vm1 =	vcmask $0x30C;
	vm2 =	vcmask $0x710;
	s18 =	simm.s32 $0x6400;
	s8 =	sshll.u32 s8, $0x7;
	s9 =	sshll.u32 s7, $0x6  }
0xc: {  	vm3 =	vcmask $0x1310;
	vm4 =	vcmask $0xB18;
	vm5 =	vcmask $0x131C;
	s19 =	simm.s32 $0xE400;
	[smem:$0x7FF] =	sst s4;
	s8 =	sor.u32 s9, s8  }
0xd: {  	vm6 =	vcmask $0x1720;
	vm7 =	vcmask $0x2320;
	vm8 =	vcmask $0x1B28;
	s7 =	ssub.s32 $0x2, s7;
	_ =	strace $0x8000004A;
	s0 =	sadd.s32 s0, s8  }
0xe: {  	vm9 =	vcmask $0x232C;
	vm10 =	vcmask $0x2730;
	vm11 =	vcmask $0x2B34;
	s26 =	sshrl.u32 s7, $0x1;
	s28 =	sadd.s32 s3, s8;
	[dreg:$0x7] =	wrdreg s0  }
0xf: {  	vm12 =	vcmask $0x2F34;
	vm13 =	vcmask $0x3338;
	vm14 =	vcmask $0x373C;
	s5 =	sadd.s32 s8, s5;
	s30 =	sadd.s32 s6, s8;
	[dreg:$0x8] =	wrdreg s28  }
0x10: {  	vm15 =	vmmov $0x7fff;
	v0 =	vmul.u32 $0x80, v0;
	vm3 =	vmor vm4, vm3;
	s7 =	ssub.s32 s7, s26;
	s29 =	sadd.s32 $0x1EE00, s5;
	[dreg:$0xa] =	wrdreg s30  }
0x11: {  	s20 =	simm.s32 $0x1;
	vm4 =	vcmask $0xF18;
	vm7 =	vmor vm8, vm7;
	vm8 =	vcmask $0x1F28;
	s31 =	smax.u32 s7, $0x1;
	[dreg:$0x9] =	wrdreg s29  }
0x12: {  	s21 =	simm.s32 $0x2;
	s23 =	simm.s32 $0x0;
	v1 =	vor.u32 $0x800, v0;
	v2 =	vor.u32 $0x1000, v0;
	v3 =	vor.u32 $0x1800, v0;
	[dreg:$0xb] =	wrdreg s31  }
.LBB2_1:
0x13: {  	s0 =	rddreg [dreg:$0x7]  }
0x14: {  	[tilespmem:s4], [sflag:$0x3] =	stream.linear.gather [hbm4b:s0+s4], $0x200, $0x38;
	[tilespmem:$0x10800] =	vst v63  }
0x15: {  	_ =	swait.ge [sflag:s10], $0x200  }
0x16: {  	[sflag:s10] =	ssyncset.done $0x0  }
0x17: {  	s24 =	simm.s32 $0x200;
	s31 =	rddreg [dreg:$0x8];
	[sflag:s10] =	ssyncadd.s32 $0xFFFFFE00  }
0x18: {  	[tilespmem:s24], [sflag:$0x3] =	stream.linear.gather [hbm4b:s31+s4], $0x200, $0x38;
	[tilespmem:$0x10800] =	vst v63  }
0x19: {  	_ =	swait.ge [sflag:s10], $0x200  }
0x1a: {  	[sflag:s10] =	ssyncset.done $0x0  }
0x1b: {  	s25 =	simm.s32 $0x10400;
	s3 =	rddreg [dreg:$0x9];
	[sflag:s10] =	ssyncadd.s32 $0xFFFFFE00  }
0x1c: {  	[tilespmem:s25], [sflag:$0x3] =	stream.linear.gather [hbm4b:s3+s4], $0x200, $0x38;
	[tilespmem:$0x10800] =	vst v63  }
0x1d: {  	_ =	swait.ge [sflag:s10], $0x200  }
0x1e: {  	[sflag:s10] =	ssyncset.done $0x0  }
0x1f: {  	[sflag:s10] =	ssyncadd.s32 $0xFFFFFE00  }
0x20: {  	v4 =	vld [tilespmem:$0x0];
	_ =	sdelay $0x3  }
0x21: {  	v5 =	vld [tilespmem:$0x200]  }
0x22: {  	(v2sf) =	vpush v4, $0x0;
	_ =	sdelay $0x3  }
0x23: {  	(v2sf) =	vpush v5, $0x0  }
0x24: {  	(v2sf) =	vpush v4, $0x1;
	_ =	sdelay $0x1  }
0x25: {  	(v2sf) =	vpush v5, $0x1;
	_ =	sdelay $0x1  }
0x26: {  	(v2sf) =	vpush v4, $0x2;
	_ =	sdelay $0x5  }
0x27: {  	s5 =	spop (v2sf);
	(v2sf) =	vpush v5, $0x2;
	_ =	sdelay $0x3  }
0x28: {  	s0 =	sand.u32 $0xFFFFF80, s5;
	s3 =	spop (v2sf)  }
0x29: {  	s0 =	sadd.s32 s1, s0;
	s6 =	sand.u32 $0xFFFFF80, s3;
	s7 =	spop (v2sf)  }
0x2a: {  	[tilespmem:s12], [sflag:$0x1] =	stream.strided.gather [hbm4b:s0+s12], $0x2000, s11, s12, $0x38;
	[tilespmem:$0x10800] =	vst v63  }
0x2b: {  	s0 =	sadd.s32 s2, s6;
	s8 =	sand.u32 $0xFFFFF80, s7;
	s9 =	spop (v2sf)  }
0x2c: {  	[tilespmem:s13], [sflag:$0x2] =	stream.strided.gather [hbm4b:s0+s12], $0x2000, s11, s12, $0x38;
	[tilespmem:$0x10800] =	vst v63  }
0x2d: {  	s22 =	sand.u32 $0xFFFFF80, s9;
	s26 =	spop (v2sf);
	s0 =	sadd.s32 s1, s8  }
0x2e: {  	[tilespmem:s14], [sflag:$0x1] =	stream.strided.gather [hbm4b:s0+s12], $0x2000, s11, s12, $0x38;
	[tilespmem:$0x10800] =	vst v63  }
0x2f: {  	s30 =	sand.u32 $0xFFFFF80, s26;
	s0 =	sadd.s32 s2, s22  }
0x30: {  	[tilespmem:s15], [sflag:$0x2] =	stream.strided.gather [hbm4b:s0+s12], $0x2000, s11, s12, $0x38;
	[tilespmem:$0x10800] =	vst v63  }
0x31: {  	s0 =	sadd.s32 s1, s30  }
0x32: {  	[tilespmem:s16], [sflag:$0x1] =	stream.strided.gather [hbm4b:s0+s12], $0x2000, s11, s12, $0x38;
	[tilespmem:$0x10800] =	vst v63  }
0x33: {  	s31 =	spop (v2sf)  }
0x34: {  	s28 =	simm.s32 $0x10600;
	s0 =	sand.u32 $0xFFFFF80, s31  }
0x35: {  	s29 =	simm.s32 $0x0;
	s26 =	simm.s32 $0xFFFFFFE0;
	s0 =	sadd.s32 s2, s0  }
0x36: {  	[tilespmem:s17], [sflag:$0x2] =	stream.strided.gather [hbm4b:s0+s12], $0x2000, s11, s12, $0x38;
	[tilespmem:$0x10800] =	vst v63  }
.LBB2_2:
0x37: {  	v11 =	vld [tilespmem:s29+$0x0]  }
0x38: {  	v10 =	vld [tilespmem:s24+$0x0];
	_ =	sdelay $0x3  }
0x39: {  	(v2sf) =	vpush v11, $0x3  }
0x3a: {  	(v2sf) =	vpush v10, $0x3;
	_ =	sdelay $0xb  }
0x3b: {  	s0 =	sadd.s32 $0x21, s26  }
0x3c: {  	s0 =	smin.u32 s0, $0x1F  }
0x3d: {  	s0 =	sshll.u32 s0, $0x4;
	s30 =	spop (v2sf)  }
0x3e: {  	v6 =	vld [tilespmem:s0+$0x0];
	s3 =	sand.u32 $0xFFFFF80, s30;
	s31 =	spop (v2sf)  }
0x3f: {  	v5 =	vld [tilespmem:s0+$0x200];
	s0 =	sadd.s32 s1, s3;
	s5 =	sand.u32 $0xFFFFF80, s31  }
0x40: {  	v4 =	vld [tilespmem:s25+$0x0];
	[tilespmem:s18], [sflag:$0x1] =	stream.strided.gather [hbm4b:s0+s12], $0x2000, s11, s12, $0x38  }
0x41: {  	s0 =	sadd.s32 s2, s5  }
0x42: {  	[tilespmem:s19], [sflag:$0x2] =	stream.strided.gather [hbm4b:s0+s12], $0x2000, s11, s12, $0x38;
	[tilespmem:$0x10800] =	vst v63  }
0x43: {  	_ =	swait.ge [sflag:s20], $0x2000  }
0x44: {  	[sflag:s20] =	ssyncset.done $0x0  }
0x45: {  	[sflag:s20] =	ssyncadd.s32 $0xFFFFE000  }
0x46: {  	_ =	swait.ge [sflag:s21], $0x2000  }
0x47: {  	(v2sf) =	vpush v11, $0x0  }
0x48: {  	(v2sf) =	vpush v10, $0x0;
	_ =	sdelay $0xd  }
0x49: {  	s6 =	spop (v2sf)  }
0x4a: {  	s0 =	sand.u32 $0x7F, s6;
	s3 =	spop (v2sf)  }
0x4b: {  	s3 =	sand.u32 $0x7F, s3;
	v7 =	vor.u32 s0, v0  }
0x4c: {  	v8 =	vor.u32 s3, v0  }
0x4d: {  	v9 =	vor.u32 s0, v1  }
0x4e: {  	[sflag:s21] =	ssyncset.done $0x0;
	v12 =	vor.u32 s3, v1  }
0x4f: {  	[sflag:s21] =	ssyncadd.s32 $0xFFFFE000;
	v13 =	vor.u32 s0, v2  }
0x50: {  	v14 =	vor.u32 s3, v2;
	v7 =	vld.idx.msk [tilespmem:v7+s12+$0x0], $0xffff  }
0x51: {  	v15 =	vor.u32 s0, v3;
	v8 =	vld.idx.msk [tilespmem:v8+s13+$0x0], $0xffff  }
0x52: {  	v16 =	vor.u32 s3, v3;
	v9 =	vld.idx.msk [tilespmem:v9+s12+$0x0], $0xffff  }
0x53: {  	v12 =	vld.idx.msk [tilespmem:v12+s13+$0x0], $0xffff  }
0x54: {  	v13 =	vld.idx.msk [tilespmem:v13+s12+$0x0], $0xffff  }
0x55: {  	v14 =	vld.idx.msk [tilespmem:v14+s13+$0x0], $0xffff  }
0x56: {  	(v2sf) =	vpush v11, $0x4;
	v37 =	vld.idx.msk [tilespmem:v15+s12+$0x0], $0xffff;
	v7 =	vmul.f32 v8, v7  }
0x57: {  	(v2sf) =	vpush v10, $0x4;
	v38 =	vld.idx.msk [tilespmem:v16+s13+$0x0], $0xffff  }
0x58: {  	v9 =	vmul.f32 v12, v9;
	v7 =	vadd.f32 $0.0e+00, v7;
	_ =	sdelay $0x1  }
0x59: {  	v39 =	vmul.f32 v14, v13;
	v7 =	vadd.f32 v9, v7;
	_ =	sdelay $0x1  }
0x5a: {  	v8 =	vmul.f32 v38, v37;
	v7 =	vadd.f32 v39, v7;
	_ =	sdelay $0x1  }
0x5b: {  	v7 =	vadd.f32 v8, v7;
	_ =	sdelay $0x1  }
0x5c: {  	(xrf2) =	vadd.scan.msk.f32 $0xffff, v7;
	_ =	sdelay $0x4  }
0x5d: {  	s0 =	spop (v2sf)  }
0x5e: {  	s5 =	sand.u32 $0xFFFFF80, s0;
	s3 =	spop (v2sf)  }
0x5f: {  	s5 =	sadd.s32 s1, s5;
	s7 =	sand.u32 $0xFFFFF80, s3  }
0x60: {  	[tilespmem:s12], [sflag:$0x1] =	stream.strided.gather [hbm4b:s5+s12], $0x2000, s11, s12, $0x38;
	[tilespmem:$0x10800] =	vst v63  }
0x61: {  	s5 =	sadd.s32 s2, s7  }
0x62: {  	[tilespmem:s13], [sflag:$0x2] =	stream.strided.gather [hbm4b:s5+s12], $0x2000, s11, s12, $0x38;
	v7, _, _ =	vpop (xrf2);
	[tilespmem:$0x10800] =	vst v63  }
0x63: {  	_ =	swait.ge [sflag:s20], $0x2000  }
0x64: {  	[sflag:s20] =	ssyncset.done $0x0  }
0x65: {  	[sflag:s20] =	ssyncadd.s32 $0xFFFFE000  }
0x66: {  	_ =	swait.ge [sflag:s21], $0x2000  }
0x67: {  	(v2sf) =	vpush v11, $0x1  }
0x68: {  	(v2sf) =	vpush v10, $0x1;
	_ =	sdelay $0xd  }
0x69: {  	s8 =	spop (v2sf)  }
0x6a: {  	s5 =	sand.u32 $0x7F, s8;
	s6 =	spop (v2sf)  }
0x6b: {  	s6 =	sand.u32 $0x7F, s6;
	v40 =	vor.u32 s5, v0  }
0x6c: {  	v41 =	vor.u32 s6, v0  }
0x6d: {  	v42 =	vor.u32 s5, v1  }
0x6e: {  	[sflag:s21] =	ssyncset.done $0x0;
	v43 =	vor.u32 s6, v1  }
0x6f: {  	[sflag:s21] =	ssyncadd.s32 $0xFFFFE000;
	v44 =	vor.u32 s5, v2  }
0x70: {  	v45 =	vor.u32 s6, v2;
	v8 =	vld.idx.msk [tilespmem:v40+s14+$0x0], $0xffff  }
0x71: {  	v46 =	vor.u32 s5, v3;
	v9 =	vld.idx.msk [tilespmem:v41+s15+$0x0], $0xffff  }
0x72: {  	v17 =	vor.u32 s6, v3;
	v12 =	vld.idx.msk [tilespmem:v42+s14+$0x0], $0xffff  }
0x73: {  	v13 =	vld.idx.msk [tilespmem:v43+s15+$0x0], $0xffff  }
0x74: {  	v14 =	vld.idx.msk [tilespmem:v44+s14+$0x0], $0xffff  }
0x75: {  	v15 =	vld.idx.msk [tilespmem:v45+s15+$0x0], $0xffff  }
0x76: {  	(v2sf) =	vpush v11, $0x5;
	v47 =	vld.idx.msk [tilespmem:v46+s14+$0x0], $0xffff;
	v8 =	vmul.f32 v9, v8  }
0x77: {  	(v2sf) =	vpush v10, $0x5;
	v48 =	vld.idx.msk [tilespmem:v17+s15+$0x0], $0xffff  }
0x78: {  	v12 =	vmul.f32 v13, v12;
	v8 =	vadd.f32 $0.0e+00, v8;
	_ =	sdelay $0x1  }
0x79: {  	v49 =	vmul.f32 v15, v14;
	v8 =	vadd.f32 v12, v8;
	_ =	sdelay $0x1  }
0x7a: {  	v9 =	vmul.f32 v48, v47;
	v8 =	vadd.f32 v49, v8;
	_ =	sdelay $0x1  }
0x7b: {  	v8 =	vadd.f32 v9, v8;
	_ =	sdelay $0x1  }
0x7c: {  	(xrf2) =	vadd.scan.msk.f32 $0xffff, v8;
	_ =	sdelay $0x4  }
0x7d: {  	s5 =	spop (v2sf)  }
0x7e: {  	s9 =	sand.u32 $0xFFFFF80, s5;
	s22 =	spop (v2sf)  }
0x7f: {  	s6 =	sadd.s32 s1, s9;
	s7 =	sand.u32 $0xFFFFF80, s22  }
0x80: {  	[tilespmem:s14], [sflag:$0x1] =	stream.strided.gather [hbm4b:s6+s12], $0x2000, s11, s12, $0x38;
	[tilespmem:$0x10800] =	vst v63  }
0x81: {  	s6 =	sadd.s32 s2, s7  }
0x82: {  	[tilespmem:s15], [sflag:$0x2] =	stream.strided.gather [hbm4b:s6+s12], $0x2000, s11, s12, $0x38;
	v8, _, _ =	vpop (xrf2);
	[tilespmem:$0x10800] =	vst v63  }
0x83: {  	_ =	swait.ge [sflag:s20], $0x2000  }
0x84: {  	[sflag:s20] =	ssyncset.done $0x0  }
0x85: {  	[sflag:s20] =	ssyncadd.s32 $0xFFFFE000  }
0x86: {  	_ =	swait.ge [sflag:s21], $0x2000  }
0x87: {  	(v2sf) =	vpush v11, $0x2  }
0x88: {  	(v2sf) =	vpush v10, $0x2;
	_ =	sdelay $0xd  }
0x89: {  	s8 =	spop (v2sf)  }
0x8a: {  	s6 =	sand.u32 $0x7F, s8;
	s7 =	spop (v2sf)  }
0x8b: {  	s7 =	sand.u32 $0x7F, s7;
	v50 =	vor.u32 s6, v0  }
0x8c: {  	v51 =	vor.u32 s7, v0  }
0x8d: {  	v52 =	vor.u32 s6, v1  }
0x8e: {  	[sflag:s21] =	ssyncset.done $0x0;
	v53 =	vor.u32 s7, v1  }
0x8f: {  	[sflag:s21] =	ssyncadd.s32 $0xFFFFE000;
	v54 =	vor.u32 s6, v2  }
0x90: {  	v55 =	vor.u32 s7, v2;
	v9 =	vld.idx.msk [tilespmem:v50+s16+$0x0], $0xffff  }
0x91: {  	v56 =	vor.u32 s6, v3;
	v12 =	vld.idx.msk [tilespmem:v51+s17+$0x0], $0xffff  }
0x92: {  	v18 =	vor.u32 s7, v3;
	v13 =	vld.idx.msk [tilespmem:v52+s16+$0x0], $0xffff  }
0x93: {  	v14 =	vld.idx.msk [tilespmem:v53+s17+$0x0], $0xffff  }
0x94: {  	v15 =	vld.idx.msk [tilespmem:v54+s16+$0x0], $0xffff  }
0x95: {  	v16 =	vld.idx.msk [tilespmem:v55+s17+$0x0], $0xffff  }
0x96: {  	(v2sf) =	vpush v11, $0x6;
	v57 =	vld.idx.msk [tilespmem:v56+s16+$0x0], $0xffff;
	v9 =	vmul.f32 v12, v9  }
0x97: {  	(v2sf) =	vpush v10, $0x6;
	v58 =	vld.idx.msk [tilespmem:v18+s17+$0x0], $0xffff  }
0x98: {  	v13 =	vmul.f32 v14, v13;
	v9 =	vadd.f32 $0.0e+00, v9;
	_ =	sdelay $0x1  }
0x99: {  	v59 =	vmul.f32 v16, v15;
	v9 =	vadd.f32 v13, v9;
	_ =	sdelay $0x1  }
0x9a: {  	v12 =	vmul.f32 v58, v57;
	v9 =	vadd.f32 v59, v9;
	_ =	sdelay $0x1  }
0x9b: {  	v9 =	vadd.f32 v12, v9;
	_ =	sdelay $0x1  }
0x9c: {  	(xrf2) =	vadd.scan.msk.f32 $0xffff, v9;
	_ =	sdelay $0x4  }
0x9d: {  	s6 =	spop (v2sf)  }
0x9e: {  	s8 =	sand.u32 $0xFFFFF80, s6;
	s7 =	spop (v2sf)  }
0x9f: {  	s8 =	sadd.s32 s1, s8;
	s9 =	sand.u32 $0xFFFFF80, s7  }
0xa0: {  	[tilespmem:s16], [sflag:$0x1] =	stream.strided.gather [hbm4b:s8+s12], $0x2000, s11, s12, $0x38;
	[tilespmem:$0x10800] =	vst v63  }
0xa1: {  	s8 =	sadd.s32 s2, s9  }
0xa2: {  	[tilespmem:s17], [sflag:$0x2] =	stream.strided.gather [hbm4b:s8+s12], $0x2000, s11, s12, $0x38;
	v9, _, _ =	vpop (xrf2);
	[tilespmem:$0x10800] =	vst v63  }
0xa3: {  	s30 =	sand.u32 $0x7F, s30;
	_ =	swait.ge [sflag:s20], $0x2000  }
0xa4: {  	v60 =	vor.u32 s30, v0;
	s9 =	sand.u32 $0x7F, s31;
	[sflag:s20] =	ssyncset.done $0x0  }
0xa5: {  	v61 =	vor.u32 s9, v0;
	[sflag:s20] =	ssyncadd.s32 $0xFFFFE000  }
0xa6: {  	v62 =	vor.u32 s30, v1;
	_ =	swait.ge [sflag:s21], $0x2000  }
0xa7: {  	v63 =	vor.u32 s9, v1;
	[sflag:s21] =	ssyncset.done $0x0  }
0xa8: {  	v21 =	vor.u32 s30, v2;
	[sflag:s21] =	ssyncadd.s32 $0xFFFFE000  }
0xa9: {  	v22 =	vor.u32 s9, v2;
	v12 =	vld.idx.msk [tilespmem:v60+s18+$0x0], $0xffff  }
0xaa: {  	v23 =	vor.u32 s30, v3;
	v13 =	vld.idx.msk [tilespmem:v61+s19+$0x0], $0xffff  }
0xab: {  	v19 =	vor.u32 s9, v3;
	v14 =	vld.idx.msk [tilespmem:v62+s18+$0x0], $0xffff  }
0xac: {  	v15 =	vld.idx.msk [tilespmem:v63+s19+$0x0], $0xffff  }
0xad: {  	v16 =	vld.idx.msk [tilespmem:v21+s18+$0x0], $0xffff  }
0xae: {  	v17 =	vld.idx.msk [tilespmem:v22+s19+$0x0], $0xffff  }
0xaf: {  	(v2sf) =	vpush v11, $0x7;
	v24 =	vld.idx.msk [tilespmem:v23+s18+$0x0], $0xffff;
	v12 =	vmul.f32 v13, v12  }
0xb0: {  	(v2sf) =	vpush v10, $0x7;
	v25 =	vld.idx.msk [tilespmem:v19+s19+$0x0], $0xffff  }
0xb1: {  	v14 =	vmul.f32 v15, v14;
	v12 =	vadd.f32 $0.0e+00, v12;
	_ =	sdelay $0x1  }
0xb2: {  	v26 =	vmul.f32 v17, v16;
	v12 =	vadd.f32 v14, v12;
	_ =	sdelay $0x1  }
0xb3: {  	v13 =	vmul.f32 v25, v24;
	v12 =	vadd.f32 v26, v12;
	_ =	sdelay $0x1  }
0xb4: {  	v12 =	vadd.f32 v13, v12;
	_ =	sdelay $0x1  }
0xb5: {  	(xrf2) =	vadd.scan.msk.f32 $0xffff, v12;
	_ =	sdelay $0x4  }
0xb6: {  	s30 =	spop (v2sf)  }
0xb7: {  	s9 =	sand.u32 $0xFFFFF80, s30;
	s31 =	spop (v2sf)  }
0xb8: {  	s8 =	sadd.s32 s1, s9;
	s9 =	sand.u32 $0xFFFFF80, s31  }
0xb9: {  	[tilespmem:s18], [sflag:$0x1] =	stream.strided.gather [hbm4b:s8+s12], $0x2000, s11, s12, $0x38;
	[tilespmem:$0x10800] =	vst v63  }
0xba: {  	s8 =	sadd.s32 s2, s9  }
0xbb: {  	[tilespmem:s19], [sflag:$0x2] =	stream.strided.gather [hbm4b:s8+s12], $0x2000, s11, s12, $0x38;
	v12, _, _ =	vpop (xrf2);
	[tilespmem:$0x10800] =	vst v63  }
0xbc: {  	s0 =	sand.u32 $0x7F, s0;
	_ =	swait.ge [sflag:s20], $0x2000  }
0xbd: {  	s3 =	sand.u32 $0x7F, s3;
	v27 =	vor.u32 s0, v0;
	[sflag:s20] =	ssyncset.done $0x0  }
0xbe: {  	v28 =	vor.u32 s3, v0;
	[sflag:s20] =	ssyncadd.s32 $0xFFFFE000  }
0xbf: {  	v29 =	vor.u32 s0, v1;
	_ =	swait.ge [sflag:s21], $0x2000  }
0xc0: {  	v30 =	vor.u32 s3, v1;
	[sflag:s21] =	ssyncset.done $0x0  }
0xc1: {  	v31 =	vor.u32 s0, v2;
	[sflag:s21] =	ssyncadd.s32 $0xFFFFE000  }
0xc2: {  	v32 =	vor.u32 s3, v2;
	v13 =	vld.idx.msk [tilespmem:v27+s12+$0x0], $0xffff  }
0xc3: {  	v33 =	vor.u32 s0, v3;
	v14 =	vld.idx.msk [tilespmem:v28+s13+$0x0], $0xffff  }
0xc4: {  	v20 =	vor.u32 s3, v3;
	v15 =	vld.idx.msk [tilespmem:v29+s12+$0x0], $0xffff  }
0xc5: {  	v16 =	vld.idx.msk [tilespmem:v30+s13+$0x0], $0xffff  }
0xc6: {  	v17 =	vld.idx.msk [tilespmem:v31+s12+$0x0], $0xffff  }
0xc7: {  	v18 =	vld.idx.msk [tilespmem:v32+s13+$0x0], $0xffff  }
0xc8: {  	(v2sf) =	vpush v11, $0x8;
	v34 =	vld.idx.msk [tilespmem:v33+s12+$0x0], $0xffff;
	v13 =	vmul.f32 v14, v13  }
0xc9: {  	(v2sf) =	vpush v10, $0x8;
	v35 =	vld.idx.msk [tilespmem:v20+s13+$0x0], $0xffff  }
0xca: {  	v15 =	vmul.f32 v16, v15;
	v13 =	vadd.f32 $0.0e+00, v13;
	_ =	sdelay $0x1  }
0xcb: {  	v36 =	vmul.f32 v18, v17;
	v13 =	vadd.f32 v15, v13;
	_ =	sdelay $0x1  }
0xcc: {  	v14 =	vmul.f32 v35, v34;
	v13 =	vadd.f32 v36, v13;
	_ =	sdelay $0x1  }
0xcd: {  	v13 =	vadd.f32 v14, v13;
	_ =	sdelay $0x1  }
0xce: {  	(xrf2) =	vadd.scan.msk.f32 $0xffff, v13;
	_ =	sdelay $0x4  }
0xcf: {  	s0 =	spop (v2sf)  }
0xd0: {  	s9 =	sand.u32 $0xFFFFF80, s0;
	s3 =	spop (v2sf)  }
0xd1: {  	s8 =	sadd.s32 s1, s9;
	s9 =	sand.u32 $0xFFFFF80, s3  }
0xd2: {  	[tilespmem:s12], [sflag:$0x1] =	stream.strided.gather [hbm4b:s8+s12], $0x2000, s11, s12, $0x38;
	[tilespmem:$0x10800] =	vst v63  }
0xd3: {  	s8 =	sadd.s32 s2, s9  }
0xd4: {  	[tilespmem:s13], [sflag:$0x2] =	stream.strided.gather [hbm4b:s8+s12], $0x2000, s11, s12, $0x38;
	v13, _, _ =	vpop (xrf2);
	[tilespmem:$0x10800] =	vst v63  }
0xd5: {  	s5 =	sand.u32 $0x7F, s5;
	_ =	swait.ge [sflag:s20], $0x2000  }
0xd6: {  	s22 =	sand.u32 $0x7F, s22;
	v37 =	vor.u32 s5, v0;
	[sflag:s20] =	ssyncset.done $0x0  }
0xd7: {  	v38 =	vor.u32 s22, v0;
	[sflag:s20] =	ssyncadd.s32 $0xFFFFE000  }
0xd8: {  	v39 =	vor.u32 s5, v1;
	_ =	swait.ge [sflag:s21], $0x2000  }
0xd9: {  	v40 =	vor.u32 s22, v1;
	[sflag:s21] =	ssyncset.done $0x0  }
0xda: {  	v41 =	vor.u32 s5, v2;
	[sflag:s21] =	ssyncadd.s32 $0xFFFFE000  }
0xdb: {  	v42 =	vor.u32 s22, v2;
	v14 =	vld.idx.msk [tilespmem:v37+s14+$0x0], $0xffff  }
0xdc: {  	v43 =	vor.u32 s5, v3;
	v15 =	vld.idx.msk [tilespmem:v38+s15+$0x0], $0xffff  }
0xdd: {  	v21 =	vor.u32 s22, v3;
	v16 =	vld.idx.msk [tilespmem:v39+s14+$0x0], $0xffff  }
0xde: {  	v17 =	vld.idx.msk [tilespmem:v40+s15+$0x0], $0xffff  }
0xdf: {  	v18 =	vld.idx.msk [tilespmem:v41+s14+$0x0], $0xffff  }
0xe0: {  	v19 =	vld.idx.msk [tilespmem:v42+s15+$0x0], $0xffff  }
0xe1: {  	(v2sf) =	vpush v11, $0x9;
	v44 =	vld.idx.msk [tilespmem:v43+s14+$0x0], $0xffff;
	v14 =	vmul.f32 v15, v14  }
0xe2: {  	(v2sf) =	vpush v10, $0x9;
	v45 =	vld.idx.msk [tilespmem:v21+s15+$0x0], $0xffff  }
0xe3: {  	v16 =	vmul.f32 v17, v16;
	v14 =	vadd.f32 $0.0e+00, v14;
	_ =	sdelay $0x1  }
0xe4: {  	v46 =	vmul.f32 v19, v18;
	v14 =	vadd.f32 v16, v14;
	_ =	sdelay $0x1  }
0xe5: {  	v15 =	vmul.f32 v45, v44;
	v14 =	vadd.f32 v46, v14;
	_ =	sdelay $0x1  }
0xe6: {  	v14 =	vadd.f32 v15, v14;
	_ =	sdelay $0x1  }
0xe7: {  	(xrf2) =	vadd.scan.msk.f32 $0xffff, v14;
	_ =	sdelay $0x4  }
0xe8: {  	s5 =	spop (v2sf)  }
0xe9: {  	s9 =	sand.u32 $0xFFFFF80, s5;
	s22 =	spop (v2sf)  }
0xea: {  	s8 =	sadd.s32 s1, s9;
	s9 =	sand.u32 $0xFFFFF80, s22  }
0xeb: {  	[tilespmem:s14], [sflag:$0x1] =	stream.strided.gather [hbm4b:s8+s12], $0x2000, s11, s12, $0x38;
	[tilespmem:$0x10800] =	vst v63  }
0xec: {  	s8 =	sadd.s32 s2, s9  }
0xed: {  	[tilespmem:s15], [sflag:$0x2] =	stream.strided.gather [hbm4b:s8+s12], $0x2000, s11, s12, $0x38;
	v14, _, _ =	vpop (xrf2);
	[tilespmem:$0x10800] =	vst v63  }
0xee: {  	s6 =	sand.u32 $0x7F, s6;
	_ =	swait.ge [sflag:s20], $0x2000  }
0xef: {  	s7 =	sand.u32 $0x7F, s7;
	v47 =	vor.u32 s6, v0;
	[sflag:s20] =	ssyncset.done $0x0  }
0xf0: {  	v48 =	vor.u32 s7, v0;
	[sflag:s20] =	ssyncadd.s32 $0xFFFFE000  }
0xf1: {  	v49 =	vor.u32 s6, v1;
	_ =	swait.ge [sflag:s21], $0x2000  }
0xf2: {  	v50 =	vor.u32 s7, v1;
	[sflag:s21] =	ssyncset.done $0x0  }
0xf3: {  	v51 =	vor.u32 s6, v2;
	[sflag:s21] =	ssyncadd.s32 $0xFFFFE000  }
0xf4: {  	v52 =	vor.u32 s7, v2;
	v15 =	vld.idx.msk [tilespmem:v47+s16+$0x0], $0xffff  }
0xf5: {  	v53 =	vor.u32 s6, v3;
	v16 =	vld.idx.msk [tilespmem:v48+s17+$0x0], $0xffff  }
0xf6: {  	v22 =	vor.u32 s7, v3;
	v17 =	vld.idx.msk [tilespmem:v49+s16+$0x0], $0xffff  }
0xf7: {  	v18 =	vld.idx.msk [tilespmem:v50+s17+$0x0], $0xffff  }
0xf8: {  	v19 =	vld.idx.msk [tilespmem:v51+s16+$0x0], $0xffff  }
0xf9: {  	v20 =	vld.idx.msk [tilespmem:v52+s17+$0x0], $0xffff  }
0xfa: {  	(v2sf) =	vpush v11, $0xA;
	v54 =	vld.idx.msk [tilespmem:v53+s16+$0x0], $0xffff;
	v15 =	vmul.f32 v16, v15  }
0xfb: {  	(v2sf) =	vpush v10, $0xA;
	v55 =	vld.idx.msk [tilespmem:v22+s17+$0x0], $0xffff  }
0xfc: {  	v17 =	vmul.f32 v18, v17;
	v15 =	vadd.f32 $0.0e+00, v15;
	_ =	sdelay $0x1  }
0xfd: {  	v56 =	vmul.f32 v20, v19;
	v15 =	vadd.f32 v17, v15;
	_ =	sdelay $0x1  }
0xfe: {  	v16 =	vmul.f32 v55, v54;
	v15 =	vadd.f32 v56, v15;
	_ =	sdelay $0x1  }
0xff: {  	v15 =	vadd.f32 v16, v15;
	_ =	sdelay $0x1  }
0x100: {  	(xrf2) =	vadd.scan.msk.f32 $0xffff, v15;
	_ =	sdelay $0x4  }
0x101: {  	s6 =	spop (v2sf)  }
0x102: {  	s9 =	sand.u32 $0xFFFFF80, s6;
	s7 =	spop (v2sf)  }
0x103: {  	s8 =	sadd.s32 s1, s9;
	s9 =	sand.u32 $0xFFFFF80, s7  }
0x104: {  	[tilespmem:s16], [sflag:$0x1] =	stream.strided.gather [hbm4b:s8+s12], $0x2000, s11, s12, $0x38;
	[tilespmem:$0x10800] =	vst v63  }
0x105: {  	s8 =	sadd.s32 s2, s9  }
0x106: {  	[tilespmem:s17], [sflag:$0x2] =	stream.strided.gather [hbm4b:s8+s12], $0x2000, s11, s12, $0x38;
	v15, _, _ =	vpop (xrf2);
	[tilespmem:$0x10800] =	vst v63  }
0x107: {  	s30 =	sand.u32 $0x7F, s30;
	_ =	swait.ge [sflag:s20], $0x2000  }
0x108: {  	s31 =	sand.u32 $0x7F, s31;
	v57 =	vor.u32 s30, v0;
	[sflag:s20] =	ssyncset.done $0x0  }
0x109: {  	v58 =	vor.u32 s31, v0;
	[sflag:s20] =	ssyncadd.s32 $0xFFFFE000  }
0x10a: {  	v59 =	vor.u32 s30, v1;
	_ =	swait.ge [sflag:s21], $0x2000  }
0x10b: {  	v60 =	vor.u32 s31, v1;
	[sflag:s21] =	ssyncset.done $0x0  }
0x10c: {  	v61 =	vor.u32 s30, v2;
	[sflag:s21] =	ssyncadd.s32 $0xFFFFE000  }
0x10d: {  	v62 =	vor.u32 s31, v2;
	v16 =	vld.idx.msk [tilespmem:v57+s18+$0x0], $0xffff  }
0x10e: {  	v63 =	vor.u32 s30, v3;
	v17 =	vld.idx.msk [tilespmem:v58+s19+$0x0], $0xffff  }
0x10f: {  	v23 =	vor.u32 s31, v3;
	v18 =	vld.idx.msk [tilespmem:v59+s18+$0x0], $0xffff  }
0x110: {  	v19 =	vld.idx.msk [tilespmem:v60+s19+$0x0], $0xffff  }
0x111: {  	v20 =	vld.idx.msk [tilespmem:v61+s18+$0x0], $0xffff  }
0x112: {  	v21 =	vld.idx.msk [tilespmem:v62+s19+$0x0], $0xffff  }
0x113: {  	(v2sf) =	vpush v11, $0xB;
	v24 =	vld.idx.msk [tilespmem:v63+s18+$0x0], $0xffff;
	v16 =	vmul.f32 v17, v16  }
0x114: {  	(v2sf) =	vpush v10, $0xB;
	v25 =	vld.idx.msk [tilespmem:v23+s19+$0x0], $0xffff  }
0x115: {  	v18 =	vmul.f32 v19, v18;
	v16 =	vadd.f32 $0.0e+00, v16;
	_ =	sdelay $0x1  }
0x116: {  	v26 =	vmul.f32 v21, v20;
	v16 =	vadd.f32 v18, v16;
	_ =	sdelay $0x1  }
0x117: {  	v17 =	vmul.f32 v25, v24;
	v16 =	vadd.f32 v26, v16;
	_ =	sdelay $0x1  }
0x118: {  	v16 =	vadd.f32 v17, v16;
	_ =	sdelay $0x1  }
0x119: {  	(xrf2) =	vadd.scan.msk.f32 $0xffff, v16;
	_ =	sdelay $0x4  }
0x11a: {  	s30 =	spop (v2sf)  }
0x11b: {  	s9 =	sand.u32 $0xFFFFF80, s30;
	s31 =	spop (v2sf)  }
0x11c: {  	s8 =	sadd.s32 s1, s9;
	s9 =	sand.u32 $0xFFFFF80, s31  }
0x11d: {  	[tilespmem:s18], [sflag:$0x1] =	stream.strided.gather [hbm4b:s8+s12], $0x2000, s11, s12, $0x38;
	[tilespmem:$0x10800] =	vst v63  }
0x11e: {  	s8 =	sadd.s32 s2, s9  }
0x11f: {  	[tilespmem:s19], [sflag:$0x2] =	stream.strided.gather [hbm4b:s8+s12], $0x2000, s11, s12, $0x38;
	v16, _, _ =	vpop (xrf2);
	[tilespmem:$0x10800] =	vst v63  }
0x120: {  	s0 =	sand.u32 $0x7F, s0;
	_ =	swait.ge [sflag:s20], $0x2000  }
0x121: {  	s3 =	sand.u32 $0x7F, s3;
	v27 =	vor.u32 s0, v0;
	[sflag:s20] =	ssyncset.done $0x0  }
0x122: {  	v28 =	vor.u32 s3, v0;
	[sflag:s20] =	ssyncadd.s32 $0xFFFFE000  }
0x123: {  	v29 =	vor.u32 s0, v1;
	_ =	swait.ge [sflag:s21], $0x2000  }
0x124: {  	v30 =	vor.u32 s3, v1;
	[sflag:s21] =	ssyncset.done $0x0  }
0x125: {  	v31 =	vor.u32 s0, v2;
	[sflag:s21] =	ssyncadd.s32 $0xFFFFE000  }
0x126: {  	v32 =	vor.u32 s3, v2;
	v17 =	vld.idx.msk [tilespmem:v27+s12+$0x0], $0xffff  }
0x127: {  	v33 =	vor.u32 s0, v3;
	v18 =	vld.idx.msk [tilespmem:v28+s13+$0x0], $0xffff  }
0x128: {  	v24 =	vor.u32 s3, v3;
	v19 =	vld.idx.msk [tilespmem:v29+s12+$0x0], $0xffff  }
0x129: {  	v20 =	vld.idx.msk [tilespmem:v30+s13+$0x0], $0xffff  }
0x12a: {  	v21 =	vld.idx.msk [tilespmem:v31+s12+$0x0], $0xffff  }
0x12b: {  	v22 =	vld.idx.msk [tilespmem:v32+s13+$0x0], $0xffff  }
0x12c: {  	(v2sf) =	vpush v11, $0xC;
	v34 =	vld.idx.msk [tilespmem:v33+s12+$0x0], $0xffff;
	v17 =	vmul.f32 v18, v17  }
0x12d: {  	(v2sf) =	vpush v10, $0xC;
	v35 =	vld.idx.msk [tilespmem:v24+s13+$0x0], $0xffff  }
0x12e: {  	v19 =	vmul.f32 v20, v19;
	v17 =	vadd.f32 $0.0e+00, v17;
	_ =	sdelay $0x1  }
0x12f: {  	v36 =	vmul.f32 v22, v21;
	v17 =	vadd.f32 v19, v17;
	_ =	sdelay $0x1  }
0x130: {  	v18 =	vmul.f32 v35, v34;
	v17 =	vadd.f32 v36, v17;
	_ =	sdelay $0x1  }
0x131: {  	v17 =	vadd.f32 v18, v17;
	_ =	sdelay $0x1  }
0x132: {  	(xrf2) =	vadd.scan.msk.f32 $0xffff, v17;
	_ =	sdelay $0x4  }
0x133: {  	s8 =	spop (v2sf)  }
0x134: {  	s3 =	sand.u32 $0xFFFFF80, s8;
	s9 =	spop (v2sf)  }
0x135: {  	s0 =	sadd.s32 s1, s3;
	s3 =	sand.u32 $0xFFFFF80, s9  }
0x136: {  	[tilespmem:s12], [sflag:$0x1] =	stream.strided.gather [hbm4b:s0+s12], $0x2000, s11, s12, $0x38;
	[tilespmem:$0x10800] =	vst v63  }
0x137: {  	s0 =	sadd.s32 s2, s3  }
0x138: {  	[tilespmem:s13], [sflag:$0x2] =	stream.strided.gather [hbm4b:s0+s12], $0x2000, s11, s12, $0x38;
	v17, _, _ =	vpop (xrf2);
	[tilespmem:$0x10800] =	vst v63  }
0x139: {  	s5 =	sand.u32 $0x7F, s5;
	_ =	swait.ge [sflag:s20], $0x2000  }
0x13a: {  	s22 =	sand.u32 $0x7F, s22;
	v37 =	vor.u32 s5, v0;
	[sflag:s20] =	ssyncset.done $0x0  }
0x13b: {  	v38 =	vor.u32 s22, v0;
	[sflag:s20] =	ssyncadd.s32 $0xFFFFE000  }
0x13c: {  	v39 =	vor.u32 s5, v1;
	_ =	swait.ge [sflag:s21], $0x2000  }
0x13d: {  	v40 =	vor.u32 s22, v1;
	[sflag:s21] =	ssyncset.done $0x0  }
0x13e: {  	v41 =	vor.u32 s5, v2;
	[sflag:s21] =	ssyncadd.s32 $0xFFFFE000  }
0x13f: {  	v42 =	vor.u32 s22, v2;
	v18 =	vld.idx.msk [tilespmem:v37+s14+$0x0], $0xffff  }
0x140: {  	v43 =	vor.u32 s5, v3;
	v19 =	vld.idx.msk [tilespmem:v38+s15+$0x0], $0xffff  }
0x141: {  	v25 =	vor.u32 s22, v3;
	v20 =	vld.idx.msk [tilespmem:v39+s14+$0x0], $0xffff  }
0x142: {  	v21 =	vld.idx.msk [tilespmem:v40+s15+$0x0], $0xffff  }
0x143: {  	v22 =	vld.idx.msk [tilespmem:v41+s14+$0x0], $0xffff  }
0x144: {  	v23 =	vld.idx.msk [tilespmem:v42+s15+$0x0], $0xffff  }
0x145: {  	(v2sf) =	vpush v11, $0xD;
	v44 =	vld.idx.msk [tilespmem:v43+s14+$0x0], $0xffff;
	v18 =	vmul.f32 v19, v18  }
0x146: {  	(v2sf) =	vpush v10, $0xD;
	v45 =	vld.idx.msk [tilespmem:v25+s15+$0x0], $0xffff  }
0x147: {  	v20 =	vmul.f32 v21, v20;
	v18 =	vadd.f32 $0.0e+00, v18;
	_ =	sdelay $0x1  }
0x148: {  	v46 =	vmul.f32 v23, v22;
	v18 =	vadd.f32 v20, v18;
	_ =	sdelay $0x1  }
0x149: {  	v19 =	vmul.f32 v45, v44;
	v18 =	vadd.f32 v46, v18;
	_ =	sdelay $0x1  }
0x14a: {  	v18 =	vadd.f32 v19, v18;
	_ =	sdelay $0x1  }
0x14b: {  	(xrf2) =	vadd.scan.msk.f32 $0xffff, v18;
	_ =	sdelay $0x4  }
0x14c: {  	s22 =	spop (v2sf)  }
0x14d: {  	s3 =	sand.u32 $0xFFFFF80, s22;
	s5 =	spop (v2sf)  }
0x14e: {  	s0 =	sadd.s32 s1, s3;
	s3 =	sand.u32 $0xFFFFF80, s5  }
0x14f: {  	[tilespmem:s14], [sflag:$0x1] =	stream.strided.gather [hbm4b:s0+s12], $0x2000, s11, s12, $0x38;
	[tilespmem:$0x10800] =	vst v63  }
0x150: {  	s0 =	sadd.s32 s2, s3  }
0x151: {  	[tilespmem:s15], [sflag:$0x2] =	stream.strided.gather [hbm4b:s0+s12], $0x2000, s11, s12, $0x38;
	v18, _, _ =	vpop (xrf2);
	[tilespmem:$0x10800] =	vst v63  }
0x152: {  	s3 =	sand.u32 $0x7F, s6;
	_ =	swait.ge [sflag:s20], $0x2000  }
0x153: {  	s6 =	sand.u32 $0x7F, s7;
	v47 =	vor.u32 s3, v0;
	[sflag:s20] =	ssyncset.done $0x0  }
0x154: {  	v48 =	vor.u32 s6, v0;
	[sflag:s20] =	ssyncadd.s32 $0xFFFFE000  }
0x155: {  	v49 =	vor.u32 s3, v1;
	_ =	swait.ge [sflag:s21], $0x2000  }
0x156: {  	v50 =	vor.u32 s6, v1;
	[sflag:s21] =	ssyncset.done $0x0  }
0x157: {  	v51 =	vor.u32 s3, v2;
	[sflag:s21] =	ssyncadd.s32 $0xFFFFE000  }
0x158: {  	v52 =	vor.u32 s6, v2;
	v19 =	vld.idx.msk [tilespmem:v47+s16+$0x0], $0xffff  }
0x159: {  	v53 =	vor.u32 s3, v3;
	v20 =	vld.idx.msk [tilespmem:v48+s17+$0x0], $0xffff  }
0x15a: {  	v26 =	vor.u32 s6, v3;
	v21 =	vld.idx.msk [tilespmem:v49+s16+$0x0], $0xffff  }
0x15b: {  	v22 =	vld.idx.msk [tilespmem:v50+s17+$0x0], $0xffff  }
0x15c: {  	v23 =	vld.idx.msk [tilespmem:v51+s16+$0x0], $0xffff  }
0x15d: {  	v24 =	vld.idx.msk [tilespmem:v52+s17+$0x0], $0xffff  }
0x15e: {  	(v2sf) =	vpush v11, $0xE;
	v54 =	vld.idx.msk [tilespmem:v53+s16+$0x0], $0xffff;
	v19 =	vmul.f32 v20, v19  }
0x15f: {  	(v2sf) =	vpush v10, $0xE;
	v55 =	vld.idx.msk [tilespmem:v26+s17+$0x0], $0xffff  }
0x160: {  	v21 =	vmul.f32 v22, v21;
	v19 =	vadd.f32 $0.0e+00, v19;
	_ =	sdelay $0x1  }
0x161: {  	v56 =	vmul.f32 v24, v23;
	v19 =	vadd.f32 v21, v19;
	_ =	sdelay $0x1  }
0x162: {  	v20 =	vmul.f32 v55, v54;
	v19 =	vadd.f32 v56, v19;
	_ =	sdelay $0x1  }
0x163: {  	v19 =	vadd.f32 v20, v19;
	_ =	sdelay $0x1  }
0x164: {  	(xrf2) =	vadd.scan.msk.f32 $0xffff, v19;
	_ =	sdelay $0x4  }
0x165: {  	s0 =	spop (v2sf)  }
0x166: {  	s7 =	sand.u32 $0xFFFFF80, s0;
	s3 =	spop (v2sf)  }
0x167: {  	s6 =	sadd.s32 s1, s7;
	s7 =	sand.u32 $0xFFFFF80, s3  }
0x168: {  	[tilespmem:s16], [sflag:$0x1] =	stream.strided.gather [hbm4b:s6+s12], $0x2000, s11, s12, $0x38;
	[tilespmem:$0x10800] =	vst v63  }
0x169: {  	s6 =	sadd.s32 s2, s7  }
0x16a: {  	[tilespmem:s17], [sflag:$0x2] =	stream.strided.gather [hbm4b:s6+s12], $0x2000, s11, s12, $0x38;
	v19, _, _ =	vpop (xrf2);
	[tilespmem:$0x10800] =	vst v63  }
0x16b: {  	s30 =	sand.u32 $0x7F, s30;
	_ =	swait.ge [sflag:s20], $0x2000  }
0x16c: {  	s31 =	sand.u32 $0x7F, s31;
	v57 =	vor.u32 s30, v0;
	[sflag:s20] =	ssyncset.done $0x0  }
0x16d: {  	v58 =	vor.u32 s31, v0;
	[sflag:s20] =	ssyncadd.s32 $0xFFFFE000  }
0x16e: {  	v59 =	vor.u32 s30, v1;
	_ =	swait.ge [sflag:s21], $0x2000  }
0x16f: {  	v60 =	vor.u32 s31, v1;
	[sflag:s21] =	ssyncset.done $0x0  }
0x170: {  	v61 =	vor.u32 s30, v2;
	[sflag:s21] =	ssyncadd.s32 $0xFFFFE000  }
0x171: {  	v62 =	vor.u32 s31, v2;
	v20 =	vld.idx.msk [tilespmem:v57+s18+$0x0], $0xffff  }
0x172: {  	v63 =	vor.u32 s30, v3;
	v21 =	vld.idx.msk [tilespmem:v58+s19+$0x0], $0xffff  }
0x173: {  	v27 =	vor.u32 s31, v3;
	v22 =	vld.idx.msk [tilespmem:v59+s18+$0x0], $0xffff  }
0x174: {  	v23 =	vld.idx.msk [tilespmem:v60+s19+$0x0], $0xffff  }
0x175: {  	v24 =	vld.idx.msk [tilespmem:v61+s18+$0x0], $0xffff  }
0x176: {  	v25 =	vld.idx.msk [tilespmem:v62+s19+$0x0], $0xffff  }
0x177: {  	(v2sf) =	vpush v11, $0xF;
	v29 =	vld.idx.msk [tilespmem:v63+s18+$0x0], $0xffff;
	v28 =	vmul.f32 v21, v20  }
0x178: {  	(v2sf) =	vpush v10, $0xF;
	v30 =	vld.idx.msk [tilespmem:v27+s19+$0x0], $0xffff  }
0x179: {  	v32 =	vmul.f32 v23, v22;
	v31 =	vadd.f32 $0.0e+00, v28;
	_ =	sdelay $0x1  }
0x17a: {  	v33 =	vmul.f32 v25, v24;
	v10 =	vadd.f32 v32, v31;
	_ =	sdelay $0x1  }
0x17b: {  	v34 =	vmul.f32 v30, v29;
	v10 =	vadd.f32 v33, v10;
	_ =	sdelay $0x1  }
0x17c: {  	v10 =	vadd.f32 v34, v10;
	_ =	sdelay $0x1  }
0x17d: {  	(xrf2) =	vadd.scan.msk.f32 $0xffff, v10;
	_ =	sdelay $0x4  }
0x17e: {  	s30 =	spop (v2sf)  }
0x17f: {  	s7 =	sand.u32 $0xFFFFF80, s30;
	s31 =	spop (v2sf)  }
0x180: {  	s6 =	sadd.s32 s1, s7;
	s7 =	sand.u32 $0xFFFFF80, s31  }
0x181: {  	[tilespmem:s18], [sflag:$0x1] =	stream.strided.gather [hbm4b:s6+s12], $0x2000, s11, s12, $0x38;
	[tilespmem:$0x10800] =	vst v63  }
0x182: {  	s6 =	sadd.s32 s2, s7  }
0x183: {  	[tilespmem:s19], [sflag:$0x2] =	stream.strided.gather [hbm4b:s6+s12], $0x2000, s11, s12, $0x38;
	v10, _, _ =	vpop (xrf2);
	[tilespmem:$0x10800] =	vst v63  }
0x184: {  	s8 =	sand.u32 $0x7F, s8;
	_ =	swait.ge [sflag:s20], $0x2000  }
0x185: {  	s9 =	sand.u32 $0x7F, s9;
	v35 =	vor.u32 s8, v0;
	[sflag:s20] =	ssyncset.done $0x0  }
0x186: {  	v36 =	vor.u32 s9, v0;
	[sflag:s20] =	ssyncadd.s32 $0xFFFFE000  }
0x187: {  	v37 =	vor.u32 s8, v1;
	_ =	swait.ge [sflag:s21], $0x2000  }
0x188: {  	v38 =	vor.u32 s9, v1;
	[sflag:s21] =	ssyncset.done $0x0  }
0x189: {  	v39 =	vor.u32 s8, v2;
	[sflag:s21] =	ssyncadd.s32 $0xFFFFE000  }
0x18a: {  	v40 =	vor.u32 s9, v2;
	v11 =	vld.idx.msk [tilespmem:v35+s12+$0x0], $0xffff  }
0x18b: {  	v41 =	vor.u32 s8, v3;
	v20 =	vld.idx.msk [tilespmem:v36+s13+$0x0], $0xffff  }
0x18c: {  	v42 =	vor.u32 s9, v3;
	v21 =	vld.idx.msk [tilespmem:v37+s12+$0x0], $0xffff  }
0x18d: {  	p0 =	seq.s32 s26, $0xFFFFFFFF;
	v22 =	vld.idx.msk [tilespmem:v38+s13+$0x0], $0xffff  }
0x18e: {  	(v2sf) =	vpush @!p0 v6, $0x0;
	v23 =	vld.idx.msk [tilespmem:v39+s12+$0x0], $0xffff  }
0x18f: {  	v24 =	vld.idx.msk [tilespmem:v40+s13+$0x0], $0xffff  }
0x190: {  	v43 =	vld.idx.msk [tilespmem:v41+s12+$0x0], $0xffff;
	v11 =	vmul.f32 v20, v11  }
0x191: {  	v44 =	vld.idx.msk [tilespmem:v42+s13+$0x0], $0xffff  }
0x192: {  	(v2sf) =	vpush @!p0 v5, $0x0;
	v21 =	vmul.f32 v22, v21;
	v11 =	vadd.f32 $0.0e+00, v11;
	_ =	sdelay $0x1  }
0x193: {  	v45 =	vmul.f32 v24, v23;
	v11 =	vadd.f32 v21, v11;
	_ =	sdelay $0x1  }
0x194: {  	v20 =	vmul.f32 v44, v43;
	v11 =	vadd.f32 v45, v11;
	_ =	sdelay $0x1  }
0x195: {  	v11 =	vadd.f32 v20, v11;
	_ =	sdelay $0x1  }
0x196: {  	(xrf2) =	vadd.scan.msk.f32 $0xffff, v11;
	_ =	sdelay $0x2  }
0x197: {  	s6 =	spop @!p0 (v2sf)  }
0x198: {  	s6 =	sand.u32 @!p0 $0xFFFFF80, s6  }
0x199: {  	s7 =	simm.s32 @!p0 $0x400;
	s8 =	sadd.s32 @!p0 s1, s6;
	s6 =	simm.s32 @!p0 $0x7A1400  }
0x19a: {  	[tilespmem:s7], [sflag:$0x1] =	stream.strided.gather @!p0 [hbm4b:s8+s7], $0x2000, s6, s7, $0x38;
	[tilespmem:$0x10800] =	vst v63  }
0x19b: {  	s8 =	spop @!p0 (v2sf)  }
0x19c: {  	s8 =	sand.u32 @!p0 $0xFFFFF80, s8  }
0x19d: {  	s9 =	simm.s32 @!p0 $0x8400;
	s8 =	sadd.s32 @!p0 s2, s8  }
0x19e: {  	[tilespmem:s9], [sflag:$0x2] =	stream.strided.gather @!p0 [hbm4b:s8+s7], $0x2000, s6, s7, $0x38;
	v11, _, _ =	vpop (xrf2);
	[tilespmem:$0x10800] =	vst v63  }
0x19f: {  	s22 =	sand.u32 $0x7F, s22;
	_ =	swait.ge [sflag:s20], $0x2000  }
0x1a0: {  	s5 =	sand.u32 $0x7F, s5;
	v46 =	vor.u32 s22, v0;
	[sflag:s20] =	ssyncset.done $0x0  }
0x1a1: {  	v47 =	vor.u32 s5, v0;
	[sflag:s20] =	ssyncadd.s32 $0xFFFFE000  }
0x1a2: {  	v48 =	vor.u32 s22, v1;
	_ =	swait.ge [sflag:s21], $0x2000  }
0x1a3: {  	v49 =	vor.u32 s5, v1;
	[sflag:s21] =	ssyncset.done $0x0  }
0x1a4: {  	v50 =	vor.u32 s22, v2;
	[sflag:s21] =	ssyncadd.s32 $0xFFFFE000  }
0x1a5: {  	v51 =	vor.u32 s5, v2;
	v20 =	vld.idx.msk [tilespmem:v46+s14+$0x0], $0xffff  }
0x1a6: {  	v52 =	vor.u32 s22, v3;
	v21 =	vld.idx.msk [tilespmem:v47+s15+$0x0], $0xffff  }
0x1a7: {  	v53 =	vor.u32 s5, v3;
	v22 =	vld.idx.msk [tilespmem:v48+s14+$0x0], $0xffff  }
0x1a8: {  	v23 =	vld.idx.msk [tilespmem:v49+s15+$0x0], $0xffff  }
0x1a9: {  	(v2sf) =	vpush @!p0 v6, $0x1;
	v24 =	vld.idx.msk [tilespmem:v50+s14+$0x0], $0xffff  }
0x1aa: {  	v25 =	vld.idx.msk [tilespmem:v51+s15+$0x0], $0xffff  }
0x1ab: {  	v54 =	vld.idx.msk [tilespmem:v52+s14+$0x0], $0xffff;
	v20 =	vmul.f32 v21, v20  }
0x1ac: {  	v55 =	vld.idx.msk [tilespmem:v53+s15+$0x0], $0xffff  }
0x1ad: {  	(v2sf) =	vpush @!p0 v5, $0x1;
	v22 =	vmul.f32 v23, v22;
	v20 =	vadd.f32 $0.0e+00, v20;
	_ =	sdelay $0x1  }
0x1ae: {  	v56 =	vmul.f32 v25, v24;
	v20 =	vadd.f32 v22, v20;
	_ =	sdelay $0x1  }
0x1af: {  	v21 =	vmul.f32 v55, v54;
	v20 =	vadd.f32 v56, v20;
	_ =	sdelay $0x1  }
0x1b0: {  	v20 =	vadd.f32 v21, v20;
	_ =	sdelay $0x1  }
0x1b1: {  	(xrf2) =	vadd.scan.msk.f32 $0xffff, v20;
	_ =	sdelay $0x2  }
0x1b2: {  	s5 =	spop @!p0 (v2sf)  }
0x1b3: {  	s5 =	sand.u32 @!p0 $0xFFFFF80, s5  }
0x1b4: {  	s8 =	simm.s32 @!p0 $0x2400;
	s5 =	sadd.s32 @!p0 s1, s5  }
0x1b5: {  	[tilespmem:s8], [sflag:$0x1] =	stream.strided.gather @!p0 [hbm4b:s5+s7], $0x2000, s6, s7, $0x38;
	[tilespmem:$0x10800] =	vst v63  }
0x1b6: {  	s5 =	spop @!p0 (v2sf)  }
0x1b7: {  	s5 =	sand.u32 @!p0 $0xFFFFF80, s5  }
0x1b8: {  	s8 =	simm.s32 @!p0 $0xA400;
	s5 =	sadd.s32 @!p0 s2, s5  }
0x1b9: {  	[tilespmem:s8], [sflag:$0x2] =	stream.strided.gather @!p0 [hbm4b:s5+s7], $0x2000, s6, s7, $0x38;
	v20, _, _ =	vpop (xrf2);
	[tilespmem:$0x10800] =	vst v63  }
0x1ba: {  	s0 =	sand.u32 $0x7F, s0;
	_ =	swait.ge [sflag:s20], $0x2000  }
0x1bb: {  	s3 =	sand.u32 $0x7F, s3;
	v57 =	vor.u32 s0, v0;
	[sflag:s20] =	ssyncset.done $0x0  }
0x1bc: {  	v58 =	vor.u32 s3, v0;
	[sflag:s20] =	ssyncadd.s32 $0xFFFFE000  }
0x1bd: {  	v59 =	vor.u32 s0, v1;
	_ =	swait.ge [sflag:s21], $0x2000  }
0x1be: {  	v60 =	vor.u32 s3, v1;
	[sflag:s21] =	ssyncset.done $0x0  }
0x1bf: {  	v61 =	vor.u32 s0, v2;
	[sflag:s21] =	ssyncadd.s32 $0xFFFFE000  }
0x1c0: {  	v62 =	vor.u32 s3, v2;
	v21 =	vld.idx.msk [tilespmem:v57+s16+$0x0], $0xffff  }
0x1c1: {  	v63 =	vor.u32 s0, v3;
	v22 =	vld.idx.msk [tilespmem:v58+s17+$0x0], $0xffff  }
0x1c2: {  	v28 =	vor.u32 s3, v3;
	v23 =	vld.idx.msk [tilespmem:v59+s16+$0x0], $0xffff  }
0x1c3: {  	v24 =	vld.idx.msk [tilespmem:v60+s17+$0x0], $0xffff  }
0x1c4: {  	(v2sf) =	vpush @!p0 v6, $0x2;
	v29 =	vld.idx.msk [tilespmem:v61+s16+$0x0], $0xffff  }
0x1c5: {  	v30 =	vld.idx.msk [tilespmem:v62+s17+$0x0], $0xffff  }
0x1c6: {  	v31 =	vld.idx.msk [tilespmem:v63+s16+$0x0], $0xffff;
	v21 =	vmul.f32 v22, v21  }
0x1c7: {  	v32 =	vld.idx.msk [tilespmem:v28+s17+$0x0], $0xffff  }
0x1c8: {  	(v2sf) =	vpush @!p0 v5, $0x2;
	v23 =	vmul.f32 v24, v23;
	v21 =	vadd.f32 $0.0e+00, v21;
	_ =	sdelay $0x1  }
0x1c9: {  	v6 =	vmul.f32 v30, v29;
	v5 =	vadd.f32 v23, v21;
	_ =	sdelay $0x1  }
0x1ca: {  	v33 =	vmul.f32 v32, v31;
	v5 =	vadd.f32 v6, v5;
	_ =	sdelay $0x1  }
0x1cb: {  	v5 =	vadd.f32 v33, v5;
	_ =	sdelay $0x1  }
0x1cc: {  	(xrf2) =	vadd.scan.msk.f32 $0xffff, v5;
	_ =	sdelay $0x2  }
0x1cd: {  	s0 =	spop @!p0 (v2sf)  }
0x1ce: {  	s0 =	sand.u32 @!p0 $0xFFFFF80, s0  }
0x1cf: {  	s3 =	simm.s32 @!p0 $0x4400;
	s0 =	sadd.s32 @!p0 s1, s0  }
0x1d0: {  	[tilespmem:s3], [sflag:$0x1] =	stream.strided.gather @!p0 [hbm4b:s0+s7], $0x2000, s6, s7, $0x38;
	[tilespmem:$0x10800] =	vst v63  }
0x1d1: {  	s0 =	spop @!p0 (v2sf)  }
0x1d2: {  	s0 =	sand.u32 @!p0 $0xFFFFF80, s0  }
0x1d3: {  	s3 =	simm.s32 @!p0 $0xC400;
	s0 =	sadd.s32 @!p0 s2, s0  }
0x1d4: {  	[tilespmem:s3], [sflag:$0x2] =	stream.strided.gather @!p0 [hbm4b:s0+s7], $0x2000, s6, s7, $0x38;
	v5, _, _ =	vpop (xrf2);
	[tilespmem:$0x10800] =	vst v63  }
0x1d5: {  	v7 =	vbroadcast v7, $0xF;
	s30 =	sand.u32 $0x7F, s30;
	_ =	swait.ge [sflag:s20], $0x2000  }
0x1d6: {  	s31 =	sand.u32 $0x7F, s31;
	v34 =	vor.u32 s30, v0;
	[sflag:s20] =	ssyncset.done $0x0  }
0x1d7: {  	v7 =	vadd.f32 v7, v4;
	v8 =	vbroadcast v8, $0xF;
	v35 =	vor.u32 s31, v0;
	[sflag:s20] =	ssyncadd.s32 $0xFFFFE000  }
0x1d8: {  	v9 =	vbroadcast v9, $0xF;
	v36 =	vor.u32 s30, v1;
	_ =	swait.ge [sflag:s21], $0x2000  }
0x1d9: {  	v7 =	vsel vm0, v7, v4;
	v4 =	vadd.f32 v8, v4;
	v37 =	vor.u32 s31, v1;
	[sflag:s21] =	ssyncset.done $0x0  }
0x1da: {  	v38 =	vor.u32 s30, v2;
	v42 =	vadd.f32 v9, v7;
	v43 =	vbroadcast v12, $0xF;
	[sflag:s21] =	ssyncadd.s32 $0xFFFFE000  }
0x1db: {  	v4 =	vsel vm1, v7, v4;
	v39 =	vor.u32 s31, v2;
	v45 =	vbroadcast v13, $0xF;
	v6 =	vld.idx.msk [tilespmem:v34+s18+$0x0], $0xffff  }
0x1dc: {  	v40 =	vor.u32 s30, v3;
	v8 =	vsel vm2, v4, v42;
	v4 =	vadd.f32 v43, v4;
	v21 =	vld.idx.msk [tilespmem:v35+s19+$0x0], $0xffff  }
0x1dd: {  	v14 =	vbroadcast v14, $0xF;
	v41 =	vor.u32 s31, v3;
	v7 =	vadd.f32 v45, v8;
	v22 =	vld.idx.msk [tilespmem:v36+s18+$0x0], $0xffff  }
0x1de: {  	v15 =	vbroadcast v15, $0xF;
	v4 =	vsel vm3, v8, v4;
	v23 =	vld.idx.msk [tilespmem:v37+s19+$0x0], $0xffff  }
0x1df: {  	v4 =	vsel vm4, v4, v7;
	v50 =	vadd.f32 v14, v8;
	v44 =	vld.idx.msk [tilespmem:v38+s18+$0x0], $0xffff  }
0x1e0: {  	v52 =	vadd.f32 v15, v4;
	v53 =	vbroadcast v16, $0xF;
	v46 =	vld.idx.msk [tilespmem:v39+s19+$0x0], $0xffff  }
0x1e1: {  	v4 =	vsel vm5, v4, v50;
	v48 =	vld.idx.msk [tilespmem:v40+s18+$0x0], $0xffff;
	v6 =	vmul.f32 v21, v6  }
0x1e2: {  	v9 =	vsel vm6, v4, v52;
	v4 =	vadd.f32 v53, v4;
	v54 =	vbroadcast v17, $0xF;
	v49 =	vld.idx.msk [tilespmem:v41+s19+$0x0], $0xffff  }
0x1e3: {  	v47 =	vmul.f32 v23, v22;
	v6 =	vadd.f32 $0.0e+00, v6  }
0x1e4: {  	v4 =	vsel vm7, v9, v4;
	v7 =	vadd.f32 v54, v9  }
0x1e5: {  	v56 =	vbroadcast v18, $0xF;
	v51 =	vmul.f32 v46, v44;
	v6 =	vadd.f32 v47, v6  }
0x1e6: {  	v4 =	vsel vm8, v4, v7;
	v57 =	vbroadcast v19, $0xF  }
0x1e7: {  	v58 =	vadd.f32 v56, v9;
	v55 =	vmul.f32 v49, v48;
	v6 =	vadd.f32 v51, v6  }
0x1e8: {  	v60 =	vbroadcast v10, $0xF;
	v59 =	vadd.f32 v57, v4  }
0x1e9: {  	v61 =	vbroadcast v11, $0xF;
	v4 =	vsel vm9, v4, v58;
	v6 =	vadd.f32 v55, v6  }
0x1ea: {  	v62 =	vsel vm10, v4, v59;
	v4 =	vadd.f32 v60, v4  }
0x1eb: {  	v7 =	vadd.f32 v61, v62;
	(xrf2) =	vadd.scan.msk.f32 $0xffff, v6  }
0x1ec: {  	v63 =	vbroadcast v20, $0xF;
	v4 =	vsel vm11, v62, v4  }
0x1ed: {  	v4 =	vsel vm12, v4, v7  }
0x1ee: {  	v6 =	vadd.f32 v63, v4  }
0x1ef: {  	v5 =	vbroadcast v5, $0xF  }
0x1f0: {  	v4 =	vsel vm13, v4, v6  }
0x1f1: {  	v5 =	vadd.f32 v5, v4;
	_ =	sdelay $0x1  }
0x1f2: {  	s26 =	sadd.s32 $0x1, s26  }
0x1f3: {  	p0 =	seq.s32 s26, $0x0  }
.Ltmp0:
0x1f4: {  	v4 =	vsel vm14, v4, v5;
	v5, _, _ =	vpop (xrf2);
	(pc) =	sbr.rel @!p0 .LBB2_2-.Ltmp0, $3  }
0x1f5: {  	v5 =	vadd.f32 v5, v4;
	_ =	sdelay $0x1  }
0x1f6: {  	s29 =	sadd.s32 $0x10, s29;
	v4 =	vsel vm15, v4, v5  }
0x1f7: {  	s24 =	sadd.s32 $0x10, s24;
	s25 =	sadd.s32 $0x10, s25;
	[tilespmem:s28+$0x0] =	vst v4;
	s28 =	sadd.s32 $0x10, s28  }
0x1f8: {  	s0 =	rddreg [dreg:$0xa];
	s3 =	simm.s32 $0x10600  }
0x1f9: {  	[hbm4b:s0+s4] =	stream.linear.scatter [tilespmem:s3], [sflag:$0x3], $0x200, $0x38;
	[tilespmem:$0x10800] =	vst v63  }
0x1fa: {  	_ =	swait.ge [sflag:s10], $0x200  }
0x1fb: {  	s23 =	sadd.s32 $0x1, s23;
	s31 =	rddreg [dreg:$0xb]  }
0x1fc: {  	p0 =	sne.s32 s23, s31  }
.Ltmp1:
0x1fd: {  	_ = 	snop;
	(pc) =	sbr.rel @p0 .LBB2_1-.Ltmp1, $3  }
0x1fe: {  	_ =	sdelay $0x1  }
0x1ff: {  	[sflag:s10] =	ssyncset.done $0x0  }
0x200: {  	[sflag:s10] =	ssyncadd.s32 $0xFFFFFE00  }
0x201: {  	_ =	sfence.sel $0x180000  }
0x202: {  	[bflag:$0x0] =	sbarrier.arrive $0xFFFF  }
0x203: {  	_ =	strace $0x9000004A  }
0x204: {  	s0 =	stileid.u32;
	[bflag:$0x2] =	sbarrier.arrive $0xFFFF  }
0x205: {  	p0 =	sne.s32 s0, $0x0;
	s0 =	rddreg [dreg:$0x6]  }
0x206: {  	s0 =	sadd.s32 @!p0 $0x100000, s0  }
0x207: {  	[sflag:s0] =	ssyncadd.tile.s32 @!p0 $0x1;
	_ =	shalt  }
.Lfunc_end2:
_tile_overlayer_lowered:
.L_overlay_start_2:
0x208: {  	(tag) =	ssettag $0x2  }
0x209: {  	s0 =	rddreg [dreg:$0x0];
	s2 =	stileid.u32  }
0x20a: {  	s1 =	rddreg [dreg:$0x1];
	p0 =	sne.s32 s2, $0x0  }
0x20b: {  	s3 =	rddreg [dreg:$0x2];
	[bflag:$0x3] =	sbarrier.arrive $0xFFFF;
	s2 =	simm.s32 @!p0 $0x1C03  }
0x20c: {  	[timem:s3], [sflag:s2] =	dma.local @!p0 [hbm:s0], s1  }
0x20d: {  	s0 =	simm.s32 @!p0 $0x3  }
0x20e: {  	_ =	swait.ge @!p0 [sflag:s0], s1  }
0x20f: {  	s1 =	ssub.s32 @!p0 $0x0, s1;
	[sflag:s0] =	ssyncset.done @!p0 $0x0  }
0x210: {  	[sflag:s0] =	ssyncadd.s32 @!p0 s1  }
0x211: {  	[bflag:$0x3] =	sbarrier.arrive $0xFFFF  }
0x212: {  	_ =	shalt  }

</sc_bundles>
